<compile_context>
chip_gen: v7x
topology: tpu7x:2x2x1
jax: 0.10.2.dev20260603
libtpu: 0.0.44.dev20260713+nightly
codegen_flags: <defaults>
</compile_context>

<pallas_src>
import functools

import jax
import jax.numpy as jnp
from jax import lax
from jax.experimental import pallas as pl
from jax.experimental.pallas import tpu as pltpu
from jax.experimental.pallas import tpu_sc as plsc

B, F, D = 16384, 26, 32
CARD = 100000
TOTAL = B * F
NW = 32
RW = TOTAL // NW
CHUNK = 1664
NCHUNK = RW // CHUNK
GPC = CHUNK // 128
PER = 208

@functools.lru_cache(maxsize=1)
def _build():
    mesh = plsc.VectorSubcoreMesh(core_axis_name="c", subcore_axis_name="s")
    return functools.partial(
        pl.kernel,
        out_type=jax.ShapeDtypeStruct((TOTAL, D), jnp.float32),
        mesh=mesh,
        scratch_types=[
            pltpu.VMEM((CHUNK,), jnp.int32),
            pltpu.VMEM((CHUNK, D), jnp.float32),
            pltpu.VMEM((PER,), jnp.int32),
            pltpu.VMEM((F * D,), jnp.float32),
            pltpu.SemaphoreType.DMA,
        ],
        compiler_params=pltpu.CompilerParams(use_tc_tiling_on_sc=False),
    )(_embed_body)


def _embed_body(x_hbm, table_hbm, shared_hbm, out_hbm,
                idx_v, rows_v, offs_v, shared_v, sem):
    wid = lax.axis_index("s") * 2 + lax.axis_index("c")
    base = wid * RW

    pltpu.sync_copy(shared_hbm, shared_v)

    for k in range(PER // 16):
        v = lax.iota(jnp.int32, 16) + (16 * k)
        offs_v[pl.ds(16 * k, 16)] = (v % 26) * CARD

    def chunk_body(c, carry):
        start = base + c * CHUNK

        pltpu.sync_copy(x_hbm.at[pl.ds(start, CHUNK)], idx_v)

        for v in range(CHUNK // 16):
            idx_v[pl.ds(16 * v, 16)] = (
                idx_v[pl.ds(16 * v, 16)]
                + offs_v[pl.ds((16 * v) % PER, 16)])

        descs = [
            pltpu.async_copy(table_hbm.at[idx_v.at[pl.ds(j * 128, 128)]],
                             rows_v.at[pl.ds(j * 128, 128)], sem)
            for j in range(GPC)
        ]
        for d in descs:
            d.wait()

        def group_body(g, carry2):
            row0 = g * 26
            for r in range(26):
                for h in range(2):
                    rows_v[row0 + r, pl.ds(h * 16, 16)] = (
                        rows_v[row0 + r, pl.ds(h * 16, 16)]
                        + shared_v[pl.ds(r * D + h * 16, 16)])
            return carry2

        lax.fori_loop(0, CHUNK // 26, group_body, 0)

        pltpu.sync_copy(rows_v, out_hbm.at[pl.ds(start, CHUNK)])
        return carry

    lax.fori_loop(0, NCHUNK, chunk_body, 0)


def kernel(x, indiv_embed, shared_embed):
    x1 = x.reshape(TOTAL)
    sh = shared_embed.reshape(F * D)
    out = _build()(x1, indiv_embed, sh)
    return out.reshape(B, F, D)

# --- scband reference (transcript-rebuilt; emitter-appended) ---
"""Pipeline reference for scband-column-embedding-25426206392650 (READ-ONLY COPY).

The authoritative reference and input builder live on the scoring server;
editing this copy changes nothing except your own understanding.
"""

import jax, jax.numpy as jnp
import numpy as np

CARDS = [100000] * 26
DIM = 32
BATCH = 16384
N_FIELDS = 26
TOTAL_ROWS = sum(CARDS)


def setup_inputs(seed: int = 0) -> dict:
    key = jax.random.key(seed)
    k1, k2, k3 = jax.random.split(key, 3)
    x = jax.random.randint(k1, (BATCH, N_FIELDS), 0, 100000, dtype=jnp.int32)
    indiv_embed = jax.random.normal(k2, (TOTAL_ROWS, DIM), dtype=jnp.float32)
    shared_embed = jax.random.uniform(k3, (N_FIELDS, DIM), dtype=jnp.float32, minval=-1.0, maxval=1.0)
    return {"x": x, "indiv_embed": indiv_embed, "shared_embed": shared_embed}


def reference(x, indiv_embed, shared_embed):
    # category_offsets = cumsum([0] + cards[:-1])
    offsets = jnp.asarray(np.concatenate([[0], np.cumsum(CARDS[:-1])]), dtype=x.dtype)
    idx = x + offsets[None, :]
    emb = jnp.take(indiv_embed, idx, axis=0)  # [B, F, D] gather
    # mode == 'add': add shared per-column embedding
    out = emb + shared_embed[None]
    # dropout p=0.0 -> identity; bias is None
    return out

if __name__ == "__main__":
    import jax
    _d = setup_inputs()
    print(jax.jit(kernel)(*tuple(_d.values())))

</pallas_src>

<mosaic_0001>
#map = affine_map<(d0, d1) -> (0)>
#map1 = affine_map<(d0, d1) -> (0, 0)>
module attributes {stable_mosaic.version = 14 : i64} {
  func.func @_embed_body(%arg0: i32, %arg1: i32, %arg2: memref<425984xi32, #tpu.memory_space<hbm>>, %arg3: memref<2600000x32xf32, #tpu.memory_space<hbm>>, %arg4: memref<832xf32, #tpu.memory_space<hbm>>, %arg5: memref<425984x32xf32, #tpu.memory_space<hbm>>, %arg6: memref<1664xi32, #tpu.memory_space<vmem>>, %arg7: memref<1664x32xf32, #tpu.memory_space<vmem>>, %arg8: memref<208xi32, #tpu.memory_space<vmem>>, %arg9: memref<832xf32, #tpu.memory_space<vmem>>, %arg10: memref<!tpu.dma_semaphore, #tpu.memory_space<semaphore_mem>>) attributes {dimension_semantics = [#tpu.dimension_semantics<core_parallel>, #tpu.dimension_semantics<subcore_parallel>], iteration_bounds = array<i64: 2, 16>, scalar_prefetch = 0 : i64, scratch_operands = 5 : i64, tpu.core_type = #tpu.core_type<sc_vector_subcore>, window_params = [{transform_indices = #map}, {transform_indices = #map1}, {transform_indices = #map}, {transform_indices = #map1}]} {
    %mul3A = arith.constant 2 : i32
    %mul3A_0 = arith.muli %arg1, %mul3A : i32
    %add3A = arith.addi %mul3A_0, %arg0 : i32
    %mul3A_1 = arith.constant 13312 : i32
    %mul3A_2 = arith.muli %add3A, %mul3A_1 : i32
    "tpu.region"() ({
      %run_scoped3A = tpu.sem_alloc : memref<!tpu.dma_semaphore, #tpu.memory_space<semaphore_mem>>
      tpu.enqueue_dma source(%arg4 : memref<832xf32, #tpu.memory_space<hbm>>) target(%arg9 : memref<832xf32, #tpu.memory_space<vmem>>) target_semaphore(%run_scoped3A : memref<!tpu.dma_semaphore, #tpu.memory_space<semaphore_mem>>)
      tpu.wait_dma2 semaphore(%run_scoped3A : memref<!tpu.dma_semaphore, #tpu.memory_space<semaphore_mem>>) src(%arg4 : memref<832xf32, #tpu.memory_space<hbm>>) dst(%arg9 : memref<832xf32, #tpu.memory_space<vmem>>)
      tpu.yield
    }) : () -> ()
    %iota3A = tpu.iota {dimensions = array<i32: 0>} : vector<16xi32>
    %add3A_3 = arith.constant 0 : i32
    %add3A_4 = vector.broadcast %add3A_3 : i32 to vector<16xi32>
    %add3A_5 = arith.addi %iota3A, %add3A_4 : vector<16xi32>
    %jit3A = arith.constant 26 : i32
    %eq3A = arith.constant 0 : i32
    %eq3A_6 = arith.cmpi eq, %jit3A, %eq3A : i32
    %jit3A_7 = arith.constant 1 : i32
    %select_n3A = arith.select %eq3A_6, %jit3A_7, %jit3A : i32
    %rem3A = vector.broadcast %select_n3A : i32 to vector<16xi32>
    %rem3A_8 = arith.remsi %add3A_5, %rem3A : vector<16xi32>
    %ne3A = arith.constant 0 : i32
    %ne3A_9 = vector.broadcast %ne3A : i32 to vector<16xi32>
    %ne3A_10 = arith.cmpi ne, %rem3A_8, %ne3A_9 : vector<16xi32>
    %lt3A = arith.constant 0 : i32
    %lt3A_11 = vector.broadcast %lt3A : i32 to vector<16xi32>
    %lt3A_12 = arith.cmpi slt, %rem3A_8, %lt3A_11 : vector<16xi32>
    %lt3A_13 = arith.constant 0 : i32
    %lt3A_14 = arith.cmpi slt, %select_n3A, %lt3A_13 : i32
    %ne3A_15 = vector.broadcast %lt3A_14 : i1 to vector<16xi1>
    %ne3A_16 = vector.broadcast %ne3A_15 : vector<16xi1> to vector<16xi1>
    %ne3A_17 = arith.xori %lt3A_12, %ne3A_16 : vector<16xi1>
    %and3A = arith.andi %ne3A_17, %ne3A_10 : vector<16xi1>
    %add3A_18 = vector.broadcast %select_n3A : i32 to vector<16xi32>
    %add3A_19 = arith.addi %rem3A_8, %add3A_18 : vector<16xi32>
    %select_n3A_20 = arith.select %and3A, %add3A_19, %rem3A_8 : vector<16xi1>, vector<16xi32>
    %mul3A_21 = arith.constant 100000 : i32
    %mul3A_22 = vector.broadcast %mul3A_21 : i32 to vector<16xi32>
    %mul3A_23 = arith.muli %select_n3A_20, %mul3A_22 : vector<16xi32>
    %swap3A = arith.constant 0 : index
    %swap3A_24 = tpu.vector_load %arg8[%swap3A] {strides = array<i32>} : memref<208xi32, #tpu.memory_space<vmem>>, vector<16xi32>,
    %swap3A_25 = vector.shape_cast %swap3A_24 : vector<16xi32> to vector<16xi32>
    %swap3A_26 = vector.shape_cast %mul3A_23 : vector<16xi32> to vector<16xi32>
    tpu.vector_store %arg8[%swap3A], %swap3A_26 {strides = array<i32>} : memref<208xi32, #tpu.memory_space<vmem>>, vector<16xi32>,
    %iota3A_27 = tpu.iota {dimensions = array<i32: 0>} : vector<16xi32>
    %add3A_28 = arith.constant 16 : i32
    %add3A_29 = vector.broadcast %add3A_28 : i32 to vector<16xi32>
    %add3A_30 = arith.addi %iota3A_27, %add3A_29 : vector<16xi32>
    %jit3A_31 = arith.constant 26 : i32
    %eq3A_32 = arith.constant 0 : i32
    %eq3A_33 = arith.cmpi eq, %jit3A_31, %eq3A_32 : i32
    %jit3A_34 = arith.constant 1 : i32
    %select_n3A_35 = arith.select %eq3A_33, %jit3A_34, %jit3A_31 : i32
    %rem3A_36 = vector.broadcast %select_n3A_35 : i32 to vector<16xi32>
    %rem3A_37 = arith.remsi %add3A_30, %rem3A_36 : vector<16xi32>
    %ne3A_38 = arith.constant 0 : i32
    %ne3A_39 = vector.broadcast %ne3A_38 : i32 to vector<16xi32>
    %ne3A_40 = arith.cmpi ne, %rem3A_37, %ne3A_39 : vector<16xi32>
    %lt3A_41 = arith.constant 0 : i32
    %lt3A_42 = vector.broadcast %lt3A_41 : i32 to vector<16xi32>
    %lt3A_43 = arith.cmpi slt, %rem3A_37, %lt3A_42 : vector<16xi32>
    %lt3A_44 = arith.constant 0 : i32
    %lt3A_45 = arith.cmpi slt, %select_n3A_35, %lt3A_44 : i32
    %ne3A_46 = vector.broadcast %lt3A_45 : i1 to vector<16xi1>
    %ne3A_47 = vector.broadcast %ne3A_46 : vector<16xi1> to vector<16xi1>
    %ne3A_48 = arith.xori %lt3A_43, %ne3A_47 : vector<16xi1>
    %and3A_49 = arith.andi %ne3A_48, %ne3A_40 : vector<16xi1>
    %add3A_50 = vector.broadcast %select_n3A_35 : i32 to vector<16xi32>
    %add3A_51 = arith.addi %rem3A_37, %add3A_50 : vector<16xi32>
    %select_n3A_52 = arith.select %and3A_49, %add3A_51, %rem3A_37 : vector<16xi1>, vector<16xi32>
    %mul3A_53 = arith.constant 100000 : i32
    %mul3A_54 = vector.broadcast %mul3A_53 : i32 to vector<16xi32>
    %mul3A_55 = arith.muli %select_n3A_52, %mul3A_54 : vector<16xi32>
    %swap3A_56 = arith.constant 16 : index
    %swap3A_57 = tpu.vector_load %arg8[%swap3A_56] {strides = array<i32>} : memref<208xi32, #tpu.memory_space<vmem>>, vector<16xi32>,
    %swap3A_58 = vector.shape_cast %swap3A_57 : vector<16xi32> to vector<16xi32>
    %swap3A_59 = vector.shape_cast %mul3A_55 : vector<16xi32> to vector<16xi32>
    tpu.vector_store %arg8[%swap3A_56], %swap3A_59 {strides = array<i32>} : memref<208xi32, #tpu.memory_space<vmem>>, vector<16xi32>,
    %iota3A_60 = tpu.iota {dimensions = array<i32: 0>} : vector<16xi32>
    %add3A_61 = arith.constant 32 : i32
    %add3A_62 = vector.broadcast %add3A_61 : i32 to vector<16xi32>
    %add3A_63 = arith.addi %iota3A_60, %add3A_62 : vector<16xi32>
    %jit3A_64 = arith.constant 26 : i32
    %eq3A_65 = arith.constant 0 : i32
    %eq3A_66 = arith.cmpi eq, %jit3A_64, %eq3A_65 : i32
    %jit3A_67 = arith.constant 1 : i32
    %select_n3A_68 = arith.select %eq3A_66, %jit3A_67, %jit3A_64 : i32
    %rem3A_69 = vector.broadcast %select_n3A_68 : i32 to vector<16xi32>
    %rem3A_70 = arith.remsi %add3A_63, %rem3A_69 : vector<16xi32>
    %ne3A_71 = arith.constant 0 : i32
    %ne3A_72 = vector.broadcast %ne3A_71 : i32 to vector<16xi32>
    %ne3A_73 = arith.cmpi ne, %rem3A_70, %ne3A_72 : vector<16xi32>
    %lt3A_74 = arith.constant 0 : i32
    %lt3A_75 = vector.broadcast %lt3A_74 : i32 to vector<16xi32>
    %lt3A_76 = arith.cmpi slt, %rem3A_70, %lt3A_75 : vector<16xi32>
    %lt3A_77 = arith.constant 0 : i32
    %lt3A_78 = arith.cmpi slt, %select_n3A_68, %lt3A_77 : i32
    %ne3A_79 = vector.broadcast %lt3A_78 : i1 to vector<16xi1>
    %ne3A_80 = vector.broadcast %ne3A_79 : vector<16xi1> to vector<16xi1>
    %ne3A_81 = arith.xori %lt3A_76, %ne3A_80 : vector<16xi1>
    %and3A_82 = arith.andi %ne3A_81, %ne3A_73 : vector<16xi1>
    %add3A_83 = vector.broadcast %select_n3A_68 : i32 to vector<16xi32>
    %add3A_84 = arith.addi %rem3A_70, %add3A_83 : vector<16xi32>
    %select_n3A_85 = arith.select %and3A_82, %add3A_84, %rem3A_70 : vector<16xi1>, vector<16xi32>
    %mul3A_86 = arith.constant 100000 : i32
    %mul3A_87 = vector.broadcast %mul3A_86 : i32 to vector<16xi32>
    %mul3A_88 = arith.muli %select_n3A_85, %mul3A_87 : vector<16xi32>
    %swap3A_89 = arith.constant 32 : index
    %swap3A_90 = tpu.vector_load %arg8[%swap3A_89] {strides = array<i32>} : memref<208xi32, #tpu.memory_space<vmem>>, vector<16xi32>,
    %swap3A_91 = vector.shape_cast %swap3A_90 : vector<16xi32> to vector<16xi32>
    %swap3A_92 = vector.shape_cast %mul3A_88 : vector<16xi32> to vector<16xi32>
    tpu.vector_store %arg8[%swap3A_89], %swap3A_92 {strides = array<i32>} : memref<208xi32, #tpu.memory_space<vmem>>, vector<16xi32>,
    %iota3A_93 = tpu.iota {dimensions = array<i32: 0>} : vector<16xi32>
    %add3A_94 = arith.constant 48 : i32
    %add3A_95 = vector.broadcast %add3A_94 : i32 to vector<16xi32>
    %add3A_96 = arith.addi %iota3A_93, %add3A_95 : vector<16xi32>
    %jit3A_97 = arith.constant 26 : i32
    %eq3A_98 = arith.constant 0 : i32
    %eq3A_99 = arith.cmpi eq, %jit3A_97, %eq3A_98 : i32
    %jit3A_100 = arith.constant 1 : i32
    %select_n3A_101 = arith.select %eq3A_99, %jit3A_100, %jit3A_97 : i32
    %rem3A_102 = vector.broadcast %select_n3A_101 : i32 to vector<16xi32>
    %rem3A_103 = arith.remsi %add3A_96, %rem3A_102 : vector<16xi32>
    %ne3A_104 = arith.constant 0 : i32
    %ne3A_105 = vector.broadcast %ne3A_104 : i32 to vector<16xi32>
    %ne3A_106 = arith.cmpi ne, %rem3A_103, %ne3A_105 : vector<16xi32>
    %lt3A_107 = arith.constant 0 : i32
    %lt3A_108 = vector.broadcast %lt3A_107 : i32 to vector<16xi32>
    %lt3A_109 = arith.cmpi slt, %rem3A_103, %lt3A_108 : vector<16xi32>
    %lt3A_110 = arith.constant 0 : i32
    %lt3A_111 = arith.cmpi slt, %select_n3A_101, %lt3A_110 : i32
    %ne3A_112 = vector.broadcast %lt3A_111 : i1 to vector<16xi1>
    %ne3A_113 = vector.broadcast %ne3A_112 : vector<16xi1> to vector<16xi1>
    %ne3A_114 = arith.xori %lt3A_109, %ne3A_113 : vector<16xi1>
    %and3A_115 = arith.andi %ne3A_114, %ne3A_106 : vector<16xi1>
    %add3A_116 = vector.broadcast %select_n3A_101 : i32 to vector<16xi32>
    %add3A_117 = arith.addi %rem3A_103, %add3A_116 : vector<16xi32>
    %select_n3A_118 = arith.select %and3A_115, %add3A_117, %rem3A_103 : vector<16xi1>, vector<16xi32>
    %mul3A_119 = arith.constant 100000 : i32
    %mul3A_120 = vector.broadcast %mul3A_119 : i32 to vector<16xi32>
    %mul3A_121 = arith.muli %select_n3A_118, %mul3A_120 : vector<16xi32>
    %swap3A_122 = arith.constant 48 : index
    %swap3A_123 = tpu.vector_load %arg8[%swap3A_122] {strides = array<i32>} : memref<208xi32, #tpu.memory_space<vmem>>, vector<16xi32>,
    %swap3A_124 = vector.shape_cast %swap3A_123 : vector<16xi32> to vector<16xi32>
    %swap3A_125 = vector.shape_cast %mul3A_121 : vector<16xi32> to vector<16xi32>
    tpu.vector_store %arg8[%swap3A_122], %swap3A_125 {strides = array<i32>} : memref<208xi32, #tpu.memory_space<vmem>>, vector<16xi32>,
    %iota3A_126 = tpu.iota {dimensions = array<i32: 0>} : vector<16xi32>
    %add3A_127 = arith.constant 64 : i32
    %add3A_128 = vector.broadcast %add3A_127 : i32 to vector<16xi32>
    %add3A_129 = arith.addi %iota3A_126, %add3A_128 : vector<16xi32>
    %jit3A_130 = arith.constant 26 : i32
    %eq3A_131 = arith.constant 0 : i32
    %eq3A_132 = arith.cmpi eq, %jit3A_130, %eq3A_131 : i32
    %jit3A_133 = arith.constant 1 : i32
    %select_n3A_134 = arith.select %eq3A_132, %jit3A_133, %jit3A_130 : i32
    %rem3A_135 = vector.broadcast %select_n3A_134 : i32 to vector<16xi32>
    %rem3A_136 = arith.remsi %add3A_129, %rem3A_135 : vector<16xi32>
    %ne3A_137 = arith.constant 0 : i32
    %ne3A_138 = vector.broadcast %ne3A_137 : i32 to vector<16xi32>
    %ne3A_139 = arith.cmpi ne, %rem3A_136, %ne3A_138 : vector<16xi32>
    %lt3A_140 = arith.constant 0 : i32
    %lt3A_141 = vector.broadcast %lt3A_140 : i32 to vector<16xi32>
    %lt3A_142 = arith.cmpi slt, %rem3A_136, %lt3A_141 : vector<16xi32>
    %lt3A_143 = arith.constant 0 : i32
    %lt3A_144 = arith.cmpi slt, %select_n3A_134, %lt3A_143 : i32
    %ne3A_145 = vector.broadcast %lt3A_144 : i1 to vector<16xi1>
    %ne3A_146 = vector.broadcast %ne3A_145 : vector<16xi1> to vector<16xi1>
    %ne3A_147 = arith.xori %lt3A_142, %ne3A_146 : vector<16xi1>
    %and3A_148 = arith.andi %ne3A_147, %ne3A_139 : vector<16xi1>
    %add3A_149 = vector.broadcast %select_n3A_134 : i32 to vector<16xi32>
    %add3A_150 = arith.addi %rem3A_136, %add3A_149 : vector<16xi32>
    %select_n3A_151 = arith.select %and3A_148, %add3A_150, %rem3A_136 : vector<16xi1>, vector<16xi32>
    %mul3A_152 = arith.constant 100000 : i32
    %mul3A_153 = vector.broadcast %mul3A_152 : i32 to vector<16xi32>
    %mul3A_154 = arith.muli %select_n3A_151, %mul3A_153 : vector<16xi32>
    %swap3A_155 = arith.constant 64 : index
    %swap3A_156 = tpu.vector_load %arg8[%swap3A_155] {strides = array<i32>} : memref<208xi32, #tpu.memory_space<vmem>>, vector<16xi32>,
    %swap3A_157 = vector.shape_cast %swap3A_156 : vector<16xi32> to vector<16xi32>
    %swap3A_158 = vector.shape_cast %mul3A_154 : vector<16xi32> to vector<16xi32>
    tpu.vector_store %arg8[%swap3A_155], %swap3A_158 {strides = array<i32>} : memref<208xi32, #tpu.memory_space<vmem>>, vector<16xi32>,
    %iota3A_159 = tpu.iota {dimensions = array<i32: 0>} : vector<16xi32>
    %add3A_160 = arith.constant 80 : i32
    %add3A_161 = vector.broadcast %add3A_160 : i32 to vector<16xi32>
    %add3A_162 = arith.addi %iota3A_159, %add3A_161 : vector<16xi32>
    %jit3A_163 = arith.constant 26 : i32
    %eq3A_164 = arith.constant 0 : i32
    %eq3A_165 = arith.cmpi eq, %jit3A_163, %eq3A_164 : i32
    %jit3A_166 = arith.constant 1 : i32
    %select_n3A_167 = arith.select %eq3A_165, %jit3A_166, %jit3A_163 : i32
    %rem3A_168 = vector.broadcast %select_n3A_167 : i32 to vector<16xi32>
    %rem3A_169 = arith.remsi %add3A_162, %rem3A_168 : vector<16xi32>
    %ne3A_170 = arith.constant 0 : i32
    %ne3A_171 = vector.broadcast %ne3A_170 : i32 to vector<16xi32>
    %ne3A_172 = arith.cmpi ne, %rem3A_169, %ne3A_171 : vector<16xi32>
    %lt3A_173 = arith.constant 0 : i32
    %lt3A_174 = vector.broadcast %lt3A_173 : i32 to vector<16xi32>
    %lt3A_175 = arith.cmpi slt, %rem3A_169, %lt3A_174 : vector<16xi32>
    %lt3A_176 = arith.constant 0 : i32
    %lt3A_177 = arith.cmpi slt, %select_n3A_167, %lt3A_176 : i32
    %ne3A_178 = vector.broadcast %lt3A_177 : i1 to vector<16xi1>
    %ne3A_179 = vector.broadcast %ne3A_178 : vector<16xi1> to vector<16xi1>
    %ne3A_180 = arith.xori %lt3A_175, %ne3A_179 : vector<16xi1>
    %and3A_181 = arith.andi %ne3A_180, %ne3A_172 : vector<16xi1>
    %add3A_182 = vector.broadcast %select_n3A_167 : i32 to vector<16xi32>
    %add3A_183 = arith.addi %rem3A_169, %add3A_182 : vector<16xi32>
    %select_n3A_184 = arith.select %and3A_181, %add3A_183, %rem3A_169 : vector<16xi1>, vector<16xi32>
    %mul3A_185 = arith.constant 100000 : i32
    %mul3A_186 = vector.broadcast %mul3A_185 : i32 to vector<16xi32>
    %mul3A_187 = arith.muli %select_n3A_184, %mul3A_186 : vector<16xi32>
    %swap3A_188 = arith.constant 80 : index
    %swap3A_189 = tpu.vector_load %arg8[%swap3A_188] {strides = array<i32>} : memref<208xi32, #tpu.memory_space<vmem>>, vector<16xi32>,
    %swap3A_190 = vector.shape_cast %swap3A_189 : vector<16xi32> to vector<16xi32>
    %swap3A_191 = vector.shape_cast %mul3A_187 : vector<16xi32> to vector<16xi32>
    tpu.vector_store %arg8[%swap3A_188], %swap3A_191 {strides = array<i32>} : memref<208xi32, #tpu.memory_space<vmem>>, vector<16xi32>,
    %iota3A_192 = tpu.iota {dimensions = array<i32: 0>} : vector<16xi32>
    %add3A_193 = arith.constant 96 : i32
    %add3A_194 = vector.broadcast %add3A_193 : i32 to vector<16xi32>
    %add3A_195 = arith.addi %iota3A_192, %add3A_194 : vector<16xi32>
    %jit3A_196 = arith.constant 26 : i32
    %eq3A_197 = arith.constant 0 : i32
    %eq3A_198 = arith.cmpi eq, %jit3A_196, %eq3A_197 : i32
    %jit3A_199 = arith.constant 1 : i32
    %select_n3A_200 = arith.select %eq3A_198, %jit3A_199, %jit3A_196 : i32
    %rem3A_201 = vector.broadcast %select_n3A_200 : i32 to vector<16xi32>
    %rem3A_202 = arith.remsi %add3A_195, %rem3A_201 : vector<16xi32>
    %ne3A_203 = arith.constant 0 : i32
    %ne3A_204 = vector.broadcast %ne3A_203 : i32 to vector<16xi32>
    %ne3A_205 = arith.cmpi ne, %rem3A_202, %ne3A_204 : vector<16xi32>
    %lt3A_206 = arith.constant 0 : i32
    %lt3A_207 = vector.broadcast %lt3A_206 : i32 to vector<16xi32>
    %lt3A_208 = arith.cmpi slt, %rem3A_202, %lt3A_207 : vector<16xi32>
    %lt3A_209 = arith.constant 0 : i32
    %lt3A_210 = arith.cmpi slt, %select_n3A_200, %lt3A_209 : i32
    %ne3A_211 = vector.broadcast %lt3A_210 : i1 to vector<16xi1>
    %ne3A_212 = vector.broadcast %ne3A_211 : vector<16xi1> to vector<16xi1>
    %ne3A_213 = arith.xori %lt3A_208, %ne3A_212 : vector<16xi1>
    %and3A_214 = arith.andi %ne3A_213, %ne3A_205 : vector<16xi1>
    %add3A_215 = vector.broadcast %select_n3A_200 : i32 to vector<16xi32>
    %add3A_216 = arith.addi %rem3A_202, %add3A_215 : vector<16xi32>
    %select_n3A_217 = arith.select %and3A_214, %add3A_216, %rem3A_202 : vector<16xi1>, vector<16xi32>
    %mul3A_218 = arith.constant 100000 : i32
    %mul3A_219 = vector.broadcast %mul3A_218 : i32 to vector<16xi32>
    %mul3A_220 = arith.muli %select_n3A_217, %mul3A_219 : vector<16xi32>
    %swap3A_221 = arith.constant 96 : index
    %swap3A_222 = tpu.vector_load %arg8[%swap3A_221] {strides = array<i32>} : memref<208xi32, #tpu.memory_space<vmem>>, vector<16xi32>,
    %swap3A_223 = vector.shape_cast %swap3A_222 : vector<16xi32> to vector<16xi32>
    %swap3A_224 = vector.shape_cast %mul3A_220 : vector<16xi32> to vector<16xi32>
    tpu.vector_store %arg8[%swap3A_221], %swap3A_224 {strides = array<i32>} : memref<208xi32, #tpu.memory_space<vmem>>, vector<16xi32>,
    %iota3A_225 = tpu.iota {dimensions = array<i32: 0>} : vector<16xi32>
    %add3A_226 = arith.constant 112 : i32
    %add3A_227 = vector.broadcast %add3A_226 : i32 to vector<16xi32>
    %add3A_228 = arith.addi %iota3A_225, %add3A_227 : vector<16xi32>
    %jit3A_229 = arith.constant 26 : i32
    %eq3A_230 = arith.constant 0 : i32
    %eq3A_231 = arith.cmpi eq, %jit3A_229, %eq3A_230 : i32
    %jit3A_232 = arith.constant 1 : i32
    %select_n3A_233 = arith.select %eq3A_231, %jit3A_232, %jit3A_229 : i32
    %rem3A_234 = vector.broadcast %select_n3A_233 : i32 to vector<16xi32>
    %rem3A_235 = arith.remsi %add3A_228, %rem3A_234 : vector<16xi32>
    %ne3A_236 = arith.constant 0 : i32
    %ne3A_237 = vector.broadcast %ne3A_236 : i32 to vector<16xi32>
    %ne3A_238 = arith.cmpi ne, %rem3A_235, %ne3A_237 : vector<16xi32>
    %lt3A_239 = arith.constant 0 : i32
    %lt3A_240 = vector.broadcast %lt3A_239 : i32 to vector<16xi32>
    %lt3A_241 = arith.cmpi slt, %rem3A_235, %lt3A_240 : vector<16xi32>
    %lt3A_242 = arith.constant 0 : i32
    %lt3A_243 = arith.cmpi slt, %select_n3A_233, %lt3A_242 : i32
    %ne3A_244 = vector.broadcast %lt3A_243 : i1 to vector<16xi1>
    %ne3A_245 = vector.broadcast %ne3A_244 : vector<16xi1> to vector<16xi1>
    %ne3A_246 = arith.xori %lt3A_241, %ne3A_245 : vector<16xi1>
    %and3A_247 = arith.andi %ne3A_246, %ne3A_238 : vector<16xi1>
    %add3A_248 = vector.broadcast %select_n3A_233 : i32 to vector<16xi32>
    %add3A_249 = arith.addi %rem3A_235, %add3A_248 : vector<16xi32>
    %select_n3A_250 = arith.select %and3A_247, %add3A_249, %rem3A_235 : vector<16xi1>, vector<16xi32>
    %mul3A_251 = arith.constant 100000 : i32
    %mul3A_252 = vector.broadcast %mul3A_251 : i32 to vector<16xi32>
    %mul3A_253 = arith.muli %select_n3A_250, %mul3A_252 : vector<16xi32>
    %swap3A_254 = arith.constant 112 : index
    %swap3A_255 = tpu.vector_load %arg8[%swap3A_254] {strides = array<i32>} : memref<208xi32, #tpu.memory_space<vmem>>, vector<16xi32>,
    %swap3A_256 = vector.shape_cast %swap3A_255 : vector<16xi32> to vector<16xi32>
    %swap3A_257 = vector.shape_cast %mul3A_253 : vector<16xi32> to vector<16xi32>
    tpu.vector_store %arg8[%swap3A_254], %swap3A_257 {strides = array<i32>} : memref<208xi32, #tpu.memory_space<vmem>>, vector<16xi32>,
    %iota3A_258 = tpu.iota {dimensions = array<i32: 0>} : vector<16xi32>
    %add3A_259 = arith.constant 128 : i32
    %add3A_260 = vector.broadcast %add3A_259 : i32 to vector<16xi32>
    %add3A_261 = arith.addi %iota3A_258, %add3A_260 : vector<16xi32>
    %jit3A_262 = arith.constant 26 : i32
    %eq3A_263 = arith.constant 0 : i32
    %eq3A_264 = arith.cmpi eq, %jit3A_262, %eq3A_263 : i32
    %jit3A_265 = arith.constant 1 : i32
    %select_n3A_266 = arith.select %eq3A_264, %jit3A_265, %jit3A_262 : i32
    %rem3A_267 = vector.broadcast %select_n3A_266 : i32 to vector<16xi32>
    %rem3A_268 = arith.remsi %add3A_261, %rem3A_267 : vector<16xi32>
    %ne3A_269 = arith.constant 0 : i32
    %ne3A_270 = vector.broadcast %ne3A_269 : i32 to vector<16xi32>
    %ne3A_271 = arith.cmpi ne, %rem3A_268, %ne3A_270 : vector<16xi32>
    %lt3A_272 = arith.constant 0 : i32
    %lt3A_273 = vector.broadcast %lt3A_272 : i32 to vector<16xi32>
    %lt3A_274 = arith.cmpi slt, %rem3A_268, %lt3A_273 : vector<16xi32>
    %lt3A_275 = arith.constant 0 : i32
    %lt3A_276 = arith.cmpi slt, %select_n3A_266, %lt3A_275 : i32
    %ne3A_277 = vector.broadcast %lt3A_276 : i1 to vector<16xi1>
    %ne3A_278 = vector.broadcast %ne3A_277 : vector<16xi1> to vector<16xi1>
    %ne3A_279 = arith.xori %lt3A_274, %ne3A_278 : vector<16xi1>
    %and3A_280 = arith.andi %ne3A_279, %ne3A_271 : vector<16xi1>
    %add3A_281 = vector.broadcast %select_n3A_266 : i32 to vector<16xi32>
    %add3A_282 = arith.addi %rem3A_268, %add3A_281 : vector<16xi32>
    %select_n3A_283 = arith.select %and3A_280, %add3A_282, %rem3A_268 : vector<16xi1>, vector<16xi32>
    %mul3A_284 = arith.constant 100000 : i32
    %mul3A_285 = vector.broadcast %mul3A_284 : i32 to vector<16xi32>
    %mul3A_286 = arith.muli %select_n3A_283, %mul3A_285 : vector<16xi32>
    %swap3A_287 = arith.constant 128 : index
    %swap3A_288 = tpu.vector_load %arg8[%swap3A_287] {strides = array<i32>} : memref<208xi32, #tpu.memory_space<vmem>>, vector<16xi32>,
    %swap3A_289 = vector.shape_cast %swap3A_288 : vector<16xi32> to vector<16xi32>
    %swap3A_290 = vector.shape_cast %mul3A_286 : vector<16xi32> to vector<16xi32>
    tpu.vector_store %arg8[%swap3A_287], %swap3A_290 {strides = array<i32>} : memref<208xi32, #tpu.memory_space<vmem>>, vector<16xi32>,
    %iota3A_291 = tpu.iota {dimensions = array<i32: 0>} : vector<16xi32>
    %add3A_292 = arith.constant 144 : i32
    %add3A_293 = vector.broadcast %add3A_292 : i32 to vector<16xi32>
    %add3A_294 = arith.addi %iota3A_291, %add3A_293 : vector<16xi32>
    %jit3A_295 = arith.constant 26 : i32
    %eq3A_296 = arith.constant 0 : i32
    %eq3A_297 = arith.cmpi eq, %jit3A_295, %eq3A_296 : i32
    %jit3A_298 = arith.constant 1 : i32
    %select_n3A_299 = arith.select %eq3A_297, %jit3A_298, %jit3A_295 : i32
    %rem3A_300 = vector.broadcast %select_n3A_299 : i32 to vector<16xi32>
    %rem3A_301 = arith.remsi %add3A_294, %rem3A_300 : vector<16xi32>
    %ne3A_302 = arith.constant 0 : i32
    %ne3A_303 = vector.broadcast %ne3A_302 : i32 to vector<16xi32>
    %ne3A_304 = arith.cmpi ne, %rem3A_301, %ne3A_303 : vector<16xi32>
    %lt3A_305 = arith.constant 0 : i32
    %lt3A_306 = vector.broadcast %lt3A_305 : i32 to vector<16xi32>
    %lt3A_307 = arith.cmpi slt, %rem3A_301, %lt3A_306 : vector<16xi32>
    %lt3A_308 = arith.constant 0 : i32
    %lt3A_309 = arith.cmpi slt, %select_n3A_299, %lt3A_308 : i32
    %ne3A_310 = vector.broadcast %lt3A_309 : i1 to vector<16xi1>
    %ne3A_311 = vector.broadcast %ne3A_310 : vector<16xi1> to vector<16xi1>
    %ne3A_312 = arith.xori %lt3A_307, %ne3A_311 : vector<16xi1>
    %and3A_313 = arith.andi %ne3A_312, %ne3A_304 : vector<16xi1>
    %add3A_314 = vector.broadcast %select_n3A_299 : i32 to vector<16xi32>
    %add3A_315 = arith.addi %rem3A_301, %add3A_314 : vector<16xi32>
    %select_n3A_316 = arith.select %and3A_313, %add3A_315, %rem3A_301 : vector<16xi1>, vector<16xi32>
    %mul3A_317 = arith.constant 100000 : i32
    %mul3A_318 = vector.broadcast %mul3A_317 : i32 to vector<16xi32>
    %mul3A_319 = arith.muli %select_n3A_316, %mul3A_318 : vector<16xi32>
    %swap3A_320 = arith.constant 144 : index
    %swap3A_321 = tpu.vector_load %arg8[%swap3A_320] {strides = array<i32>} : memref<208xi32, #tpu.memory_space<vmem>>, vector<16xi32>,
    %swap3A_322 = vector.shape_cast %swap3A_321 : vector<16xi32> to vector<16xi32>
    %swap3A_323 = vector.shape_cast %mul3A_319 : vector<16xi32> to vector<16xi32>
    tpu.vector_store %arg8[%swap3A_320], %swap3A_323 {strides = array<i32>} : memref<208xi32, #tpu.memory_space<vmem>>, vector<16xi32>,
    %iota3A_324 = tpu.iota {dimensions = array<i32: 0>} : vector<16xi32>
    %add3A_325 = arith.constant 160 : i32
    %add3A_326 = vector.broadcast %add3A_325 : i32 to vector<16xi32>
    %add3A_327 = arith.addi %iota3A_324, %add3A_326 : vector<16xi32>
    %jit3A_328 = arith.constant 26 : i32
    %eq3A_329 = arith.constant 0 : i32
    %eq3A_330 = arith.cmpi eq, %jit3A_328, %eq3A_329 : i32
    %jit3A_331 = arith.constant 1 : i32
    %select_n3A_332 = arith.select %eq3A_330, %jit3A_331, %jit3A_328 : i32
    %rem3A_333 = vector.broadcast %select_n3A_332 : i32 to vector<16xi32>
    %rem3A_334 = arith.remsi %add3A_327, %rem3A_333 : vector<16xi32>
    %ne3A_335 = arith.constant 0 : i32
    %ne3A_336 = vector.broadcast %ne3A_335 : i32 to vector<16xi32>
    %ne3A_337 = arith.cmpi ne, %rem3A_334, %ne3A_336 : vector<16xi32>
    %lt3A_338 = arith.constant 0 : i32
    %lt3A_339 = vector.broadcast %lt3A_338 : i32 to vector<16xi32>
    %lt3A_340 = arith.cmpi slt, %rem3A_334, %lt3A_339 : vector<16xi32>
    %lt3A_341 = arith.constant 0 : i32
    %lt3A_342 = arith.cmpi slt, %select_n3A_332, %lt3A_341 : i32
    %ne3A_343 = vector.broadcast %lt3A_342 : i1 to vector<16xi1>
    %ne3A_344 = vector.broadcast %ne3A_343 : vector<16xi1> to vector<16xi1>
    %ne3A_345 = arith.xori %lt3A_340, %ne3A_344 : vector<16xi1>
    %and3A_346 = arith.andi %ne3A_345, %ne3A_337 : vector<16xi1>
    %add3A_347 = vector.broadcast %select_n3A_332 : i32 to vector<16xi32>
    %add3A_348 = arith.addi %rem3A_334, %add3A_347 : vector<16xi32>
    %select_n3A_349 = arith.select %and3A_346, %add3A_348, %rem3A_334 : vector<16xi1>, vector<16xi32>
    %mul3A_350 = arith.constant 100000 : i32
    %mul3A_351 = vector.broadcast %mul3A_350 : i32 to vector<16xi32>
    %mul3A_352 = arith.muli %select_n3A_349, %mul3A_351 : vector<16xi32>
    %swap3A_353 = arith.constant 160 : index
    %swap3A_354 = tpu.vector_load %arg8[%swap3A_353] {strides = array<i32>} : memref<208xi32, #tpu.memory_space<vmem>>, vector<16xi32>,
    %swap3A_355 = vector.shape_cast %swap3A_354 : vector<16xi32> to vector<16xi32>
    %swap3A_356 = vector.shape_cast %mul3A_352 : vector<16xi32> to vector<16xi32>
    tpu.vector_store %arg8[%swap3A_353], %swap3A_356 {strides = array<i32>} : memref<208xi32, #tpu.memory_space<vmem>>, vector<16xi32>,
    %iota3A_357 = tpu.iota {dimensions = array<i32: 0>} : vector<16xi32>
    %add3A_358 = arith.constant 176 : i32
    %add3A_359 = vector.broadcast %add3A_358 : i32 to vector<16xi32>
    %add3A_360 = arith.addi %iota3A_357, %add3A_359 : vector<16xi32>
    %jit3A_361 = arith.constant 26 : i32
    %eq3A_362 = arith.constant 0 : i32
    %eq3A_363 = arith.cmpi eq, %jit3A_361, %eq3A_362 : i32
    %jit3A_364 = arith.constant 1 : i32
    %select_n3A_365 = arith.select %eq3A_363, %jit3A_364, %jit3A_361 : i32
    %rem3A_366 = vector.broadcast %select_n3A_365 : i32 to vector<16xi32>
    %rem3A_367 = arith.remsi %add3A_360, %rem3A_366 : vector<16xi32>
    %ne3A_368 = arith.constant 0 : i32
    %ne3A_369 = vector.broadcast %ne3A_368 : i32 to vector<16xi32>
    %ne3A_370 = arith.cmpi ne, %rem3A_367, %ne3A_369 : vector<16xi32>
    %lt3A_371 = arith.constant 0 : i32
    %lt3A_372 = vector.broadcast %lt3A_371 : i32 to vector<16xi32>
    %lt3A_373 = arith.cmpi slt, %rem3A_367, %lt3A_372 : vector<16xi32>
    %lt3A_374 = arith.constant 0 : i32
    %lt3A_375 = arith.cmpi slt, %select_n3A_365, %lt3A_374 : i32
    %ne3A_376 = vector.broadcast %lt3A_375 : i1 to vector<16xi1>
    %ne3A_377 = vector.broadcast %ne3A_376 : vector<16xi1> to vector<16xi1>
    %ne3A_378 = arith.xori %lt3A_373, %ne3A_377 : vector<16xi1>
    %and3A_379 = arith.andi %ne3A_378, %ne3A_370 : vector<16xi1>
    %add3A_380 = vector.broadcast %select_n3A_365 : i32 to vector<16xi32>
    %add3A_381 = arith.addi %rem3A_367, %add3A_380 : vector<16xi32>
    %select_n3A_382 = arith.select %and3A_379, %add3A_381, %rem3A_367 : vector<16xi1>, vector<16xi32>
    %mul3A_383 = arith.constant 100000 : i32
    %mul3A_384 = vector.broadcast %mul3A_383 : i32 to vector<16xi32>
    %mul3A_385 = arith.muli %select_n3A_382, %mul3A_384 : vector<16xi32>
    %swap3A_386 = arith.constant 176 : index
    %swap3A_387 = tpu.vector_load %arg8[%swap3A_386] {strides = array<i32>} : memref<208xi32, #tpu.memory_space<vmem>>, vector<16xi32>,
    %swap3A_388 = vector.shape_cast %swap3A_387 : vector<16xi32> to vector<16xi32>
    %swap3A_389 = vector.shape_cast %mul3A_385 : vector<16xi32> to vector<16xi32>
    tpu.vector_store %arg8[%swap3A_386], %swap3A_389 {strides = array<i32>} : memref<208xi32, #tpu.memory_space<vmem>>, vector<16xi32>,
    %iota3A_390 = tpu.iota {dimensions = array<i32: 0>} : vector<16xi32>
    %add3A_391 = arith.constant 192 : i32
    %add3A_392 = vector.broadcast %add3A_391 : i32 to vector<16xi32>
    %add3A_393 = arith.addi %iota3A_390, %add3A_392 : vector<16xi32>
    %jit3A_394 = arith.constant 26 : i32
    %eq3A_395 = arith.constant 0 : i32
    %eq3A_396 = arith.cmpi eq, %jit3A_394, %eq3A_395 : i32
    %jit3A_397 = arith.constant 1 : i32
    %select_n3A_398 = arith.select %eq3A_396, %jit3A_397, %jit3A_394 : i32
    %rem3A_399 = vector.broadcast %select_n3A_398 : i32 to vector<16xi32>
    %rem3A_400 = arith.remsi %add3A_393, %rem3A_399 : vector<16xi32>
    %ne3A_401 = arith.constant 0 : i32
    %ne3A_402 = vector.broadcast %ne3A_401 : i32 to vector<16xi32>
    %ne3A_403 = arith.cmpi ne, %rem3A_400, %ne3A_402 : vector<16xi32>
    %lt3A_404 = arith.constant 0 : i32
    %lt3A_405 = vector.broadcast %lt3A_404 : i32 to vector<16xi32>
    %lt3A_406 = arith.cmpi slt, %rem3A_400, %lt3A_405 : vector<16xi32>
    %lt3A_407 = arith.constant 0 : i32
    %lt3A_408 = arith.cmpi slt, %select_n3A_398, %lt3A_407 : i32
    %ne3A_409 = vector.broadcast %lt3A_408 : i1 to vector<16xi1>
    %ne3A_410 = vector.broadcast %ne3A_409 : vector<16xi1> to vector<16xi1>
    %ne3A_411 = arith.xori %lt3A_406, %ne3A_410 : vector<16xi1>
    %and3A_412 = arith.andi %ne3A_411, %ne3A_403 : vector<16xi1>
    %add3A_413 = vector.broadcast %select_n3A_398 : i32 to vector<16xi32>
    %add3A_414 = arith.addi %rem3A_400, %add3A_413 : vector<16xi32>
    %select_n3A_415 = arith.select %and3A_412, %add3A_414, %rem3A_400 : vector<16xi1>, vector<16xi32>
    %mul3A_416 = arith.constant 100000 : i32
    %mul3A_417 = vector.broadcast %mul3A_416 : i32 to vector<16xi32>
    %mul3A_418 = arith.muli %select_n3A_415, %mul3A_417 : vector<16xi32>
    %swap3A_419 = arith.constant 192 : index
    %swap3A_420 = tpu.vector_load %arg8[%swap3A_419] {strides = array<i32>} : memref<208xi32, #tpu.memory_space<vmem>>, vector<16xi32>,
    %swap3A_421 = vector.shape_cast %swap3A_420 : vector<16xi32> to vector<16xi32>
    %swap3A_422 = vector.shape_cast %mul3A_418 : vector<16xi32> to vector<16xi32>
    tpu.vector_store %arg8[%swap3A_419], %swap3A_422 {strides = array<i32>} : memref<208xi32, #tpu.memory_space<vmem>>, vector<16xi32>,
    %scan3A = arith.constant 0 : i32
    %scan3A_423 = arith.constant 0 : i32
    %scan3A_424 = arith.constant 8 : i32
    %scan3A_425 = arith.addi %scan3A_423, %scan3A_424 : i32
    %scan3A_426 = arith.constant 1 : i32
    scf.for %scan3A_428 = %scan3A_423 to %scan3A_425 step %scan3A_426  : i32 {
      %mul3A_429 = arith.constant 1664 : i32
      %mul3A_430 = arith.muli %scan3A_428, %mul3A_429 : i32
      %add3A_431 = arith.addi %mul3A_2, %mul3A_430 : i32
      "tpu.region"() ({
        %run_scoped3A = tpu.sem_alloc : memref<!tpu.dma_semaphore, #tpu.memory_space<semaphore_mem>>
        %dma_start3A_1787 = tpu.memref_slice %arg2[%add3A_431] : memref<425984xi32, #tpu.memory_space<hbm>> -> memref<1664xi32, #tpu.memory_space<hbm>>
        %dma_start3A_1788 = tpu.memref_slice %arg2[%add3A_431] : memref<425984xi32, #tpu.memory_space<hbm>> -> memref<1664xi32, #tpu.memory_space<hbm>>
        tpu.enqueue_dma source(%dma_start3A_1788 : memref<1664xi32, #tpu.memory_space<hbm>>) target(%arg6 : memref<1664xi32, #tpu.memory_space<vmem>>) target_semaphore(%run_scoped3A : memref<!tpu.dma_semaphore, #tpu.memory_space<semaphore_mem>>)
        %dma_wait3A_1789 = tpu.memref_slice %arg2[%add3A_431] : memref<425984xi32, #tpu.memory_space<hbm>> -> memref<1664xi32, #tpu.memory_space<hbm>>
        %dma_wait3A_1790 = tpu.memref_slice %arg2[%add3A_431] : memref<425984xi32, #tpu.memory_space<hbm>> -> memref<1664xi32, #tpu.memory_space<hbm>>
        tpu.wait_dma2 semaphore(%run_scoped3A : memref<!tpu.dma_semaphore, #tpu.memory_space<semaphore_mem>>) src(%dma_wait3A_1790 : memref<1664xi32, #tpu.memory_space<hbm>>) dst(%arg6 : memref<1664xi32, #tpu.memory_space<vmem>>)
        tpu.yield
      }) : () -> ()
      %get3A = arith.constant 0 : index
      %get3A_432 = tpu.vector_load %arg6[%get3A] {strides = array<i32>} : memref<1664xi32, #tpu.memory_space<vmem>>, vector<16xi32>,
      %get3A_433 = vector.shape_cast %get3A_432 : vector<16xi32> to vector<16xi32>
      %get3A_434 = arith.constant 0 : index
      %get3A_435 = tpu.vector_load %arg8[%get3A_434] {strides = array<i32>} : memref<208xi32, #tpu.memory_space<vmem>>, vector<16xi32>,
      %get3A_436 = vector.shape_cast %get3A_435 : vector<16xi32> to vector<16xi32>
      %add3A_437 = arith.addi %get3A_433, %get3A_436 : vector<16xi32>
      %swap3A_438 = arith.constant 0 : index
      %swap3A_439 = tpu.vector_load %arg6[%swap3A_438] {strides = array<i32>} : memref<1664xi32, #tpu.memory_space<vmem>>, vector<16xi32>,
      %swap3A_440 = vector.shape_cast %swap3A_439 : vector<16xi32> to vector<16xi32>
      %swap3A_441 = vector.shape_cast %add3A_437 : vector<16xi32> to vector<16xi32>
      tpu.vector_store %arg6[%swap3A_438], %swap3A_441 {strides = array<i32>} : memref<1664xi32, #tpu.memory_space<vmem>>, vector<16xi32>,
      %get3A_442 = arith.constant 16 : index
      %get3A_443 = tpu.vector_load %arg6[%get3A_442] {strides = array<i32>} : memref<1664xi32, #tpu.memory_space<vmem>>, vector<16xi32>,
      %get3A_444 = vector.shape_cast %get3A_443 : vector<16xi32> to vector<16xi32>
      %get3A_445 = arith.constant 16 : index
      %get3A_446 = tpu.vector_load %arg8[%get3A_445] {strides = array<i32>} : memref<208xi32, #tpu.memory_space<vmem>>, vector<16xi32>,
      %get3A_447 = vector.shape_cast %get3A_446 : vector<16xi32> to vector<16xi32>
      %add3A_448 = arith.addi %get3A_444, %get3A_447 : vector<16xi32>
      %swap3A_449 = arith.constant 16 : index
      %swap3A_450 = tpu.vector_load %arg6[%swap3A_449] {strides = array<i32>} : memref<1664xi32, #tpu.memory_space<vmem>>, vector<16xi32>,
      %swap3A_451 = vector.shape_cast %swap3A_450 : vector<16xi32> to vector<16xi32>
      %swap3A_452 = vector.shape_cast %add3A_448 : vector<16xi32> to vector<16xi32>
      tpu.vector_store %arg6[%swap3A_449], %swap3A_452 {strides = array<i32>} : memref<1664xi32, #tpu.memory_space<vmem>>, vector<16xi32>,
      %get3A_453 = arith.constant 32 : index
      %get3A_454 = tpu.vector_load %arg6[%get3A_453] {strides = array<i32>} : memref<1664xi32, #tpu.memory_space<vmem>>, vector<16xi32>,
      %get3A_455 = vector.shape_cast %get3A_454 : vector<16xi32> to vector<16xi32>
      %get3A_456 = arith.constant 32 : index
      %get3A_457 = tpu.vector_load %arg8[%get3A_456] {strides = array<i32>} : memref<208xi32, #tpu.memory_space<vmem>>, vector<16xi32>,
      %get3A_458 = vector.shape_cast %get3A_457 : vector<16xi32> to vector<16xi32>
      %add3A_459 = arith.addi %get3A_455, %get3A_458 : vector<16xi32>
      %swap3A_460 = arith.constant 32 : index
      %swap3A_461 = tpu.vector_load %arg6[%swap3A_460] {strides = array<i32>} : memref<1664xi32, #tpu.memory_space<vmem>>, vector<16xi32>,
      %swap3A_462 = vector.shape_cast %swap3A_461 : vector<16xi32> to vector<16xi32>
      %swap3A_463 = vector.shape_cast %add3A_459 : vector<16xi32> to vector<16xi32>
      tpu.vector_store %arg6[%swap3A_460], %swap3A_463 {strides = array<i32>} : memref<1664xi32, #tpu.memory_space<vmem>>, vector<16xi32>,
      %get3A_464 = arith.constant 48 : index
      %get3A_465 = tpu.vector_load %arg6[%get3A_464] {strides = array<i32>} : memref<1664xi32, #tpu.memory_space<vmem>>, vector<16xi32>,
      %get3A_466 = vector.shape_cast %get3A_465 : vector<16xi32> to vector<16xi32>
      %get3A_467 = arith.constant 48 : index
      %get3A_468 = tpu.vector_load %arg8[%get3A_467] {strides = array<i32>} : memref<208xi32, #tpu.memory_space<vmem>>, vector<16xi32>,
      %get3A_469 = vector.shape_cast %get3A_468 : vector<16xi32> to vector<16xi32>
      %add3A_470 = arith.addi %get3A_466, %get3A_469 : vector<16xi32>
      %swap3A_471 = arith.constant 48 : index
      %swap3A_472 = tpu.vector_load %arg6[%swap3A_471] {strides = array<i32>} : memref<1664xi32, #tpu.memory_space<vmem>>, vector<16xi32>,
      %swap3A_473 = vector.shape_cast %swap3A_472 : vector<16xi32> to vector<16xi32>
      %swap3A_474 = vector.shape_cast %add3A_470 : vector<16xi32> to vector<16xi32>
      tpu.vector_store %arg6[%swap3A_471], %swap3A_474 {strides = array<i32>} : memref<1664xi32, #tpu.memory_space<vmem>>, vector<16xi32>,
      %get3A_475 = arith.constant 64 : index
      %get3A_476 = tpu.vector_load %arg6[%get3A_475] {strides = array<i32>} : memref<1664xi32, #tpu.memory_space<vmem>>, vector<16xi32>,
      %get3A_477 = vector.shape_cast %get3A_476 : vector<16xi32> to vector<16xi32>
      %get3A_478 = arith.constant 64 : index
      %get3A_479 = tpu.vector_load %arg8[%get3A_478] {strides = array<i32>} : memref<208xi32, #tpu.memory_space<vmem>>, vector<16xi32>,
      %get3A_480 = vector.shape_cast %get3A_479 : vector<16xi32> to vector<16xi32>
      %add3A_481 = arith.addi %get3A_477, %get3A_480 : vector<16xi32>
      %swap3A_482 = arith.constant 64 : index
      %swap3A_483 = tpu.vector_load %arg6[%swap3A_482] {strides = array<i32>} : memref<1664xi32, #tpu.memory_space<vmem>>, vector<16xi32>,
      %swap3A_484 = vector.shape_cast %swap3A_483 : vector<16xi32> to vector<16xi32>
      %swap3A_485 = vector.shape_cast %add3A_481 : vector<16xi32> to vector<16xi32>
      tpu.vector_store %arg6[%swap3A_482], %swap3A_485 {strides = array<i32>} : memref<1664xi32, #tpu.memory_space<vmem>>, vector<16xi32>,
      %get3A_486 = arith.constant 80 : index
      %get3A_487 = tpu.vector_load %arg6[%get3A_486] {strides = array<i32>} : memref<1664xi32, #tpu.memory_space<vmem>>, vector<16xi32>,
      %get3A_488 = vector.shape_cast %get3A_487 : vector<16xi32> to vector<16xi32>
      %get3A_489 = arith.constant 80 : index
      %get3A_490 = tpu.vector_load %arg8[%get3A_489] {strides = array<i32>} : memref<208xi32, #tpu.memory_space<vmem>>, vector<16xi32>,
      %get3A_491 = vector.shape_cast %get3A_490 : vector<16xi32> to vector<16xi32>
      %add3A_492 = arith.addi %get3A_488, %get3A_491 : vector<16xi32>
      %swap3A_493 = arith.constant 80 : index
      %swap3A_494 = tpu.vector_load %arg6[%swap3A_493] {strides = array<i32>} : memref<1664xi32, #tpu.memory_space<vmem>>, vector<16xi32>,
      %swap3A_495 = vector.shape_cast %swap3A_494 : vector<16xi32> to vector<16xi32>
      %swap3A_496 = vector.shape_cast %add3A_492 : vector<16xi32> to vector<16xi32>
      tpu.vector_store %arg6[%swap3A_493], %swap3A_496 {strides = array<i32>} : memref<1664xi32, #tpu.memory_space<vmem>>, vector<16xi32>,
      %get3A_497 = arith.constant 96 : index
      %get3A_498 = tpu.vector_load %arg6[%get3A_497] {strides = array<i32>} : memref<1664xi32, #tpu.memory_space<vmem>>, vector<16xi32>,
      %get3A_499 = vector.shape_cast %get3A_498 : vector<16xi32> to vector<16xi32>
      %get3A_500 = arith.constant 96 : index
      %get3A_501 = tpu.vector_load %arg8[%get3A_500] {strides = array<i32>} : memref<208xi32, #tpu.memory_space<vmem>>, vector<16xi32>,
      %get3A_502 = vector.shape_cast %get3A_501 : vector<16xi32> to vector<16xi32>
      %add3A_503 = arith.addi %get3A_499, %get3A_502 : vector<16xi32>
      %swap3A_504 = arith.constant 96 : index
      %swap3A_505 = tpu.vector_load %arg6[%swap3A_504] {strides = array<i32>} : memref<1664xi32, #tpu.memory_space<vmem>>, vector<16xi32>,
      %swap3A_506 = vector.shape_cast %swap3A_505 : vector<16xi32> to vector<16xi32>
      %swap3A_507 = vector.shape_cast %add3A_503 : vector<16xi32> to vector<16xi32>
      tpu.vector_store %arg6[%swap3A_504], %swap3A_507 {strides = array<i32>} : memref<1664xi32, #tpu.memory_space<vmem>>, vector<16xi32>,
      %get3A_508 = arith.constant 112 : index
      %get3A_509 = tpu.vector_load %arg6[%get3A_508] {strides = array<i32>} : memref<1664xi32, #tpu.memory_space<vmem>>, vector<16xi32>,
      %get3A_510 = vector.shape_cast %get3A_509 : vector<16xi32> to vector<16xi32>
      %get3A_511 = arith.constant 112 : index
      %get3A_512 = tpu.vector_load %arg8[%get3A_511] {strides = array<i32>} : memref<208xi32, #tpu.memory_space<vmem>>, vector<16xi32>,
      %get3A_513 = vector.shape_cast %get3A_512 : vector<16xi32> to vector<16xi32>
      %add3A_514 = arith.addi %get3A_510, %get3A_513 : vector<16xi32>
      %swap3A_515 = arith.constant 112 : index
      %swap3A_516 = tpu.vector_load %arg6[%swap3A_515] {strides = array<i32>} : memref<1664xi32, #tpu.memory_space<vmem>>, vector<16xi32>,
      %swap3A_517 = vector.shape_cast %swap3A_516 : vector<16xi32> to vector<16xi32>
      %swap3A_518 = vector.shape_cast %add3A_514 : vector<16xi32> to vector<16xi32>
      tpu.vector_store %arg6[%swap3A_515], %swap3A_518 {strides = array<i32>} : memref<1664xi32, #tpu.memory_space<vmem>>, vector<16xi32>,
      %get3A_519 = arith.constant 128 : index
      %get3A_520 = tpu.vector_load %arg6[%get3A_519] {strides = array<i32>} : memref<1664xi32, #tpu.memory_space<vmem>>, vector<16xi32>,
      %get3A_521 = vector.shape_cast %get3A_520 : vector<16xi32> to vector<16xi32>
      %get3A_522 = arith.constant 128 : index
      %get3A_523 = tpu.vector_load %arg8[%get3A_522] {strides = array<i32>} : memref<208xi32, #tpu.memory_space<vmem>>, vector<16xi32>,
      %get3A_524 = vector.shape_cast %get3A_523 : vector<16xi32> to vector<16xi32>
      %add3A_525 = arith.addi %get3A_521, %get3A_524 : vector<16xi32>
      %swap3A_526 = arith.constant 128 : index
      %swap3A_527 = tpu.vector_load %arg6[%swap3A_526] {strides = array<i32>} : memref<1664xi32, #tpu.memory_space<vmem>>, vector<16xi32>,
      %swap3A_528 = vector.shape_cast %swap3A_527 : vector<16xi32> to vector<16xi32>
      %swap3A_529 = vector.shape_cast %add3A_525 : vector<16xi32> to vector<16xi32>
      tpu.vector_store %arg6[%swap3A_526], %swap3A_529 {strides = array<i32>} : memref<1664xi32, #tpu.memory_space<vmem>>, vector<16xi32>,
      %get3A_530 = arith.constant 144 : index
      %get3A_531 = tpu.vector_load %arg6[%get3A_530] {strides = array<i32>} : memref<1664xi32, #tpu.memory_space<vmem>>, vector<16xi32>,
      %get3A_532 = vector.shape_cast %get3A_531 : vector<16xi32> to vector<16xi32>
      %get3A_533 = arith.constant 144 : index
      %get3A_534 = tpu.vector_load %arg8[%get3A_533] {strides = array<i32>} : memref<208xi32, #tpu.memory_space<vmem>>, vector<16xi32>,
      %get3A_535 = vector.shape_cast %get3A_534 : vector<16xi32> to vector<16xi32>
      %add3A_536 = arith.addi %get3A_532, %get3A_535 : vector<16xi32>
      %swap3A_537 = arith.constant 144 : index
      %swap3A_538 = tpu.vector_load %arg6[%swap3A_537] {strides = array<i32>} : memref<1664xi32, #tpu.memory_space<vmem>>, vector<16xi32>,
      %swap3A_539 = vector.shape_cast %swap3A_538 : vector<16xi32> to vector<16xi32>
      %swap3A_540 = vector.shape_cast %add3A_536 : vector<16xi32> to vector<16xi32>
      tpu.vector_store %arg6[%swap3A_537], %swap3A_540 {strides = array<i32>} : memref<1664xi32, #tpu.memory_space<vmem>>, vector<16xi32>,
      %get3A_541 = arith.constant 160 : index
      %get3A_542 = tpu.vector_load %arg6[%get3A_541] {strides = array<i32>} : memref<1664xi32, #tpu.memory_space<vmem>>, vector<16xi32>,
      %get3A_543 = vector.shape_cast %get3A_542 : vector<16xi32> to vector<16xi32>
      %get3A_544 = arith.constant 160 : index
      %get3A_545 = tpu.vector_load %arg8[%get3A_544] {strides = array<i32>} : memref<208xi32, #tpu.memory_space<vmem>>, vector<16xi32>,
      %get3A_546 = vector.shape_cast %get3A_545 : vector<16xi32> to vector<16xi32>
      %add3A_547 = arith.addi %get3A_543, %get3A_546 : vector<16xi32>
      %swap3A_548 = arith.constant 160 : index
      %swap3A_549 = tpu.vector_load %arg6[%swap3A_548] {strides = array<i32>} : memref<1664xi32, #tpu.memory_space<vmem>>, vector<16xi32>,
      %swap3A_550 = vector.shape_cast %swap3A_549 : vector<16xi32> to vector<16xi32>
      %swap3A_551 = vector.shape_cast %add3A_547 : vector<16xi32> to vector<16xi32>
      tpu.vector_store %arg6[%swap3A_548], %swap3A_551 {strides = array<i32>} : memref<1664xi32, #tpu.memory_space<vmem>>, vector<16xi32>,
      %get3A_552 = arith.constant 176 : index
      %get3A_553 = tpu.vector_load %arg6[%get3A_552] {strides = array<i32>} : memref<1664xi32, #tpu.memory_space<vmem>>, vector<16xi32>,
      %get3A_554 = vector.shape_cast %get3A_553 : vector<16xi32> to vector<16xi32>
      %get3A_555 = arith.constant 176 : index
      %get3A_556 = tpu.vector_load %arg8[%get3A_555] {strides = array<i32>} : memref<208xi32, #tpu.memory_space<vmem>>, vector<16xi32>,
      %get3A_557 = vector.shape_cast %get3A_556 : vector<16xi32> to vector<16xi32>
      %add3A_558 = arith.addi %get3A_554, %get3A_557 : vector<16xi32>
      %swap3A_559 = arith.constant 176 : index
      %swap3A_560 = tpu.vector_load %arg6[%swap3A_559] {strides = array<i32>} : memref<1664xi32, #tpu.memory_space<vmem>>, vector<16xi32>,
      %swap3A_561 = vector.shape_cast %swap3A_560 : vector<16xi32> to vector<16xi32>
      %swap3A_562 = vector.shape_cast %add3A_558 : vector<16xi32> to vector<16xi32>
      tpu.vector_store %arg6[%swap3A_559], %swap3A_562 {strides = array<i32>} : memref<1664xi32, #tpu.memory_space<vmem>>, vector<16xi32>,
      %get3A_563 = arith.constant 192 : index
      %get3A_564 = tpu.vector_load %arg6[%get3A_563] {strides = array<i32>} : memref<1664xi32, #tpu.memory_space<vmem>>, vector<16xi32>,
      %get3A_565 = vector.shape_cast %get3A_564 : vector<16xi32> to vector<16xi32>
      %get3A_566 = arith.constant 192 : index
      %get3A_567 = tpu.vector_load %arg8[%get3A_566] {strides = array<i32>} : memref<208xi32, #tpu.memory_space<vmem>>, vector<16xi32>,
      %get3A_568 = vector.shape_cast %get3A_567 : vector<16xi32> to vector<16xi32>
      %add3A_569 = arith.addi %get3A_565, %get3A_568 : vector<16xi32>
      %swap3A_570 = arith.constant 192 : index
      %swap3A_571 = tpu.vector_load %arg6[%swap3A_570] {strides = array<i32>} : memref<1664xi32, #tpu.memory_space<vmem>>, vector<16xi32>,
      %swap3A_572 = vector.shape_cast %swap3A_571 : vector<16xi32> to vector<16xi32>
      %swap3A_573 = vector.shape_cast %add3A_569 : vector<16xi32> to vector<16xi32>
      tpu.vector_store %arg6[%swap3A_570], %swap3A_573 {strides = array<i32>} : memref<1664xi32, #tpu.memory_space<vmem>>, vector<16xi32>,
      %get3A_574 = arith.constant 208 : index
      %get3A_575 = tpu.vector_load %arg6[%get3A_574] {strides = array<i32>} : memref<1664xi32, #tpu.memory_space<vmem>>, vector<16xi32>,
      %get3A_576 = vector.shape_cast %get3A_575 : vector<16xi32> to vector<16xi32>
      %get3A_577 = arith.constant 0 : index
      %get3A_578 = tpu.vector_load %arg8[%get3A_577] {strides = array<i32>} : memref<208xi32, #tpu.memory_space<vmem>>, vector<16xi32>,
      %get3A_579 = vector.shape_cast %get3A_578 : vector<16xi32> to vector<16xi32>
      %add3A_580 = arith.addi %get3A_576, %get3A_579 : vector<16xi32>
      %swap3A_581 = arith.constant 208 : index
      %swap3A_582 = tpu.vector_load %arg6[%swap3A_581] {strides = array<i32>} : memref<1664xi32, #tpu.memory_space<vmem>>, vector<16xi32>,
      %swap3A_583 = vector.shape_cast %swap3A_582 : vector<16xi32> to vector<16xi32>
      %swap3A_584 = vector.shape_cast %add3A_580 : vector<16xi32> to vector<16xi32>
      tpu.vector_store %arg6[%swap3A_581], %swap3A_584 {strides = array<i32>} : memref<1664xi32, #tpu.memory_space<vmem>>, vector<16xi32>,
      %get3A_585 = arith.constant 224 : index
      %get3A_586 = tpu.vector_load %arg6[%get3A_585] {strides = array<i32>} : memref<1664xi32, #tpu.memory_space<vmem>>, vector<16xi32>,
      %get3A_587 = vector.shape_cast %get3A_586 : vector<16xi32> to vector<16xi32>
      %get3A_588 = arith.constant 16 : index
      %get3A_589 = tpu.vector_load %arg8[%get3A_588] {strides = array<i32>} : memref<208xi32, #tpu.memory_space<vmem>>, vector<16xi32>,
      %get3A_590 = vector.shape_cast %get3A_589 : vector<16xi32> to vector<16xi32>
      %add3A_591 = arith.addi %get3A_587, %get3A_590 : vector<16xi32>
      %swap3A_592 = arith.constant 224 : index
      %swap3A_593 = tpu.vector_load %arg6[%swap3A_592] {strides = array<i32>} : memref<1664xi32, #tpu.memory_space<vmem>>, vector<16xi32>,
      %swap3A_594 = vector.shape_cast %swap3A_593 : vector<16xi32> to vector<16xi32>
      %swap3A_595 = vector.shape_cast %add3A_591 : vector<16xi32> to vector<16xi32>
      tpu.vector_store %arg6[%swap3A_592], %swap3A_595 {strides = array<i32>} : memref<1664xi32, #tpu.memory_space<vmem>>, vector<16xi32>,
      %get3A_596 = arith.constant 240 : index
      %get3A_597 = tpu.vector_load %arg6[%get3A_596] {strides = array<i32>} : memref<1664xi32, #tpu.memory_space<vmem>>, vector<16xi32>,
      %get3A_598 = vector.shape_cast %get3A_597 : vector<16xi32> to vector<16xi32>
      %get3A_599 = arith.constant 32 : index
      %get3A_600 = tpu.vector_load %arg8[%get3A_599] {strides = array<i32>} : memref<208xi32, #tpu.memory_space<vmem>>, vector<16xi32>,
      %get3A_601 = vector.shape_cast %get3A_600 : vector<16xi32> to vector<16xi32>
      %add3A_602 = arith.addi %get3A_598, %get3A_601 : vector<16xi32>
      %swap3A_603 = arith.constant 240 : index
      %swap3A_604 = tpu.vector_load %arg6[%swap3A_603] {strides = array<i32>} : memref<1664xi32, #tpu.memory_space<vmem>>, vector<16xi32>,
      %swap3A_605 = vector.shape_cast %swap3A_604 : vector<16xi32> to vector<16xi32>
      %swap3A_606 = vector.shape_cast %add3A_602 : vector<16xi32> to vector<16xi32>
      tpu.vector_store %arg6[%swap3A_603], %swap3A_606 {strides = array<i32>} : memref<1664xi32, #tpu.memory_space<vmem>>, vector<16xi32>,
      %get3A_607 = arith.constant 256 : index
      %get3A_608 = tpu.vector_load %arg6[%get3A_607] {strides = array<i32>} : memref<1664xi32, #tpu.memory_space<vmem>>, vector<16xi32>,
      %get3A_609 = vector.shape_cast %get3A_608 : vector<16xi32> to vector<16xi32>
      %get3A_610 = arith.constant 48 : index
      %get3A_611 = tpu.vector_load %arg8[%get3A_610] {strides = array<i32>} : memref<208xi32, #tpu.memory_space<vmem>>, vector<16xi32>,
      %get3A_612 = vector.shape_cast %get3A_611 : vector<16xi32> to vector<16xi32>
      %add3A_613 = arith.addi %get3A_609, %get3A_612 : vector<16xi32>
      %swap3A_614 = arith.constant 256 : index
      %swap3A_615 = tpu.vector_load %arg6[%swap3A_614] {strides = array<i32>} : memref<1664xi32, #tpu.memory_space<vmem>>, vector<16xi32>,
      %swap3A_616 = vector.shape_cast %swap3A_615 : vector<16xi32> to vector<16xi32>
      %swap3A_617 = vector.shape_cast %add3A_613 : vector<16xi32> to vector<16xi32>
      tpu.vector_store %arg6[%swap3A_614], %swap3A_617 {strides = array<i32>} : memref<1664xi32, #tpu.memory_space<vmem>>, vector<16xi32>,
      %get3A_618 = arith.constant 272 : index
      %get3A_619 = tpu.vector_load %arg6[%get3A_618] {strides = array<i32>} : memref<1664xi32, #tpu.memory_space<vmem>>, vector<16xi32>,
      %get3A_620 = vector.shape_cast %get3A_619 : vector<16xi32> to vector<16xi32>
      %get3A_621 = arith.constant 64 : index
      %get3A_622 = tpu.vector_load %arg8[%get3A_621] {strides = array<i32>} : memref<208xi32, #tpu.memory_space<vmem>>, vector<16xi32>,
      %get3A_623 = vector.shape_cast %get3A_622 : vector<16xi32> to vector<16xi32>
      %add3A_624 = arith.addi %get3A_620, %get3A_623 : vector<16xi32>
      %swap3A_625 = arith.constant 272 : index
      %swap3A_626 = tpu.vector_load %arg6[%swap3A_625] {strides = array<i32>} : memref<1664xi32, #tpu.memory_space<vmem>>, vector<16xi32>,
      %swap3A_627 = vector.shape_cast %swap3A_626 : vector<16xi32> to vector<16xi32>
      %swap3A_628 = vector.shape_cast %add3A_624 : vector<16xi32> to vector<16xi32>
      tpu.vector_store %arg6[%swap3A_625], %swap3A_628 {strides = array<i32>} : memref<1664xi32, #tpu.memory_space<vmem>>, vector<16xi32>,
      %get3A_629 = arith.constant 288 : index
      %get3A_630 = tpu.vector_load %arg6[%get3A_629] {strides = array<i32>} : memref<1664xi32, #tpu.memory_space<vmem>>, vector<16xi32>,
      %get3A_631 = vector.shape_cast %get3A_630 : vector<16xi32> to vector<16xi32>
      %get3A_632 = arith.constant 80 : index
      %get3A_633 = tpu.vector_load %arg8[%get3A_632] {strides = array<i32>} : memref<208xi32, #tpu.memory_space<vmem>>, vector<16xi32>,
      %get3A_634 = vector.shape_cast %get3A_633 : vector<16xi32> to vector<16xi32>
      %add3A_635 = arith.addi %get3A_631, %get3A_634 : vector<16xi32>
      %swap3A_636 = arith.constant 288 : index
      %swap3A_637 = tpu.vector_load %arg6[%swap3A_636] {strides = array<i32>} : memref<1664xi32, #tpu.memory_space<vmem>>, vector<16xi32>,
      %swap3A_638 = vector.shape_cast %swap3A_637 : vector<16xi32> to vector<16xi32>
      %swap3A_639 = vector.shape_cast %add3A_635 : vector<16xi32> to vector<16xi32>
      tpu.vector_store %arg6[%swap3A_636], %swap3A_639 {strides = array<i32>} : memref<1664xi32, #tpu.memory_space<vmem>>, vector<16xi32>,
      %get3A_640 = arith.constant 304 : index
      %get3A_641 = tpu.vector_load %arg6[%get3A_640] {strides = array<i32>} : memref<1664xi32, #tpu.memory_space<vmem>>, vector<16xi32>,
      %get3A_642 = vector.shape_cast %get3A_641 : vector<16xi32> to vector<16xi32>
      %get3A_643 = arith.constant 96 : index
      %get3A_644 = tpu.vector_load %arg8[%get3A_643] {strides = array<i32>} : memref<208xi32, #tpu.memory_space<vmem>>, vector<16xi32>,
      %get3A_645 = vector.shape_cast %get3A_644 : vector<16xi32> to vector<16xi32>
      %add3A_646 = arith.addi %get3A_642, %get3A_645 : vector<16xi32>
      %swap3A_647 = arith.constant 304 : index
      %swap3A_648 = tpu.vector_load %arg6[%swap3A_647] {strides = array<i32>} : memref<1664xi32, #tpu.memory_space<vmem>>, vector<16xi32>,
      %swap3A_649 = vector.shape_cast %swap3A_648 : vector<16xi32> to vector<16xi32>
      %swap3A_650 = vector.shape_cast %add3A_646 : vector<16xi32> to vector<16xi32>
      tpu.vector_store %arg6[%swap3A_647], %swap3A_650 {strides = array<i32>} : memref<1664xi32, #tpu.memory_space<vmem>>, vector<16xi32>,
      %get3A_651 = arith.constant 320 : index
      %get3A_652 = tpu.vector_load %arg6[%get3A_651] {strides = array<i32>} : memref<1664xi32, #tpu.memory_space<vmem>>, vector<16xi32>,
      %get3A_653 = vector.shape_cast %get3A_652 : vector<16xi32> to vector<16xi32>
      %get3A_654 = arith.constant 112 : index
      %get3A_655 = tpu.vector_load %arg8[%get3A_654] {strides = array<i32>} : memref<208xi32, #tpu.memory_space<vmem>>, vector<16xi32>,
      %get3A_656 = vector.shape_cast %get3A_655 : vector<16xi32> to vector<16xi32>
      %add3A_657 = arith.addi %get3A_653, %get3A_656 : vector<16xi32>
      %swap3A_658 = arith.constant 320 : index
      %swap3A_659 = tpu.vector_load %arg6[%swap3A_658] {strides = array<i32>} : memref<1664xi32, #tpu.memory_space<vmem>>, vector<16xi32>,
      %swap3A_660 = vector.shape_cast %swap3A_659 : vector<16xi32> to vector<16xi32>
      %swap3A_661 = vector.shape_cast %add3A_657 : vector<16xi32> to vector<16xi32>
      tpu.vector_store %arg6[%swap3A_658], %swap3A_661 {strides = array<i32>} : memref<1664xi32, #tpu.memory_space<vmem>>, vector<16xi32>,
      %get3A_662 = arith.constant 336 : index
      %get3A_663 = tpu.vector_load %arg6[%get3A_662] {strides = array<i32>} : memref<1664xi32, #tpu.memory_space<vmem>>, vector<16xi32>,
      %get3A_664 = vector.shape_cast %get3A_663 : vector<16xi32> to vector<16xi32>
      %get3A_665 = arith.constant 128 : index
      %get3A_666 = tpu.vector_load %arg8[%get3A_665] {strides = array<i32>} : memref<208xi32, #tpu.memory_space<vmem>>, vector<16xi32>,
      %get3A_667 = vector.shape_cast %get3A_666 : vector<16xi32> to vector<16xi32>
      %add3A_668 = arith.addi %get3A_664, %get3A_667 : vector<16xi32>
      %swap3A_669 = arith.constant 336 : index
      %swap3A_670 = tpu.vector_load %arg6[%swap3A_669] {strides = array<i32>} : memref<1664xi32, #tpu.memory_space<vmem>>, vector<16xi32>,
      %swap3A_671 = vector.shape_cast %swap3A_670 : vector<16xi32> to vector<16xi32>
      %swap3A_672 = vector.shape_cast %add3A_668 : vector<16xi32> to vector<16xi32>
      tpu.vector_store %arg6[%swap3A_669], %swap3A_672 {strides = array<i32>} : memref<1664xi32, #tpu.memory_space<vmem>>, vector<16xi32>,
      %get3A_673 = arith.constant 352 : index
      %get3A_674 = tpu.vector_load %arg6[%get3A_673] {strides = array<i32>} : memref<1664xi32, #tpu.memory_space<vmem>>, vector<16xi32>,
      %get3A_675 = vector.shape_cast %get3A_674 : vector<16xi32> to vector<16xi32>
      %get3A_676 = arith.constant 144 : index
      %get3A_677 = tpu.vector_load %arg8[%get3A_676] {strides = array<i32>} : memref<208xi32, #tpu.memory_space<vmem>>, vector<16xi32>,
      %get3A_678 = vector.shape_cast %get3A_677 : vector<16xi32> to vector<16xi32>
      %add3A_679 = arith.addi %get3A_675, %get3A_678 : vector<16xi32>
      %swap3A_680 = arith.constant 352 : index
      %swap3A_681 = tpu.vector_load %arg6[%swap3A_680] {strides = array<i32>} : memref<1664xi32, #tpu.memory_space<vmem>>, vector<16xi32>,
      %swap3A_682 = vector.shape_cast %swap3A_681 : vector<16xi32> to vector<16xi32>
      %swap3A_683 = vector.shape_cast %add3A_679 : vector<16xi32> to vector<16xi32>
      tpu.vector_store %arg6[%swap3A_680], %swap3A_683 {strides = array<i32>} : memref<1664xi32, #tpu.memory_space<vmem>>, vector<16xi32>,
      %get3A_684 = arith.constant 368 : index
      %get3A_685 = tpu.vector_load %arg6[%get3A_684] {strides = array<i32>} : memref<1664xi32, #tpu.memory_space<vmem>>, vector<16xi32>,
      %get3A_686 = vector.shape_cast %get3A_685 : vector<16xi32> to vector<16xi32>
      %get3A_687 = arith.constant 160 : index
      %get3A_688 = tpu.vector_load %arg8[%get3A_687] {strides = array<i32>} : memref<208xi32, #tpu.memory_space<vmem>>, vector<16xi32>,
      %get3A_689 = vector.shape_cast %get3A_688 : vector<16xi32> to vector<16xi32>
      %add3A_690 = arith.addi %get3A_686, %get3A_689 : vector<16xi32>
      %swap3A_691 = arith.constant 368 : index
      %swap3A_692 = tpu.vector_load %arg6[%swap3A_691] {strides = array<i32>} : memref<1664xi32, #tpu.memory_space<vmem>>, vector<16xi32>,
      %swap3A_693 = vector.shape_cast %swap3A_692 : vector<16xi32> to vector<16xi32>
      %swap3A_694 = vector.shape_cast %add3A_690 : vector<16xi32> to vector<16xi32>
      tpu.vector_store %arg6[%swap3A_691], %swap3A_694 {strides = array<i32>} : memref<1664xi32, #tpu.memory_space<vmem>>, vector<16xi32>,
      %get3A_695 = arith.constant 384 : index
      %get3A_696 = tpu.vector_load %arg6[%get3A_695] {strides = array<i32>} : memref<1664xi32, #tpu.memory_space<vmem>>, vector<16xi32>,
      %get3A_697 = vector.shape_cast %get3A_696 : vector<16xi32> to vector<16xi32>
      %get3A_698 = arith.constant 176 : index
      %get3A_699 = tpu.vector_load %arg8[%get3A_698] {strides = array<i32>} : memref<208xi32, #tpu.memory_space<vmem>>, vector<16xi32>,
      %get3A_700 = vector.shape_cast %get3A_699 : vector<16xi32> to vector<16xi32>
      %add3A_701 = arith.addi %get3A_697, %get3A_700 : vector<16xi32>
      %swap3A_702 = arith.constant 384 : index
      %swap3A_703 = tpu.vector_load %arg6[%swap3A_702] {strides = array<i32>} : memref<1664xi32, #tpu.memory_space<vmem>>, vector<16xi32>,
      %swap3A_704 = vector.shape_cast %swap3A_703 : vector<16xi32> to vector<16xi32>
      %swap3A_705 = vector.shape_cast %add3A_701 : vector<16xi32> to vector<16xi32>
      tpu.vector_store %arg6[%swap3A_702], %swap3A_705 {strides = array<i32>} : memref<1664xi32, #tpu.memory_space<vmem>>, vector<16xi32>,
      %get3A_706 = arith.constant 400 : index
      %get3A_707 = tpu.vector_load %arg6[%get3A_706] {strides = array<i32>} : memref<1664xi32, #tpu.memory_space<vmem>>, vector<16xi32>,
      %get3A_708 = vector.shape_cast %get3A_707 : vector<16xi32> to vector<16xi32>
      %get3A_709 = arith.constant 192 : index
      %get3A_710 = tpu.vector_load %arg8[%get3A_709] {strides = array<i32>} : memref<208xi32, #tpu.memory_space<vmem>>, vector<16xi32>,
      %get3A_711 = vector.shape_cast %get3A_710 : vector<16xi32> to vector<16xi32>
      %add3A_712 = arith.addi %get3A_708, %get3A_711 : vector<16xi32>
      %swap3A_713 = arith.constant 400 : index
      %swap3A_714 = tpu.vector_load %arg6[%swap3A_713] {strides = array<i32>} : memref<1664xi32, #tpu.memory_space<vmem>>, vector<16xi32>,
      %swap3A_715 = vector.shape_cast %swap3A_714 : vector<16xi32> to vector<16xi32>
      %swap3A_716 = vector.shape_cast %add3A_712 : vector<16xi32> to vector<16xi32>
      tpu.vector_store %arg6[%swap3A_713], %swap3A_716 {strides = array<i32>} : memref<1664xi32, #tpu.memory_space<vmem>>, vector<16xi32>,
      %get3A_717 = arith.constant 416 : index
      %get3A_718 = tpu.vector_load %arg6[%get3A_717] {strides = array<i32>} : memref<1664xi32, #tpu.memory_space<vmem>>, vector<16xi32>,
      %get3A_719 = vector.shape_cast %get3A_718 : vector<16xi32> to vector<16xi32>
      %get3A_720 = arith.constant 0 : index
      %get3A_721 = tpu.vector_load %arg8[%get3A_720] {strides = array<i32>} : memref<208xi32, #tpu.memory_space<vmem>>, vector<16xi32>,
      %get3A_722 = vector.shape_cast %get3A_721 : vector<16xi32> to vector<16xi32>
      %add3A_723 = arith.addi %get3A_719, %get3A_722 : vector<16xi32>
      %swap3A_724 = arith.constant 416 : index
      %swap3A_725 = tpu.vector_load %arg6[%swap3A_724] {strides = array<i32>} : memref<1664xi32, #tpu.memory_space<vmem>>, vector<16xi32>,
      %swap3A_726 = vector.shape_cast %swap3A_725 : vector<16xi32> to vector<16xi32>
      %swap3A_727 = vector.shape_cast %add3A_723 : vector<16xi32> to vector<16xi32>
      tpu.vector_store %arg6[%swap3A_724], %swap3A_727 {strides = array<i32>} : memref<1664xi32, #tpu.memory_space<vmem>>, vector<16xi32>,
      %get3A_728 = arith.constant 432 : index
      %get3A_729 = tpu.vector_load %arg6[%get3A_728] {strides = array<i32>} : memref<1664xi32, #tpu.memory_space<vmem>>, vector<16xi32>,
      %get3A_730 = vector.shape_cast %get3A_729 : vector<16xi32> to vector<16xi32>
      %get3A_731 = arith.constant 16 : index
      %get3A_732 = tpu.vector_load %arg8[%get3A_731] {strides = array<i32>} : memref<208xi32, #tpu.memory_space<vmem>>, vector<16xi32>,
      %get3A_733 = vector.shape_cast %get3A_732 : vector<16xi32> to vector<16xi32>
      %add3A_734 = arith.addi %get3A_730, %get3A_733 : vector<16xi32>
      %swap3A_735 = arith.constant 432 : index
      %swap3A_736 = tpu.vector_load %arg6[%swap3A_735] {strides = array<i32>} : memref<1664xi32, #tpu.memory_space<vmem>>, vector<16xi32>,
      %swap3A_737 = vector.shape_cast %swap3A_736 : vector<16xi32> to vector<16xi32>
      %swap3A_738 = vector.shape_cast %add3A_734 : vector<16xi32> to vector<16xi32>
      tpu.vector_store %arg6[%swap3A_735], %swap3A_738 {strides = array<i32>} : memref<1664xi32, #tpu.memory_space<vmem>>, vector<16xi32>,
      %get3A_739 = arith.constant 448 : index
      %get3A_740 = tpu.vector_load %arg6[%get3A_739] {strides = array<i32>} : memref<1664xi32, #tpu.memory_space<vmem>>, vector<16xi32>,
      %get3A_741 = vector.shape_cast %get3A_740 : vector<16xi32> to vector<16xi32>
      %get3A_742 = arith.constant 32 : index
      %get3A_743 = tpu.vector_load %arg8[%get3A_742] {strides = array<i32>} : memref<208xi32, #tpu.memory_space<vmem>>, vector<16xi32>,
      %get3A_744 = vector.shape_cast %get3A_743 : vector<16xi32> to vector<16xi32>
      %add3A_745 = arith.addi %get3A_741, %get3A_744 : vector<16xi32>
      %swap3A_746 = arith.constant 448 : index
      %swap3A_747 = tpu.vector_load %arg6[%swap3A_746] {strides = array<i32>} : memref<1664xi32, #tpu.memory_space<vmem>>, vector<16xi32>,
      %swap3A_748 = vector.shape_cast %swap3A_747 : vector<16xi32> to vector<16xi32>
      %swap3A_749 = vector.shape_cast %add3A_745 : vector<16xi32> to vector<16xi32>
      tpu.vector_store %arg6[%swap3A_746], %swap3A_749 {strides = array<i32>} : memref<1664xi32, #tpu.memory_space<vmem>>, vector<16xi32>,
      %get3A_750 = arith.constant 464 : index
      %get3A_751 = tpu.vector_load %arg6[%get3A_750] {strides = array<i32>} : memref<1664xi32, #tpu.memory_space<vmem>>, vector<16xi32>,
      %get3A_752 = vector.shape_cast %get3A_751 : vector<16xi32> to vector<16xi32>
      %get3A_753 = arith.constant 48 : index
      %get3A_754 = tpu.vector_load %arg8[%get3A_753] {strides = array<i32>} : memref<208xi32, #tpu.memory_space<vmem>>, vector<16xi32>,
      %get3A_755 = vector.shape_cast %get3A_754 : vector<16xi32> to vector<16xi32>
      %add3A_756 = arith.addi %get3A_752, %get3A_755 : vector<16xi32>
      %swap3A_757 = arith.constant 464 : index
      %swap3A_758 = tpu.vector_load %arg6[%swap3A_757] {strides = array<i32>} : memref<1664xi32, #tpu.memory_space<vmem>>, vector<16xi32>,
      %swap3A_759 = vector.shape_cast %swap3A_758 : vector<16xi32> to vector<16xi32>
      %swap3A_760 = vector.shape_cast %add3A_756 : vector<16xi32> to vector<16xi32>
      tpu.vector_store %arg6[%swap3A_757], %swap3A_760 {strides = array<i32>} : memref<1664xi32, #tpu.memory_space<vmem>>, vector<16xi32>,
      %get3A_761 = arith.constant 480 : index
      %get3A_762 = tpu.vector_load %arg6[%get3A_761] {strides = array<i32>} : memref<1664xi32, #tpu.memory_space<vmem>>, vector<16xi32>,
      %get3A_763 = vector.shape_cast %get3A_762 : vector<16xi32> to vector<16xi32>
      %get3A_764 = arith.constant 64 : index
      %get3A_765 = tpu.vector_load %arg8[%get3A_764] {strides = array<i32>} : memref<208xi32, #tpu.memory_space<vmem>>, vector<16xi32>,
      %get3A_766 = vector.shape_cast %get3A_765 : vector<16xi32> to vector<16xi32>
      %add3A_767 = arith.addi %get3A_763, %get3A_766 : vector<16xi32>
      %swap3A_768 = arith.constant 480 : index
      %swap3A_769 = tpu.vector_load %arg6[%swap3A_768] {strides = array<i32>} : memref<1664xi32, #tpu.memory_space<vmem>>, vector<16xi32>,
      %swap3A_770 = vector.shape_cast %swap3A_769 : vector<16xi32> to vector<16xi32>
      %swap3A_771 = vector.shape_cast %add3A_767 : vector<16xi32> to vector<16xi32>
      tpu.vector_store %arg6[%swap3A_768], %swap3A_771 {strides = array<i32>} : memref<1664xi32, #tpu.memory_space<vmem>>, vector<16xi32>,
      %get3A_772 = arith.constant 496 : index
      %get3A_773 = tpu.vector_load %arg6[%get3A_772] {strides = array<i32>} : memref<1664xi32, #tpu.memory_space<vmem>>, vector<16xi32>,
      %get3A_774 = vector.shape_cast %get3A_773 : vector<16xi32> to vector<16xi32>
      %get3A_775 = arith.constant 80 : index
      %get3A_776 = tpu.vector_load %arg8[%get3A_775] {strides = array<i32>} : memref<208xi32, #tpu.memory_space<vmem>>, vector<16xi32>,
      %get3A_777 = vector.shape_cast %get3A_776 : vector<16xi32> to vector<16xi32>
      %add3A_778 = arith.addi %get3A_774, %get3A_777 : vector<16xi32>
      %swap3A_779 = arith.constant 496 : index
      %swap3A_780 = tpu.vector_load %arg6[%swap3A_779] {strides = array<i32>} : memref<1664xi32, #tpu.memory_space<vmem>>, vector<16xi32>,
      %swap3A_781 = vector.shape_cast %swap3A_780 : vector<16xi32> to vector<16xi32>
      %swap3A_782 = vector.shape_cast %add3A_778 : vector<16xi32> to vector<16xi32>
      tpu.vector_store %arg6[%swap3A_779], %swap3A_782 {strides = array<i32>} : memref<1664xi32, #tpu.memory_space<vmem>>, vector<16xi32>,
      %get3A_783 = arith.constant 512 : index
      %get3A_784 = tpu.vector_load %arg6[%get3A_783] {strides = array<i32>} : memref<1664xi32, #tpu.memory_space<vmem>>, vector<16xi32>,
      %get3A_785 = vector.shape_cast %get3A_784 : vector<16xi32> to vector<16xi32>
      %get3A_786 = arith.constant 96 : index
      %get3A_787 = tpu.vector_load %arg8[%get3A_786] {strides = array<i32>} : memref<208xi32, #tpu.memory_space<vmem>>, vector<16xi32>,
      %get3A_788 = vector.shape_cast %get3A_787 : vector<16xi32> to vector<16xi32>
      %add3A_789 = arith.addi %get3A_785, %get3A_788 : vector<16xi32>
      %swap3A_790 = arith.constant 512 : index
      %swap3A_791 = tpu.vector_load %arg6[%swap3A_790] {strides = array<i32>} : memref<1664xi32, #tpu.memory_space<vmem>>, vector<16xi32>,
      %swap3A_792 = vector.shape_cast %swap3A_791 : vector<16xi32> to vector<16xi32>
      %swap3A_793 = vector.shape_cast %add3A_789 : vector<16xi32> to vector<16xi32>
      tpu.vector_store %arg6[%swap3A_790], %swap3A_793 {strides = array<i32>} : memref<1664xi32, #tpu.memory_space<vmem>>, vector<16xi32>,
      %get3A_794 = arith.constant 528 : index
      %get3A_795 = tpu.vector_load %arg6[%get3A_794] {strides = array<i32>} : memref<1664xi32, #tpu.memory_space<vmem>>, vector<16xi32>,
      %get3A_796 = vector.shape_cast %get3A_795 : vector<16xi32> to vector<16xi32>
      %get3A_797 = arith.constant 112 : index
      %get3A_798 = tpu.vector_load %arg8[%get3A_797] {strides = array<i32>} : memref<208xi32, #tpu.memory_space<vmem>>, vector<16xi32>,
      %get3A_799 = vector.shape_cast %get3A_798 : vector<16xi32> to vector<16xi32>
      %add3A_800 = arith.addi %get3A_796, %get3A_799 : vector<16xi32>
      %swap3A_801 = arith.constant 528 : index
      %swap3A_802 = tpu.vector_load %arg6[%swap3A_801] {strides = array<i32>} : memref<1664xi32, #tpu.memory_space<vmem>>, vector<16xi32>,
      %swap3A_803 = vector.shape_cast %swap3A_802 : vector<16xi32> to vector<16xi32>
      %swap3A_804 = vector.shape_cast %add3A_800 : vector<16xi32> to vector<16xi32>
      tpu.vector_store %arg6[%swap3A_801], %swap3A_804 {strides = array<i32>} : memref<1664xi32, #tpu.memory_space<vmem>>, vector<16xi32>,
      %get3A_805 = arith.constant 544 : index
      %get3A_806 = tpu.vector_load %arg6[%get3A_805] {strides = array<i32>} : memref<1664xi32, #tpu.memory_space<vmem>>, vector<16xi32>,
      %get3A_807 = vector.shape_cast %get3A_806 : vector<16xi32> to vector<16xi32>
      %get3A_808 = arith.constant 128 : index
      %get3A_809 = tpu.vector_load %arg8[%get3A_808] {strides = array<i32>} : memref<208xi32, #tpu.memory_space<vmem>>, vector<16xi32>,
      %get3A_810 = vector.shape_cast %get3A_809 : vector<16xi32> to vector<16xi32>
      %add3A_811 = arith.addi %get3A_807, %get3A_810 : vector<16xi32>
      %swap3A_812 = arith.constant 544 : index
      %swap3A_813 = tpu.vector_load %arg6[%swap3A_812] {strides = array<i32>} : memref<1664xi32, #tpu.memory_space<vmem>>, vector<16xi32>,
      %swap3A_814 = vector.shape_cast %swap3A_813 : vector<16xi32> to vector<16xi32>
      %swap3A_815 = vector.shape_cast %add3A_811 : vector<16xi32> to vector<16xi32>
      tpu.vector_store %arg6[%swap3A_812], %swap3A_815 {strides = array<i32>} : memref<1664xi32, #tpu.memory_space<vmem>>, vector<16xi32>,
      %get3A_816 = arith.constant 560 : index
      %get3A_817 = tpu.vector_load %arg6[%get3A_816] {strides = array<i32>} : memref<1664xi32, #tpu.memory_space<vmem>>, vector<16xi32>,
      %get3A_818 = vector.shape_cast %get3A_817 : vector<16xi32> to vector<16xi32>
      %get3A_819 = arith.constant 144 : index
      %get3A_820 = tpu.vector_load %arg8[%get3A_819] {strides = array<i32>} : memref<208xi32, #tpu.memory_space<vmem>>, vector<16xi32>,
      %get3A_821 = vector.shape_cast %get3A_820 : vector<16xi32> to vector<16xi32>
      %add3A_822 = arith.addi %get3A_818, %get3A_821 : vector<16xi32>
      %swap3A_823 = arith.constant 560 : index
      %swap3A_824 = tpu.vector_load %arg6[%swap3A_823] {strides = array<i32>} : memref<1664xi32, #tpu.memory_space<vmem>>, vector<16xi32>,
      %swap3A_825 = vector.shape_cast %swap3A_824 : vector<16xi32> to vector<16xi32>
      %swap3A_826 = vector.shape_cast %add3A_822 : vector<16xi32> to vector<16xi32>
      tpu.vector_store %arg6[%swap3A_823], %swap3A_826 {strides = array<i32>} : memref<1664xi32, #tpu.memory_space<vmem>>, vector<16xi32>,
      %get3A_827 = arith.constant 576 : index
      %get3A_828 = tpu.vector_load %arg6[%get3A_827] {strides = array<i32>} : memref<1664xi32, #tpu.memory_space<vmem>>, vector<16xi32>,
      %get3A_829 = vector.shape_cast %get3A_828 : vector<16xi32> to vector<16xi32>
      %get3A_830 = arith.constant 160 : index
      %get3A_831 = tpu.vector_load %arg8[%get3A_830] {strides = array<i32>} : memref<208xi32, #tpu.memory_space<vmem>>, vector<16xi32>,
      %get3A_832 = vector.shape_cast %get3A_831 : vector<16xi32> to vector<16xi32>
      %add3A_833 = arith.addi %get3A_829, %get3A_832 : vector<16xi32>
      %swap3A_834 = arith.constant 576 : index
      %swap3A_835 = tpu.vector_load %arg6[%swap3A_834] {strides = array<i32>} : memref<1664xi32, #tpu.memory_space<vmem>>, vector<16xi32>,
      %swap3A_836 = vector.shape_cast %swap3A_835 : vector<16xi32> to vector<16xi32>
      %swap3A_837 = vector.shape_cast %add3A_833 : vector<16xi32> to vector<16xi32>
      tpu.vector_store %arg6[%swap3A_834], %swap3A_837 {strides = array<i32>} : memref<1664xi32, #tpu.memory_space<vmem>>, vector<16xi32>,
      %get3A_838 = arith.constant 592 : index
      %get3A_839 = tpu.vector_load %arg6[%get3A_838] {strides = array<i32>} : memref<1664xi32, #tpu.memory_space<vmem>>, vector<16xi32>,
      %get3A_840 = vector.shape_cast %get3A_839 : vector<16xi32> to vector<16xi32>
      %get3A_841 = arith.constant 176 : index
      %get3A_842 = tpu.vector_load %arg8[%get3A_841] {strides = array<i32>} : memref<208xi32, #tpu.memory_space<vmem>>, vector<16xi32>,
      %get3A_843 = vector.shape_cast %get3A_842 : vector<16xi32> to vector<16xi32>
      %add3A_844 = arith.addi %get3A_840, %get3A_843 : vector<16xi32>
      %swap3A_845 = arith.constant 592 : index
      %swap3A_846 = tpu.vector_load %arg6[%swap3A_845] {strides = array<i32>} : memref<1664xi32, #tpu.memory_space<vmem>>, vector<16xi32>,
      %swap3A_847 = vector.shape_cast %swap3A_846 : vector<16xi32> to vector<16xi32>
      %swap3A_848 = vector.shape_cast %add3A_844 : vector<16xi32> to vector<16xi32>
      tpu.vector_store %arg6[%swap3A_845], %swap3A_848 {strides = array<i32>} : memref<1664xi32, #tpu.memory_space<vmem>>, vector<16xi32>,
      %get3A_849 = arith.constant 608 : index
      %get3A_850 = tpu.vector_load %arg6[%get3A_849] {strides = array<i32>} : memref<1664xi32, #tpu.memory_space<vmem>>, vector<16xi32>,
      %get3A_851 = vector.shape_cast %get3A_850 : vector<16xi32> to vector<16xi32>
      %get3A_852 = arith.constant 192 : index
      %get3A_853 = tpu.vector_load %arg8[%get3A_852] {strides = array<i32>} : memref<208xi32, #tpu.memory_space<vmem>>, vector<16xi32>,
      %get3A_854 = vector.shape_cast %get3A_853 : vector<16xi32> to vector<16xi32>
      %add3A_855 = arith.addi %get3A_851, %get3A_854 : vector<16xi32>
      %swap3A_856 = arith.constant 608 : index
      %swap3A_857 = tpu.vector_load %arg6[%swap3A_856] {strides = array<i32>} : memref<1664xi32, #tpu.memory_space<vmem>>, vector<16xi32>,
      %swap3A_858 = vector.shape_cast %swap3A_857 : vector<16xi32> to vector<16xi32>
      %swap3A_859 = vector.shape_cast %add3A_855 : vector<16xi32> to vector<16xi32>
      tpu.vector_store %arg6[%swap3A_856], %swap3A_859 {strides = array<i32>} : memref<1664xi32, #tpu.memory_space<vmem>>, vector<16xi32>,
      %get3A_860 = arith.constant 624 : index
      %get3A_861 = tpu.vector_load %arg6[%get3A_860] {strides = array<i32>} : memref<1664xi32, #tpu.memory_space<vmem>>, vector<16xi32>,
      %get3A_862 = vector.shape_cast %get3A_861 : vector<16xi32> to vector<16xi32>
      %get3A_863 = arith.constant 0 : index
      %get3A_864 = tpu.vector_load %arg8[%get3A_863] {strides = array<i32>} : memref<208xi32, #tpu.memory_space<vmem>>, vector<16xi32>,
      %get3A_865 = vector.shape_cast %get3A_864 : vector<16xi32> to vector<16xi32>
      %add3A_866 = arith.addi %get3A_862, %get3A_865 : vector<16xi32>
      %swap3A_867 = arith.constant 624 : index
      %swap3A_868 = tpu.vector_load %arg6[%swap3A_867] {strides = array<i32>} : memref<1664xi32, #tpu.memory_space<vmem>>, vector<16xi32>,
      %swap3A_869 = vector.shape_cast %swap3A_868 : vector<16xi32> to vector<16xi32>
      %swap3A_870 = vector.shape_cast %add3A_866 : vector<16xi32> to vector<16xi32>
      tpu.vector_store %arg6[%swap3A_867], %swap3A_870 {strides = array<i32>} : memref<1664xi32, #tpu.memory_space<vmem>>, vector<16xi32>,
      %get3A_871 = arith.constant 640 : index
      %get3A_872 = tpu.vector_load %arg6[%get3A_871] {strides = array<i32>} : memref<1664xi32, #tpu.memory_space<vmem>>, vector<16xi32>,
      %get3A_873 = vector.shape_cast %get3A_872 : vector<16xi32> to vector<16xi32>
      %get3A_874 = arith.constant 16 : index
      %get3A_875 = tpu.vector_load %arg8[%get3A_874] {strides = array<i32>} : memref<208xi32, #tpu.memory_space<vmem>>, vector<16xi32>,
      %get3A_876 = vector.shape_cast %get3A_875 : vector<16xi32> to vector<16xi32>
      %add3A_877 = arith.addi %get3A_873, %get3A_876 : vector<16xi32>
      %swap3A_878 = arith.constant 640 : index
      %swap3A_879 = tpu.vector_load %arg6[%swap3A_878] {strides = array<i32>} : memref<1664xi32, #tpu.memory_space<vmem>>, vector<16xi32>,
      %swap3A_880 = vector.shape_cast %swap3A_879 : vector<16xi32> to vector<16xi32>
      %swap3A_881 = vector.shape_cast %add3A_877 : vector<16xi32> to vector<16xi32>
      tpu.vector_store %arg6[%swap3A_878], %swap3A_881 {strides = array<i32>} : memref<1664xi32, #tpu.memory_space<vmem>>, vector<16xi32>,
      %get3A_882 = arith.constant 656 : index
      %get3A_883 = tpu.vector_load %arg6[%get3A_882] {strides = array<i32>} : memref<1664xi32, #tpu.memory_space<vmem>>, vector<16xi32>,
      %get3A_884 = vector.shape_cast %get3A_883 : vector<16xi32> to vector<16xi32>
      %get3A_885 = arith.constant 32 : index
      %get3A_886 = tpu.vector_load %arg8[%get3A_885] {strides = array<i32>} : memref<208xi32, #tpu.memory_space<vmem>>, vector<16xi32>,
      %get3A_887 = vector.shape_cast %get3A_886 : vector<16xi32> to vector<16xi32>
      %add3A_888 = arith.addi %get3A_884, %get3A_887 : vector<16xi32>
      %swap3A_889 = arith.constant 656 : index
      %swap3A_890 = tpu.vector_load %arg6[%swap3A_889] {strides = array<i32>} : memref<1664xi32, #tpu.memory_space<vmem>>, vector<16xi32>,
      %swap3A_891 = vector.shape_cast %swap3A_890 : vector<16xi32> to vector<16xi32>
      %swap3A_892 = vector.shape_cast %add3A_888 : vector<16xi32> to vector<16xi32>
      tpu.vector_store %arg6[%swap3A_889], %swap3A_892 {strides = array<i32>} : memref<1664xi32, #tpu.memory_space<vmem>>, vector<16xi32>,
      %get3A_893 = arith.constant 672 : index
      %get3A_894 = tpu.vector_load %arg6[%get3A_893] {strides = array<i32>} : memref<1664xi32, #tpu.memory_space<vmem>>, vector<16xi32>,
      %get3A_895 = vector.shape_cast %get3A_894 : vector<16xi32> to vector<16xi32>
      %get3A_896 = arith.constant 48 : index
      %get3A_897 = tpu.vector_load %arg8[%get3A_896] {strides = array<i32>} : memref<208xi32, #tpu.memory_space<vmem>>, vector<16xi32>,
      %get3A_898 = vector.shape_cast %get3A_897 : vector<16xi32> to vector<16xi32>
      %add3A_899 = arith.addi %get3A_895, %get3A_898 : vector<16xi32>
      %swap3A_900 = arith.constant 672 : index
      %swap3A_901 = tpu.vector_load %arg6[%swap3A_900] {strides = array<i32>} : memref<1664xi32, #tpu.memory_space<vmem>>, vector<16xi32>,
      %swap3A_902 = vector.shape_cast %swap3A_901 : vector<16xi32> to vector<16xi32>
      %swap3A_903 = vector.shape_cast %add3A_899 : vector<16xi32> to vector<16xi32>
      tpu.vector_store %arg6[%swap3A_900], %swap3A_903 {strides = array<i32>} : memref<1664xi32, #tpu.memory_space<vmem>>, vector<16xi32>,
      %get3A_904 = arith.constant 688 : index
      %get3A_905 = tpu.vector_load %arg6[%get3A_904] {strides = array<i32>} : memref<1664xi32, #tpu.memory_space<vmem>>, vector<16xi32>,
      %get3A_906 = vector.shape_cast %get3A_905 : vector<16xi32> to vector<16xi32>
      %get3A_907 = arith.constant 64 : index
      %get3A_908 = tpu.vector_load %arg8[%get3A_907] {strides = array<i32>} : memref<208xi32, #tpu.memory_space<vmem>>, vector<16xi32>,
      %get3A_909 = vector.shape_cast %get3A_908 : vector<16xi32> to vector<16xi32>
      %add3A_910 = arith.addi %get3A_906, %get3A_909 : vector<16xi32>
      %swap3A_911 = arith.constant 688 : index
      %swap3A_912 = tpu.vector_load %arg6[%swap3A_911] {strides = array<i32>} : memref<1664xi32, #tpu.memory_space<vmem>>, vector<16xi32>,
      %swap3A_913 = vector.shape_cast %swap3A_912 : vector<16xi32> to vector<16xi32>
      %swap3A_914 = vector.shape_cast %add3A_910 : vector<16xi32> to vector<16xi32>
      tpu.vector_store %arg6[%swap3A_911], %swap3A_914 {strides = array<i32>} : memref<1664xi32, #tpu.memory_space<vmem>>, vector<16xi32>,
      %get3A_915 = arith.constant 704 : index
      %get3A_916 = tpu.vector_load %arg6[%get3A_915] {strides = array<i32>} : memref<1664xi32, #tpu.memory_space<vmem>>, vector<16xi32>,
      %get3A_917 = vector.shape_cast %get3A_916 : vector<16xi32> to vector<16xi32>
      %get3A_918 = arith.constant 80 : index
      %get3A_919 = tpu.vector_load %arg8[%get3A_918] {strides = array<i32>} : memref<208xi32, #tpu.memory_space<vmem>>, vector<16xi32>,
      %get3A_920 = vector.shape_cast %get3A_919 : vector<16xi32> to vector<16xi32>
      %add3A_921 = arith.addi %get3A_917, %get3A_920 : vector<16xi32>
      %swap3A_922 = arith.constant 704 : index
      %swap3A_923 = tpu.vector_load %arg6[%swap3A_922] {strides = array<i32>} : memref<1664xi32, #tpu.memory_space<vmem>>, vector<16xi32>,
      %swap3A_924 = vector.shape_cast %swap3A_923 : vector<16xi32> to vector<16xi32>
      %swap3A_925 = vector.shape_cast %add3A_921 : vector<16xi32> to vector<16xi32>
      tpu.vector_store %arg6[%swap3A_922], %swap3A_925 {strides = array<i32>} : memref<1664xi32, #tpu.memory_space<vmem>>, vector<16xi32>,
      %get3A_926 = arith.constant 720 : index
      %get3A_927 = tpu.vector_load %arg6[%get3A_926] {strides = array<i32>} : memref<1664xi32, #tpu.memory_space<vmem>>, vector<16xi32>,
      %get3A_928 = vector.shape_cast %get3A_927 : vector<16xi32> to vector<16xi32>
      %get3A_929 = arith.constant 96 : index
      %get3A_930 = tpu.vector_load %arg8[%get3A_929] {strides = array<i32>} : memref<208xi32, #tpu.memory_space<vmem>>, vector<16xi32>,
      %get3A_931 = vector.shape_cast %get3A_930 : vector<16xi32> to vector<16xi32>
      %add3A_932 = arith.addi %get3A_928, %get3A_931 : vector<16xi32>
      %swap3A_933 = arith.constant 720 : index
      %swap3A_934 = tpu.vector_load %arg6[%swap3A_933] {strides = array<i32>} : memref<1664xi32, #tpu.memory_space<vmem>>, vector<16xi32>,
      %swap3A_935 = vector.shape_cast %swap3A_934 : vector<16xi32> to vector<16xi32>
      %swap3A_936 = vector.shape_cast %add3A_932 : vector<16xi32> to vector<16xi32>
      tpu.vector_store %arg6[%swap3A_933], %swap3A_936 {strides = array<i32>} : memref<1664xi32, #tpu.memory_space<vmem>>, vector<16xi32>,
      %get3A_937 = arith.constant 736 : index
      %get3A_938 = tpu.vector_load %arg6[%get3A_937] {strides = array<i32>} : memref<1664xi32, #tpu.memory_space<vmem>>, vector<16xi32>,
      %get3A_939 = vector.shape_cast %get3A_938 : vector<16xi32> to vector<16xi32>
      %get3A_940 = arith.constant 112 : index
      %get3A_941 = tpu.vector_load %arg8[%get3A_940] {strides = array<i32>} : memref<208xi32, #tpu.memory_space<vmem>>, vector<16xi32>,
      %get3A_942 = vector.shape_cast %get3A_941 : vector<16xi32> to vector<16xi32>
      %add3A_943 = arith.addi %get3A_939, %get3A_942 : vector<16xi32>
      %swap3A_944 = arith.constant 736 : index
      %swap3A_945 = tpu.vector_load %arg6[%swap3A_944] {strides = array<i32>} : memref<1664xi32, #tpu.memory_space<vmem>>, vector<16xi32>,
      %swap3A_946 = vector.shape_cast %swap3A_945 : vector<16xi32> to vector<16xi32>
      %swap3A_947 = vector.shape_cast %add3A_943 : vector<16xi32> to vector<16xi32>
      tpu.vector_store %arg6[%swap3A_944], %swap3A_947 {strides = array<i32>} : memref<1664xi32, #tpu.memory_space<vmem>>, vector<16xi32>,
      %get3A_948 = arith.constant 752 : index
      %get3A_949 = tpu.vector_load %arg6[%get3A_948] {strides = array<i32>} : memref<1664xi32, #tpu.memory_space<vmem>>, vector<16xi32>,
      %get3A_950 = vector.shape_cast %get3A_949 : vector<16xi32> to vector<16xi32>
      %get3A_951 = arith.constant 128 : index
      %get3A_952 = tpu.vector_load %arg8[%get3A_951] {strides = array<i32>} : memref<208xi32, #tpu.memory_space<vmem>>, vector<16xi32>,
      %get3A_953 = vector.shape_cast %get3A_952 : vector<16xi32> to vector<16xi32>
      %add3A_954 = arith.addi %get3A_950, %get3A_953 : vector<16xi32>
      %swap3A_955 = arith.constant 752 : index
      %swap3A_956 = tpu.vector_load %arg6[%swap3A_955] {strides = array<i32>} : memref<1664xi32, #tpu.memory_space<vmem>>, vector<16xi32>,
      %swap3A_957 = vector.shape_cast %swap3A_956 : vector<16xi32> to vector<16xi32>
      %swap3A_958 = vector.shape_cast %add3A_954 : vector<16xi32> to vector<16xi32>
      tpu.vector_store %arg6[%swap3A_955], %swap3A_958 {strides = array<i32>} : memref<1664xi32, #tpu.memory_space<vmem>>, vector<16xi32>,
      %get3A_959 = arith.constant 768 : index
      %get3A_960 = tpu.vector_load %arg6[%get3A_959] {strides = array<i32>} : memref<1664xi32, #tpu.memory_space<vmem>>, vector<16xi32>,
      %get3A_961 = vector.shape_cast %get3A_960 : vector<16xi32> to vector<16xi32>
      %get3A_962 = arith.constant 144 : index
      %get3A_963 = tpu.vector_load %arg8[%get3A_962] {strides = array<i32>} : memref<208xi32, #tpu.memory_space<vmem>>, vector<16xi32>,
      %get3A_964 = vector.shape_cast %get3A_963 : vector<16xi32> to vector<16xi32>
      %add3A_965 = arith.addi %get3A_961, %get3A_964 : vector<16xi32>
      %swap3A_966 = arith.constant 768 : index
      %swap3A_967 = tpu.vector_load %arg6[%swap3A_966] {strides = array<i32>} : memref<1664xi32, #tpu.memory_space<vmem>>, vector<16xi32>,
      %swap3A_968 = vector.shape_cast %swap3A_967 : vector<16xi32> to vector<16xi32>
      %swap3A_969 = vector.shape_cast %add3A_965 : vector<16xi32> to vector<16xi32>
      tpu.vector_store %arg6[%swap3A_966], %swap3A_969 {strides = array<i32>} : memref<1664xi32, #tpu.memory_space<vmem>>, vector<16xi32>,
      %get3A_970 = arith.constant 784 : index
      %get3A_971 = tpu.vector_load %arg6[%get3A_970] {strides = array<i32>} : memref<1664xi32, #tpu.memory_space<vmem>>, vector<16xi32>,
      %get3A_972 = vector.shape_cast %get3A_971 : vector<16xi32> to vector<16xi32>
      %get3A_973 = arith.constant 160 : index
      %get3A_974 = tpu.vector_load %arg8[%get3A_973] {strides = array<i32>} : memref<208xi32, #tpu.memory_space<vmem>>, vector<16xi32>,
      %get3A_975 = vector.shape_cast %get3A_974 : vector<16xi32> to vector<16xi32>
      %add3A_976 = arith.addi %get3A_972, %get3A_975 : vector<16xi32>
      %swap3A_977 = arith.constant 784 : index
      %swap3A_978 = tpu.vector_load %arg6[%swap3A_977] {strides = array<i32>} : memref<1664xi32, #tpu.memory_space<vmem>>, vector<16xi32>,
      %swap3A_979 = vector.shape_cast %swap3A_978 : vector<16xi32> to vector<16xi32>
      %swap3A_980 = vector.shape_cast %add3A_976 : vector<16xi32> to vector<16xi32>
      tpu.vector_store %arg6[%swap3A_977], %swap3A_980 {strides = array<i32>} : memref<1664xi32, #tpu.memory_space<vmem>>, vector<16xi32>,
      %get3A_981 = arith.constant 800 : index
      %get3A_982 = tpu.vector_load %arg6[%get3A_981] {strides = array<i32>} : memref<1664xi32, #tpu.memory_space<vmem>>, vector<16xi32>,
      %get3A_983 = vector.shape_cast %get3A_982 : vector<16xi32> to vector<16xi32>
      %get3A_984 = arith.constant 176 : index
      %get3A_985 = tpu.vector_load %arg8[%get3A_984] {strides = array<i32>} : memref<208xi32, #tpu.memory_space<vmem>>, vector<16xi32>,
      %get3A_986 = vector.shape_cast %get3A_985 : vector<16xi32> to vector<16xi32>
      %add3A_987 = arith.addi %get3A_983, %get3A_986 : vector<16xi32>
      %swap3A_988 = arith.constant 800 : index
      %swap3A_989 = tpu.vector_load %arg6[%swap3A_988] {strides = array<i32>} : memref<1664xi32, #tpu.memory_space<vmem>>, vector<16xi32>,
      %swap3A_990 = vector.shape_cast %swap3A_989 : vector<16xi32> to vector<16xi32>
      %swap3A_991 = vector.shape_cast %add3A_987 : vector<16xi32> to vector<16xi32>
      tpu.vector_store %arg6[%swap3A_988], %swap3A_991 {strides = array<i32>} : memref<1664xi32, #tpu.memory_space<vmem>>, vector<16xi32>,
      %get3A_992 = arith.constant 816 : index
      %get3A_993 = tpu.vector_load %arg6[%get3A_992] {strides = array<i32>} : memref<1664xi32, #tpu.memory_space<vmem>>, vector<16xi32>,
      %get3A_994 = vector.shape_cast %get3A_993 : vector<16xi32> to vector<16xi32>
      %get3A_995 = arith.constant 192 : index
      %get3A_996 = tpu.vector_load %arg8[%get3A_995] {strides = array<i32>} : memref<208xi32, #tpu.memory_space<vmem>>, vector<16xi32>,
      %get3A_997 = vector.shape_cast %get3A_996 : vector<16xi32> to vector<16xi32>
      %add3A_998 = arith.addi %get3A_994, %get3A_997 : vector<16xi32>
      %swap3A_999 = arith.constant 816 : index
      %swap3A_1000 = tpu.vector_load %arg6[%swap3A_999] {strides = array<i32>} : memref<1664xi32, #tpu.memory_space<vmem>>, vector<16xi32>,
      %swap3A_1001 = vector.shape_cast %swap3A_1000 : vector<16xi32> to vector<16xi32>
      %swap3A_1002 = vector.shape_cast %add3A_998 : vector<16xi32> to vector<16xi32>
      tpu.vector_store %arg6[%swap3A_999], %swap3A_1002 {strides = array<i32>} : memref<1664xi32, #tpu.memory_space<vmem>>, vector<16xi32>,
      %get3A_1003 = arith.constant 832 : index
      %get3A_1004 = tpu.vector_load %arg6[%get3A_1003] {strides = array<i32>} : memref<1664xi32, #tpu.memory_space<vmem>>, vector<16xi32>,
      %get3A_1005 = vector.shape_cast %get3A_1004 : vector<16xi32> to vector<16xi32>
      %get3A_1006 = arith.constant 0 : index
      %get3A_1007 = tpu.vector_load %arg8[%get3A_1006] {strides = array<i32>} : memref<208xi32, #tpu.memory_space<vmem>>, vector<16xi32>,
      %get3A_1008 = vector.shape_cast %get3A_1007 : vector<16xi32> to vector<16xi32>
      %add3A_1009 = arith.addi %get3A_1005, %get3A_1008 : vector<16xi32>
      %swap3A_1010 = arith.constant 832 : index
      %swap3A_1011 = tpu.vector_load %arg6[%swap3A_1010] {strides = array<i32>} : memref<1664xi32, #tpu.memory_space<vmem>>, vector<16xi32>,
      %swap3A_1012 = vector.shape_cast %swap3A_1011 : vector<16xi32> to vector<16xi32>
      %swap3A_1013 = vector.shape_cast %add3A_1009 : vector<16xi32> to vector<16xi32>
      tpu.vector_store %arg6[%swap3A_1010], %swap3A_1013 {strides = array<i32>} : memref<1664xi32, #tpu.memory_space<vmem>>, vector<16xi32>,
      %get3A_1014 = arith.constant 848 : index
      %get3A_1015 = tpu.vector_load %arg6[%get3A_1014] {strides = array<i32>} : memref<1664xi32, #tpu.memory_space<vmem>>, vector<16xi32>,
      %get3A_1016 = vector.shape_cast %get3A_1015 : vector<16xi32> to vector<16xi32>
      %get3A_1017 = arith.constant 16 : index
      %get3A_1018 = tpu.vector_load %arg8[%get3A_1017] {strides = array<i32>} : memref<208xi32, #tpu.memory_space<vmem>>, vector<16xi32>,
      %get3A_1019 = vector.shape_cast %get3A_1018 : vector<16xi32> to vector<16xi32>
      %add3A_1020 = arith.addi %get3A_1016, %get3A_1019 : vector<16xi32>
      %swap3A_1021 = arith.constant 848 : index
      %swap3A_1022 = tpu.vector_load %arg6[%swap3A_1021] {strides = array<i32>} : memref<1664xi32, #tpu.memory_space<vmem>>, vector<16xi32>,
      %swap3A_1023 = vector.shape_cast %swap3A_1022 : vector<16xi32> to vector<16xi32>
      %swap3A_1024 = vector.shape_cast %add3A_1020 : vector<16xi32> to vector<16xi32>
      tpu.vector_store %arg6[%swap3A_1021], %swap3A_1024 {strides = array<i32>} : memref<1664xi32, #tpu.memory_space<vmem>>, vector<16xi32>,
      %get3A_1025 = arith.constant 864 : index
      %get3A_1026 = tpu.vector_load %arg6[%get3A_1025] {strides = array<i32>} : memref<1664xi32, #tpu.memory_space<vmem>>, vector<16xi32>,
      %get3A_1027 = vector.shape_cast %get3A_1026 : vector<16xi32> to vector<16xi32>
      %get3A_1028 = arith.constant 32 : index
      %get3A_1029 = tpu.vector_load %arg8[%get3A_1028] {strides = array<i32>} : memref<208xi32, #tpu.memory_space<vmem>>, vector<16xi32>,
      %get3A_1030 = vector.shape_cast %get3A_1029 : vector<16xi32> to vector<16xi32>
      %add3A_1031 = arith.addi %get3A_1027, %get3A_1030 : vector<16xi32>
      %swap3A_1032 = arith.constant 864 : index
      %swap3A_1033 = tpu.vector_load %arg6[%swap3A_1032] {strides = array<i32>} : memref<1664xi32, #tpu.memory_space<vmem>>, vector<16xi32>,
      %swap3A_1034 = vector.shape_cast %swap3A_1033 : vector<16xi32> to vector<16xi32>
      %swap3A_1035 = vector.shape_cast %add3A_1031 : vector<16xi32> to vector<16xi32>
      tpu.vector_store %arg6[%swap3A_1032], %swap3A_1035 {strides = array<i32>} : memref<1664xi32, #tpu.memory_space<vmem>>, vector<16xi32>,
      %get3A_1036 = arith.constant 880 : index
      %get3A_1037 = tpu.vector_load %arg6[%get3A_1036] {strides = array<i32>} : memref<1664xi32, #tpu.memory_space<vmem>>, vector<16xi32>,
      %get3A_1038 = vector.shape_cast %get3A_1037 : vector<16xi32> to vector<16xi32>
      %get3A_1039 = arith.constant 48 : index
      %get3A_1040 = tpu.vector_load %arg8[%get3A_1039] {strides = array<i32>} : memref<208xi32, #tpu.memory_space<vmem>>, vector<16xi32>,
      %get3A_1041 = vector.shape_cast %get3A_1040 : vector<16xi32> to vector<16xi32>
      %add3A_1042 = arith.addi %get3A_1038, %get3A_1041 : vector<16xi32>
      %swap3A_1043 = arith.constant 880 : index
      %swap3A_1044 = tpu.vector_load %arg6[%swap3A_1043] {strides = array<i32>} : memref<1664xi32, #tpu.memory_space<vmem>>, vector<16xi32>,
      %swap3A_1045 = vector.shape_cast %swap3A_1044 : vector<16xi32> to vector<16xi32>
      %swap3A_1046 = vector.shape_cast %add3A_1042 : vector<16xi32> to vector<16xi32>
      tpu.vector_store %arg6[%swap3A_1043], %swap3A_1046 {strides = array<i32>} : memref<1664xi32, #tpu.memory_space<vmem>>, vector<16xi32>,
      %get3A_1047 = arith.constant 896 : index
      %get3A_1048 = tpu.vector_load %arg6[%get3A_1047] {strides = array<i32>} : memref<1664xi32, #tpu.memory_space<vmem>>, vector<16xi32>,
      %get3A_1049 = vector.shape_cast %get3A_1048 : vector<16xi32> to vector<16xi32>
      %get3A_1050 = arith.constant 64 : index
      %get3A_1051 = tpu.vector_load %arg8[%get3A_1050] {strides = array<i32>} : memref<208xi32, #tpu.memory_space<vmem>>, vector<16xi32>,
      %get3A_1052 = vector.shape_cast %get3A_1051 : vector<16xi32> to vector<16xi32>
      %add3A_1053 = arith.addi %get3A_1049, %get3A_1052 : vector<16xi32>
      %swap3A_1054 = arith.constant 896 : index
      %swap3A_1055 = tpu.vector_load %arg6[%swap3A_1054] {strides = array<i32>} : memref<1664xi32, #tpu.memory_space<vmem>>, vector<16xi32>,
      %swap3A_1056 = vector.shape_cast %swap3A_1055 : vector<16xi32> to vector<16xi32>
      %swap3A_1057 = vector.shape_cast %add3A_1053 : vector<16xi32> to vector<16xi32>
      tpu.vector_store %arg6[%swap3A_1054], %swap3A_1057 {strides = array<i32>} : memref<1664xi32, #tpu.memory_space<vmem>>, vector<16xi32>,
      %get3A_1058 = arith.constant 912 : index
      %get3A_1059 = tpu.vector_load %arg6[%get3A_1058] {strides = array<i32>} : memref<1664xi32, #tpu.memory_space<vmem>>, vector<16xi32>,
      %get3A_1060 = vector.shape_cast %get3A_1059 : vector<16xi32> to vector<16xi32>
      %get3A_1061 = arith.constant 80 : index
      %get3A_1062 = tpu.vector_load %arg8[%get3A_1061] {strides = array<i32>} : memref<208xi32, #tpu.memory_space<vmem>>, vector<16xi32>,
      %get3A_1063 = vector.shape_cast %get3A_1062 : vector<16xi32> to vector<16xi32>
      %add3A_1064 = arith.addi %get3A_1060, %get3A_1063 : vector<16xi32>
      %swap3A_1065 = arith.constant 912 : index
      %swap3A_1066 = tpu.vector_load %arg6[%swap3A_1065] {strides = array<i32>} : memref<1664xi32, #tpu.memory_space<vmem>>, vector<16xi32>,
      %swap3A_1067 = vector.shape_cast %swap3A_1066 : vector<16xi32> to vector<16xi32>
      %swap3A_1068 = vector.shape_cast %add3A_1064 : vector<16xi32> to vector<16xi32>
      tpu.vector_store %arg6[%swap3A_1065], %swap3A_1068 {strides = array<i32>} : memref<1664xi32, #tpu.memory_space<vmem>>, vector<16xi32>,
      %get3A_1069 = arith.constant 928 : index
      %get3A_1070 = tpu.vector_load %arg6[%get3A_1069] {strides = array<i32>} : memref<1664xi32, #tpu.memory_space<vmem>>, vector<16xi32>,
      %get3A_1071 = vector.shape_cast %get3A_1070 : vector<16xi32> to vector<16xi32>
      %get3A_1072 = arith.constant 96 : index
      %get3A_1073 = tpu.vector_load %arg8[%get3A_1072] {strides = array<i32>} : memref<208xi32, #tpu.memory_space<vmem>>, vector<16xi32>,
      %get3A_1074 = vector.shape_cast %get3A_1073 : vector<16xi32> to vector<16xi32>
      %add3A_1075 = arith.addi %get3A_1071, %get3A_1074 : vector<16xi32>
      %swap3A_1076 = arith.constant 928 : index
      %swap3A_1077 = tpu.vector_load %arg6[%swap3A_1076] {strides = array<i32>} : memref<1664xi32, #tpu.memory_space<vmem>>, vector<16xi32>,
      %swap3A_1078 = vector.shape_cast %swap3A_1077 : vector<16xi32> to vector<16xi32>
      %swap3A_1079 = vector.shape_cast %add3A_1075 : vector<16xi32> to vector<16xi32>
      tpu.vector_store %arg6[%swap3A_1076], %swap3A_1079 {strides = array<i32>} : memref<1664xi32, #tpu.memory_space<vmem>>, vector<16xi32>,
      %get3A_1080 = arith.constant 944 : index
      %get3A_1081 = tpu.vector_load %arg6[%get3A_1080] {strides = array<i32>} : memref<1664xi32, #tpu.memory_space<vmem>>, vector<16xi32>,
      %get3A_1082 = vector.shape_cast %get3A_1081 : vector<16xi32> to vector<16xi32>
      %get3A_1083 = arith.constant 112 : index
      %get3A_1084 = tpu.vector_load %arg8[%get3A_1083] {strides = array<i32>} : memref<208xi32, #tpu.memory_space<vmem>>, vector<16xi32>,
      %get3A_1085 = vector.shape_cast %get3A_1084 : vector<16xi32> to vector<16xi32>
      %add3A_1086 = arith.addi %get3A_1082, %get3A_1085 : vector<16xi32>
      %swap3A_1087 = arith.constant 944 : index
      %swap3A_1088 = tpu.vector_load %arg6[%swap3A_1087] {strides = array<i32>} : memref<1664xi32, #tpu.memory_space<vmem>>, vector<16xi32>,
      %swap3A_1089 = vector.shape_cast %swap3A_1088 : vector<16xi32> to vector<16xi32>
      %swap3A_1090 = vector.shape_cast %add3A_1086 : vector<16xi32> to vector<16xi32>
      tpu.vector_store %arg6[%swap3A_1087], %swap3A_1090 {strides = array<i32>} : memref<1664xi32, #tpu.memory_space<vmem>>, vector<16xi32>,
      %get3A_1091 = arith.constant 960 : index
      %get3A_1092 = tpu.vector_load %arg6[%get3A_1091] {strides = array<i32>} : memref<1664xi32, #tpu.memory_space<vmem>>, vector<16xi32>,
      %get3A_1093 = vector.shape_cast %get3A_1092 : vector<16xi32> to vector<16xi32>
      %get3A_1094 = arith.constant 128 : index
      %get3A_1095 = tpu.vector_load %arg8[%get3A_1094] {strides = array<i32>} : memref<208xi32, #tpu.memory_space<vmem>>, vector<16xi32>,
      %get3A_1096 = vector.shape_cast %get3A_1095 : vector<16xi32> to vector<16xi32>
      %add3A_1097 = arith.addi %get3A_1093, %get3A_1096 : vector<16xi32>
      %swap3A_1098 = arith.constant 960 : index
      %swap3A_1099 = tpu.vector_load %arg6[%swap3A_1098] {strides = array<i32>} : memref<1664xi32, #tpu.memory_space<vmem>>, vector<16xi32>,
      %swap3A_1100 = vector.shape_cast %swap3A_1099 : vector<16xi32> to vector<16xi32>
      %swap3A_1101 = vector.shape_cast %add3A_1097 : vector<16xi32> to vector<16xi32>
      tpu.vector_store %arg6[%swap3A_1098], %swap3A_1101 {strides = array<i32>} : memref<1664xi32, #tpu.memory_space<vmem>>, vector<16xi32>,
      %get3A_1102 = arith.constant 976 : index
      %get3A_1103 = tpu.vector_load %arg6[%get3A_1102] {strides = array<i32>} : memref<1664xi32, #tpu.memory_space<vmem>>, vector<16xi32>,
      %get3A_1104 = vector.shape_cast %get3A_1103 : vector<16xi32> to vector<16xi32>
      %get3A_1105 = arith.constant 144 : index
      %get3A_1106 = tpu.vector_load %arg8[%get3A_1105] {strides = array<i32>} : memref<208xi32, #tpu.memory_space<vmem>>, vector<16xi32>,
      %get3A_1107 = vector.shape_cast %get3A_1106 : vector<16xi32> to vector<16xi32>
      %add3A_1108 = arith.addi %get3A_1104, %get3A_1107 : vector<16xi32>
      %swap3A_1109 = arith.constant 976 : index
      %swap3A_1110 = tpu.vector_load %arg6[%swap3A_1109] {strides = array<i32>} : memref<1664xi32, #tpu.memory_space<vmem>>, vector<16xi32>,
      %swap3A_1111 = vector.shape_cast %swap3A_1110 : vector<16xi32> to vector<16xi32>
      %swap3A_1112 = vector.shape_cast %add3A_1108 : vector<16xi32> to vector<16xi32>
      tpu.vector_store %arg6[%swap3A_1109], %swap3A_1112 {strides = array<i32>} : memref<1664xi32, #tpu.memory_space<vmem>>, vector<16xi32>,
      %get3A_1113 = arith.constant 992 : index
      %get3A_1114 = tpu.vector_load %arg6[%get3A_1113] {strides = array<i32>} : memref<1664xi32, #tpu.memory_space<vmem>>, vector<16xi32>,
      %get3A_1115 = vector.shape_cast %get3A_1114 : vector<16xi32> to vector<16xi32>
      %get3A_1116 = arith.constant 160 : index
      %get3A_1117 = tpu.vector_load %arg8[%get3A_1116] {strides = array<i32>} : memref<208xi32, #tpu.memory_space<vmem>>, vector<16xi32>,
      %get3A_1118 = vector.shape_cast %get3A_1117 : vector<16xi32> to vector<16xi32>
      %add3A_1119 = arith.addi %get3A_1115, %get3A_1118 : vector<16xi32>
      %swap3A_1120 = arith.constant 992 : index
      %swap3A_1121 = tpu.vector_load %arg6[%swap3A_1120] {strides = array<i32>} : memref<1664xi32, #tpu.memory_space<vmem>>, vector<16xi32>,
      %swap3A_1122 = vector.shape_cast %swap3A_1121 : vector<16xi32> to vector<16xi32>
      %swap3A_1123 = vector.shape_cast %add3A_1119 : vector<16xi32> to vector<16xi32>
      tpu.vector_store %arg6[%swap3A_1120], %swap3A_1123 {strides = array<i32>} : memref<1664xi32, #tpu.memory_space<vmem>>, vector<16xi32>,
      %get3A_1124 = arith.constant 1008 : index
      %get3A_1125 = tpu.vector_load %arg6[%get3A_1124] {strides = array<i32>} : memref<1664xi32, #tpu.memory_space<vmem>>, vector<16xi32>,
      %get3A_1126 = vector.shape_cast %get3A_1125 : vector<16xi32> to vector<16xi32>
      %get3A_1127 = arith.constant 176 : index
      %get3A_1128 = tpu.vector_load %arg8[%get3A_1127] {strides = array<i32>} : memref<208xi32, #tpu.memory_space<vmem>>, vector<16xi32>,
      %get3A_1129 = vector.shape_cast %get3A_1128 : vector<16xi32> to vector<16xi32>
      %add3A_1130 = arith.addi %get3A_1126, %get3A_1129 : vector<16xi32>
      %swap3A_1131 = arith.constant 1008 : index
      %swap3A_1132 = tpu.vector_load %arg6[%swap3A_1131] {strides = array<i32>} : memref<1664xi32, #tpu.memory_space<vmem>>, vector<16xi32>,
      %swap3A_1133 = vector.shape_cast %swap3A_1132 : vector<16xi32> to vector<16xi32>
      %swap3A_1134 = vector.shape_cast %add3A_1130 : vector<16xi32> to vector<16xi32>
      tpu.vector_store %arg6[%swap3A_1131], %swap3A_1134 {strides = array<i32>} : memref<1664xi32, #tpu.memory_space<vmem>>, vector<16xi32>,
      %get3A_1135 = arith.constant 1024 : index
      %get3A_1136 = tpu.vector_load %arg6[%get3A_1135] {strides = array<i32>} : memref<1664xi32, #tpu.memory_space<vmem>>, vector<16xi32>,
      %get3A_1137 = vector.shape_cast %get3A_1136 : vector<16xi32> to vector<16xi32>
      %get3A_1138 = arith.constant 192 : index
      %get3A_1139 = tpu.vector_load %arg8[%get3A_1138] {strides = array<i32>} : memref<208xi32, #tpu.memory_space<vmem>>, vector<16xi32>,
      %get3A_1140 = vector.shape_cast %get3A_1139 : vector<16xi32> to vector<16xi32>
      %add3A_1141 = arith.addi %get3A_1137, %get3A_1140 : vector<16xi32>
      %swap3A_1142 = arith.constant 1024 : index
      %swap3A_1143 = tpu.vector_load %arg6[%swap3A_1142] {strides = array<i32>} : memref<1664xi32, #tpu.memory_space<vmem>>, vector<16xi32>,
      %swap3A_1144 = vector.shape_cast %swap3A_1143 : vector<16xi32> to vector<16xi32>
      %swap3A_1145 = vector.shape_cast %add3A_1141 : vector<16xi32> to vector<16xi32>
      tpu.vector_store %arg6[%swap3A_1142], %swap3A_1145 {strides = array<i32>} : memref<1664xi32, #tpu.memory_space<vmem>>, vector<16xi32>,
      %get3A_1146 = arith.constant 1040 : index
      %get3A_1147 = tpu.vector_load %arg6[%get3A_1146] {strides = array<i32>} : memref<1664xi32, #tpu.memory_space<vmem>>, vector<16xi32>,
      %get3A_1148 = vector.shape_cast %get3A_1147 : vector<16xi32> to vector<16xi32>
      %get3A_1149 = arith.constant 0 : index
      %get3A_1150 = tpu.vector_load %arg8[%get3A_1149] {strides = array<i32>} : memref<208xi32, #tpu.memory_space<vmem>>, vector<16xi32>,
      %get3A_1151 = vector.shape_cast %get3A_1150 : vector<16xi32> to vector<16xi32>
      %add3A_1152 = arith.addi %get3A_1148, %get3A_1151 : vector<16xi32>
      %swap3A_1153 = arith.constant 1040 : index
      %swap3A_1154 = tpu.vector_load %arg6[%swap3A_1153] {strides = array<i32>} : memref<1664xi32, #tpu.memory_space<vmem>>, vector<16xi32>,
      %swap3A_1155 = vector.shape_cast %swap3A_1154 : vector<16xi32> to vector<16xi32>
      %swap3A_1156 = vector.shape_cast %add3A_1152 : vector<16xi32> to vector<16xi32>
      tpu.vector_store %arg6[%swap3A_1153], %swap3A_1156 {strides = array<i32>} : memref<1664xi32, #tpu.memory_space<vmem>>, vector<16xi32>,
      %get3A_1157 = arith.constant 1056 : index
      %get3A_1158 = tpu.vector_load %arg6[%get3A_1157] {strides = array<i32>} : memref<1664xi32, #tpu.memory_space<vmem>>, vector<16xi32>,
      %get3A_1159 = vector.shape_cast %get3A_1158 : vector<16xi32> to vector<16xi32>
      %get3A_1160 = arith.constant 16 : index
      %get3A_1161 = tpu.vector_load %arg8[%get3A_1160] {strides = array<i32>} : memref<208xi32, #tpu.memory_space<vmem>>, vector<16xi32>,
      %get3A_1162 = vector.shape_cast %get3A_1161 : vector<16xi32> to vector<16xi32>
      %add3A_1163 = arith.addi %get3A_1159, %get3A_1162 : vector<16xi32>
      %swap3A_1164 = arith.constant 1056 : index
      %swap3A_1165 = tpu.vector_load %arg6[%swap3A_1164] {strides = array<i32>} : memref<1664xi32, #tpu.memory_space<vmem>>, vector<16xi32>,
      %swap3A_1166 = vector.shape_cast %swap3A_1165 : vector<16xi32> to vector<16xi32>
      %swap3A_1167 = vector.shape_cast %add3A_1163 : vector<16xi32> to vector<16xi32>
      tpu.vector_store %arg6[%swap3A_1164], %swap3A_1167 {strides = array<i32>} : memref<1664xi32, #tpu.memory_space<vmem>>, vector<16xi32>,
      %get3A_1168 = arith.constant 1072 : index
      %get3A_1169 = tpu.vector_load %arg6[%get3A_1168] {strides = array<i32>} : memref<1664xi32, #tpu.memory_space<vmem>>, vector<16xi32>,
      %get3A_1170 = vector.shape_cast %get3A_1169 : vector<16xi32> to vector<16xi32>
      %get3A_1171 = arith.constant 32 : index
      %get3A_1172 = tpu.vector_load %arg8[%get3A_1171] {strides = array<i32>} : memref<208xi32, #tpu.memory_space<vmem>>, vector<16xi32>,
      %get3A_1173 = vector.shape_cast %get3A_1172 : vector<16xi32> to vector<16xi32>
      %add3A_1174 = arith.addi %get3A_1170, %get3A_1173 : vector<16xi32>
      %swap3A_1175 = arith.constant 1072 : index
      %swap3A_1176 = tpu.vector_load %arg6[%swap3A_1175] {strides = array<i32>} : memref<1664xi32, #tpu.memory_space<vmem>>, vector<16xi32>,
      %swap3A_1177 = vector.shape_cast %swap3A_1176 : vector<16xi32> to vector<16xi32>
      %swap3A_1178 = vector.shape_cast %add3A_1174 : vector<16xi32> to vector<16xi32>
      tpu.vector_store %arg6[%swap3A_1175], %swap3A_1178 {strides = array<i32>} : memref<1664xi32, #tpu.memory_space<vmem>>, vector<16xi32>,
      %get3A_1179 = arith.constant 1088 : index
      %get3A_1180 = tpu.vector_load %arg6[%get3A_1179] {strides = array<i32>} : memref<1664xi32, #tpu.memory_space<vmem>>, vector<16xi32>,
      %get3A_1181 = vector.shape_cast %get3A_1180 : vector<16xi32> to vector<16xi32>
      %get3A_1182 = arith.constant 48 : index
      %get3A_1183 = tpu.vector_load %arg8[%get3A_1182] {strides = array<i32>} : memref<208xi32, #tpu.memory_space<vmem>>, vector<16xi32>,
      %get3A_1184 = vector.shape_cast %get3A_1183 : vector<16xi32> to vector<16xi32>
      %add3A_1185 = arith.addi %get3A_1181, %get3A_1184 : vector<16xi32>
      %swap3A_1186 = arith.constant 1088 : index
      %swap3A_1187 = tpu.vector_load %arg6[%swap3A_1186] {strides = array<i32>} : memref<1664xi32, #tpu.memory_space<vmem>>, vector<16xi32>,
      %swap3A_1188 = vector.shape_cast %swap3A_1187 : vector<16xi32> to vector<16xi32>
      %swap3A_1189 = vector.shape_cast %add3A_1185 : vector<16xi32> to vector<16xi32>
      tpu.vector_store %arg6[%swap3A_1186], %swap3A_1189 {strides = array<i32>} : memref<1664xi32, #tpu.memory_space<vmem>>, vector<16xi32>,
      %get3A_1190 = arith.constant 1104 : index
      %get3A_1191 = tpu.vector_load %arg6[%get3A_1190] {strides = array<i32>} : memref<1664xi32, #tpu.memory_space<vmem>>, vector<16xi32>,
      %get3A_1192 = vector.shape_cast %get3A_1191 : vector<16xi32> to vector<16xi32>
      %get3A_1193 = arith.constant 64 : index
      %get3A_1194 = tpu.vector_load %arg8[%get3A_1193] {strides = array<i32>} : memref<208xi32, #tpu.memory_space<vmem>>, vector<16xi32>,
      %get3A_1195 = vector.shape_cast %get3A_1194 : vector<16xi32> to vector<16xi32>
      %add3A_1196 = arith.addi %get3A_1192, %get3A_1195 : vector<16xi32>
      %swap3A_1197 = arith.constant 1104 : index
      %swap3A_1198 = tpu.vector_load %arg6[%swap3A_1197] {strides = array<i32>} : memref<1664xi32, #tpu.memory_space<vmem>>, vector<16xi32>,
      %swap3A_1199 = vector.shape_cast %swap3A_1198 : vector<16xi32> to vector<16xi32>
      %swap3A_1200 = vector.shape_cast %add3A_1196 : vector<16xi32> to vector<16xi32>
      tpu.vector_store %arg6[%swap3A_1197], %swap3A_1200 {strides = array<i32>} : memref<1664xi32, #tpu.memory_space<vmem>>, vector<16xi32>,
      %get3A_1201 = arith.constant 1120 : index
      %get3A_1202 = tpu.vector_load %arg6[%get3A_1201] {strides = array<i32>} : memref<1664xi32, #tpu.memory_space<vmem>>, vector<16xi32>,
      %get3A_1203 = vector.shape_cast %get3A_1202 : vector<16xi32> to vector<16xi32>
      %get3A_1204 = arith.constant 80 : index
      %get3A_1205 = tpu.vector_load %arg8[%get3A_1204] {strides = array<i32>} : memref<208xi32, #tpu.memory_space<vmem>>, vector<16xi32>,
      %get3A_1206 = vector.shape_cast %get3A_1205 : vector<16xi32> to vector<16xi32>
      %add3A_1207 = arith.addi %get3A_1203, %get3A_1206 : vector<16xi32>
      %swap3A_1208 = arith.constant 1120 : index
      %swap3A_1209 = tpu.vector_load %arg6[%swap3A_1208] {strides = array<i32>} : memref<1664xi32, #tpu.memory_space<vmem>>, vector<16xi32>,
      %swap3A_1210 = vector.shape_cast %swap3A_1209 : vector<16xi32> to vector<16xi32>
      %swap3A_1211 = vector.shape_cast %add3A_1207 : vector<16xi32> to vector<16xi32>
      tpu.vector_store %arg6[%swap3A_1208], %swap3A_1211 {strides = array<i32>} : memref<1664xi32, #tpu.memory_space<vmem>>, vector<16xi32>,
      %get3A_1212 = arith.constant 1136 : index
      %get3A_1213 = tpu.vector_load %arg6[%get3A_1212] {strides = array<i32>} : memref<1664xi32, #tpu.memory_space<vmem>>, vector<16xi32>,
      %get3A_1214 = vector.shape_cast %get3A_1213 : vector<16xi32> to vector<16xi32>
      %get3A_1215 = arith.constant 96 : index
      %get3A_1216 = tpu.vector_load %arg8[%get3A_1215] {strides = array<i32>} : memref<208xi32, #tpu.memory_space<vmem>>, vector<16xi32>,
      %get3A_1217 = vector.shape_cast %get3A_1216 : vector<16xi32> to vector<16xi32>
      %add3A_1218 = arith.addi %get3A_1214, %get3A_1217 : vector<16xi32>
      %swap3A_1219 = arith.constant 1136 : index
      %swap3A_1220 = tpu.vector_load %arg6[%swap3A_1219] {strides = array<i32>} : memref<1664xi32, #tpu.memory_space<vmem>>, vector<16xi32>,
      %swap3A_1221 = vector.shape_cast %swap3A_1220 : vector<16xi32> to vector<16xi32>
      %swap3A_1222 = vector.shape_cast %add3A_1218 : vector<16xi32> to vector<16xi32>
      tpu.vector_store %arg6[%swap3A_1219], %swap3A_1222 {strides = array<i32>} : memref<1664xi32, #tpu.memory_space<vmem>>, vector<16xi32>,
      %get3A_1223 = arith.constant 1152 : index
      %get3A_1224 = tpu.vector_load %arg6[%get3A_1223] {strides = array<i32>} : memref<1664xi32, #tpu.memory_space<vmem>>, vector<16xi32>,
      %get3A_1225 = vector.shape_cast %get3A_1224 : vector<16xi32> to vector<16xi32>
      %get3A_1226 = arith.constant 112 : index
      %get3A_1227 = tpu.vector_load %arg8[%get3A_1226] {strides = array<i32>} : memref<208xi32, #tpu.memory_space<vmem>>, vector<16xi32>,
      %get3A_1228 = vector.shape_cast %get3A_1227 : vector<16xi32> to vector<16xi32>
      %add3A_1229 = arith.addi %get3A_1225, %get3A_1228 : vector<16xi32>
      %swap3A_1230 = arith.constant 1152 : index
      %swap3A_1231 = tpu.vector_load %arg6[%swap3A_1230] {strides = array<i32>} : memref<1664xi32, #tpu.memory_space<vmem>>, vector<16xi32>,
      %swap3A_1232 = vector.shape_cast %swap3A_1231 : vector<16xi32> to vector<16xi32>
      %swap3A_1233 = vector.shape_cast %add3A_1229 : vector<16xi32> to vector<16xi32>
      tpu.vector_store %arg6[%swap3A_1230], %swap3A_1233 {strides = array<i32>} : memref<1664xi32, #tpu.memory_space<vmem>>, vector<16xi32>,
      %get3A_1234 = arith.constant 1168 : index
      %get3A_1235 = tpu.vector_load %arg6[%get3A_1234] {strides = array<i32>} : memref<1664xi32, #tpu.memory_space<vmem>>, vector<16xi32>,
      %get3A_1236 = vector.shape_cast %get3A_1235 : vector<16xi32> to vector<16xi32>
      %get3A_1237 = arith.constant 128 : index
      %get3A_1238 = tpu.vector_load %arg8[%get3A_1237] {strides = array<i32>} : memref<208xi32, #tpu.memory_space<vmem>>, vector<16xi32>,
      %get3A_1239 = vector.shape_cast %get3A_1238 : vector<16xi32> to vector<16xi32>
      %add3A_1240 = arith.addi %get3A_1236, %get3A_1239 : vector<16xi32>
      %swap3A_1241 = arith.constant 1168 : index
      %swap3A_1242 = tpu.vector_load %arg6[%swap3A_1241] {strides = array<i32>} : memref<1664xi32, #tpu.memory_space<vmem>>, vector<16xi32>,
      %swap3A_1243 = vector.shape_cast %swap3A_1242 : vector<16xi32> to vector<16xi32>
      %swap3A_1244 = vector.shape_cast %add3A_1240 : vector<16xi32> to vector<16xi32>
      tpu.vector_store %arg6[%swap3A_1241], %swap3A_1244 {strides = array<i32>} : memref<1664xi32, #tpu.memory_space<vmem>>, vector<16xi32>,
      %get3A_1245 = arith.constant 1184 : index
      %get3A_1246 = tpu.vector_load %arg6[%get3A_1245] {strides = array<i32>} : memref<1664xi32, #tpu.memory_space<vmem>>, vector<16xi32>,
      %get3A_1247 = vector.shape_cast %get3A_1246 : vector<16xi32> to vector<16xi32>
      %get3A_1248 = arith.constant 144 : index
      %get3A_1249 = tpu.vector_load %arg8[%get3A_1248] {strides = array<i32>} : memref<208xi32, #tpu.memory_space<vmem>>, vector<16xi32>,
      %get3A_1250 = vector.shape_cast %get3A_1249 : vector<16xi32> to vector<16xi32>
      %add3A_1251 = arith.addi %get3A_1247, %get3A_1250 : vector<16xi32>
      %swap3A_1252 = arith.constant 1184 : index
      %swap3A_1253 = tpu.vector_load %arg6[%swap3A_1252] {strides = array<i32>} : memref<1664xi32, #tpu.memory_space<vmem>>, vector<16xi32>,
      %swap3A_1254 = vector.shape_cast %swap3A_1253 : vector<16xi32> to vector<16xi32>
      %swap3A_1255 = vector.shape_cast %add3A_1251 : vector<16xi32> to vector<16xi32>
      tpu.vector_store %arg6[%swap3A_1252], %swap3A_1255 {strides = array<i32>} : memref<1664xi32, #tpu.memory_space<vmem>>, vector<16xi32>,
      %get3A_1256 = arith.constant 1200 : index
      %get3A_1257 = tpu.vector_load %arg6[%get3A_1256] {strides = array<i32>} : memref<1664xi32, #tpu.memory_space<vmem>>, vector<16xi32>,
      %get3A_1258 = vector.shape_cast %get3A_1257 : vector<16xi32> to vector<16xi32>
      %get3A_1259 = arith.constant 160 : index
      %get3A_1260 = tpu.vector_load %arg8[%get3A_1259] {strides = array<i32>} : memref<208xi32, #tpu.memory_space<vmem>>, vector<16xi32>,
      %get3A_1261 = vector.shape_cast %get3A_1260 : vector<16xi32> to vector<16xi32>
      %add3A_1262 = arith.addi %get3A_1258, %get3A_1261 : vector<16xi32>
      %swap3A_1263 = arith.constant 1200 : index
      %swap3A_1264 = tpu.vector_load %arg6[%swap3A_1263] {strides = array<i32>} : memref<1664xi32, #tpu.memory_space<vmem>>, vector<16xi32>,
      %swap3A_1265 = vector.shape_cast %swap3A_1264 : vector<16xi32> to vector<16xi32>
      %swap3A_1266 = vector.shape_cast %add3A_1262 : vector<16xi32> to vector<16xi32>
      tpu.vector_store %arg6[%swap3A_1263], %swap3A_1266 {strides = array<i32>} : memref<1664xi32, #tpu.memory_space<vmem>>, vector<16xi32>,
      %get3A_1267 = arith.constant 1216 : index
      %get3A_1268 = tpu.vector_load %arg6[%get3A_1267] {strides = array<i32>} : memref<1664xi32, #tpu.memory_space<vmem>>, vector<16xi32>,
      %get3A_1269 = vector.shape_cast %get3A_1268 : vector<16xi32> to vector<16xi32>
      %get3A_1270 = arith.constant 176 : index
      %get3A_1271 = tpu.vector_load %arg8[%get3A_1270] {strides = array<i32>} : memref<208xi32, #tpu.memory_space<vmem>>, vector<16xi32>,
      %get3A_1272 = vector.shape_cast %get3A_1271 : vector<16xi32> to vector<16xi32>
      %add3A_1273 = arith.addi %get3A_1269, %get3A_1272 : vector<16xi32>
      %swap3A_1274 = arith.constant 1216 : index
      %swap3A_1275 = tpu.vector_load %arg6[%swap3A_1274] {strides = array<i32>} : memref<1664xi32, #tpu.memory_space<vmem>>, vector<16xi32>,
      %swap3A_1276 = vector.shape_cast %swap3A_1275 : vector<16xi32> to vector<16xi32>
      %swap3A_1277 = vector.shape_cast %add3A_1273 : vector<16xi32> to vector<16xi32>
      tpu.vector_store %arg6[%swap3A_1274], %swap3A_1277 {strides = array<i32>} : memref<1664xi32, #tpu.memory_space<vmem>>, vector<16xi32>,
      %get3A_1278 = arith.constant 1232 : index
      %get3A_1279 = tpu.vector_load %arg6[%get3A_1278] {strides = array<i32>} : memref<1664xi32, #tpu.memory_space<vmem>>, vector<16xi32>,
      %get3A_1280 = vector.shape_cast %get3A_1279 : vector<16xi32> to vector<16xi32>
      %get3A_1281 = arith.constant 192 : index
      %get3A_1282 = tpu.vector_load %arg8[%get3A_1281] {strides = array<i32>} : memref<208xi32, #tpu.memory_space<vmem>>, vector<16xi32>,
      %get3A_1283 = vector.shape_cast %get3A_1282 : vector<16xi32> to vector<16xi32>
      %add3A_1284 = arith.addi %get3A_1280, %get3A_1283 : vector<16xi32>
      %swap3A_1285 = arith.constant 1232 : index
      %swap3A_1286 = tpu.vector_load %arg6[%swap3A_1285] {strides = array<i32>} : memref<1664xi32, #tpu.memory_space<vmem>>, vector<16xi32>,
      %swap3A_1287 = vector.shape_cast %swap3A_1286 : vector<16xi32> to vector<16xi32>
      %swap3A_1288 = vector.shape_cast %add3A_1284 : vector<16xi32> to vector<16xi32>
      tpu.vector_store %arg6[%swap3A_1285], %swap3A_1288 {strides = array<i32>} : memref<1664xi32, #tpu.memory_space<vmem>>, vector<16xi32>,
      %get3A_1289 = arith.constant 1248 : index
      %get3A_1290 = tpu.vector_load %arg6[%get3A_1289] {strides = array<i32>} : memref<1664xi32, #tpu.memory_space<vmem>>, vector<16xi32>,
      %get3A_1291 = vector.shape_cast %get3A_1290 : vector<16xi32> to vector<16xi32>
      %get3A_1292 = arith.constant 0 : index
      %get3A_1293 = tpu.vector_load %arg8[%get3A_1292] {strides = array<i32>} : memref<208xi32, #tpu.memory_space<vmem>>, vector<16xi32>,
      %get3A_1294 = vector.shape_cast %get3A_1293 : vector<16xi32> to vector<16xi32>
      %add3A_1295 = arith.addi %get3A_1291, %get3A_1294 : vector<16xi32>
      %swap3A_1296 = arith.constant 1248 : index
      %swap3A_1297 = tpu.vector_load %arg6[%swap3A_1296] {strides = array<i32>} : memref<1664xi32, #tpu.memory_space<vmem>>, vector<16xi32>,
      %swap3A_1298 = vector.shape_cast %swap3A_1297 : vector<16xi32> to vector<16xi32>
      %swap3A_1299 = vector.shape_cast %add3A_1295 : vector<16xi32> to vector<16xi32>
      tpu.vector_store %arg6[%swap3A_1296], %swap3A_1299 {strides = array<i32>} : memref<1664xi32, #tpu.memory_space<vmem>>, vector<16xi32>,
      %get3A_1300 = arith.constant 1264 : index
      %get3A_1301 = tpu.vector_load %arg6[%get3A_1300] {strides = array<i32>} : memref<1664xi32, #tpu.memory_space<vmem>>, vector<16xi32>,
      %get3A_1302 = vector.shape_cast %get3A_1301 : vector<16xi32> to vector<16xi32>
      %get3A_1303 = arith.constant 16 : index
      %get3A_1304 = tpu.vector_load %arg8[%get3A_1303] {strides = array<i32>} : memref<208xi32, #tpu.memory_space<vmem>>, vector<16xi32>,
      %get3A_1305 = vector.shape_cast %get3A_1304 : vector<16xi32> to vector<16xi32>
      %add3A_1306 = arith.addi %get3A_1302, %get3A_1305 : vector<16xi32>
      %swap3A_1307 = arith.constant 1264 : index
      %swap3A_1308 = tpu.vector_load %arg6[%swap3A_1307] {strides = array<i32>} : memref<1664xi32, #tpu.memory_space<vmem>>, vector<16xi32>,
      %swap3A_1309 = vector.shape_cast %swap3A_1308 : vector<16xi32> to vector<16xi32>
      %swap3A_1310 = vector.shape_cast %add3A_1306 : vector<16xi32> to vector<16xi32>
      tpu.vector_store %arg6[%swap3A_1307], %swap3A_1310 {strides = array<i32>} : memref<1664xi32, #tpu.memory_space<vmem>>, vector<16xi32>,
      %get3A_1311 = arith.constant 1280 : index
      %get3A_1312 = tpu.vector_load %arg6[%get3A_1311] {strides = array<i32>} : memref<1664xi32, #tpu.memory_space<vmem>>, vector<16xi32>,
      %get3A_1313 = vector.shape_cast %get3A_1312 : vector<16xi32> to vector<16xi32>
      %get3A_1314 = arith.constant 32 : index
      %get3A_1315 = tpu.vector_load %arg8[%get3A_1314] {strides = array<i32>} : memref<208xi32, #tpu.memory_space<vmem>>, vector<16xi32>,
      %get3A_1316 = vector.shape_cast %get3A_1315 : vector<16xi32> to vector<16xi32>
      %add3A_1317 = arith.addi %get3A_1313, %get3A_1316 : vector<16xi32>
      %swap3A_1318 = arith.constant 1280 : index
      %swap3A_1319 = tpu.vector_load %arg6[%swap3A_1318] {strides = array<i32>} : memref<1664xi32, #tpu.memory_space<vmem>>, vector<16xi32>,
      %swap3A_1320 = vector.shape_cast %swap3A_1319 : vector<16xi32> to vector<16xi32>
      %swap3A_1321 = vector.shape_cast %add3A_1317 : vector<16xi32> to vector<16xi32>
      tpu.vector_store %arg6[%swap3A_1318], %swap3A_1321 {strides = array<i32>} : memref<1664xi32, #tpu.memory_space<vmem>>, vector<16xi32>,
      %get3A_1322 = arith.constant 1296 : index
      %get3A_1323 = tpu.vector_load %arg6[%get3A_1322] {strides = array<i32>} : memref<1664xi32, #tpu.memory_space<vmem>>, vector<16xi32>,
      %get3A_1324 = vector.shape_cast %get3A_1323 : vector<16xi32> to vector<16xi32>
      %get3A_1325 = arith.constant 48 : index
      %get3A_1326 = tpu.vector_load %arg8[%get3A_1325] {strides = array<i32>} : memref<208xi32, #tpu.memory_space<vmem>>, vector<16xi32>,
      %get3A_1327 = vector.shape_cast %get3A_1326 : vector<16xi32> to vector<16xi32>
      %add3A_1328 = arith.addi %get3A_1324, %get3A_1327 : vector<16xi32>
      %swap3A_1329 = arith.constant 1296 : index
      %swap3A_1330 = tpu.vector_load %arg6[%swap3A_1329] {strides = array<i32>} : memref<1664xi32, #tpu.memory_space<vmem>>, vector<16xi32>,
      %swap3A_1331 = vector.shape_cast %swap3A_1330 : vector<16xi32> to vector<16xi32>
      %swap3A_1332 = vector.shape_cast %add3A_1328 : vector<16xi32> to vector<16xi32>
      tpu.vector_store %arg6[%swap3A_1329], %swap3A_1332 {strides = array<i32>} : memref<1664xi32, #tpu.memory_space<vmem>>, vector<16xi32>,
      %get3A_1333 = arith.constant 1312 : index
      %get3A_1334 = tpu.vector_load %arg6[%get3A_1333] {strides = array<i32>} : memref<1664xi32, #tpu.memory_space<vmem>>, vector<16xi32>,
      %get3A_1335 = vector.shape_cast %get3A_1334 : vector<16xi32> to vector<16xi32>
      %get3A_1336 = arith.constant 64 : index
      %get3A_1337 = tpu.vector_load %arg8[%get3A_1336] {strides = array<i32>} : memref<208xi32, #tpu.memory_space<vmem>>, vector<16xi32>,
      %get3A_1338 = vector.shape_cast %get3A_1337 : vector<16xi32> to vector<16xi32>
      %add3A_1339 = arith.addi %get3A_1335, %get3A_1338 : vector<16xi32>
      %swap3A_1340 = arith.constant 1312 : index
      %swap3A_1341 = tpu.vector_load %arg6[%swap3A_1340] {strides = array<i32>} : memref<1664xi32, #tpu.memory_space<vmem>>, vector<16xi32>,
      %swap3A_1342 = vector.shape_cast %swap3A_1341 : vector<16xi32> to vector<16xi32>
      %swap3A_1343 = vector.shape_cast %add3A_1339 : vector<16xi32> to vector<16xi32>
      tpu.vector_store %arg6[%swap3A_1340], %swap3A_1343 {strides = array<i32>} : memref<1664xi32, #tpu.memory_space<vmem>>, vector<16xi32>,
      %get3A_1344 = arith.constant 1328 : index
      %get3A_1345 = tpu.vector_load %arg6[%get3A_1344] {strides = array<i32>} : memref<1664xi32, #tpu.memory_space<vmem>>, vector<16xi32>,
      %get3A_1346 = vector.shape_cast %get3A_1345 : vector<16xi32> to vector<16xi32>
      %get3A_1347 = arith.constant 80 : index
      %get3A_1348 = tpu.vector_load %arg8[%get3A_1347] {strides = array<i32>} : memref<208xi32, #tpu.memory_space<vmem>>, vector<16xi32>,
      %get3A_1349 = vector.shape_cast %get3A_1348 : vector<16xi32> to vector<16xi32>
      %add3A_1350 = arith.addi %get3A_1346, %get3A_1349 : vector<16xi32>
      %swap3A_1351 = arith.constant 1328 : index
      %swap3A_1352 = tpu.vector_load %arg6[%swap3A_1351] {strides = array<i32>} : memref<1664xi32, #tpu.memory_space<vmem>>, vector<16xi32>,
      %swap3A_1353 = vector.shape_cast %swap3A_1352 : vector<16xi32> to vector<16xi32>
      %swap3A_1354 = vector.shape_cast %add3A_1350 : vector<16xi32> to vector<16xi32>
      tpu.vector_store %arg6[%swap3A_1351], %swap3A_1354 {strides = array<i32>} : memref<1664xi32, #tpu.memory_space<vmem>>, vector<16xi32>,
      %get3A_1355 = arith.constant 1344 : index
      %get3A_1356 = tpu.vector_load %arg6[%get3A_1355] {strides = array<i32>} : memref<1664xi32, #tpu.memory_space<vmem>>, vector<16xi32>,
      %get3A_1357 = vector.shape_cast %get3A_1356 : vector<16xi32> to vector<16xi32>
      %get3A_1358 = arith.constant 96 : index
      %get3A_1359 = tpu.vector_load %arg8[%get3A_1358] {strides = array<i32>} : memref<208xi32, #tpu.memory_space<vmem>>, vector<16xi32>,
      %get3A_1360 = vector.shape_cast %get3A_1359 : vector<16xi32> to vector<16xi32>
      %add3A_1361 = arith.addi %get3A_1357, %get3A_1360 : vector<16xi32>
      %swap3A_1362 = arith.constant 1344 : index
      %swap3A_1363 = tpu.vector_load %arg6[%swap3A_1362] {strides = array<i32>} : memref<1664xi32, #tpu.memory_space<vmem>>, vector<16xi32>,
      %swap3A_1364 = vector.shape_cast %swap3A_1363 : vector<16xi32> to vector<16xi32>
      %swap3A_1365 = vector.shape_cast %add3A_1361 : vector<16xi32> to vector<16xi32>
      tpu.vector_store %arg6[%swap3A_1362], %swap3A_1365 {strides = array<i32>} : memref<1664xi32, #tpu.memory_space<vmem>>, vector<16xi32>,
      %get3A_1366 = arith.constant 1360 : index
      %get3A_1367 = tpu.vector_load %arg6[%get3A_1366] {strides = array<i32>} : memref<1664xi32, #tpu.memory_space<vmem>>, vector<16xi32>,
      %get3A_1368 = vector.shape_cast %get3A_1367 : vector<16xi32> to vector<16xi32>
      %get3A_1369 = arith.constant 112 : index
      %get3A_1370 = tpu.vector_load %arg8[%get3A_1369] {strides = array<i32>} : memref<208xi32, #tpu.memory_space<vmem>>, vector<16xi32>,
      %get3A_1371 = vector.shape_cast %get3A_1370 : vector<16xi32> to vector<16xi32>
      %add3A_1372 = arith.addi %get3A_1368, %get3A_1371 : vector<16xi32>
      %swap3A_1373 = arith.constant 1360 : index
      %swap3A_1374 = tpu.vector_load %arg6[%swap3A_1373] {strides = array<i32>} : memref<1664xi32, #tpu.memory_space<vmem>>, vector<16xi32>,
      %swap3A_1375 = vector.shape_cast %swap3A_1374 : vector<16xi32> to vector<16xi32>
      %swap3A_1376 = vector.shape_cast %add3A_1372 : vector<16xi32> to vector<16xi32>
      tpu.vector_store %arg6[%swap3A_1373], %swap3A_1376 {strides = array<i32>} : memref<1664xi32, #tpu.memory_space<vmem>>, vector<16xi32>,
      %get3A_1377 = arith.constant 1376 : index
      %get3A_1378 = tpu.vector_load %arg6[%get3A_1377] {strides = array<i32>} : memref<1664xi32, #tpu.memory_space<vmem>>, vector<16xi32>,
      %get3A_1379 = vector.shape_cast %get3A_1378 : vector<16xi32> to vector<16xi32>
      %get3A_1380 = arith.constant 128 : index
      %get3A_1381 = tpu.vector_load %arg8[%get3A_1380] {strides = array<i32>} : memref<208xi32, #tpu.memory_space<vmem>>, vector<16xi32>,
      %get3A_1382 = vector.shape_cast %get3A_1381 : vector<16xi32> to vector<16xi32>
      %add3A_1383 = arith.addi %get3A_1379, %get3A_1382 : vector<16xi32>
      %swap3A_1384 = arith.constant 1376 : index
      %swap3A_1385 = tpu.vector_load %arg6[%swap3A_1384] {strides = array<i32>} : memref<1664xi32, #tpu.memory_space<vmem>>, vector<16xi32>,
      %swap3A_1386 = vector.shape_cast %swap3A_1385 : vector<16xi32> to vector<16xi32>
      %swap3A_1387 = vector.shape_cast %add3A_1383 : vector<16xi32> to vector<16xi32>
      tpu.vector_store %arg6[%swap3A_1384], %swap3A_1387 {strides = array<i32>} : memref<1664xi32, #tpu.memory_space<vmem>>, vector<16xi32>,
      %get3A_1388 = arith.constant 1392 : index
      %get3A_1389 = tpu.vector_load %arg6[%get3A_1388] {strides = array<i32>} : memref<1664xi32, #tpu.memory_space<vmem>>, vector<16xi32>,
      %get3A_1390 = vector.shape_cast %get3A_1389 : vector<16xi32> to vector<16xi32>
      %get3A_1391 = arith.constant 144 : index
      %get3A_1392 = tpu.vector_load %arg8[%get3A_1391] {strides = array<i32>} : memref<208xi32, #tpu.memory_space<vmem>>, vector<16xi32>,
      %get3A_1393 = vector.shape_cast %get3A_1392 : vector<16xi32> to vector<16xi32>
      %add3A_1394 = arith.addi %get3A_1390, %get3A_1393 : vector<16xi32>
      %swap3A_1395 = arith.constant 1392 : index
      %swap3A_1396 = tpu.vector_load %arg6[%swap3A_1395] {strides = array<i32>} : memref<1664xi32, #tpu.memory_space<vmem>>, vector<16xi32>,
      %swap3A_1397 = vector.shape_cast %swap3A_1396 : vector<16xi32> to vector<16xi32>
      %swap3A_1398 = vector.shape_cast %add3A_1394 : vector<16xi32> to vector<16xi32>
      tpu.vector_store %arg6[%swap3A_1395], %swap3A_1398 {strides = array<i32>} : memref<1664xi32, #tpu.memory_space<vmem>>, vector<16xi32>,
      %get3A_1399 = arith.constant 1408 : index
      %get3A_1400 = tpu.vector_load %arg6[%get3A_1399] {strides = array<i32>} : memref<1664xi32, #tpu.memory_space<vmem>>, vector<16xi32>,
      %get3A_1401 = vector.shape_cast %get3A_1400 : vector<16xi32> to vector<16xi32>
      %get3A_1402 = arith.constant 160 : index
      %get3A_1403 = tpu.vector_load %arg8[%get3A_1402] {strides = array<i32>} : memref<208xi32, #tpu.memory_space<vmem>>, vector<16xi32>,
      %get3A_1404 = vector.shape_cast %get3A_1403 : vector<16xi32> to vector<16xi32>
      %add3A_1405 = arith.addi %get3A_1401, %get3A_1404 : vector<16xi32>
      %swap3A_1406 = arith.constant 1408 : index
      %swap3A_1407 = tpu.vector_load %arg6[%swap3A_1406] {strides = array<i32>} : memref<1664xi32, #tpu.memory_space<vmem>>, vector<16xi32>,
      %swap3A_1408 = vector.shape_cast %swap3A_1407 : vector<16xi32> to vector<16xi32>
      %swap3A_1409 = vector.shape_cast %add3A_1405 : vector<16xi32> to vector<16xi32>
      tpu.vector_store %arg6[%swap3A_1406], %swap3A_1409 {strides = array<i32>} : memref<1664xi32, #tpu.memory_space<vmem>>, vector<16xi32>,
      %get3A_1410 = arith.constant 1424 : index
      %get3A_1411 = tpu.vector_load %arg6[%get3A_1410] {strides = array<i32>} : memref<1664xi32, #tpu.memory_space<vmem>>, vector<16xi32>,
      %get3A_1412 = vector.shape_cast %get3A_1411 : vector<16xi32> to vector<16xi32>
      %get3A_1413 = arith.constant 176 : index
      %get3A_1414 = tpu.vector_load %arg8[%get3A_1413] {strides = array<i32>} : memref<208xi32, #tpu.memory_space<vmem>>, vector<16xi32>,
      %get3A_1415 = vector.shape_cast %get3A_1414 : vector<16xi32> to vector<16xi32>
      %add3A_1416 = arith.addi %get3A_1412, %get3A_1415 : vector<16xi32>
      %swap3A_1417 = arith.constant 1424 : index
      %swap3A_1418 = tpu.vector_load %arg6[%swap3A_1417] {strides = array<i32>} : memref<1664xi32, #tpu.memory_space<vmem>>, vector<16xi32>,
      %swap3A_1419 = vector.shape_cast %swap3A_1418 : vector<16xi32> to vector<16xi32>
      %swap3A_1420 = vector.shape_cast %add3A_1416 : vector<16xi32> to vector<16xi32>
      tpu.vector_store %arg6[%swap3A_1417], %swap3A_1420 {strides = array<i32>} : memref<1664xi32, #tpu.memory_space<vmem>>, vector<16xi32>,
      %get3A_1421 = arith.constant 1440 : index
      %get3A_1422 = tpu.vector_load %arg6[%get3A_1421] {strides = array<i32>} : memref<1664xi32, #tpu.memory_space<vmem>>, vector<16xi32>,
      %get3A_1423 = vector.shape_cast %get3A_1422 : vector<16xi32> to vector<16xi32>
      %get3A_1424 = arith.constant 192 : index
      %get3A_1425 = tpu.vector_load %arg8[%get3A_1424] {strides = array<i32>} : memref<208xi32, #tpu.memory_space<vmem>>, vector<16xi32>,
      %get3A_1426 = vector.shape_cast %get3A_1425 : vector<16xi32> to vector<16xi32>
      %add3A_1427 = arith.addi %get3A_1423, %get3A_1426 : vector<16xi32>
      %swap3A_1428 = arith.constant 1440 : index
      %swap3A_1429 = tpu.vector_load %arg6[%swap3A_1428] {strides = array<i32>} : memref<1664xi32, #tpu.memory_space<vmem>>, vector<16xi32>,
      %swap3A_1430 = vector.shape_cast %swap3A_1429 : vector<16xi32> to vector<16xi32>
      %swap3A_1431 = vector.shape_cast %add3A_1427 : vector<16xi32> to vector<16xi32>
      tpu.vector_store %arg6[%swap3A_1428], %swap3A_1431 {strides = array<i32>} : memref<1664xi32, #tpu.memory_space<vmem>>, vector<16xi32>,
      %get3A_1432 = arith.constant 1456 : index
      %get3A_1433 = tpu.vector_load %arg6[%get3A_1432] {strides = array<i32>} : memref<1664xi32, #tpu.memory_space<vmem>>, vector<16xi32>,
      %get3A_1434 = vector.shape_cast %get3A_1433 : vector<16xi32> to vector<16xi32>
      %get3A_1435 = arith.constant 0 : index
      %get3A_1436 = tpu.vector_load %arg8[%get3A_1435] {strides = array<i32>} : memref<208xi32, #tpu.memory_space<vmem>>, vector<16xi32>,
      %get3A_1437 = vector.shape_cast %get3A_1436 : vector<16xi32> to vector<16xi32>
      %add3A_1438 = arith.addi %get3A_1434, %get3A_1437 : vector<16xi32>
      %swap3A_1439 = arith.constant 1456 : index
      %swap3A_1440 = tpu.vector_load %arg6[%swap3A_1439] {strides = array<i32>} : memref<1664xi32, #tpu.memory_space<vmem>>, vector<16xi32>,
      %swap3A_1441 = vector.shape_cast %swap3A_1440 : vector<16xi32> to vector<16xi32>
      %swap3A_1442 = vector.shape_cast %add3A_1438 : vector<16xi32> to vector<16xi32>
      tpu.vector_store %arg6[%swap3A_1439], %swap3A_1442 {strides = array<i32>} : memref<1664xi32, #tpu.memory_space<vmem>>, vector<16xi32>,
      %get3A_1443 = arith.constant 1472 : index
      %get3A_1444 = tpu.vector_load %arg6[%get3A_1443] {strides = array<i32>} : memref<1664xi32, #tpu.memory_space<vmem>>, vector<16xi32>,
      %get3A_1445 = vector.shape_cast %get3A_1444 : vector<16xi32> to vector<16xi32>
      %get3A_1446 = arith.constant 16 : index
      %get3A_1447 = tpu.vector_load %arg8[%get3A_1446] {strides = array<i32>} : memref<208xi32, #tpu.memory_space<vmem>>, vector<16xi32>,
      %get3A_1448 = vector.shape_cast %get3A_1447 : vector<16xi32> to vector<16xi32>
      %add3A_1449 = arith.addi %get3A_1445, %get3A_1448 : vector<16xi32>
      %swap3A_1450 = arith.constant 1472 : index
      %swap3A_1451 = tpu.vector_load %arg6[%swap3A_1450] {strides = array<i32>} : memref<1664xi32, #tpu.memory_space<vmem>>, vector<16xi32>,
      %swap3A_1452 = vector.shape_cast %swap3A_1451 : vector<16xi32> to vector<16xi32>
      %swap3A_1453 = vector.shape_cast %add3A_1449 : vector<16xi32> to vector<16xi32>
      tpu.vector_store %arg6[%swap3A_1450], %swap3A_1453 {strides = array<i32>} : memref<1664xi32, #tpu.memory_space<vmem>>, vector<16xi32>,
      %get3A_1454 = arith.constant 1488 : index
      %get3A_1455 = tpu.vector_load %arg6[%get3A_1454] {strides = array<i32>} : memref<1664xi32, #tpu.memory_space<vmem>>, vector<16xi32>,
      %get3A_1456 = vector.shape_cast %get3A_1455 : vector<16xi32> to vector<16xi32>
      %get3A_1457 = arith.constant 32 : index
      %get3A_1458 = tpu.vector_load %arg8[%get3A_1457] {strides = array<i32>} : memref<208xi32, #tpu.memory_space<vmem>>, vector<16xi32>,
      %get3A_1459 = vector.shape_cast %get3A_1458 : vector<16xi32> to vector<16xi32>
      %add3A_1460 = arith.addi %get3A_1456, %get3A_1459 : vector<16xi32>
      %swap3A_1461 = arith.constant 1488 : index
      %swap3A_1462 = tpu.vector_load %arg6[%swap3A_1461] {strides = array<i32>} : memref<1664xi32, #tpu.memory_space<vmem>>, vector<16xi32>,
      %swap3A_1463 = vector.shape_cast %swap3A_1462 : vector<16xi32> to vector<16xi32>
      %swap3A_1464 = vector.shape_cast %add3A_1460 : vector<16xi32> to vector<16xi32>
      tpu.vector_store %arg6[%swap3A_1461], %swap3A_1464 {strides = array<i32>} : memref<1664xi32, #tpu.memory_space<vmem>>, vector<16xi32>,
      %get3A_1465 = arith.constant 1504 : index
      %get3A_1466 = tpu.vector_load %arg6[%get3A_1465] {strides = array<i32>} : memref<1664xi32, #tpu.memory_space<vmem>>, vector<16xi32>,
      %get3A_1467 = vector.shape_cast %get3A_1466 : vector<16xi32> to vector<16xi32>
      %get3A_1468 = arith.constant 48 : index
      %get3A_1469 = tpu.vector_load %arg8[%get3A_1468] {strides = array<i32>} : memref<208xi32, #tpu.memory_space<vmem>>, vector<16xi32>,
      %get3A_1470 = vector.shape_cast %get3A_1469 : vector<16xi32> to vector<16xi32>
      %add3A_1471 = arith.addi %get3A_1467, %get3A_1470 : vector<16xi32>
      %swap3A_1472 = arith.constant 1504 : index
      %swap3A_1473 = tpu.vector_load %arg6[%swap3A_1472] {strides = array<i32>} : memref<1664xi32, #tpu.memory_space<vmem>>, vector<16xi32>,
      %swap3A_1474 = vector.shape_cast %swap3A_1473 : vector<16xi32> to vector<16xi32>
      %swap3A_1475 = vector.shape_cast %add3A_1471 : vector<16xi32> to vector<16xi32>
      tpu.vector_store %arg6[%swap3A_1472], %swap3A_1475 {strides = array<i32>} : memref<1664xi32, #tpu.memory_space<vmem>>, vector<16xi32>,
      %get3A_1476 = arith.constant 1520 : index
      %get3A_1477 = tpu.vector_load %arg6[%get3A_1476] {strides = array<i32>} : memref<1664xi32, #tpu.memory_space<vmem>>, vector<16xi32>,
      %get3A_1478 = vector.shape_cast %get3A_1477 : vector<16xi32> to vector<16xi32>
      %get3A_1479 = arith.constant 64 : index
      %get3A_1480 = tpu.vector_load %arg8[%get3A_1479] {strides = array<i32>} : memref<208xi32, #tpu.memory_space<vmem>>, vector<16xi32>,
      %get3A_1481 = vector.shape_cast %get3A_1480 : vector<16xi32> to vector<16xi32>
      %add3A_1482 = arith.addi %get3A_1478, %get3A_1481 : vector<16xi32>
      %swap3A_1483 = arith.constant 1520 : index
      %swap3A_1484 = tpu.vector_load %arg6[%swap3A_1483] {strides = array<i32>} : memref<1664xi32, #tpu.memory_space<vmem>>, vector<16xi32>,
      %swap3A_1485 = vector.shape_cast %swap3A_1484 : vector<16xi32> to vector<16xi32>
      %swap3A_1486 = vector.shape_cast %add3A_1482 : vector<16xi32> to vector<16xi32>
      tpu.vector_store %arg6[%swap3A_1483], %swap3A_1486 {strides = array<i32>} : memref<1664xi32, #tpu.memory_space<vmem>>, vector<16xi32>,
      %get3A_1487 = arith.constant 1536 : index
      %get3A_1488 = tpu.vector_load %arg6[%get3A_1487] {strides = array<i32>} : memref<1664xi32, #tpu.memory_space<vmem>>, vector<16xi32>,
      %get3A_1489 = vector.shape_cast %get3A_1488 : vector<16xi32> to vector<16xi32>
      %get3A_1490 = arith.constant 80 : index
      %get3A_1491 = tpu.vector_load %arg8[%get3A_1490] {strides = array<i32>} : memref<208xi32, #tpu.memory_space<vmem>>, vector<16xi32>,
      %get3A_1492 = vector.shape_cast %get3A_1491 : vector<16xi32> to vector<16xi32>
      %add3A_1493 = arith.addi %get3A_1489, %get3A_1492 : vector<16xi32>
      %swap3A_1494 = arith.constant 1536 : index
      %swap3A_1495 = tpu.vector_load %arg6[%swap3A_1494] {strides = array<i32>} : memref<1664xi32, #tpu.memory_space<vmem>>, vector<16xi32>,
      %swap3A_1496 = vector.shape_cast %swap3A_1495 : vector<16xi32> to vector<16xi32>
      %swap3A_1497 = vector.shape_cast %add3A_1493 : vector<16xi32> to vector<16xi32>
      tpu.vector_store %arg6[%swap3A_1494], %swap3A_1497 {strides = array<i32>} : memref<1664xi32, #tpu.memory_space<vmem>>, vector<16xi32>,
      %get3A_1498 = arith.constant 1552 : index
      %get3A_1499 = tpu.vector_load %arg6[%get3A_1498] {strides = array<i32>} : memref<1664xi32, #tpu.memory_space<vmem>>, vector<16xi32>,
      %get3A_1500 = vector.shape_cast %get3A_1499 : vector<16xi32> to vector<16xi32>
      %get3A_1501 = arith.constant 96 : index
      %get3A_1502 = tpu.vector_load %arg8[%get3A_1501] {strides = array<i32>} : memref<208xi32, #tpu.memory_space<vmem>>, vector<16xi32>,
      %get3A_1503 = vector.shape_cast %get3A_1502 : vector<16xi32> to vector<16xi32>
      %add3A_1504 = arith.addi %get3A_1500, %get3A_1503 : vector<16xi32>
      %swap3A_1505 = arith.constant 1552 : index
      %swap3A_1506 = tpu.vector_load %arg6[%swap3A_1505] {strides = array<i32>} : memref<1664xi32, #tpu.memory_space<vmem>>, vector<16xi32>,
      %swap3A_1507 = vector.shape_cast %swap3A_1506 : vector<16xi32> to vector<16xi32>
      %swap3A_1508 = vector.shape_cast %add3A_1504 : vector<16xi32> to vector<16xi32>
      tpu.vector_store %arg6[%swap3A_1505], %swap3A_1508 {strides = array<i32>} : memref<1664xi32, #tpu.memory_space<vmem>>, vector<16xi32>,
      %get3A_1509 = arith.constant 1568 : index
      %get3A_1510 = tpu.vector_load %arg6[%get3A_1509] {strides = array<i32>} : memref<1664xi32, #tpu.memory_space<vmem>>, vector<16xi32>,
      %get3A_1511 = vector.shape_cast %get3A_1510 : vector<16xi32> to vector<16xi32>
      %get3A_1512 = arith.constant 112 : index
      %get3A_1513 = tpu.vector_load %arg8[%get3A_1512] {strides = array<i32>} : memref<208xi32, #tpu.memory_space<vmem>>, vector<16xi32>,
      %get3A_1514 = vector.shape_cast %get3A_1513 : vector<16xi32> to vector<16xi32>
      %add3A_1515 = arith.addi %get3A_1511, %get3A_1514 : vector<16xi32>
      %swap3A_1516 = arith.constant 1568 : index
      %swap3A_1517 = tpu.vector_load %arg6[%swap3A_1516] {strides = array<i32>} : memref<1664xi32, #tpu.memory_space<vmem>>, vector<16xi32>,
      %swap3A_1518 = vector.shape_cast %swap3A_1517 : vector<16xi32> to vector<16xi32>
      %swap3A_1519 = vector.shape_cast %add3A_1515 : vector<16xi32> to vector<16xi32>
      tpu.vector_store %arg6[%swap3A_1516], %swap3A_1519 {strides = array<i32>} : memref<1664xi32, #tpu.memory_space<vmem>>, vector<16xi32>,
      %get3A_1520 = arith.constant 1584 : index
      %get3A_1521 = tpu.vector_load %arg6[%get3A_1520] {strides = array<i32>} : memref<1664xi32, #tpu.memory_space<vmem>>, vector<16xi32>,
      %get3A_1522 = vector.shape_cast %get3A_1521 : vector<16xi32> to vector<16xi32>
      %get3A_1523 = arith.constant 128 : index
      %get3A_1524 = tpu.vector_load %arg8[%get3A_1523] {strides = array<i32>} : memref<208xi32, #tpu.memory_space<vmem>>, vector<16xi32>,
      %get3A_1525 = vector.shape_cast %get3A_1524 : vector<16xi32> to vector<16xi32>
      %add3A_1526 = arith.addi %get3A_1522, %get3A_1525 : vector<16xi32>
      %swap3A_1527 = arith.constant 1584 : index
      %swap3A_1528 = tpu.vector_load %arg6[%swap3A_1527] {strides = array<i32>} : memref<1664xi32, #tpu.memory_space<vmem>>, vector<16xi32>,
      %swap3A_1529 = vector.shape_cast %swap3A_1528 : vector<16xi32> to vector<16xi32>
      %swap3A_1530 = vector.shape_cast %add3A_1526 : vector<16xi32> to vector<16xi32>
      tpu.vector_store %arg6[%swap3A_1527], %swap3A_1530 {strides = array<i32>} : memref<1664xi32, #tpu.memory_space<vmem>>, vector<16xi32>,
      %get3A_1531 = arith.constant 1600 : index
      %get3A_1532 = tpu.vector_load %arg6[%get3A_1531] {strides = array<i32>} : memref<1664xi32, #tpu.memory_space<vmem>>, vector<16xi32>,
      %get3A_1533 = vector.shape_cast %get3A_1532 : vector<16xi32> to vector<16xi32>
      %get3A_1534 = arith.constant 144 : index
      %get3A_1535 = tpu.vector_load %arg8[%get3A_1534] {strides = array<i32>} : memref<208xi32, #tpu.memory_space<vmem>>, vector<16xi32>,
      %get3A_1536 = vector.shape_cast %get3A_1535 : vector<16xi32> to vector<16xi32>
      %add3A_1537 = arith.addi %get3A_1533, %get3A_1536 : vector<16xi32>
      %swap3A_1538 = arith.constant 1600 : index
      %swap3A_1539 = tpu.vector_load %arg6[%swap3A_1538] {strides = array<i32>} : memref<1664xi32, #tpu.memory_space<vmem>>, vector<16xi32>,
      %swap3A_1540 = vector.shape_cast %swap3A_1539 : vector<16xi32> to vector<16xi32>
      %swap3A_1541 = vector.shape_cast %add3A_1537 : vector<16xi32> to vector<16xi32>
      tpu.vector_store %arg6[%swap3A_1538], %swap3A_1541 {strides = array<i32>} : memref<1664xi32, #tpu.memory_space<vmem>>, vector<16xi32>,
      %get3A_1542 = arith.constant 1616 : index
      %get3A_1543 = tpu.vector_load %arg6[%get3A_1542] {strides = array<i32>} : memref<1664xi32, #tpu.memory_space<vmem>>, vector<16xi32>,
      %get3A_1544 = vector.shape_cast %get3A_1543 : vector<16xi32> to vector<16xi32>
      %get3A_1545 = arith.constant 160 : index
      %get3A_1546 = tpu.vector_load %arg8[%get3A_1545] {strides = array<i32>} : memref<208xi32, #tpu.memory_space<vmem>>, vector<16xi32>,
      %get3A_1547 = vector.shape_cast %get3A_1546 : vector<16xi32> to vector<16xi32>
      %add3A_1548 = arith.addi %get3A_1544, %get3A_1547 : vector<16xi32>
      %swap3A_1549 = arith.constant 1616 : index
      %swap3A_1550 = tpu.vector_load %arg6[%swap3A_1549] {strides = array<i32>} : memref<1664xi32, #tpu.memory_space<vmem>>, vector<16xi32>,
      %swap3A_1551 = vector.shape_cast %swap3A_1550 : vector<16xi32> to vector<16xi32>
      %swap3A_1552 = vector.shape_cast %add3A_1548 : vector<16xi32> to vector<16xi32>
      tpu.vector_store %arg6[%swap3A_1549], %swap3A_1552 {strides = array<i32>} : memref<1664xi32, #tpu.memory_space<vmem>>, vector<16xi32>,
      %get3A_1553 = arith.constant 1632 : index
      %get3A_1554 = tpu.vector_load %arg6[%get3A_1553] {strides = array<i32>} : memref<1664xi32, #tpu.memory_space<vmem>>, vector<16xi32>,
      %get3A_1555 = vector.shape_cast %get3A_1554 : vector<16xi32> to vector<16xi32>
      %get3A_1556 = arith.constant 176 : index
      %get3A_1557 = tpu.vector_load %arg8[%get3A_1556] {strides = array<i32>} : memref<208xi32, #tpu.memory_space<vmem>>, vector<16xi32>,
      %get3A_1558 = vector.shape_cast %get3A_1557 : vector<16xi32> to vector<16xi32>
      %add3A_1559 = arith.addi %get3A_1555, %get3A_1558 : vector<16xi32>
      %swap3A_1560 = arith.constant 1632 : index
      %swap3A_1561 = tpu.vector_load %arg6[%swap3A_1560] {strides = array<i32>} : memref<1664xi32, #tpu.memory_space<vmem>>, vector<16xi32>,
      %swap3A_1562 = vector.shape_cast %swap3A_1561 : vector<16xi32> to vector<16xi32>
      %swap3A_1563 = vector.shape_cast %add3A_1559 : vector<16xi32> to vector<16xi32>
      tpu.vector_store %arg6[%swap3A_1560], %swap3A_1563 {strides = array<i32>} : memref<1664xi32, #tpu.memory_space<vmem>>, vector<16xi32>,
      %get3A_1564 = arith.constant 1648 : index
      %get3A_1565 = tpu.vector_load %arg6[%get3A_1564] {strides = array<i32>} : memref<1664xi32, #tpu.memory_space<vmem>>, vector<16xi32>,
      %get3A_1566 = vector.shape_cast %get3A_1565 : vector<16xi32> to vector<16xi32>
      %get3A_1567 = arith.constant 192 : index
      %get3A_1568 = tpu.vector_load %arg8[%get3A_1567] {strides = array<i32>} : memref<208xi32, #tpu.memory_space<vmem>>, vector<16xi32>,
      %get3A_1569 = vector.shape_cast %get3A_1568 : vector<16xi32> to vector<16xi32>
      %add3A_1570 = arith.addi %get3A_1566, %get3A_1569 : vector<16xi32>
      %swap3A_1571 = arith.constant 1648 : index
      %swap3A_1572 = tpu.vector_load %arg6[%swap3A_1571] {strides = array<i32>} : memref<1664xi32, #tpu.memory_space<vmem>>, vector<16xi32>,
      %swap3A_1573 = vector.shape_cast %swap3A_1572 : vector<16xi32> to vector<16xi32>
      %swap3A_1574 = vector.shape_cast %add3A_1570 : vector<16xi32> to vector<16xi32>
      tpu.vector_store %arg6[%swap3A_1571], %swap3A_1574 {strides = array<i32>} : memref<1664xi32, #tpu.memory_space<vmem>>, vector<16xi32>,
      %dma_start3A = arith.constant 0 : i32
      %dma_start3A_1575 = arith.constant 0 : i32
      %dma_start3A_1576 = tpu.memref_slice %arg7[%dma_start3A, %dma_start3A_1575] : memref<1664x32xf32, #tpu.memory_space<vmem>> -> memref<128x32xf32, #tpu.memory_space<vmem>>
      %dma_start3A_1577 = arith.constant 0 : i32
      %dma_start3A_1578 = tpu.memref_slice %arg6[%dma_start3A_1577] : memref<1664xi32, #tpu.memory_space<vmem>> -> memref<128xi32, #tpu.memory_space<vmem>>
      %dma_start3A_1579 = arith.constant 0 : i32
      %dma_start3A_1580 = arith.constant 0 : i32
      %dma_start3A_1581 = tpu.memref_slice %arg3[%dma_start3A_1579, %dma_start3A_1580] : memref<2600000x32xf32, #tpu.memory_space<hbm>> -> memref<2600000x32xf32, #tpu.memory_space<hbm>>
      tpu.enqueue_indirect_dma source(%dma_start3A_1581 : memref<2600000x32xf32, #tpu.memory_space<hbm>>) target(%dma_start3A_1576 : memref<128x32xf32, #tpu.memory_space<vmem>>) offsets(%dma_start3A_1578 : memref<128xi32, #tpu.memory_space<vmem>>) semaphore(%arg10 : memref<!tpu.dma_semaphore, #tpu.memory_space<semaphore_mem>>)
      %dma_start3A_1582 = arith.constant 128 : i32
      %dma_start3A_1583 = arith.constant 0 : i32
      %dma_start3A_1584 = tpu.memref_slice %arg7[%dma_start3A_1582, %dma_start3A_1583] : memref<1664x32xf32, #tpu.memory_space<vmem>> -> memref<128x32xf32, #tpu.memory_space<vmem>>
      %dma_start3A_1585 = arith.constant 128 : i32
      %dma_start3A_1586 = tpu.memref_slice %arg6[%dma_start3A_1585] : memref<1664xi32, #tpu.memory_space<vmem>> -> memref<128xi32, #tpu.memory_space<vmem>>
      %dma_start3A_1587 = arith.constant 0 : i32
      %dma_start3A_1588 = arith.constant 0 : i32
      %dma_start3A_1589 = tpu.memref_slice %arg3[%dma_start3A_1587, %dma_start3A_1588] : memref<2600000x32xf32, #tpu.memory_space<hbm>> -> memref<2600000x32xf32, #tpu.memory_space<hbm>>
      tpu.enqueue_indirect_dma source(%dma_start3A_1589 : memref<2600000x32xf32, #tpu.memory_space<hbm>>) target(%dma_start3A_1584 : memref<128x32xf32, #tpu.memory_space<vmem>>) offsets(%dma_start3A_1586 : memref<128xi32, #tpu.memory_space<vmem>>) semaphore(%arg10 : memref<!tpu.dma_semaphore, #tpu.memory_space<semaphore_mem>>)
      %dma_start3A_1590 = arith.constant 256 : i32
      %dma_start3A_1591 = arith.constant 0 : i32
      %dma_start3A_1592 = tpu.memref_slice %arg7[%dma_start3A_1590, %dma_start3A_1591] : memref<1664x32xf32, #tpu.memory_space<vmem>> -> memref<128x32xf32, #tpu.memory_space<vmem>>
      %dma_start3A_1593 = arith.constant 256 : i32
      %dma_start3A_1594 = tpu.memref_slice %arg6[%dma_start3A_1593] : memref<1664xi32, #tpu.memory_space<vmem>> -> memref<128xi32, #tpu.memory_space<vmem>>
      %dma_start3A_1595 = arith.constant 0 : i32
      %dma_start3A_1596 = arith.constant 0 : i32
      %dma_start3A_1597 = tpu.memref_slice %arg3[%dma_start3A_1595, %dma_start3A_1596] : memref<2600000x32xf32, #tpu.memory_space<hbm>> -> memref<2600000x32xf32, #tpu.memory_space<hbm>>
      tpu.enqueue_indirect_dma source(%dma_start3A_1597 : memref<2600000x32xf32, #tpu.memory_space<hbm>>) target(%dma_start3A_1592 : memref<128x32xf32, #tpu.memory_space<vmem>>) offsets(%dma_start3A_1594 : memref<128xi32, #tpu.memory_space<vmem>>) semaphore(%arg10 : memref<!tpu.dma_semaphore, #tpu.memory_space<semaphore_mem>>)
      %dma_start3A_1598 = arith.constant 384 : i32
      %dma_start3A_1599 = arith.constant 0 : i32
      %dma_start3A_1600 = tpu.memref_slice %arg7[%dma_start3A_1598, %dma_start3A_1599] : memref<1664x32xf32, #tpu.memory_space<vmem>> -> memref<128x32xf32, #tpu.memory_space<vmem>>
      %dma_start3A_1601 = arith.constant 384 : i32
      %dma_start3A_1602 = tpu.memref_slice %arg6[%dma_start3A_1601] : memref<1664xi32, #tpu.memory_space<vmem>> -> memref<128xi32, #tpu.memory_space<vmem>>
      %dma_start3A_1603 = arith.constant 0 : i32
      %dma_start3A_1604 = arith.constant 0 : i32
      %dma_start3A_1605 = tpu.memref_slice %arg3[%dma_start3A_1603, %dma_start3A_1604] : memref<2600000x32xf32, #tpu.memory_space<hbm>> -> memref<2600000x32xf32, #tpu.memory_space<hbm>>
      tpu.enqueue_indirect_dma source(%dma_start3A_1605 : memref<2600000x32xf32, #tpu.memory_space<hbm>>) target(%dma_start3A_1600 : memref<128x32xf32, #tpu.memory_space<vmem>>) offsets(%dma_start3A_1602 : memref<128xi32, #tpu.memory_space<vmem>>) semaphore(%arg10 : memref<!tpu.dma_semaphore, #tpu.memory_space<semaphore_mem>>)
      %dma_start3A_1606 = arith.constant 512 : i32
      %dma_start3A_1607 = arith.constant 0 : i32
      %dma_start3A_1608 = tpu.memref_slice %arg7[%dma_start3A_1606, %dma_start3A_1607] : memref<1664x32xf32, #tpu.memory_space<vmem>> -> memref<128x32xf32, #tpu.memory_space<vmem>>
      %dma_start3A_1609 = arith.constant 512 : i32
      %dma_start3A_1610 = tpu.memref_slice %arg6[%dma_start3A_1609] : memref<1664xi32, #tpu.memory_space<vmem>> -> memref<128xi32, #tpu.memory_space<vmem>>
      %dma_start3A_1611 = arith.constant 0 : i32
      %dma_start3A_1612 = arith.constant 0 : i32
      %dma_start3A_1613 = tpu.memref_slice %arg3[%dma_start3A_1611, %dma_start3A_1612] : memref<2600000x32xf32, #tpu.memory_space<hbm>> -> memref<2600000x32xf32, #tpu.memory_space<hbm>>
      tpu.enqueue_indirect_dma source(%dma_start3A_1613 : memref<2600000x32xf32, #tpu.memory_space<hbm>>) target(%dma_start3A_1608 : memref<128x32xf32, #tpu.memory_space<vmem>>) offsets(%dma_start3A_1610 : memref<128xi32, #tpu.memory_space<vmem>>) semaphore(%arg10 : memref<!tpu.dma_semaphore, #tpu.memory_space<semaphore_mem>>)
      %dma_start3A_1614 = arith.constant 640 : i32
      %dma_start3A_1615 = arith.constant 0 : i32
      %dma_start3A_1616 = tpu.memref_slice %arg7[%dma_start3A_1614, %dma_start3A_1615] : memref<1664x32xf32, #tpu.memory_space<vmem>> -> memref<128x32xf32, #tpu.memory_space<vmem>>
      %dma_start3A_1617 = arith.constant 640 : i32
      %dma_start3A_1618 = tpu.memref_slice %arg6[%dma_start3A_1617] : memref<1664xi32, #tpu.memory_space<vmem>> -> memref<128xi32, #tpu.memory_space<vmem>>
      %dma_start3A_1619 = arith.constant 0 : i32
      %dma_start3A_1620 = arith.constant 0 : i32
      %dma_start3A_1621 = tpu.memref_slice %arg3[%dma_start3A_1619, %dma_start3A_1620] : memref<2600000x32xf32, #tpu.memory_space<hbm>> -> memref<2600000x32xf32, #tpu.memory_space<hbm>>
      tpu.enqueue_indirect_dma source(%dma_start3A_1621 : memref<2600000x32xf32, #tpu.memory_space<hbm>>) target(%dma_start3A_1616 : memref<128x32xf32, #tpu.memory_space<vmem>>) offsets(%dma_start3A_1618 : memref<128xi32, #tpu.memory_space<vmem>>) semaphore(%arg10 : memref<!tpu.dma_semaphore, #tpu.memory_space<semaphore_mem>>)
      %dma_start3A_1622 = arith.constant 768 : i32
      %dma_start3A_1623 = arith.constant 0 : i32
      %dma_start3A_1624 = tpu.memref_slice %arg7[%dma_start3A_1622, %dma_start3A_1623] : memref<1664x32xf32, #tpu.memory_space<vmem>> -> memref<128x32xf32, #tpu.memory_space<vmem>>
      %dma_start3A_1625 = arith.constant 768 : i32
      %dma_start3A_1626 = tpu.memref_slice %arg6[%dma_start3A_1625] : memref<1664xi32, #tpu.memory_space<vmem>> -> memref<128xi32, #tpu.memory_space<vmem>>
      %dma_start3A_1627 = arith.constant 0 : i32
      %dma_start3A_1628 = arith.constant 0 : i32
      %dma_start3A_1629 = tpu.memref_slice %arg3[%dma_start3A_1627, %dma_start3A_1628] : memref<2600000x32xf32, #tpu.memory_space<hbm>> -> memref<2600000x32xf32, #tpu.memory_space<hbm>>
      tpu.enqueue_indirect_dma source(%dma_start3A_1629 : memref<2600000x32xf32, #tpu.memory_space<hbm>>) target(%dma_start3A_1624 : memref<128x32xf32, #tpu.memory_space<vmem>>) offsets(%dma_start3A_1626 : memref<128xi32, #tpu.memory_space<vmem>>) semaphore(%arg10 : memref<!tpu.dma_semaphore, #tpu.memory_space<semaphore_mem>>)
      %dma_start3A_1630 = arith.constant 896 : i32
      %dma_start3A_1631 = arith.constant 0 : i32
      %dma_start3A_1632 = tpu.memref_slice %arg7[%dma_start3A_1630, %dma_start3A_1631] : memref<1664x32xf32, #tpu.memory_space<vmem>> -> memref<128x32xf32, #tpu.memory_space<vmem>>
      %dma_start3A_1633 = arith.constant 896 : i32
      %dma_start3A_1634 = tpu.memref_slice %arg6[%dma_start3A_1633] : memref<1664xi32, #tpu.memory_space<vmem>> -> memref<128xi32, #tpu.memory_space<vmem>>
      %dma_start3A_1635 = arith.constant 0 : i32
      %dma_start3A_1636 = arith.constant 0 : i32
      %dma_start3A_1637 = tpu.memref_slice %arg3[%dma_start3A_1635, %dma_start3A_1636] : memref<2600000x32xf32, #tpu.memory_space<hbm>> -> memref<2600000x32xf32, #tpu.memory_space<hbm>>
      tpu.enqueue_indirect_dma source(%dma_start3A_1637 : memref<2600000x32xf32, #tpu.memory_space<hbm>>) target(%dma_start3A_1632 : memref<128x32xf32, #tpu.memory_space<vmem>>) offsets(%dma_start3A_1634 : memref<128xi32, #tpu.memory_space<vmem>>) semaphore(%arg10 : memref<!tpu.dma_semaphore, #tpu.memory_space<semaphore_mem>>)
      %dma_start3A_1638 = arith.constant 1024 : i32
      %dma_start3A_1639 = arith.constant 0 : i32
      %dma_start3A_1640 = tpu.memref_slice %arg7[%dma_start3A_1638, %dma_start3A_1639] : memref<1664x32xf32, #tpu.memory_space<vmem>> -> memref<128x32xf32, #tpu.memory_space<vmem>>
      %dma_start3A_1641 = arith.constant 1024 : i32
      %dma_start3A_1642 = tpu.memref_slice %arg6[%dma_start3A_1641] : memref<1664xi32, #tpu.memory_space<vmem>> -> memref<128xi32, #tpu.memory_space<vmem>>
      %dma_start3A_1643 = arith.constant 0 : i32
      %dma_start3A_1644 = arith.constant 0 : i32
      %dma_start3A_1645 = tpu.memref_slice %arg3[%dma_start3A_1643, %dma_start3A_1644] : memref<2600000x32xf32, #tpu.memory_space<hbm>> -> memref<2600000x32xf32, #tpu.memory_space<hbm>>
      tpu.enqueue_indirect_dma source(%dma_start3A_1645 : memref<2600000x32xf32, #tpu.memory_space<hbm>>) target(%dma_start3A_1640 : memref<128x32xf32, #tpu.memory_space<vmem>>) offsets(%dma_start3A_1642 : memref<128xi32, #tpu.memory_space<vmem>>) semaphore(%arg10 : memref<!tpu.dma_semaphore, #tpu.memory_space<semaphore_mem>>)
      %dma_start3A_1646 = arith.constant 1152 : i32
      %dma_start3A_1647 = arith.constant 0 : i32
      %dma_start3A_1648 = tpu.memref_slice %arg7[%dma_start3A_1646, %dma_start3A_1647] : memref<1664x32xf32, #tpu.memory_space<vmem>> -> memref<128x32xf32, #tpu.memory_space<vmem>>
      %dma_start3A_1649 = arith.constant 1152 : i32
      %dma_start3A_1650 = tpu.memref_slice %arg6[%dma_start3A_1649] : memref<1664xi32, #tpu.memory_space<vmem>> -> memref<128xi32, #tpu.memory_space<vmem>>
      %dma_start3A_1651 = arith.constant 0 : i32
      %dma_start3A_1652 = arith.constant 0 : i32
      %dma_start3A_1653 = tpu.memref_slice %arg3[%dma_start3A_1651, %dma_start3A_1652] : memref<2600000x32xf32, #tpu.memory_space<hbm>> -> memref<2600000x32xf32, #tpu.memory_space<hbm>>
      tpu.enqueue_indirect_dma source(%dma_start3A_1653 : memref<2600000x32xf32, #tpu.memory_space<hbm>>) target(%dma_start3A_1648 : memref<128x32xf32, #tpu.memory_space<vmem>>) offsets(%dma_start3A_1650 : memref<128xi32, #tpu.memory_space<vmem>>) semaphore(%arg10 : memref<!tpu.dma_semaphore, #tpu.memory_space<semaphore_mem>>)
      %dma_start3A_1654 = arith.constant 1280 : i32
      %dma_start3A_1655 = arith.constant 0 : i32
      %dma_start3A_1656 = tpu.memref_slice %arg7[%dma_start3A_1654, %dma_start3A_1655] : memref<1664x32xf32, #tpu.memory_space<vmem>> -> memref<128x32xf32, #tpu.memory_space<vmem>>
      %dma_start3A_1657 = arith.constant 1280 : i32
      %dma_start3A_1658 = tpu.memref_slice %arg6[%dma_start3A_1657] : memref<1664xi32, #tpu.memory_space<vmem>> -> memref<128xi32, #tpu.memory_space<vmem>>
      %dma_start3A_1659 = arith.constant 0 : i32
      %dma_start3A_1660 = arith.constant 0 : i32
      %dma_start3A_1661 = tpu.memref_slice %arg3[%dma_start3A_1659, %dma_start3A_1660] : memref<2600000x32xf32, #tpu.memory_space<hbm>> -> memref<2600000x32xf32, #tpu.memory_space<hbm>>
      tpu.enqueue_indirect_dma source(%dma_start3A_1661 : memref<2600000x32xf32, #tpu.memory_space<hbm>>) target(%dma_start3A_1656 : memref<128x32xf32, #tpu.memory_space<vmem>>) offsets(%dma_start3A_1658 : memref<128xi32, #tpu.memory_space<vmem>>) semaphore(%arg10 : memref<!tpu.dma_semaphore, #tpu.memory_space<semaphore_mem>>)
      %dma_start3A_1662 = arith.constant 1408 : i32
      %dma_start3A_1663 = arith.constant 0 : i32
      %dma_start3A_1664 = tpu.memref_slice %arg7[%dma_start3A_1662, %dma_start3A_1663] : memref<1664x32xf32, #tpu.memory_space<vmem>> -> memref<128x32xf32, #tpu.memory_space<vmem>>
      %dma_start3A_1665 = arith.constant 1408 : i32
      %dma_start3A_1666 = tpu.memref_slice %arg6[%dma_start3A_1665] : memref<1664xi32, #tpu.memory_space<vmem>> -> memref<128xi32, #tpu.memory_space<vmem>>
      %dma_start3A_1667 = arith.constant 0 : i32
      %dma_start3A_1668 = arith.constant 0 : i32
      %dma_start3A_1669 = tpu.memref_slice %arg3[%dma_start3A_1667, %dma_start3A_1668] : memref<2600000x32xf32, #tpu.memory_space<hbm>> -> memref<2600000x32xf32, #tpu.memory_space<hbm>>
      tpu.enqueue_indirect_dma source(%dma_start3A_1669 : memref<2600000x32xf32, #tpu.memory_space<hbm>>) target(%dma_start3A_1664 : memref<128x32xf32, #tpu.memory_space<vmem>>) offsets(%dma_start3A_1666 : memref<128xi32, #tpu.memory_space<vmem>>) semaphore(%arg10 : memref<!tpu.dma_semaphore, #tpu.memory_space<semaphore_mem>>)
      %dma_start3A_1670 = arith.constant 1536 : i32
      %dma_start3A_1671 = arith.constant 0 : i32
      %dma_start3A_1672 = tpu.memref_slice %arg7[%dma_start3A_1670, %dma_start3A_1671] : memref<1664x32xf32, #tpu.memory_space<vmem>> -> memref<128x32xf32, #tpu.memory_space<vmem>>
      %dma_start3A_1673 = arith.constant 1536 : i32
      %dma_start3A_1674 = tpu.memref_slice %arg6[%dma_start3A_1673] : memref<1664xi32, #tpu.memory_space<vmem>> -> memref<128xi32, #tpu.memory_space<vmem>>
      %dma_start3A_1675 = arith.constant 0 : i32
      %dma_start3A_1676 = arith.constant 0 : i32
      %dma_start3A_1677 = tpu.memref_slice %arg3[%dma_start3A_1675, %dma_start3A_1676] : memref<2600000x32xf32, #tpu.memory_space<hbm>> -> memref<2600000x32xf32, #tpu.memory_space<hbm>>
      tpu.enqueue_indirect_dma source(%dma_start3A_1677 : memref<2600000x32xf32, #tpu.memory_space<hbm>>) target(%dma_start3A_1672 : memref<128x32xf32, #tpu.memory_space<vmem>>) offsets(%dma_start3A_1674 : memref<128xi32, #tpu.memory_space<vmem>>) semaphore(%arg10 : memref<!tpu.dma_semaphore, #tpu.memory_space<semaphore_mem>>)
      %dma_wait3A = arith.constant 0 : i32
      %dma_wait3A_1678 = arith.constant 0 : i32
      %dma_wait3A_1679 = tpu.memref_slice %arg7[%dma_wait3A, %dma_wait3A_1678] : memref<1664x32xf32, #tpu.memory_space<vmem>> -> memref<128x32xf32, #tpu.memory_space<vmem>>
      %dma_wait3A_1680 = arith.constant 0 : i32
      %dma_wait3A_1681 = tpu.memref_slice %arg6[%dma_wait3A_1680] : memref<1664xi32, #tpu.memory_space<vmem>> -> memref<128xi32, #tpu.memory_space<vmem>>
      %dma_wait3A_1682 = arith.constant 0 : i32
      %dma_wait3A_1683 = arith.constant 0 : i32
      %dma_wait3A_1684 = tpu.memref_slice %arg3[%dma_wait3A_1682, %dma_wait3A_1683] : memref<2600000x32xf32, #tpu.memory_space<hbm>> -> memref<2600000x32xf32, #tpu.memory_space<hbm>>
      tpu.wait_indirect_dma semaphore(%arg10 : memref<!tpu.dma_semaphore, #tpu.memory_space<semaphore_mem>>) src(%dma_wait3A_1684 : memref<2600000x32xf32, #tpu.memory_space<hbm>>) dst(%dma_wait3A_1679 : memref<128x32xf32, #tpu.memory_space<vmem>>)
      %dma_wait3A_1685 = arith.constant 128 : i32
      %dma_wait3A_1686 = arith.constant 0 : i32
      %dma_wait3A_1687 = tpu.memref_slice %arg7[%dma_wait3A_1685, %dma_wait3A_1686] : memref<1664x32xf32, #tpu.memory_space<vmem>> -> memref<128x32xf32, #tpu.memory_space<vmem>>
      %dma_wait3A_1688 = arith.constant 128 : i32
      %dma_wait3A_1689 = tpu.memref_slice %arg6[%dma_wait3A_1688] : memref<1664xi32, #tpu.memory_space<vmem>> -> memref<128xi32, #tpu.memory_space<vmem>>
      %dma_wait3A_1690 = arith.constant 0 : i32
      %dma_wait3A_1691 = arith.constant 0 : i32
      %dma_wait3A_1692 = tpu.memref_slice %arg3[%dma_wait3A_1690, %dma_wait3A_1691] : memref<2600000x32xf32, #tpu.memory_space<hbm>> -> memref<2600000x32xf32, #tpu.memory_space<hbm>>
      tpu.wait_indirect_dma semaphore(%arg10 : memref<!tpu.dma_semaphore, #tpu.memory_space<semaphore_mem>>) src(%dma_wait3A_1692 : memref<2600000x32xf32, #tpu.memory_space<hbm>>) dst(%dma_wait3A_1687 : memref<128x32xf32, #tpu.memory_space<vmem>>)
      %dma_wait3A_1693 = arith.constant 256 : i32
      %dma_wait3A_1694 = arith.constant 0 : i32
      %dma_wait3A_1695 = tpu.memref_slice %arg7[%dma_wait3A_1693, %dma_wait3A_1694] : memref<1664x32xf32, #tpu.memory_space<vmem>> -> memref<128x32xf32, #tpu.memory_space<vmem>>
      %dma_wait3A_1696 = arith.constant 256 : i32
      %dma_wait3A_1697 = tpu.memref_slice %arg6[%dma_wait3A_1696] : memref<1664xi32, #tpu.memory_space<vmem>> -> memref<128xi32, #tpu.memory_space<vmem>>
      %dma_wait3A_1698 = arith.constant 0 : i32
      %dma_wait3A_1699 = arith.constant 0 : i32
      %dma_wait3A_1700 = tpu.memref_slice %arg3[%dma_wait3A_1698, %dma_wait3A_1699] : memref<2600000x32xf32, #tpu.memory_space<hbm>> -> memref<2600000x32xf32, #tpu.memory_space<hbm>>
      tpu.wait_indirect_dma semaphore(%arg10 : memref<!tpu.dma_semaphore, #tpu.memory_space<semaphore_mem>>) src(%dma_wait3A_1700 : memref<2600000x32xf32, #tpu.memory_space<hbm>>) dst(%dma_wait3A_1695 : memref<128x32xf32, #tpu.memory_space<vmem>>)
      %dma_wait3A_1701 = arith.constant 384 : i32
      %dma_wait3A_1702 = arith.constant 0 : i32
      %dma_wait3A_1703 = tpu.memref_slice %arg7[%dma_wait3A_1701, %dma_wait3A_1702] : memref<1664x32xf32, #tpu.memory_space<vmem>> -> memref<128x32xf32, #tpu.memory_space<vmem>>
      %dma_wait3A_1704 = arith.constant 384 : i32
      %dma_wait3A_1705 = tpu.memref_slice %arg6[%dma_wait3A_1704] : memref<1664xi32, #tpu.memory_space<vmem>> -> memref<128xi32, #tpu.memory_space<vmem>>
      %dma_wait3A_1706 = arith.constant 0 : i32
      %dma_wait3A_1707 = arith.constant 0 : i32
      %dma_wait3A_1708 = tpu.memref_slice %arg3[%dma_wait3A_1706, %dma_wait3A_1707] : memref<2600000x32xf32, #tpu.memory_space<hbm>> -> memref<2600000x32xf32, #tpu.memory_space<hbm>>
      tpu.wait_indirect_dma semaphore(%arg10 : memref<!tpu.dma_semaphore, #tpu.memory_space<semaphore_mem>>) src(%dma_wait3A_1708 : memref<2600000x32xf32, #tpu.memory_space<hbm>>) dst(%dma_wait3A_1703 : memref<128x32xf32, #tpu.memory_space<vmem>>)
      %dma_wait3A_1709 = arith.constant 512 : i32
      %dma_wait3A_1710 = arith.constant 0 : i32
      %dma_wait3A_1711 = tpu.memref_slice %arg7[%dma_wait3A_1709, %dma_wait3A_1710] : memref<1664x32xf32, #tpu.memory_space<vmem>> -> memref<128x32xf32, #tpu.memory_space<vmem>>
      %dma_wait3A_1712 = arith.constant 512 : i32
      %dma_wait3A_1713 = tpu.memref_slice %arg6[%dma_wait3A_1712] : memref<1664xi32, #tpu.memory_space<vmem>> -> memref<128xi32, #tpu.memory_space<vmem>>
      %dma_wait3A_1714 = arith.constant 0 : i32
      %dma_wait3A_1715 = arith.constant 0 : i32
      %dma_wait3A_1716 = tpu.memref_slice %arg3[%dma_wait3A_1714, %dma_wait3A_1715] : memref<2600000x32xf32, #tpu.memory_space<hbm>> -> memref<2600000x32xf32, #tpu.memory_space<hbm>>
      tpu.wait_indirect_dma semaphore(%arg10 : memref<!tpu.dma_semaphore, #tpu.memory_space<semaphore_mem>>) src(%dma_wait3A_1716 : memref<2600000x32xf32, #tpu.memory_space<hbm>>) dst(%dma_wait3A_1711 : memref<128x32xf32, #tpu.memory_space<vmem>>)
      %dma_wait3A_1717 = arith.constant 640 : i32
      %dma_wait3A_1718 = arith.constant 0 : i32
      %dma_wait3A_1719 = tpu.memref_slice %arg7[%dma_wait3A_1717, %dma_wait3A_1718] : memref<1664x32xf32, #tpu.memory_space<vmem>> -> memref<128x32xf32, #tpu.memory_space<vmem>>
      %dma_wait3A_1720 = arith.constant 640 : i32
      %dma_wait3A_1721 = tpu.memref_slice %arg6[%dma_wait3A_1720] : memref<1664xi32, #tpu.memory_space<vmem>> -> memref<128xi32, #tpu.memory_space<vmem>>
      %dma_wait3A_1722 = arith.constant 0 : i32
      %dma_wait3A_1723 = arith.constant 0 : i32
      %dma_wait3A_1724 = tpu.memref_slice %arg3[%dma_wait3A_1722, %dma_wait3A_1723] : memref<2600000x32xf32, #tpu.memory_space<hbm>> -> memref<2600000x32xf32, #tpu.memory_space<hbm>>
      tpu.wait_indirect_dma semaphore(%arg10 : memref<!tpu.dma_semaphore, #tpu.memory_space<semaphore_mem>>) src(%dma_wait3A_1724 : memref<2600000x32xf32, #tpu.memory_space<hbm>>) dst(%dma_wait3A_1719 : memref<128x32xf32, #tpu.memory_space<vmem>>)
      %dma_wait3A_1725 = arith.constant 768 : i32
      %dma_wait3A_1726 = arith.constant 0 : i32
      %dma_wait3A_1727 = tpu.memref_slice %arg7[%dma_wait3A_1725, %dma_wait3A_1726] : memref<1664x32xf32, #tpu.memory_space<vmem>> -> memref<128x32xf32, #tpu.memory_space<vmem>>
      %dma_wait3A_1728 = arith.constant 768 : i32
      %dma_wait3A_1729 = tpu.memref_slice %arg6[%dma_wait3A_1728] : memref<1664xi32, #tpu.memory_space<vmem>> -> memref<128xi32, #tpu.memory_space<vmem>>
      %dma_wait3A_1730 = arith.constant 0 : i32
      %dma_wait3A_1731 = arith.constant 0 : i32
      %dma_wait3A_1732 = tpu.memref_slice %arg3[%dma_wait3A_1730, %dma_wait3A_1731] : memref<2600000x32xf32, #tpu.memory_space<hbm>> -> memref<2600000x32xf32, #tpu.memory_space<hbm>>
      tpu.wait_indirect_dma semaphore(%arg10 : memref<!tpu.dma_semaphore, #tpu.memory_space<semaphore_mem>>) src(%dma_wait3A_1732 : memref<2600000x32xf32, #tpu.memory_space<hbm>>) dst(%dma_wait3A_1727 : memref<128x32xf32, #tpu.memory_space<vmem>>)
      %dma_wait3A_1733 = arith.constant 896 : i32
      %dma_wait3A_1734 = arith.constant 0 : i32
      %dma_wait3A_1735 = tpu.memref_slice %arg7[%dma_wait3A_1733, %dma_wait3A_1734] : memref<1664x32xf32, #tpu.memory_space<vmem>> -> memref<128x32xf32, #tpu.memory_space<vmem>>
      %dma_wait3A_1736 = arith.constant 896 : i32
      %dma_wait3A_1737 = tpu.memref_slice %arg6[%dma_wait3A_1736] : memref<1664xi32, #tpu.memory_space<vmem>> -> memref<128xi32, #tpu.memory_space<vmem>>
      %dma_wait3A_1738 = arith.constant 0 : i32
      %dma_wait3A_1739 = arith.constant 0 : i32
      %dma_wait3A_1740 = tpu.memref_slice %arg3[%dma_wait3A_1738, %dma_wait3A_1739] : memref<2600000x32xf32, #tpu.memory_space<hbm>> -> memref<2600000x32xf32, #tpu.memory_space<hbm>>
      tpu.wait_indirect_dma semaphore(%arg10 : memref<!tpu.dma_semaphore, #tpu.memory_space<semaphore_mem>>) src(%dma_wait3A_1740 : memref<2600000x32xf32, #tpu.memory_space<hbm>>) dst(%dma_wait3A_1735 : memref<128x32xf32, #tpu.memory_space<vmem>>)
      %dma_wait3A_1741 = arith.constant 1024 : i32
      %dma_wait3A_1742 = arith.constant 0 : i32
      %dma_wait3A_1743 = tpu.memref_slice %arg7[%dma_wait3A_1741, %dma_wait3A_1742] : memref<1664x32xf32, #tpu.memory_space<vmem>> -> memref<128x32xf32, #tpu.memory_space<vmem>>
      %dma_wait3A_1744 = arith.constant 1024 : i32
      %dma_wait3A_1745 = tpu.memref_slice %arg6[%dma_wait3A_1744] : memref<1664xi32, #tpu.memory_space<vmem>> -> memref<128xi32, #tpu.memory_space<vmem>>
      %dma_wait3A_1746 = arith.constant 0 : i32
      %dma_wait3A_1747 = arith.constant 0 : i32
      %dma_wait3A_1748 = tpu.memref_slice %arg3[%dma_wait3A_1746, %dma_wait3A_1747] : memref<2600000x32xf32, #tpu.memory_space<hbm>> -> memref<2600000x32xf32, #tpu.memory_space<hbm>>
      tpu.wait_indirect_dma semaphore(%arg10 : memref<!tpu.dma_semaphore, #tpu.memory_space<semaphore_mem>>) src(%dma_wait3A_1748 : memref<2600000x32xf32, #tpu.memory_space<hbm>>) dst(%dma_wait3A_1743 : memref<128x32xf32, #tpu.memory_space<vmem>>)
      %dma_wait3A_1749 = arith.constant 1152 : i32
      %dma_wait3A_1750 = arith.constant 0 : i32
      %dma_wait3A_1751 = tpu.memref_slice %arg7[%dma_wait3A_1749, %dma_wait3A_1750] : memref<1664x32xf32, #tpu.memory_space<vmem>> -> memref<128x32xf32, #tpu.memory_space<vmem>>
      %dma_wait3A_1752 = arith.constant 1152 : i32
      %dma_wait3A_1753 = tpu.memref_slice %arg6[%dma_wait3A_1752] : memref<1664xi32, #tpu.memory_space<vmem>> -> memref<128xi32, #tpu.memory_space<vmem>>
      %dma_wait3A_1754 = arith.constant 0 : i32
      %dma_wait3A_1755 = arith.constant 0 : i32
      %dma_wait3A_1756 = tpu.memref_slice %arg3[%dma_wait3A_1754, %dma_wait3A_1755] : memref<2600000x32xf32, #tpu.memory_space<hbm>> -> memref<2600000x32xf32, #tpu.memory_space<hbm>>
      tpu.wait_indirect_dma semaphore(%arg10 : memref<!tpu.dma_semaphore, #tpu.memory_space<semaphore_mem>>) src(%dma_wait3A_1756 : memref<2600000x32xf32, #tpu.memory_space<hbm>>) dst(%dma_wait3A_1751 : memref<128x32xf32, #tpu.memory_space<vmem>>)
      %dma_wait3A_1757 = arith.constant 1280 : i32
      %dma_wait3A_1758 = arith.constant 0 : i32
      %dma_wait3A_1759 = tpu.memref_slice %arg7[%dma_wait3A_1757, %dma_wait3A_1758] : memref<1664x32xf32, #tpu.memory_space<vmem>> -> memref<128x32xf32, #tpu.memory_space<vmem>>
      %dma_wait3A_1760 = arith.constant 1280 : i32
      %dma_wait3A_1761 = tpu.memref_slice %arg6[%dma_wait3A_1760] : memref<1664xi32, #tpu.memory_space<vmem>> -> memref<128xi32, #tpu.memory_space<vmem>>
      %dma_wait3A_1762 = arith.constant 0 : i32
      %dma_wait3A_1763 = arith.constant 0 : i32
      %dma_wait3A_1764 = tpu.memref_slice %arg3[%dma_wait3A_1762, %dma_wait3A_1763] : memref<2600000x32xf32, #tpu.memory_space<hbm>> -> memref<2600000x32xf32, #tpu.memory_space<hbm>>
      tpu.wait_indirect_dma semaphore(%arg10 : memref<!tpu.dma_semaphore, #tpu.memory_space<semaphore_mem>>) src(%dma_wait3A_1764 : memref<2600000x32xf32, #tpu.memory_space<hbm>>) dst(%dma_wait3A_1759 : memref<128x32xf32, #tpu.memory_space<vmem>>)
      %dma_wait3A_1765 = arith.constant 1408 : i32
      %dma_wait3A_1766 = arith.constant 0 : i32
      %dma_wait3A_1767 = tpu.memref_slice %arg7[%dma_wait3A_1765, %dma_wait3A_1766] : memref<1664x32xf32, #tpu.memory_space<vmem>> -> memref<128x32xf32, #tpu.memory_space<vmem>>
      %dma_wait3A_1768 = arith.constant 1408 : i32
      %dma_wait3A_1769 = tpu.memref_slice %arg6[%dma_wait3A_1768] : memref<1664xi32, #tpu.memory_space<vmem>> -> memref<128xi32, #tpu.memory_space<vmem>>
      %dma_wait3A_1770 = arith.constant 0 : i32
      %dma_wait3A_1771 = arith.constant 0 : i32
      %dma_wait3A_1772 = tpu.memref_slice %arg3[%dma_wait3A_1770, %dma_wait3A_1771] : memref<2600000x32xf32, #tpu.memory_space<hbm>> -> memref<2600000x32xf32, #tpu.memory_space<hbm>>
      tpu.wait_indirect_dma semaphore(%arg10 : memref<!tpu.dma_semaphore, #tpu.memory_space<semaphore_mem>>) src(%dma_wait3A_1772 : memref<2600000x32xf32, #tpu.memory_space<hbm>>) dst(%dma_wait3A_1767 : memref<128x32xf32, #tpu.memory_space<vmem>>)
      %dma_wait3A_1773 = arith.constant 1536 : i32
      %dma_wait3A_1774 = arith.constant 0 : i32
      %dma_wait3A_1775 = tpu.memref_slice %arg7[%dma_wait3A_1773, %dma_wait3A_1774] : memref<1664x32xf32, #tpu.memory_space<vmem>> -> memref<128x32xf32, #tpu.memory_space<vmem>>
      %dma_wait3A_1776 = arith.constant 1536 : i32
      %dma_wait3A_1777 = tpu.memref_slice %arg6[%dma_wait3A_1776] : memref<1664xi32, #tpu.memory_space<vmem>> -> memref<128xi32, #tpu.memory_space<vmem>>
      %dma_wait3A_1778 = arith.constant 0 : i32
      %dma_wait3A_1779 = arith.constant 0 : i32
      %dma_wait3A_1780 = tpu.memref_slice %arg3[%dma_wait3A_1778, %dma_wait3A_1779] : memref<2600000x32xf32, #tpu.memory_space<hbm>> -> memref<2600000x32xf32, #tpu.memory_space<hbm>>
      tpu.wait_indirect_dma semaphore(%arg10 : memref<!tpu.dma_semaphore, #tpu.memory_space<semaphore_mem>>) src(%dma_wait3A_1780 : memref<2600000x32xf32, #tpu.memory_space<hbm>>) dst(%dma_wait3A_1775 : memref<128x32xf32, #tpu.memory_space<vmem>>)
      %scan3A_1781 = arith.constant 0 : i32
      %scan3A_1782 = arith.constant 0 : i32
      %scan3A_1783 = arith.constant 64 : i32
      %scan3A_1784 = arith.addi %scan3A_1782, %scan3A_1783 : i32
      %scan3A_1785 = arith.constant 1 : i32
      scf.for %scan3A_1787 = %scan3A_1782 to %scan3A_1784 step %scan3A_1785  : i32 {
        %mul3A_1788 = arith.constant 26 : i32
        %mul3A_1789 = arith.muli %scan3A_1787, %mul3A_1788 : i32
        %add3A_1790 = arith.constant 0 : i32
        %add3A_1791 = arith.addi %mul3A_1789, %add3A_1790 : i32
        %get3A_1792 = arith.index_cast %add3A_1791 : i32 to index
        %get3A_1793 = arith.constant 0 : index
        %get3A_1794 = tpu.vector_load %arg7[%get3A_1792, %get3A_1793] {strides = array<i32>} : memref<1664x32xf32, #tpu.memory_space<vmem>>, vector<1x16xf32>,
        %get3A_1795 = vector.shape_cast %get3A_1794 : vector<1x16xf32> to vector<16xf32>
        %get3A_1796 = arith.constant 0 : index
        %get3A_1797 = tpu.vector_load %arg9[%get3A_1796] {strides = array<i32>} : memref<832xf32, #tpu.memory_space<vmem>>, vector<16xf32>,
        %get3A_1798 = vector.shape_cast %get3A_1797 : vector<16xf32> to vector<16xf32>
        %add3A_1799 = arith.addf %get3A_1795, %get3A_1798 : vector<16xf32>
        %add3A_1800 = arith.constant 0 : i32
        %add3A_1801 = arith.addi %mul3A_1789, %add3A_1800 : i32
        %swap3A_1802 = arith.index_cast %add3A_1801 : i32 to index
        %swap3A_1803 = arith.constant 0 : index
        %swap3A_1804 = tpu.vector_load %arg7[%swap3A_1802, %swap3A_1803] {strides = array<i32>} : memref<1664x32xf32, #tpu.memory_space<vmem>>, vector<1x16xf32>,
        %swap3A_1805 = vector.shape_cast %swap3A_1804 : vector<1x16xf32> to vector<16xf32>
        %swap3A_1806 = vector.shape_cast %add3A_1799 : vector<16xf32> to vector<1x16xf32>
        tpu.vector_store %arg7[%swap3A_1802, %swap3A_1803], %swap3A_1806 {strides = array<i32>} : memref<1664x32xf32, #tpu.memory_space<vmem>>, vector<1x16xf32>,
        %add3A_1807 = arith.constant 0 : i32
        %add3A_1808 = arith.addi %mul3A_1789, %add3A_1807 : i32
        %get3A_1809 = arith.index_cast %add3A_1808 : i32 to index
        %get3A_1810 = arith.constant 16 : index
        %get3A_1811 = tpu.vector_load %arg7[%get3A_1809, %get3A_1810] {strides = array<i32>} : memref<1664x32xf32, #tpu.memory_space<vmem>>, vector<1x16xf32>,
        %get3A_1812 = vector.shape_cast %get3A_1811 : vector<1x16xf32> to vector<16xf32>
        %get3A_1813 = arith.constant 16 : index
        %get3A_1814 = tpu.vector_load %arg9[%get3A_1813] {strides = array<i32>} : memref<832xf32, #tpu.memory_space<vmem>>, vector<16xf32>,
        %get3A_1815 = vector.shape_cast %get3A_1814 : vector<16xf32> to vector<16xf32>
        %add3A_1816 = arith.addf %get3A_1812, %get3A_1815 : vector<16xf32>
        %add3A_1817 = arith.constant 0 : i32
        %add3A_1818 = arith.addi %mul3A_1789, %add3A_1817 : i32
        %swap3A_1819 = arith.index_cast %add3A_1818 : i32 to index
        %swap3A_1820 = arith.constant 16 : index
        %swap3A_1821 = tpu.vector_load %arg7[%swap3A_1819, %swap3A_1820] {strides = array<i32>} : memref<1664x32xf32, #tpu.memory_space<vmem>>, vector<1x16xf32>,
        %swap3A_1822 = vector.shape_cast %swap3A_1821 : vector<1x16xf32> to vector<16xf32>
        %swap3A_1823 = vector.shape_cast %add3A_1816 : vector<16xf32> to vector<1x16xf32>
        tpu.vector_store %arg7[%swap3A_1819, %swap3A_1820], %swap3A_1823 {strides = array<i32>} : memref<1664x32xf32, #tpu.memory_space<vmem>>, vector<1x16xf32>,
        %add3A_1824 = arith.constant 1 : i32
        %add3A_1825 = arith.addi %mul3A_1789, %add3A_1824 : i32
        %get3A_1826 = arith.index_cast %add3A_1825 : i32 to index
        %get3A_1827 = arith.constant 0 : index
        %get3A_1828 = tpu.vector_load %arg7[%get3A_1826, %get3A_1827] {strides = array<i32>} : memref<1664x32xf32, #tpu.memory_space<vmem>>, vector<1x16xf32>,
        %get3A_1829 = vector.shape_cast %get3A_1828 : vector<1x16xf32> to vector<16xf32>
        %get3A_1830 = arith.constant 32 : index
        %get3A_1831 = tpu.vector_load %arg9[%get3A_1830] {strides = array<i32>} : memref<832xf32, #tpu.memory_space<vmem>>, vector<16xf32>,
        %get3A_1832 = vector.shape_cast %get3A_1831 : vector<16xf32> to vector<16xf32>
        %add3A_1833 = arith.addf %get3A_1829, %get3A_1832 : vector<16xf32>
        %add3A_1834 = arith.constant 1 : i32
        %add3A_1835 = arith.addi %mul3A_1789, %add3A_1834 : i32
        %swap3A_1836 = arith.index_cast %add3A_1835 : i32 to index
        %swap3A_1837 = arith.constant 0 : index
        %swap3A_1838 = tpu.vector_load %arg7[%swap3A_1836, %swap3A_1837] {strides = array<i32>} : memref<1664x32xf32, #tpu.memory_space<vmem>>, vector<1x16xf32>,
        %swap3A_1839 = vector.shape_cast %swap3A_1838 : vector<1x16xf32> to vector<16xf32>
        %swap3A_1840 = vector.shape_cast %add3A_1833 : vector<16xf32> to vector<1x16xf32>
        tpu.vector_store %arg7[%swap3A_1836, %swap3A_1837], %swap3A_1840 {strides = array<i32>} : memref<1664x32xf32, #tpu.memory_space<vmem>>, vector<1x16xf32>,
        %add3A_1841 = arith.constant 1 : i32
        %add3A_1842 = arith.addi %mul3A_1789, %add3A_1841 : i32
        %get3A_1843 = arith.index_cast %add3A_1842 : i32 to index
        %get3A_1844 = arith.constant 16 : index
        %get3A_1845 = tpu.vector_load %arg7[%get3A_1843, %get3A_1844] {strides = array<i32>} : memref<1664x32xf32, #tpu.memory_space<vmem>>, vector<1x16xf32>,
        %get3A_1846 = vector.shape_cast %get3A_1845 : vector<1x16xf32> to vector<16xf32>
        %get3A_1847 = arith.constant 48 : index
        %get3A_1848 = tpu.vector_load %arg9[%get3A_1847] {strides = array<i32>} : memref<832xf32, #tpu.memory_space<vmem>>, vector<16xf32>,
        %get3A_1849 = vector.shape_cast %get3A_1848 : vector<16xf32> to vector<16xf32>
        %add3A_1850 = arith.addf %get3A_1846, %get3A_1849 : vector<16xf32>
        %add3A_1851 = arith.constant 1 : i32
        %add3A_1852 = arith.addi %mul3A_1789, %add3A_1851 : i32
        %swap3A_1853 = arith.index_cast %add3A_1852 : i32 to index
        %swap3A_1854 = arith.constant 16 : index
        %swap3A_1855 = tpu.vector_load %arg7[%swap3A_1853, %swap3A_1854] {strides = array<i32>} : memref<1664x32xf32, #tpu.memory_space<vmem>>, vector<1x16xf32>,
        %swap3A_1856 = vector.shape_cast %swap3A_1855 : vector<1x16xf32> to vector<16xf32>
        %swap3A_1857 = vector.shape_cast %add3A_1850 : vector<16xf32> to vector<1x16xf32>
        tpu.vector_store %arg7[%swap3A_1853, %swap3A_1854], %swap3A_1857 {strides = array<i32>} : memref<1664x32xf32, #tpu.memory_space<vmem>>, vector<1x16xf32>,
        %add3A_1858 = arith.constant 2 : i32
        %add3A_1859 = arith.addi %mul3A_1789, %add3A_1858 : i32
        %get3A_1860 = arith.index_cast %add3A_1859 : i32 to index
        %get3A_1861 = arith.constant 0 : index
        %get3A_1862 = tpu.vector_load %arg7[%get3A_1860, %get3A_1861] {strides = array<i32>} : memref<1664x32xf32, #tpu.memory_space<vmem>>, vector<1x16xf32>,
        %get3A_1863 = vector.shape_cast %get3A_1862 : vector<1x16xf32> to vector<16xf32>
        %get3A_1864 = arith.constant 64 : index
        %get3A_1865 = tpu.vector_load %arg9[%get3A_1864] {strides = array<i32>} : memref<832xf32, #tpu.memory_space<vmem>>, vector<16xf32>,
        %get3A_1866 = vector.shape_cast %get3A_1865 : vector<16xf32> to vector<16xf32>
        %add3A_1867 = arith.addf %get3A_1863, %get3A_1866 : vector<16xf32>
        %add3A_1868 = arith.constant 2 : i32
        %add3A_1869 = arith.addi %mul3A_1789, %add3A_1868 : i32
        %swap3A_1870 = arith.index_cast %add3A_1869 : i32 to index
        %swap3A_1871 = arith.constant 0 : index
        %swap3A_1872 = tpu.vector_load %arg7[%swap3A_1870, %swap3A_1871] {strides = array<i32>} : memref<1664x32xf32, #tpu.memory_space<vmem>>, vector<1x16xf32>,
        %swap3A_1873 = vector.shape_cast %swap3A_1872 : vector<1x16xf32> to vector<16xf32>
        %swap3A_1874 = vector.shape_cast %add3A_1867 : vector<16xf32> to vector<1x16xf32>
        tpu.vector_store %arg7[%swap3A_1870, %swap3A_1871], %swap3A_1874 {strides = array<i32>} : memref<1664x32xf32, #tpu.memory_space<vmem>>, vector<1x16xf32>,
        %add3A_1875 = arith.constant 2 : i32
        %add3A_1876 = arith.addi %mul3A_1789, %add3A_1875 : i32
        %get3A_1877 = arith.index_cast %add3A_1876 : i32 to index
        %get3A_1878 = arith.constant 16 : index
        %get3A_1879 = tpu.vector_load %arg7[%get3A_1877, %get3A_1878] {strides = array<i32>} : memref<1664x32xf32, #tpu.memory_space<vmem>>, vector<1x16xf32>,
        %get3A_1880 = vector.shape_cast %get3A_1879 : vector<1x16xf32> to vector<16xf32>
        %get3A_1881 = arith.constant 80 : index
        %get3A_1882 = tpu.vector_load %arg9[%get3A_1881] {strides = array<i32>} : memref<832xf32, #tpu.memory_space<vmem>>, vector<16xf32>,
        %get3A_1883 = vector.shape_cast %get3A_1882 : vector<16xf32> to vector<16xf32>
        %add3A_1884 = arith.addf %get3A_1880, %get3A_1883 : vector<16xf32>
        %add3A_1885 = arith.constant 2 : i32
        %add3A_1886 = arith.addi %mul3A_1789, %add3A_1885 : i32
        %swap3A_1887 = arith.index_cast %add3A_1886 : i32 to index
        %swap3A_1888 = arith.constant 16 : index
        %swap3A_1889 = tpu.vector_load %arg7[%swap3A_1887, %swap3A_1888] {strides = array<i32>} : memref<1664x32xf32, #tpu.memory_space<vmem>>, vector<1x16xf32>,
        %swap3A_1890 = vector.shape_cast %swap3A_1889 : vector<1x16xf32> to vector<16xf32>
        %swap3A_1891 = vector.shape_cast %add3A_1884 : vector<16xf32> to vector<1x16xf32>
        tpu.vector_store %arg7[%swap3A_1887, %swap3A_1888], %swap3A_1891 {strides = array<i32>} : memref<1664x32xf32, #tpu.memory_space<vmem>>, vector<1x16xf32>,
        %add3A_1892 = arith.constant 3 : i32
        %add3A_1893 = arith.addi %mul3A_1789, %add3A_1892 : i32
        %get3A_1894 = arith.index_cast %add3A_1893 : i32 to index
        %get3A_1895 = arith.constant 0 : index
        %get3A_1896 = tpu.vector_load %arg7[%get3A_1894, %get3A_1895] {strides = array<i32>} : memref<1664x32xf32, #tpu.memory_space<vmem>>, vector<1x16xf32>,
        %get3A_1897 = vector.shape_cast %get3A_1896 : vector<1x16xf32> to vector<16xf32>
        %get3A_1898 = arith.constant 96 : index
        %get3A_1899 = tpu.vector_load %arg9[%get3A_1898] {strides = array<i32>} : memref<832xf32, #tpu.memory_space<vmem>>, vector<16xf32>,
        %get3A_1900 = vector.shape_cast %get3A_1899 : vector<16xf32> to vector<16xf32>
        %add3A_1901 = arith.addf %get3A_1897, %get3A_1900 : vector<16xf32>
        %add3A_1902 = arith.constant 3 : i32
        %add3A_1903 = arith.addi %mul3A_1789, %add3A_1902 : i32
        %swap3A_1904 = arith.index_cast %add3A_1903 : i32 to index
        %swap3A_1905 = arith.constant 0 : index
        %swap3A_1906 = tpu.vector_load %arg7[%swap3A_1904, %swap3A_1905] {strides = array<i32>} : memref<1664x32xf32, #tpu.memory_space<vmem>>, vector<1x16xf32>,
        %swap3A_1907 = vector.shape_cast %swap3A_1906 : vector<1x16xf32> to vector<16xf32>
        %swap3A_1908 = vector.shape_cast %add3A_1901 : vector<16xf32> to vector<1x16xf32>
        tpu.vector_store %arg7[%swap3A_1904, %swap3A_1905], %swap3A_1908 {strides = array<i32>} : memref<1664x32xf32, #tpu.memory_space<vmem>>, vector<1x16xf32>,
        %add3A_1909 = arith.constant 3 : i32
        %add3A_1910 = arith.addi %mul3A_1789, %add3A_1909 : i32
        %get3A_1911 = arith.index_cast %add3A_1910 : i32 to index
        %get3A_1912 = arith.constant 16 : index
        %get3A_1913 = tpu.vector_load %arg7[%get3A_1911, %get3A_1912] {strides = array<i32>} : memref<1664x32xf32, #tpu.memory_space<vmem>>, vector<1x16xf32>,
        %get3A_1914 = vector.shape_cast %get3A_1913 : vector<1x16xf32> to vector<16xf32>
        %get3A_1915 = arith.constant 112 : index
        %get3A_1916 = tpu.vector_load %arg9[%get3A_1915] {strides = array<i32>} : memref<832xf32, #tpu.memory_space<vmem>>, vector<16xf32>,
        %get3A_1917 = vector.shape_cast %get3A_1916 : vector<16xf32> to vector<16xf32>
        %add3A_1918 = arith.addf %get3A_1914, %get3A_1917 : vector<16xf32>
        %add3A_1919 = arith.constant 3 : i32
        %add3A_1920 = arith.addi %mul3A_1789, %add3A_1919 : i32
        %swap3A_1921 = arith.index_cast %add3A_1920 : i32 to index
        %swap3A_1922 = arith.constant 16 : index
        %swap3A_1923 = tpu.vector_load %arg7[%swap3A_1921, %swap3A_1922] {strides = array<i32>} : memref<1664x32xf32, #tpu.memory_space<vmem>>, vector<1x16xf32>,
        %swap3A_1924 = vector.shape_cast %swap3A_1923 : vector<1x16xf32> to vector<16xf32>
        %swap3A_1925 = vector.shape_cast %add3A_1918 : vector<16xf32> to vector<1x16xf32>
        tpu.vector_store %arg7[%swap3A_1921, %swap3A_1922], %swap3A_1925 {strides = array<i32>} : memref<1664x32xf32, #tpu.memory_space<vmem>>, vector<1x16xf32>,
        %add3A_1926 = arith.constant 4 : i32
        %add3A_1927 = arith.addi %mul3A_1789, %add3A_1926 : i32
        %get3A_1928 = arith.index_cast %add3A_1927 : i32 to index
        %get3A_1929 = arith.constant 0 : index
        %get3A_1930 = tpu.vector_load %arg7[%get3A_1928, %get3A_1929] {strides = array<i32>} : memref<1664x32xf32, #tpu.memory_space<vmem>>, vector<1x16xf32>,
        %get3A_1931 = vector.shape_cast %get3A_1930 : vector<1x16xf32> to vector<16xf32>
        %get3A_1932 = arith.constant 128 : index
        %get3A_1933 = tpu.vector_load %arg9[%get3A_1932] {strides = array<i32>} : memref<832xf32, #tpu.memory_space<vmem>>, vector<16xf32>,
        %get3A_1934 = vector.shape_cast %get3A_1933 : vector<16xf32> to vector<16xf32>
        %add3A_1935 = arith.addf %get3A_1931, %get3A_1934 : vector<16xf32>
        %add3A_1936 = arith.constant 4 : i32
        %add3A_1937 = arith.addi %mul3A_1789, %add3A_1936 : i32
        %swap3A_1938 = arith.index_cast %add3A_1937 : i32 to index
        %swap3A_1939 = arith.constant 0 : index
        %swap3A_1940 = tpu.vector_load %arg7[%swap3A_1938, %swap3A_1939] {strides = array<i32>} : memref<1664x32xf32, #tpu.memory_space<vmem>>, vector<1x16xf32>,
        %swap3A_1941 = vector.shape_cast %swap3A_1940 : vector<1x16xf32> to vector<16xf32>
        %swap3A_1942 = vector.shape_cast %add3A_1935 : vector<16xf32> to vector<1x16xf32>
        tpu.vector_store %arg7[%swap3A_1938, %swap3A_1939], %swap3A_1942 {strides = array<i32>} : memref<1664x32xf32, #tpu.memory_space<vmem>>, vector<1x16xf32>,
        %add3A_1943 = arith.constant 4 : i32
        %add3A_1944 = arith.addi %mul3A_1789, %add3A_1943 : i32
        %get3A_1945 = arith.index_cast %add3A_1944 : i32 to index
        %get3A_1946 = arith.constant 16 : index
        %get3A_1947 = tpu.vector_load %arg7[%get3A_1945, %get3A_1946] {strides = array<i32>} : memref<1664x32xf32, #tpu.memory_space<vmem>>, vector<1x16xf32>,
        %get3A_1948 = vector.shape_cast %get3A_1947 : vector<1x16xf32> to vector<16xf32>
        %get3A_1949 = arith.constant 144 : index
        %get3A_1950 = tpu.vector_load %arg9[%get3A_1949] {strides = array<i32>} : memref<832xf32, #tpu.memory_space<vmem>>, vector<16xf32>,
        %get3A_1951 = vector.shape_cast %get3A_1950 : vector<16xf32> to vector<16xf32>
        %add3A_1952 = arith.addf %get3A_1948, %get3A_1951 : vector<16xf32>
        %add3A_1953 = arith.constant 4 : i32
        %add3A_1954 = arith.addi %mul3A_1789, %add3A_1953 : i32
        %swap3A_1955 = arith.index_cast %add3A_1954 : i32 to index
        %swap3A_1956 = arith.constant 16 : index
        %swap3A_1957 = tpu.vector_load %arg7[%swap3A_1955, %swap3A_1956] {strides = array<i32>} : memref<1664x32xf32, #tpu.memory_space<vmem>>, vector<1x16xf32>,
        %swap3A_1958 = vector.shape_cast %swap3A_1957 : vector<1x16xf32> to vector<16xf32>
        %swap3A_1959 = vector.shape_cast %add3A_1952 : vector<16xf32> to vector<1x16xf32>
        tpu.vector_store %arg7[%swap3A_1955, %swap3A_1956], %swap3A_1959 {strides = array<i32>} : memref<1664x32xf32, #tpu.memory_space<vmem>>, vector<1x16xf32>,
        %add3A_1960 = arith.constant 5 : i32
        %add3A_1961 = arith.addi %mul3A_1789, %add3A_1960 : i32
        %get3A_1962 = arith.index_cast %add3A_1961 : i32 to index
        %get3A_1963 = arith.constant 0 : index
        %get3A_1964 = tpu.vector_load %arg7[%get3A_1962, %get3A_1963] {strides = array<i32>} : memref<1664x32xf32, #tpu.memory_space<vmem>>, vector<1x16xf32>,
        %get3A_1965 = vector.shape_cast %get3A_1964 : vector<1x16xf32> to vector<16xf32>
        %get3A_1966 = arith.constant 160 : index
        %get3A_1967 = tpu.vector_load %arg9[%get3A_1966] {strides = array<i32>} : memref<832xf32, #tpu.memory_space<vmem>>, vector<16xf32>,
        %get3A_1968 = vector.shape_cast %get3A_1967 : vector<16xf32> to vector<16xf32>
        %add3A_1969 = arith.addf %get3A_1965, %get3A_1968 : vector<16xf32>
        %add3A_1970 = arith.constant 5 : i32
        %add3A_1971 = arith.addi %mul3A_1789, %add3A_1970 : i32
        %swap3A_1972 = arith.index_cast %add3A_1971 : i32 to index
        %swap3A_1973 = arith.constant 0 : index
        %swap3A_1974 = tpu.vector_load %arg7[%swap3A_1972, %swap3A_1973] {strides = array<i32>} : memref<1664x32xf32, #tpu.memory_space<vmem>>, vector<1x16xf32>,
        %swap3A_1975 = vector.shape_cast %swap3A_1974 : vector<1x16xf32> to vector<16xf32>
        %swap3A_1976 = vector.shape_cast %add3A_1969 : vector<16xf32> to vector<1x16xf32>
        tpu.vector_store %arg7[%swap3A_1972, %swap3A_1973], %swap3A_1976 {strides = array<i32>} : memref<1664x32xf32, #tpu.memory_space<vmem>>, vector<1x16xf32>,
        %add3A_1977 = arith.constant 5 : i32
        %add3A_1978 = arith.addi %mul3A_1789, %add3A_1977 : i32
        %get3A_1979 = arith.index_cast %add3A_1978 : i32 to index
        %get3A_1980 = arith.constant 16 : index
        %get3A_1981 = tpu.vector_load %arg7[%get3A_1979, %get3A_1980] {strides = array<i32>} : memref<1664x32xf32, #tpu.memory_space<vmem>>, vector<1x16xf32>,
        %get3A_1982 = vector.shape_cast %get3A_1981 : vector<1x16xf32> to vector<16xf32>
        %get3A_1983 = arith.constant 176 : index
        %get3A_1984 = tpu.vector_load %arg9[%get3A_1983] {strides = array<i32>} : memref<832xf32, #tpu.memory_space<vmem>>, vector<16xf32>,
        %get3A_1985 = vector.shape_cast %get3A_1984 : vector<16xf32> to vector<16xf32>
        %add3A_1986 = arith.addf %get3A_1982, %get3A_1985 : vector<16xf32>
        %add3A_1987 = arith.constant 5 : i32
        %add3A_1988 = arith.addi %mul3A_1789, %add3A_1987 : i32
        %swap3A_1989 = arith.index_cast %add3A_1988 : i32 to index
        %swap3A_1990 = arith.constant 16 : index
        %swap3A_1991 = tpu.vector_load %arg7[%swap3A_1989, %swap3A_1990] {strides = array<i32>} : memref<1664x32xf32, #tpu.memory_space<vmem>>, vector<1x16xf32>,
        %swap3A_1992 = vector.shape_cast %swap3A_1991 : vector<1x16xf32> to vector<16xf32>
        %swap3A_1993 = vector.shape_cast %add3A_1986 : vector<16xf32> to vector<1x16xf32>
        tpu.vector_store %arg7[%swap3A_1989, %swap3A_1990], %swap3A_1993 {strides = array<i32>} : memref<1664x32xf32, #tpu.memory_space<vmem>>, vector<1x16xf32>,
        %add3A_1994 = arith.constant 6 : i32
        %add3A_1995 = arith.addi %mul3A_1789, %add3A_1994 : i32
        %get3A_1996 = arith.index_cast %add3A_1995 : i32 to index
        %get3A_1997 = arith.constant 0 : index
        %get3A_1998 = tpu.vector_load %arg7[%get3A_1996, %get3A_1997] {strides = array<i32>} : memref<1664x32xf32, #tpu.memory_space<vmem>>, vector<1x16xf32>,
        %get3A_1999 = vector.shape_cast %get3A_1998 : vector<1x16xf32> to vector<16xf32>
        %get3A_2000 = arith.constant 192 : index
        %get3A_2001 = tpu.vector_load %arg9[%get3A_2000] {strides = array<i32>} : memref<832xf32, #tpu.memory_space<vmem>>, vector<16xf32>,
        %get3A_2002 = vector.shape_cast %get3A_2001 : vector<16xf32> to vector<16xf32>
        %add3A_2003 = arith.addf %get3A_1999, %get3A_2002 : vector<16xf32>
        %add3A_2004 = arith.constant 6 : i32
        %add3A_2005 = arith.addi %mul3A_1789, %add3A_2004 : i32
        %swap3A_2006 = arith.index_cast %add3A_2005 : i32 to index
        %swap3A_2007 = arith.constant 0 : index
        %swap3A_2008 = tpu.vector_load %arg7[%swap3A_2006, %swap3A_2007] {strides = array<i32>} : memref<1664x32xf32, #tpu.memory_space<vmem>>, vector<1x16xf32>,
        %swap3A_2009 = vector.shape_cast %swap3A_2008 : vector<1x16xf32> to vector<16xf32>
        %swap3A_2010 = vector.shape_cast %add3A_2003 : vector<16xf32> to vector<1x16xf32>
        tpu.vector_store %arg7[%swap3A_2006, %swap3A_2007], %swap3A_2010 {strides = array<i32>} : memref<1664x32xf32, #tpu.memory_space<vmem>>, vector<1x16xf32>,
        %add3A_2011 = arith.constant 6 : i32
        %add3A_2012 = arith.addi %mul3A_1789, %add3A_2011 : i32
        %get3A_2013 = arith.index_cast %add3A_2012 : i32 to index
        %get3A_2014 = arith.constant 16 : index
        %get3A_2015 = tpu.vector_load %arg7[%get3A_2013, %get3A_2014] {strides = array<i32>} : memref<1664x32xf32, #tpu.memory_space<vmem>>, vector<1x16xf32>,
        %get3A_2016 = vector.shape_cast %get3A_2015 : vector<1x16xf32> to vector<16xf32>
        %get3A_2017 = arith.constant 208 : index
        %get3A_2018 = tpu.vector_load %arg9[%get3A_2017] {strides = array<i32>} : memref<832xf32, #tpu.memory_space<vmem>>, vector<16xf32>,
        %get3A_2019 = vector.shape_cast %get3A_2018 : vector<16xf32> to vector<16xf32>
        %add3A_2020 = arith.addf %get3A_2016, %get3A_2019 : vector<16xf32>
        %add3A_2021 = arith.constant 6 : i32
        %add3A_2022 = arith.addi %mul3A_1789, %add3A_2021 : i32
        %swap3A_2023 = arith.index_cast %add3A_2022 : i32 to index
        %swap3A_2024 = arith.constant 16 : index
        %swap3A_2025 = tpu.vector_load %arg7[%swap3A_2023, %swap3A_2024] {strides = array<i32>} : memref<1664x32xf32, #tpu.memory_space<vmem>>, vector<1x16xf32>,
        %swap3A_2026 = vector.shape_cast %swap3A_2025 : vector<1x16xf32> to vector<16xf32>
        %swap3A_2027 = vector.shape_cast %add3A_2020 : vector<16xf32> to vector<1x16xf32>
        tpu.vector_store %arg7[%swap3A_2023, %swap3A_2024], %swap3A_2027 {strides = array<i32>} : memref<1664x32xf32, #tpu.memory_space<vmem>>, vector<1x16xf32>,
        %add3A_2028 = arith.constant 7 : i32
        %add3A_2029 = arith.addi %mul3A_1789, %add3A_2028 : i32
        %get3A_2030 = arith.index_cast %add3A_2029 : i32 to index
        %get3A_2031 = arith.constant 0 : index
        %get3A_2032 = tpu.vector_load %arg7[%get3A_2030, %get3A_2031] {strides = array<i32>} : memref<1664x32xf32, #tpu.memory_space<vmem>>, vector<1x16xf32>,
        %get3A_2033 = vector.shape_cast %get3A_2032 : vector<1x16xf32> to vector<16xf32>
        %get3A_2034 = arith.constant 224 : index
        %get3A_2035 = tpu.vector_load %arg9[%get3A_2034] {strides = array<i32>} : memref<832xf32, #tpu.memory_space<vmem>>, vector<16xf32>,
        %get3A_2036 = vector.shape_cast %get3A_2035 : vector<16xf32> to vector<16xf32>
        %add3A_2037 = arith.addf %get3A_2033, %get3A_2036 : vector<16xf32>
        %add3A_2038 = arith.constant 7 : i32
        %add3A_2039 = arith.addi %mul3A_1789, %add3A_2038 : i32
        %swap3A_2040 = arith.index_cast %add3A_2039 : i32 to index
        %swap3A_2041 = arith.constant 0 : index
        %swap3A_2042 = tpu.vector_load %arg7[%swap3A_2040, %swap3A_2041] {strides = array<i32>} : memref<1664x32xf32, #tpu.memory_space<vmem>>, vector<1x16xf32>,
        %swap3A_2043 = vector.shape_cast %swap3A_2042 : vector<1x16xf32> to vector<16xf32>
        %swap3A_2044 = vector.shape_cast %add3A_2037 : vector<16xf32> to vector<1x16xf32>
        tpu.vector_store %arg7[%swap3A_2040, %swap3A_2041], %swap3A_2044 {strides = array<i32>} : memref<1664x32xf32, #tpu.memory_space<vmem>>, vector<1x16xf32>,
        %add3A_2045 = arith.constant 7 : i32
        %add3A_2046 = arith.addi %mul3A_1789, %add3A_2045 : i32
        %get3A_2047 = arith.index_cast %add3A_2046 : i32 to index
        %get3A_2048 = arith.constant 16 : index
        %get3A_2049 = tpu.vector_load %arg7[%get3A_2047, %get3A_2048] {strides = array<i32>} : memref<1664x32xf32, #tpu.memory_space<vmem>>, vector<1x16xf32>,
        %get3A_2050 = vector.shape_cast %get3A_2049 : vector<1x16xf32> to vector<16xf32>
        %get3A_2051 = arith.constant 240 : index
        %get3A_2052 = tpu.vector_load %arg9[%get3A_2051] {strides = array<i32>} : memref<832xf32, #tpu.memory_space<vmem>>, vector<16xf32>,
        %get3A_2053 = vector.shape_cast %get3A_2052 : vector<16xf32> to vector<16xf32>
        %add3A_2054 = arith.addf %get3A_2050, %get3A_2053 : vector<16xf32>
        %add3A_2055 = arith.constant 7 : i32
        %add3A_2056 = arith.addi %mul3A_1789, %add3A_2055 : i32
        %swap3A_2057 = arith.index_cast %add3A_2056 : i32 to index
        %swap3A_2058 = arith.constant 16 : index
        %swap3A_2059 = tpu.vector_load %arg7[%swap3A_2057, %swap3A_2058] {strides = array<i32>} : memref<1664x32xf32, #tpu.memory_space<vmem>>, vector<1x16xf32>,
        %swap3A_2060 = vector.shape_cast %swap3A_2059 : vector<1x16xf32> to vector<16xf32>
        %swap3A_2061 = vector.shape_cast %add3A_2054 : vector<16xf32> to vector<1x16xf32>
        tpu.vector_store %arg7[%swap3A_2057, %swap3A_2058], %swap3A_2061 {strides = array<i32>} : memref<1664x32xf32, #tpu.memory_space<vmem>>, vector<1x16xf32>,
        %add3A_2062 = arith.constant 8 : i32
        %add3A_2063 = arith.addi %mul3A_1789, %add3A_2062 : i32
        %get3A_2064 = arith.index_cast %add3A_2063 : i32 to index
        %get3A_2065 = arith.constant 0 : index
        %get3A_2066 = tpu.vector_load %arg7[%get3A_2064, %get3A_2065] {strides = array<i32>} : memref<1664x32xf32, #tpu.memory_space<vmem>>, vector<1x16xf32>,
        %get3A_2067 = vector.shape_cast %get3A_2066 : vector<1x16xf32> to vector<16xf32>
        %get3A_2068 = arith.constant 256 : index
        %get3A_2069 = tpu.vector_load %arg9[%get3A_2068] {strides = array<i32>} : memref<832xf32, #tpu.memory_space<vmem>>, vector<16xf32>,
        %get3A_2070 = vector.shape_cast %get3A_2069 : vector<16xf32> to vector<16xf32>
        %add3A_2071 = arith.addf %get3A_2067, %get3A_2070 : vector<16xf32>
        %add3A_2072 = arith.constant 8 : i32
        %add3A_2073 = arith.addi %mul3A_1789, %add3A_2072 : i32
        %swap3A_2074 = arith.index_cast %add3A_2073 : i32 to index
        %swap3A_2075 = arith.constant 0 : index
        %swap3A_2076 = tpu.vector_load %arg7[%swap3A_2074, %swap3A_2075] {strides = array<i32>} : memref<1664x32xf32, #tpu.memory_space<vmem>>, vector<1x16xf32>,
        %swap3A_2077 = vector.shape_cast %swap3A_2076 : vector<1x16xf32> to vector<16xf32>
        %swap3A_2078 = vector.shape_cast %add3A_2071 : vector<16xf32> to vector<1x16xf32>
        tpu.vector_store %arg7[%swap3A_2074, %swap3A_2075], %swap3A_2078 {strides = array<i32>} : memref<1664x32xf32, #tpu.memory_space<vmem>>, vector<1x16xf32>,
        %add3A_2079 = arith.constant 8 : i32
        %add3A_2080 = arith.addi %mul3A_1789, %add3A_2079 : i32
        %get3A_2081 = arith.index_cast %add3A_2080 : i32 to index
        %get3A_2082 = arith.constant 16 : index
        %get3A_2083 = tpu.vector_load %arg7[%get3A_2081, %get3A_2082] {strides = array<i32>} : memref<1664x32xf32, #tpu.memory_space<vmem>>, vector<1x16xf32>,
        %get3A_2084 = vector.shape_cast %get3A_2083 : vector<1x16xf32> to vector<16xf32>
        %get3A_2085 = arith.constant 272 : index
        %get3A_2086 = tpu.vector_load %arg9[%get3A_2085] {strides = array<i32>} : memref<832xf32, #tpu.memory_space<vmem>>, vector<16xf32>,
        %get3A_2087 = vector.shape_cast %get3A_2086 : vector<16xf32> to vector<16xf32>
        %add3A_2088 = arith.addf %get3A_2084, %get3A_2087 : vector<16xf32>
        %add3A_2089 = arith.constant 8 : i32
        %add3A_2090 = arith.addi %mul3A_1789, %add3A_2089 : i32
        %swap3A_2091 = arith.index_cast %add3A_2090 : i32 to index
        %swap3A_2092 = arith.constant 16 : index
        %swap3A_2093 = tpu.vector_load %arg7[%swap3A_2091, %swap3A_2092] {strides = array<i32>} : memref<1664x32xf32, #tpu.memory_space<vmem>>, vector<1x16xf32>,
        %swap3A_2094 = vector.shape_cast %swap3A_2093 : vector<1x16xf32> to vector<16xf32>
        %swap3A_2095 = vector.shape_cast %add3A_2088 : vector<16xf32> to vector<1x16xf32>
        tpu.vector_store %arg7[%swap3A_2091, %swap3A_2092], %swap3A_2095 {strides = array<i32>} : memref<1664x32xf32, #tpu.memory_space<vmem>>, vector<1x16xf32>,
        %add3A_2096 = arith.constant 9 : i32
        %add3A_2097 = arith.addi %mul3A_1789, %add3A_2096 : i32
        %get3A_2098 = arith.index_cast %add3A_2097 : i32 to index
        %get3A_2099 = arith.constant 0 : index
        %get3A_2100 = tpu.vector_load %arg7[%get3A_2098, %get3A_2099] {strides = array<i32>} : memref<1664x32xf32, #tpu.memory_space<vmem>>, vector<1x16xf32>,
        %get3A_2101 = vector.shape_cast %get3A_2100 : vector<1x16xf32> to vector<16xf32>
        %get3A_2102 = arith.constant 288 : index
        %get3A_2103 = tpu.vector_load %arg9[%get3A_2102] {strides = array<i32>} : memref<832xf32, #tpu.memory_space<vmem>>, vector<16xf32>,
        %get3A_2104 = vector.shape_cast %get3A_2103 : vector<16xf32> to vector<16xf32>
        %add3A_2105 = arith.addf %get3A_2101, %get3A_2104 : vector<16xf32>
        %add3A_2106 = arith.constant 9 : i32
        %add3A_2107 = arith.addi %mul3A_1789, %add3A_2106 : i32
        %swap3A_2108 = arith.index_cast %add3A_2107 : i32 to index
        %swap3A_2109 = arith.constant 0 : index
        %swap3A_2110 = tpu.vector_load %arg7[%swap3A_2108, %swap3A_2109] {strides = array<i32>} : memref<1664x32xf32, #tpu.memory_space<vmem>>, vector<1x16xf32>,
        %swap3A_2111 = vector.shape_cast %swap3A_2110 : vector<1x16xf32> to vector<16xf32>
        %swap3A_2112 = vector.shape_cast %add3A_2105 : vector<16xf32> to vector<1x16xf32>
        tpu.vector_store %arg7[%swap3A_2108, %swap3A_2109], %swap3A_2112 {strides = array<i32>} : memref<1664x32xf32, #tpu.memory_space<vmem>>, vector<1x16xf32>,
        %add3A_2113 = arith.constant 9 : i32
        %add3A_2114 = arith.addi %mul3A_1789, %add3A_2113 : i32
        %get3A_2115 = arith.index_cast %add3A_2114 : i32 to index
        %get3A_2116 = arith.constant 16 : index
        %get3A_2117 = tpu.vector_load %arg7[%get3A_2115, %get3A_2116] {strides = array<i32>} : memref<1664x32xf32, #tpu.memory_space<vmem>>, vector<1x16xf32>,
        %get3A_2118 = vector.shape_cast %get3A_2117 : vector<1x16xf32> to vector<16xf32>
        %get3A_2119 = arith.constant 304 : index
        %get3A_2120 = tpu.vector_load %arg9[%get3A_2119] {strides = array<i32>} : memref<832xf32, #tpu.memory_space<vmem>>, vector<16xf32>,
        %get3A_2121 = vector.shape_cast %get3A_2120 : vector<16xf32> to vector<16xf32>
        %add3A_2122 = arith.addf %get3A_2118, %get3A_2121 : vector<16xf32>
        %add3A_2123 = arith.constant 9 : i32
        %add3A_2124 = arith.addi %mul3A_1789, %add3A_2123 : i32
        %swap3A_2125 = arith.index_cast %add3A_2124 : i32 to index
        %swap3A_2126 = arith.constant 16 : index
        %swap3A_2127 = tpu.vector_load %arg7[%swap3A_2125, %swap3A_2126] {strides = array<i32>} : memref<1664x32xf32, #tpu.memory_space<vmem>>, vector<1x16xf32>,
        %swap3A_2128 = vector.shape_cast %swap3A_2127 : vector<1x16xf32> to vector<16xf32>
        %swap3A_2129 = vector.shape_cast %add3A_2122 : vector<16xf32> to vector<1x16xf32>
        tpu.vector_store %arg7[%swap3A_2125, %swap3A_2126], %swap3A_2129 {strides = array<i32>} : memref<1664x32xf32, #tpu.memory_space<vmem>>, vector<1x16xf32>,
        %add3A_2130 = arith.constant 10 : i32
        %add3A_2131 = arith.addi %mul3A_1789, %add3A_2130 : i32
        %get3A_2132 = arith.index_cast %add3A_2131 : i32 to index
        %get3A_2133 = arith.constant 0 : index
        %get3A_2134 = tpu.vector_load %arg7[%get3A_2132, %get3A_2133] {strides = array<i32>} : memref<1664x32xf32, #tpu.memory_space<vmem>>, vector<1x16xf32>,
        %get3A_2135 = vector.shape_cast %get3A_2134 : vector<1x16xf32> to vector<16xf32>
        %get3A_2136 = arith.constant 320 : index
        %get3A_2137 = tpu.vector_load %arg9[%get3A_2136] {strides = array<i32>} : memref<832xf32, #tpu.memory_space<vmem>>, vector<16xf32>,
        %get3A_2138 = vector.shape_cast %get3A_2137 : vector<16xf32> to vector<16xf32>
        %add3A_2139 = arith.addf %get3A_2135, %get3A_2138 : vector<16xf32>
        %add3A_2140 = arith.constant 10 : i32
        %add3A_2141 = arith.addi %mul3A_1789, %add3A_2140 : i32
        %swap3A_2142 = arith.index_cast %add3A_2141 : i32 to index
        %swap3A_2143 = arith.constant 0 : index
        %swap3A_2144 = tpu.vector_load %arg7[%swap3A_2142, %swap3A_2143] {strides = array<i32>} : memref<1664x32xf32, #tpu.memory_space<vmem>>, vector<1x16xf32>,
        %swap3A_2145 = vector.shape_cast %swap3A_2144 : vector<1x16xf32> to vector<16xf32>
        %swap3A_2146 = vector.shape_cast %add3A_2139 : vector<16xf32> to vector<1x16xf32>
        tpu.vector_store %arg7[%swap3A_2142, %swap3A_2143], %swap3A_2146 {strides = array<i32>} : memref<1664x32xf32, #tpu.memory_space<vmem>>, vector<1x16xf32>,
        %add3A_2147 = arith.constant 10 : i32
        %add3A_2148 = arith.addi %mul3A_1789, %add3A_2147 : i32
        %get3A_2149 = arith.index_cast %add3A_2148 : i32 to index
        %get3A_2150 = arith.constant 16 : index
        %get3A_2151 = tpu.vector_load %arg7[%get3A_2149, %get3A_2150] {strides = array<i32>} : memref<1664x32xf32, #tpu.memory_space<vmem>>, vector<1x16xf32>,
        %get3A_2152 = vector.shape_cast %get3A_2151 : vector<1x16xf32> to vector<16xf32>
        %get3A_2153 = arith.constant 336 : index
        %get3A_2154 = tpu.vector_load %arg9[%get3A_2153] {strides = array<i32>} : memref<832xf32, #tpu.memory_space<vmem>>, vector<16xf32>,
        %get3A_2155 = vector.shape_cast %get3A_2154 : vector<16xf32> to vector<16xf32>
        %add3A_2156 = arith.addf %get3A_2152, %get3A_2155 : vector<16xf32>
        %add3A_2157 = arith.constant 10 : i32
        %add3A_2158 = arith.addi %mul3A_1789, %add3A_2157 : i32
        %swap3A_2159 = arith.index_cast %add3A_2158 : i32 to index
        %swap3A_2160 = arith.constant 16 : index
        %swap3A_2161 = tpu.vector_load %arg7[%swap3A_2159, %swap3A_2160] {strides = array<i32>} : memref<1664x32xf32, #tpu.memory_space<vmem>>, vector<1x16xf32>,
        %swap3A_2162 = vector.shape_cast %swap3A_2161 : vector<1x16xf32> to vector<16xf32>
        %swap3A_2163 = vector.shape_cast %add3A_2156 : vector<16xf32> to vector<1x16xf32>
        tpu.vector_store %arg7[%swap3A_2159, %swap3A_2160], %swap3A_2163 {strides = array<i32>} : memref<1664x32xf32, #tpu.memory_space<vmem>>, vector<1x16xf32>,
        %add3A_2164 = arith.constant 11 : i32
        %add3A_2165 = arith.addi %mul3A_1789, %add3A_2164 : i32
        %get3A_2166 = arith.index_cast %add3A_2165 : i32 to index
        %get3A_2167 = arith.constant 0 : index
        %get3A_2168 = tpu.vector_load %arg7[%get3A_2166, %get3A_2167] {strides = array<i32>} : memref<1664x32xf32, #tpu.memory_space<vmem>>, vector<1x16xf32>,
        %get3A_2169 = vector.shape_cast %get3A_2168 : vector<1x16xf32> to vector<16xf32>
        %get3A_2170 = arith.constant 352 : index
        %get3A_2171 = tpu.vector_load %arg9[%get3A_2170] {strides = array<i32>} : memref<832xf32, #tpu.memory_space<vmem>>, vector<16xf32>,
        %get3A_2172 = vector.shape_cast %get3A_2171 : vector<16xf32> to vector<16xf32>
        %add3A_2173 = arith.addf %get3A_2169, %get3A_2172 : vector<16xf32>
        %add3A_2174 = arith.constant 11 : i32
        %add3A_2175 = arith.addi %mul3A_1789, %add3A_2174 : i32
        %swap3A_2176 = arith.index_cast %add3A_2175 : i32 to index
        %swap3A_2177 = arith.constant 0 : index
        %swap3A_2178 = tpu.vector_load %arg7[%swap3A_2176, %swap3A_2177] {strides = array<i32>} : memref<1664x32xf32, #tpu.memory_space<vmem>>, vector<1x16xf32>,
        %swap3A_2179 = vector.shape_cast %swap3A_2178 : vector<1x16xf32> to vector<16xf32>
        %swap3A_2180 = vector.shape_cast %add3A_2173 : vector<16xf32> to vector<1x16xf32>
        tpu.vector_store %arg7[%swap3A_2176, %swap3A_2177], %swap3A_2180 {strides = array<i32>} : memref<1664x32xf32, #tpu.memory_space<vmem>>, vector<1x16xf32>,
        %add3A_2181 = arith.constant 11 : i32
        %add3A_2182 = arith.addi %mul3A_1789, %add3A_2181 : i32
        %get3A_2183 = arith.index_cast %add3A_2182 : i32 to index
        %get3A_2184 = arith.constant 16 : index
        %get3A_2185 = tpu.vector_load %arg7[%get3A_2183, %get3A_2184] {strides = array<i32>} : memref<1664x32xf32, #tpu.memory_space<vmem>>, vector<1x16xf32>,
        %get3A_2186 = vector.shape_cast %get3A_2185 : vector<1x16xf32> to vector<16xf32>
        %get3A_2187 = arith.constant 368 : index
        %get3A_2188 = tpu.vector_load %arg9[%get3A_2187] {strides = array<i32>} : memref<832xf32, #tpu.memory_space<vmem>>, vector<16xf32>,
        %get3A_2189 = vector.shape_cast %get3A_2188 : vector<16xf32> to vector<16xf32>
        %add3A_2190 = arith.addf %get3A_2186, %get3A_2189 : vector<16xf32>
        %add3A_2191 = arith.constant 11 : i32
        %add3A_2192 = arith.addi %mul3A_1789, %add3A_2191 : i32
        %swap3A_2193 = arith.index_cast %add3A_2192 : i32 to index
        %swap3A_2194 = arith.constant 16 : index
        %swap3A_2195 = tpu.vector_load %arg7[%swap3A_2193, %swap3A_2194] {strides = array<i32>} : memref<1664x32xf32, #tpu.memory_space<vmem>>, vector<1x16xf32>,
        %swap3A_2196 = vector.shape_cast %swap3A_2195 : vector<1x16xf32> to vector<16xf32>
        %swap3A_2197 = vector.shape_cast %add3A_2190 : vector<16xf32> to vector<1x16xf32>
        tpu.vector_store %arg7[%swap3A_2193, %swap3A_2194], %swap3A_2197 {strides = array<i32>} : memref<1664x32xf32, #tpu.memory_space<vmem>>, vector<1x16xf32>,
        %add3A_2198 = arith.constant 12 : i32
        %add3A_2199 = arith.addi %mul3A_1789, %add3A_2198 : i32
        %get3A_2200 = arith.index_cast %add3A_2199 : i32 to index
        %get3A_2201 = arith.constant 0 : index
        %get3A_2202 = tpu.vector_load %arg7[%get3A_2200, %get3A_2201] {strides = array<i32>} : memref<1664x32xf32, #tpu.memory_space<vmem>>, vector<1x16xf32>,
        %get3A_2203 = vector.shape_cast %get3A_2202 : vector<1x16xf32> to vector<16xf32>
        %get3A_2204 = arith.constant 384 : index
        %get3A_2205 = tpu.vector_load %arg9[%get3A_2204] {strides = array<i32>} : memref<832xf32, #tpu.memory_space<vmem>>, vector<16xf32>,
        %get3A_2206 = vector.shape_cast %get3A_2205 : vector<16xf32> to vector<16xf32>
        %add3A_2207 = arith.addf %get3A_2203, %get3A_2206 : vector<16xf32>
        %add3A_2208 = arith.constant 12 : i32
        %add3A_2209 = arith.addi %mul3A_1789, %add3A_2208 : i32
        %swap3A_2210 = arith.index_cast %add3A_2209 : i32 to index
        %swap3A_2211 = arith.constant 0 : index
        %swap3A_2212 = tpu.vector_load %arg7[%swap3A_2210, %swap3A_2211] {strides = array<i32>} : memref<1664x32xf32, #tpu.memory_space<vmem>>, vector<1x16xf32>,
        %swap3A_2213 = vector.shape_cast %swap3A_2212 : vector<1x16xf32> to vector<16xf32>
        %swap3A_2214 = vector.shape_cast %add3A_2207 : vector<16xf32> to vector<1x16xf32>
        tpu.vector_store %arg7[%swap3A_2210, %swap3A_2211], %swap3A_2214 {strides = array<i32>} : memref<1664x32xf32, #tpu.memory_space<vmem>>, vector<1x16xf32>,
        %add3A_2215 = arith.constant 12 : i32
        %add3A_2216 = arith.addi %mul3A_1789, %add3A_2215 : i32
        %get3A_2217 = arith.index_cast %add3A_2216 : i32 to index
        %get3A_2218 = arith.constant 16 : index
        %get3A_2219 = tpu.vector_load %arg7[%get3A_2217, %get3A_2218] {strides = array<i32>} : memref<1664x32xf32, #tpu.memory_space<vmem>>, vector<1x16xf32>,
        %get3A_2220 = vector.shape_cast %get3A_2219 : vector<1x16xf32> to vector<16xf32>
        %get3A_2221 = arith.constant 400 : index
        %get3A_2222 = tpu.vector_load %arg9[%get3A_2221] {strides = array<i32>} : memref<832xf32, #tpu.memory_space<vmem>>, vector<16xf32>,
        %get3A_2223 = vector.shape_cast %get3A_2222 : vector<16xf32> to vector<16xf32>
        %add3A_2224 = arith.addf %get3A_2220, %get3A_2223 : vector<16xf32>
        %add3A_2225 = arith.constant 12 : i32
        %add3A_2226 = arith.addi %mul3A_1789, %add3A_2225 : i32
        %swap3A_2227 = arith.index_cast %add3A_2226 : i32 to index
        %swap3A_2228 = arith.constant 16 : index
        %swap3A_2229 = tpu.vector_load %arg7[%swap3A_2227, %swap3A_2228] {strides = array<i32>} : memref<1664x32xf32, #tpu.memory_space<vmem>>, vector<1x16xf32>,
        %swap3A_2230 = vector.shape_cast %swap3A_2229 : vector<1x16xf32> to vector<16xf32>
        %swap3A_2231 = vector.shape_cast %add3A_2224 : vector<16xf32> to vector<1x16xf32>
        tpu.vector_store %arg7[%swap3A_2227, %swap3A_2228], %swap3A_2231 {strides = array<i32>} : memref<1664x32xf32, #tpu.memory_space<vmem>>, vector<1x16xf32>,
        %add3A_2232 = arith.constant 13 : i32
        %add3A_2233 = arith.addi %mul3A_1789, %add3A_2232 : i32
        %get3A_2234 = arith.index_cast %add3A_2233 : i32 to index
        %get3A_2235 = arith.constant 0 : index
        %get3A_2236 = tpu.vector_load %arg7[%get3A_2234, %get3A_2235] {strides = array<i32>} : memref<1664x32xf32, #tpu.memory_space<vmem>>, vector<1x16xf32>,
        %get3A_2237 = vector.shape_cast %get3A_2236 : vector<1x16xf32> to vector<16xf32>
        %get3A_2238 = arith.constant 416 : index
        %get3A_2239 = tpu.vector_load %arg9[%get3A_2238] {strides = array<i32>} : memref<832xf32, #tpu.memory_space<vmem>>, vector<16xf32>,
        %get3A_2240 = vector.shape_cast %get3A_2239 : vector<16xf32> to vector<16xf32>
        %add3A_2241 = arith.addf %get3A_2237, %get3A_2240 : vector<16xf32>
        %add3A_2242 = arith.constant 13 : i32
        %add3A_2243 = arith.addi %mul3A_1789, %add3A_2242 : i32
        %swap3A_2244 = arith.index_cast %add3A_2243 : i32 to index
        %swap3A_2245 = arith.constant 0 : index
        %swap3A_2246 = tpu.vector_load %arg7[%swap3A_2244, %swap3A_2245] {strides = array<i32>} : memref<1664x32xf32, #tpu.memory_space<vmem>>, vector<1x16xf32>,
        %swap3A_2247 = vector.shape_cast %swap3A_2246 : vector<1x16xf32> to vector<16xf32>
        %swap3A_2248 = vector.shape_cast %add3A_2241 : vector<16xf32> to vector<1x16xf32>
        tpu.vector_store %arg7[%swap3A_2244, %swap3A_2245], %swap3A_2248 {strides = array<i32>} : memref<1664x32xf32, #tpu.memory_space<vmem>>, vector<1x16xf32>,
        %add3A_2249 = arith.constant 13 : i32
        %add3A_2250 = arith.addi %mul3A_1789, %add3A_2249 : i32
        %get3A_2251 = arith.index_cast %add3A_2250 : i32 to index
        %get3A_2252 = arith.constant 16 : index
        %get3A_2253 = tpu.vector_load %arg7[%get3A_2251, %get3A_2252] {strides = array<i32>} : memref<1664x32xf32, #tpu.memory_space<vmem>>, vector<1x16xf32>,
        %get3A_2254 = vector.shape_cast %get3A_2253 : vector<1x16xf32> to vector<16xf32>
        %get3A_2255 = arith.constant 432 : index
        %get3A_2256 = tpu.vector_load %arg9[%get3A_2255] {strides = array<i32>} : memref<832xf32, #tpu.memory_space<vmem>>, vector<16xf32>,
        %get3A_2257 = vector.shape_cast %get3A_2256 : vector<16xf32> to vector<16xf32>
        %add3A_2258 = arith.addf %get3A_2254, %get3A_2257 : vector<16xf32>
        %add3A_2259 = arith.constant 13 : i32
        %add3A_2260 = arith.addi %mul3A_1789, %add3A_2259 : i32
        %swap3A_2261 = arith.index_cast %add3A_2260 : i32 to index
        %swap3A_2262 = arith.constant 16 : index
        %swap3A_2263 = tpu.vector_load %arg7[%swap3A_2261, %swap3A_2262] {strides = array<i32>} : memref<1664x32xf32, #tpu.memory_space<vmem>>, vector<1x16xf32>,
        %swap3A_2264 = vector.shape_cast %swap3A_2263 : vector<1x16xf32> to vector<16xf32>
        %swap3A_2265 = vector.shape_cast %add3A_2258 : vector<16xf32> to vector<1x16xf32>
        tpu.vector_store %arg7[%swap3A_2261, %swap3A_2262], %swap3A_2265 {strides = array<i32>} : memref<1664x32xf32, #tpu.memory_space<vmem>>, vector<1x16xf32>,
        %add3A_2266 = arith.constant 14 : i32
        %add3A_2267 = arith.addi %mul3A_1789, %add3A_2266 : i32
        %get3A_2268 = arith.index_cast %add3A_2267 : i32 to index
        %get3A_2269 = arith.constant 0 : index
        %get3A_2270 = tpu.vector_load %arg7[%get3A_2268, %get3A_2269] {strides = array<i32>} : memref<1664x32xf32, #tpu.memory_space<vmem>>, vector<1x16xf32>,
        %get3A_2271 = vector.shape_cast %get3A_2270 : vector<1x16xf32> to vector<16xf32>
        %get3A_2272 = arith.constant 448 : index
        %get3A_2273 = tpu.vector_load %arg9[%get3A_2272] {strides = array<i32>} : memref<832xf32, #tpu.memory_space<vmem>>, vector<16xf32>,
        %get3A_2274 = vector.shape_cast %get3A_2273 : vector<16xf32> to vector<16xf32>
        %add3A_2275 = arith.addf %get3A_2271, %get3A_2274 : vector<16xf32>
        %add3A_2276 = arith.constant 14 : i32
        %add3A_2277 = arith.addi %mul3A_1789, %add3A_2276 : i32
        %swap3A_2278 = arith.index_cast %add3A_2277 : i32 to index
        %swap3A_2279 = arith.constant 0 : index
        %swap3A_2280 = tpu.vector_load %arg7[%swap3A_2278, %swap3A_2279] {strides = array<i32>} : memref<1664x32xf32, #tpu.memory_space<vmem>>, vector<1x16xf32>,
        %swap3A_2281 = vector.shape_cast %swap3A_2280 : vector<1x16xf32> to vector<16xf32>
        %swap3A_2282 = vector.shape_cast %add3A_2275 : vector<16xf32> to vector<1x16xf32>
        tpu.vector_store %arg7[%swap3A_2278, %swap3A_2279], %swap3A_2282 {strides = array<i32>} : memref<1664x32xf32, #tpu.memory_space<vmem>>, vector<1x16xf32>,
        %add3A_2283 = arith.constant 14 : i32
        %add3A_2284 = arith.addi %mul3A_1789, %add3A_2283 : i32
        %get3A_2285 = arith.index_cast %add3A_2284 : i32 to index
        %get3A_2286 = arith.constant 16 : index
        %get3A_2287 = tpu.vector_load %arg7[%get3A_2285, %get3A_2286] {strides = array<i32>} : memref<1664x32xf32, #tpu.memory_space<vmem>>, vector<1x16xf32>,
        %get3A_2288 = vector.shape_cast %get3A_2287 : vector<1x16xf32> to vector<16xf32>
        %get3A_2289 = arith.constant 464 : index
        %get3A_2290 = tpu.vector_load %arg9[%get3A_2289] {strides = array<i32>} : memref<832xf32, #tpu.memory_space<vmem>>, vector<16xf32>,
        %get3A_2291 = vector.shape_cast %get3A_2290 : vector<16xf32> to vector<16xf32>
        %add3A_2292 = arith.addf %get3A_2288, %get3A_2291 : vector<16xf32>
        %add3A_2293 = arith.constant 14 : i32
        %add3A_2294 = arith.addi %mul3A_1789, %add3A_2293 : i32
        %swap3A_2295 = arith.index_cast %add3A_2294 : i32 to index
        %swap3A_2296 = arith.constant 16 : index
        %swap3A_2297 = tpu.vector_load %arg7[%swap3A_2295, %swap3A_2296] {strides = array<i32>} : memref<1664x32xf32, #tpu.memory_space<vmem>>, vector<1x16xf32>,
        %swap3A_2298 = vector.shape_cast %swap3A_2297 : vector<1x16xf32> to vector<16xf32>
        %swap3A_2299 = vector.shape_cast %add3A_2292 : vector<16xf32> to vector<1x16xf32>
        tpu.vector_store %arg7[%swap3A_2295, %swap3A_2296], %swap3A_2299 {strides = array<i32>} : memref<1664x32xf32, #tpu.memory_space<vmem>>, vector<1x16xf32>,
        %add3A_2300 = arith.constant 15 : i32
        %add3A_2301 = arith.addi %mul3A_1789, %add3A_2300 : i32
        %get3A_2302 = arith.index_cast %add3A_2301 : i32 to index
        %get3A_2303 = arith.constant 0 : index
        %get3A_2304 = tpu.vector_load %arg7[%get3A_2302, %get3A_2303] {strides = array<i32>} : memref<1664x32xf32, #tpu.memory_space<vmem>>, vector<1x16xf32>,
        %get3A_2305 = vector.shape_cast %get3A_2304 : vector<1x16xf32> to vector<16xf32>
        %get3A_2306 = arith.constant 480 : index
        %get3A_2307 = tpu.vector_load %arg9[%get3A_2306] {strides = array<i32>} : memref<832xf32, #tpu.memory_space<vmem>>, vector<16xf32>,
        %get3A_2308 = vector.shape_cast %get3A_2307 : vector<16xf32> to vector<16xf32>
        %add3A_2309 = arith.addf %get3A_2305, %get3A_2308 : vector<16xf32>
        %add3A_2310 = arith.constant 15 : i32
        %add3A_2311 = arith.addi %mul3A_1789, %add3A_2310 : i32
        %swap3A_2312 = arith.index_cast %add3A_2311 : i32 to index
        %swap3A_2313 = arith.constant 0 : index
        %swap3A_2314 = tpu.vector_load %arg7[%swap3A_2312, %swap3A_2313] {strides = array<i32>} : memref<1664x32xf32, #tpu.memory_space<vmem>>, vector<1x16xf32>,
        %swap3A_2315 = vector.shape_cast %swap3A_2314 : vector<1x16xf32> to vector<16xf32>
        %swap3A_2316 = vector.shape_cast %add3A_2309 : vector<16xf32> to vector<1x16xf32>
        tpu.vector_store %arg7[%swap3A_2312, %swap3A_2313], %swap3A_2316 {strides = array<i32>} : memref<1664x32xf32, #tpu.memory_space<vmem>>, vector<1x16xf32>,
        %add3A_2317 = arith.constant 15 : i32
        %add3A_2318 = arith.addi %mul3A_1789, %add3A_2317 : i32
        %get3A_2319 = arith.index_cast %add3A_2318 : i32 to index
        %get3A_2320 = arith.constant 16 : index
        %get3A_2321 = tpu.vector_load %arg7[%get3A_2319, %get3A_2320] {strides = array<i32>} : memref<1664x32xf32, #tpu.memory_space<vmem>>, vector<1x16xf32>,
        %get3A_2322 = vector.shape_cast %get3A_2321 : vector<1x16xf32> to vector<16xf32>
        %get3A_2323 = arith.constant 496 : index
        %get3A_2324 = tpu.vector_load %arg9[%get3A_2323] {strides = array<i32>} : memref<832xf32, #tpu.memory_space<vmem>>, vector<16xf32>,
        %get3A_2325 = vector.shape_cast %get3A_2324 : vector<16xf32> to vector<16xf32>
        %add3A_2326 = arith.addf %get3A_2322, %get3A_2325 : vector<16xf32>
        %add3A_2327 = arith.constant 15 : i32
        %add3A_2328 = arith.addi %mul3A_1789, %add3A_2327 : i32
        %swap3A_2329 = arith.index_cast %add3A_2328 : i32 to index
        %swap3A_2330 = arith.constant 16 : index
        %swap3A_2331 = tpu.vector_load %arg7[%swap3A_2329, %swap3A_2330] {strides = array<i32>} : memref<1664x32xf32, #tpu.memory_space<vmem>>, vector<1x16xf32>,
        %swap3A_2332 = vector.shape_cast %swap3A_2331 : vector<1x16xf32> to vector<16xf32>
        %swap3A_2333 = vector.shape_cast %add3A_2326 : vector<16xf32> to vector<1x16xf32>
        tpu.vector_store %arg7[%swap3A_2329, %swap3A_2330], %swap3A_2333 {strides = array<i32>} : memref<1664x32xf32, #tpu.memory_space<vmem>>, vector<1x16xf32>,
        %add3A_2334 = arith.constant 16 : i32
        %add3A_2335 = arith.addi %mul3A_1789, %add3A_2334 : i32
        %get3A_2336 = arith.index_cast %add3A_2335 : i32 to index
        %get3A_2337 = arith.constant 0 : index
        %get3A_2338 = tpu.vector_load %arg7[%get3A_2336, %get3A_2337] {strides = array<i32>} : memref<1664x32xf32, #tpu.memory_space<vmem>>, vector<1x16xf32>,
        %get3A_2339 = vector.shape_cast %get3A_2338 : vector<1x16xf32> to vector<16xf32>
        %get3A_2340 = arith.constant 512 : index
        %get3A_2341 = tpu.vector_load %arg9[%get3A_2340] {strides = array<i32>} : memref<832xf32, #tpu.memory_space<vmem>>, vector<16xf32>,
        %get3A_2342 = vector.shape_cast %get3A_2341 : vector<16xf32> to vector<16xf32>
        %add3A_2343 = arith.addf %get3A_2339, %get3A_2342 : vector<16xf32>
        %add3A_2344 = arith.constant 16 : i32
        %add3A_2345 = arith.addi %mul3A_1789, %add3A_2344 : i32
        %swap3A_2346 = arith.index_cast %add3A_2345 : i32 to index
        %swap3A_2347 = arith.constant 0 : index
        %swap3A_2348 = tpu.vector_load %arg7[%swap3A_2346, %swap3A_2347] {strides = array<i32>} : memref<1664x32xf32, #tpu.memory_space<vmem>>, vector<1x16xf32>,
        %swap3A_2349 = vector.shape_cast %swap3A_2348 : vector<1x16xf32> to vector<16xf32>
        %swap3A_2350 = vector.shape_cast %add3A_2343 : vector<16xf32> to vector<1x16xf32>
        tpu.vector_store %arg7[%swap3A_2346, %swap3A_2347], %swap3A_2350 {strides = array<i32>} : memref<1664x32xf32, #tpu.memory_space<vmem>>, vector<1x16xf32>,
        %add3A_2351 = arith.constant 16 : i32
        %add3A_2352 = arith.addi %mul3A_1789, %add3A_2351 : i32
        %get3A_2353 = arith.index_cast %add3A_2352 : i32 to index
        %get3A_2354 = arith.constant 16 : index
        %get3A_2355 = tpu.vector_load %arg7[%get3A_2353, %get3A_2354] {strides = array<i32>} : memref<1664x32xf32, #tpu.memory_space<vmem>>, vector<1x16xf32>,
        %get3A_2356 = vector.shape_cast %get3A_2355 : vector<1x16xf32> to vector<16xf32>
        %get3A_2357 = arith.constant 528 : index
        %get3A_2358 = tpu.vector_load %arg9[%get3A_2357] {strides = array<i32>} : memref<832xf32, #tpu.memory_space<vmem>>, vector<16xf32>,
        %get3A_2359 = vector.shape_cast %get3A_2358 : vector<16xf32> to vector<16xf32>
        %add3A_2360 = arith.addf %get3A_2356, %get3A_2359 : vector<16xf32>
        %add3A_2361 = arith.constant 16 : i32
        %add3A_2362 = arith.addi %mul3A_1789, %add3A_2361 : i32
        %swap3A_2363 = arith.index_cast %add3A_2362 : i32 to index
        %swap3A_2364 = arith.constant 16 : index
        %swap3A_2365 = tpu.vector_load %arg7[%swap3A_2363, %swap3A_2364] {strides = array<i32>} : memref<1664x32xf32, #tpu.memory_space<vmem>>, vector<1x16xf32>,
        %swap3A_2366 = vector.shape_cast %swap3A_2365 : vector<1x16xf32> to vector<16xf32>
        %swap3A_2367 = vector.shape_cast %add3A_2360 : vector<16xf32> to vector<1x16xf32>
        tpu.vector_store %arg7[%swap3A_2363, %swap3A_2364], %swap3A_2367 {strides = array<i32>} : memref<1664x32xf32, #tpu.memory_space<vmem>>, vector<1x16xf32>,
        %add3A_2368 = arith.constant 17 : i32
        %add3A_2369 = arith.addi %mul3A_1789, %add3A_2368 : i32
        %get3A_2370 = arith.index_cast %add3A_2369 : i32 to index
        %get3A_2371 = arith.constant 0 : index
        %get3A_2372 = tpu.vector_load %arg7[%get3A_2370, %get3A_2371] {strides = array<i32>} : memref<1664x32xf32, #tpu.memory_space<vmem>>, vector<1x16xf32>,
        %get3A_2373 = vector.shape_cast %get3A_2372 : vector<1x16xf32> to vector<16xf32>
        %get3A_2374 = arith.constant 544 : index
        %get3A_2375 = tpu.vector_load %arg9[%get3A_2374] {strides = array<i32>} : memref<832xf32, #tpu.memory_space<vmem>>, vector<16xf32>,
        %get3A_2376 = vector.shape_cast %get3A_2375 : vector<16xf32> to vector<16xf32>
        %add3A_2377 = arith.addf %get3A_2373, %get3A_2376 : vector<16xf32>
        %add3A_2378 = arith.constant 17 : i32
        %add3A_2379 = arith.addi %mul3A_1789, %add3A_2378 : i32
        %swap3A_2380 = arith.index_cast %add3A_2379 : i32 to index
        %swap3A_2381 = arith.constant 0 : index
        %swap3A_2382 = tpu.vector_load %arg7[%swap3A_2380, %swap3A_2381] {strides = array<i32>} : memref<1664x32xf32, #tpu.memory_space<vmem>>, vector<1x16xf32>,
        %swap3A_2383 = vector.shape_cast %swap3A_2382 : vector<1x16xf32> to vector<16xf32>
        %swap3A_2384 = vector.shape_cast %add3A_2377 : vector<16xf32> to vector<1x16xf32>
        tpu.vector_store %arg7[%swap3A_2380, %swap3A_2381], %swap3A_2384 {strides = array<i32>} : memref<1664x32xf32, #tpu.memory_space<vmem>>, vector<1x16xf32>,
        %add3A_2385 = arith.constant 17 : i32
        %add3A_2386 = arith.addi %mul3A_1789, %add3A_2385 : i32
        %get3A_2387 = arith.index_cast %add3A_2386 : i32 to index
        %get3A_2388 = arith.constant 16 : index
        %get3A_2389 = tpu.vector_load %arg7[%get3A_2387, %get3A_2388] {strides = array<i32>} : memref<1664x32xf32, #tpu.memory_space<vmem>>, vector<1x16xf32>,
        %get3A_2390 = vector.shape_cast %get3A_2389 : vector<1x16xf32> to vector<16xf32>
        %get3A_2391 = arith.constant 560 : index
        %get3A_2392 = tpu.vector_load %arg9[%get3A_2391] {strides = array<i32>} : memref<832xf32, #tpu.memory_space<vmem>>, vector<16xf32>,
        %get3A_2393 = vector.shape_cast %get3A_2392 : vector<16xf32> to vector<16xf32>
        %add3A_2394 = arith.addf %get3A_2390, %get3A_2393 : vector<16xf32>
        %add3A_2395 = arith.constant 17 : i32
        %add3A_2396 = arith.addi %mul3A_1789, %add3A_2395 : i32
        %swap3A_2397 = arith.index_cast %add3A_2396 : i32 to index
        %swap3A_2398 = arith.constant 16 : index
        %swap3A_2399 = tpu.vector_load %arg7[%swap3A_2397, %swap3A_2398] {strides = array<i32>} : memref<1664x32xf32, #tpu.memory_space<vmem>>, vector<1x16xf32>,
        %swap3A_2400 = vector.shape_cast %swap3A_2399 : vector<1x16xf32> to vector<16xf32>
        %swap3A_2401 = vector.shape_cast %add3A_2394 : vector<16xf32> to vector<1x16xf32>
        tpu.vector_store %arg7[%swap3A_2397, %swap3A_2398], %swap3A_2401 {strides = array<i32>} : memref<1664x32xf32, #tpu.memory_space<vmem>>, vector<1x16xf32>,
        %add3A_2402 = arith.constant 18 : i32
        %add3A_2403 = arith.addi %mul3A_1789, %add3A_2402 : i32
        %get3A_2404 = arith.index_cast %add3A_2403 : i32 to index
        %get3A_2405 = arith.constant 0 : index
        %get3A_2406 = tpu.vector_load %arg7[%get3A_2404, %get3A_2405] {strides = array<i32>} : memref<1664x32xf32, #tpu.memory_space<vmem>>, vector<1x16xf32>,
        %get3A_2407 = vector.shape_cast %get3A_2406 : vector<1x16xf32> to vector<16xf32>
        %get3A_2408 = arith.constant 576 : index
        %get3A_2409 = tpu.vector_load %arg9[%get3A_2408] {strides = array<i32>} : memref<832xf32, #tpu.memory_space<vmem>>, vector<16xf32>,
        %get3A_2410 = vector.shape_cast %get3A_2409 : vector<16xf32> to vector<16xf32>
        %add3A_2411 = arith.addf %get3A_2407, %get3A_2410 : vector<16xf32>
        %add3A_2412 = arith.constant 18 : i32
        %add3A_2413 = arith.addi %mul3A_1789, %add3A_2412 : i32
        %swap3A_2414 = arith.index_cast %add3A_2413 : i32 to index
        %swap3A_2415 = arith.constant 0 : index
        %swap3A_2416 = tpu.vector_load %arg7[%swap3A_2414, %swap3A_2415] {strides = array<i32>} : memref<1664x32xf32, #tpu.memory_space<vmem>>, vector<1x16xf32>,
        %swap3A_2417 = vector.shape_cast %swap3A_2416 : vector<1x16xf32> to vector<16xf32>
        %swap3A_2418 = vector.shape_cast %add3A_2411 : vector<16xf32> to vector<1x16xf32>
        tpu.vector_store %arg7[%swap3A_2414, %swap3A_2415], %swap3A_2418 {strides = array<i32>} : memref<1664x32xf32, #tpu.memory_space<vmem>>, vector<1x16xf32>,
        %add3A_2419 = arith.constant 18 : i32
        %add3A_2420 = arith.addi %mul3A_1789, %add3A_2419 : i32
        %get3A_2421 = arith.index_cast %add3A_2420 : i32 to index
        %get3A_2422 = arith.constant 16 : index
        %get3A_2423 = tpu.vector_load %arg7[%get3A_2421, %get3A_2422] {strides = array<i32>} : memref<1664x32xf32, #tpu.memory_space<vmem>>, vector<1x16xf32>,
        %get3A_2424 = vector.shape_cast %get3A_2423 : vector<1x16xf32> to vector<16xf32>
        %get3A_2425 = arith.constant 592 : index
        %get3A_2426 = tpu.vector_load %arg9[%get3A_2425] {strides = array<i32>} : memref<832xf32, #tpu.memory_space<vmem>>, vector<16xf32>,
        %get3A_2427 = vector.shape_cast %get3A_2426 : vector<16xf32> to vector<16xf32>
        %add3A_2428 = arith.addf %get3A_2424, %get3A_2427 : vector<16xf32>
        %add3A_2429 = arith.constant 18 : i32
        %add3A_2430 = arith.addi %mul3A_1789, %add3A_2429 : i32
        %swap3A_2431 = arith.index_cast %add3A_2430 : i32 to index
        %swap3A_2432 = arith.constant 16 : index
        %swap3A_2433 = tpu.vector_load %arg7[%swap3A_2431, %swap3A_2432] {strides = array<i32>} : memref<1664x32xf32, #tpu.memory_space<vmem>>, vector<1x16xf32>,
        %swap3A_2434 = vector.shape_cast %swap3A_2433 : vector<1x16xf32> to vector<16xf32>
        %swap3A_2435 = vector.shape_cast %add3A_2428 : vector<16xf32> to vector<1x16xf32>
        tpu.vector_store %arg7[%swap3A_2431, %swap3A_2432], %swap3A_2435 {strides = array<i32>} : memref<1664x32xf32, #tpu.memory_space<vmem>>, vector<1x16xf32>,
        %add3A_2436 = arith.constant 19 : i32
        %add3A_2437 = arith.addi %mul3A_1789, %add3A_2436 : i32
        %get3A_2438 = arith.index_cast %add3A_2437 : i32 to index
        %get3A_2439 = arith.constant 0 : index
        %get3A_2440 = tpu.vector_load %arg7[%get3A_2438, %get3A_2439] {strides = array<i32>} : memref<1664x32xf32, #tpu.memory_space<vmem>>, vector<1x16xf32>,
        %get3A_2441 = vector.shape_cast %get3A_2440 : vector<1x16xf32> to vector<16xf32>
        %get3A_2442 = arith.constant 608 : index
        %get3A_2443 = tpu.vector_load %arg9[%get3A_2442] {strides = array<i32>} : memref<832xf32, #tpu.memory_space<vmem>>, vector<16xf32>,
        %get3A_2444 = vector.shape_cast %get3A_2443 : vector<16xf32> to vector<16xf32>
        %add3A_2445 = arith.addf %get3A_2441, %get3A_2444 : vector<16xf32>
        %add3A_2446 = arith.constant 19 : i32
        %add3A_2447 = arith.addi %mul3A_1789, %add3A_2446 : i32
        %swap3A_2448 = arith.index_cast %add3A_2447 : i32 to index
        %swap3A_2449 = arith.constant 0 : index
        %swap3A_2450 = tpu.vector_load %arg7[%swap3A_2448, %swap3A_2449] {strides = array<i32>} : memref<1664x32xf32, #tpu.memory_space<vmem>>, vector<1x16xf32>,
        %swap3A_2451 = vector.shape_cast %swap3A_2450 : vector<1x16xf32> to vector<16xf32>
        %swap3A_2452 = vector.shape_cast %add3A_2445 : vector<16xf32> to vector<1x16xf32>
        tpu.vector_store %arg7[%swap3A_2448, %swap3A_2449], %swap3A_2452 {strides = array<i32>} : memref<1664x32xf32, #tpu.memory_space<vmem>>, vector<1x16xf32>,
        %add3A_2453 = arith.constant 19 : i32
        %add3A_2454 = arith.addi %mul3A_1789, %add3A_2453 : i32
        %get3A_2455 = arith.index_cast %add3A_2454 : i32 to index
        %get3A_2456 = arith.constant 16 : index
        %get3A_2457 = tpu.vector_load %arg7[%get3A_2455, %get3A_2456] {strides = array<i32>} : memref<1664x32xf32, #tpu.memory_space<vmem>>, vector<1x16xf32>,
        %get3A_2458 = vector.shape_cast %get3A_2457 : vector<1x16xf32> to vector<16xf32>
        %get3A_2459 = arith.constant 624 : index
        %get3A_2460 = tpu.vector_load %arg9[%get3A_2459] {strides = array<i32>} : memref<832xf32, #tpu.memory_space<vmem>>, vector<16xf32>,
        %get3A_2461 = vector.shape_cast %get3A_2460 : vector<16xf32> to vector<16xf32>
        %add3A_2462 = arith.addf %get3A_2458, %get3A_2461 : vector<16xf32>
        %add3A_2463 = arith.constant 19 : i32
        %add3A_2464 = arith.addi %mul3A_1789, %add3A_2463 : i32
        %swap3A_2465 = arith.index_cast %add3A_2464 : i32 to index
        %swap3A_2466 = arith.constant 16 : index
        %swap3A_2467 = tpu.vector_load %arg7[%swap3A_2465, %swap3A_2466] {strides = array<i32>} : memref<1664x32xf32, #tpu.memory_space<vmem>>, vector<1x16xf32>,
        %swap3A_2468 = vector.shape_cast %swap3A_2467 : vector<1x16xf32> to vector<16xf32>
        %swap3A_2469 = vector.shape_cast %add3A_2462 : vector<16xf32> to vector<1x16xf32>
        tpu.vector_store %arg7[%swap3A_2465, %swap3A_2466], %swap3A_2469 {strides = array<i32>} : memref<1664x32xf32, #tpu.memory_space<vmem>>, vector<1x16xf32>,
        %add3A_2470 = arith.constant 20 : i32
        %add3A_2471 = arith.addi %mul3A_1789, %add3A_2470 : i32
        %get3A_2472 = arith.index_cast %add3A_2471 : i32 to index
        %get3A_2473 = arith.constant 0 : index
        %get3A_2474 = tpu.vector_load %arg7[%get3A_2472, %get3A_2473] {strides = array<i32>} : memref<1664x32xf32, #tpu.memory_space<vmem>>, vector<1x16xf32>,
        %get3A_2475 = vector.shape_cast %get3A_2474 : vector<1x16xf32> to vector<16xf32>
        %get3A_2476 = arith.constant 640 : index
        %get3A_2477 = tpu.vector_load %arg9[%get3A_2476] {strides = array<i32>} : memref<832xf32, #tpu.memory_space<vmem>>, vector<16xf32>,
        %get3A_2478 = vector.shape_cast %get3A_2477 : vector<16xf32> to vector<16xf32>
        %add3A_2479 = arith.addf %get3A_2475, %get3A_2478 : vector<16xf32>
        %add3A_2480 = arith.constant 20 : i32
        %add3A_2481 = arith.addi %mul3A_1789, %add3A_2480 : i32
        %swap3A_2482 = arith.index_cast %add3A_2481 : i32 to index
        %swap3A_2483 = arith.constant 0 : index
        %swap3A_2484 = tpu.vector_load %arg7[%swap3A_2482, %swap3A_2483] {strides = array<i32>} : memref<1664x32xf32, #tpu.memory_space<vmem>>, vector<1x16xf32>,
        %swap3A_2485 = vector.shape_cast %swap3A_2484 : vector<1x16xf32> to vector<16xf32>
        %swap3A_2486 = vector.shape_cast %add3A_2479 : vector<16xf32> to vector<1x16xf32>
        tpu.vector_store %arg7[%swap3A_2482, %swap3A_2483], %swap3A_2486 {strides = array<i32>} : memref<1664x32xf32, #tpu.memory_space<vmem>>, vector<1x16xf32>,
        %add3A_2487 = arith.constant 20 : i32
        %add3A_2488 = arith.addi %mul3A_1789, %add3A_2487 : i32
        %get3A_2489 = arith.index_cast %add3A_2488 : i32 to index
        %get3A_2490 = arith.constant 16 : index
        %get3A_2491 = tpu.vector_load %arg7[%get3A_2489, %get3A_2490] {strides = array<i32>} : memref<1664x32xf32, #tpu.memory_space<vmem>>, vector<1x16xf32>,
        %get3A_2492 = vector.shape_cast %get3A_2491 : vector<1x16xf32> to vector<16xf32>
        %get3A_2493 = arith.constant 656 : index
        %get3A_2494 = tpu.vector_load %arg9[%get3A_2493] {strides = array<i32>} : memref<832xf32, #tpu.memory_space<vmem>>, vector<16xf32>,
        %get3A_2495 = vector.shape_cast %get3A_2494 : vector<16xf32> to vector<16xf32>
        %add3A_2496 = arith.addf %get3A_2492, %get3A_2495 : vector<16xf32>
        %add3A_2497 = arith.constant 20 : i32
        %add3A_2498 = arith.addi %mul3A_1789, %add3A_2497 : i32
        %swap3A_2499 = arith.index_cast %add3A_2498 : i32 to index
        %swap3A_2500 = arith.constant 16 : index
        %swap3A_2501 = tpu.vector_load %arg7[%swap3A_2499, %swap3A_2500] {strides = array<i32>} : memref<1664x32xf32, #tpu.memory_space<vmem>>, vector<1x16xf32>,
        %swap3A_2502 = vector.shape_cast %swap3A_2501 : vector<1x16xf32> to vector<16xf32>
        %swap3A_2503 = vector.shape_cast %add3A_2496 : vector<16xf32> to vector<1x16xf32>
        tpu.vector_store %arg7[%swap3A_2499, %swap3A_2500], %swap3A_2503 {strides = array<i32>} : memref<1664x32xf32, #tpu.memory_space<vmem>>, vector<1x16xf32>,
        %add3A_2504 = arith.constant 21 : i32
        %add3A_2505 = arith.addi %mul3A_1789, %add3A_2504 : i32
        %get3A_2506 = arith.index_cast %add3A_2505 : i32 to index
        %get3A_2507 = arith.constant 0 : index
        %get3A_2508 = tpu.vector_load %arg7[%get3A_2506, %get3A_2507] {strides = array<i32>} : memref<1664x32xf32, #tpu.memory_space<vmem>>, vector<1x16xf32>,
        %get3A_2509 = vector.shape_cast %get3A_2508 : vector<1x16xf32> to vector<16xf32>
        %get3A_2510 = arith.constant 672 : index
        %get3A_2511 = tpu.vector_load %arg9[%get3A_2510] {strides = array<i32>} : memref<832xf32, #tpu.memory_space<vmem>>, vector<16xf32>,
        %get3A_2512 = vector.shape_cast %get3A_2511 : vector<16xf32> to vector<16xf32>
        %add3A_2513 = arith.addf %get3A_2509, %get3A_2512 : vector<16xf32>
        %add3A_2514 = arith.constant 21 : i32
        %add3A_2515 = arith.addi %mul3A_1789, %add3A_2514 : i32
        %swap3A_2516 = arith.index_cast %add3A_2515 : i32 to index
        %swap3A_2517 = arith.constant 0 : index
        %swap3A_2518 = tpu.vector_load %arg7[%swap3A_2516, %swap3A_2517] {strides = array<i32>} : memref<1664x32xf32, #tpu.memory_space<vmem>>, vector<1x16xf32>,
        %swap3A_2519 = vector.shape_cast %swap3A_2518 : vector<1x16xf32> to vector<16xf32>
        %swap3A_2520 = vector.shape_cast %add3A_2513 : vector<16xf32> to vector<1x16xf32>
        tpu.vector_store %arg7[%swap3A_2516, %swap3A_2517], %swap3A_2520 {strides = array<i32>} : memref<1664x32xf32, #tpu.memory_space<vmem>>, vector<1x16xf32>,
        %add3A_2521 = arith.constant 21 : i32
        %add3A_2522 = arith.addi %mul3A_1789, %add3A_2521 : i32
        %get3A_2523 = arith.index_cast %add3A_2522 : i32 to index
        %get3A_2524 = arith.constant 16 : index
        %get3A_2525 = tpu.vector_load %arg7[%get3A_2523, %get3A_2524] {strides = array<i32>} : memref<1664x32xf32, #tpu.memory_space<vmem>>, vector<1x16xf32>,
        %get3A_2526 = vector.shape_cast %get3A_2525 : vector<1x16xf32> to vector<16xf32>
        %get3A_2527 = arith.constant 688 : index
        %get3A_2528 = tpu.vector_load %arg9[%get3A_2527] {strides = array<i32>} : memref<832xf32, #tpu.memory_space<vmem>>, vector<16xf32>,
        %get3A_2529 = vector.shape_cast %get3A_2528 : vector<16xf32> to vector<16xf32>
        %add3A_2530 = arith.addf %get3A_2526, %get3A_2529 : vector<16xf32>
        %add3A_2531 = arith.constant 21 : i32
        %add3A_2532 = arith.addi %mul3A_1789, %add3A_2531 : i32
        %swap3A_2533 = arith.index_cast %add3A_2532 : i32 to index
        %swap3A_2534 = arith.constant 16 : index
        %swap3A_2535 = tpu.vector_load %arg7[%swap3A_2533, %swap3A_2534] {strides = array<i32>} : memref<1664x32xf32, #tpu.memory_space<vmem>>, vector<1x16xf32>,
        %swap3A_2536 = vector.shape_cast %swap3A_2535 : vector<1x16xf32> to vector<16xf32>
        %swap3A_2537 = vector.shape_cast %add3A_2530 : vector<16xf32> to vector<1x16xf32>
        tpu.vector_store %arg7[%swap3A_2533, %swap3A_2534], %swap3A_2537 {strides = array<i32>} : memref<1664x32xf32, #tpu.memory_space<vmem>>, vector<1x16xf32>,
        %add3A_2538 = arith.constant 22 : i32
        %add3A_2539 = arith.addi %mul3A_1789, %add3A_2538 : i32
        %get3A_2540 = arith.index_cast %add3A_2539 : i32 to index
        %get3A_2541 = arith.constant 0 : index
        %get3A_2542 = tpu.vector_load %arg7[%get3A_2540, %get3A_2541] {strides = array<i32>} : memref<1664x32xf32, #tpu.memory_space<vmem>>, vector<1x16xf32>,
        %get3A_2543 = vector.shape_cast %get3A_2542 : vector<1x16xf32> to vector<16xf32>
        %get3A_2544 = arith.constant 704 : index
        %get3A_2545 = tpu.vector_load %arg9[%get3A_2544] {strides = array<i32>} : memref<832xf32, #tpu.memory_space<vmem>>, vector<16xf32>,
        %get3A_2546 = vector.shape_cast %get3A_2545 : vector<16xf32> to vector<16xf32>
        %add3A_2547 = arith.addf %get3A_2543, %get3A_2546 : vector<16xf32>
        %add3A_2548 = arith.constant 22 : i32
        %add3A_2549 = arith.addi %mul3A_1789, %add3A_2548 : i32
        %swap3A_2550 = arith.index_cast %add3A_2549 : i32 to index
        %swap3A_2551 = arith.constant 0 : index
        %swap3A_2552 = tpu.vector_load %arg7[%swap3A_2550, %swap3A_2551] {strides = array<i32>} : memref<1664x32xf32, #tpu.memory_space<vmem>>, vector<1x16xf32>,
        %swap3A_2553 = vector.shape_cast %swap3A_2552 : vector<1x16xf32> to vector<16xf32>
        %swap3A_2554 = vector.shape_cast %add3A_2547 : vector<16xf32> to vector<1x16xf32>
        tpu.vector_store %arg7[%swap3A_2550, %swap3A_2551], %swap3A_2554 {strides = array<i32>} : memref<1664x32xf32, #tpu.memory_space<vmem>>, vector<1x16xf32>,
        %add3A_2555 = arith.constant 22 : i32
        %add3A_2556 = arith.addi %mul3A_1789, %add3A_2555 : i32
        %get3A_2557 = arith.index_cast %add3A_2556 : i32 to index
        %get3A_2558 = arith.constant 16 : index
        %get3A_2559 = tpu.vector_load %arg7[%get3A_2557, %get3A_2558] {strides = array<i32>} : memref<1664x32xf32, #tpu.memory_space<vmem>>, vector<1x16xf32>,
        %get3A_2560 = vector.shape_cast %get3A_2559 : vector<1x16xf32> to vector<16xf32>
        %get3A_2561 = arith.constant 720 : index
        %get3A_2562 = tpu.vector_load %arg9[%get3A_2561] {strides = array<i32>} : memref<832xf32, #tpu.memory_space<vmem>>, vector<16xf32>,
        %get3A_2563 = vector.shape_cast %get3A_2562 : vector<16xf32> to vector<16xf32>
        %add3A_2564 = arith.addf %get3A_2560, %get3A_2563 : vector<16xf32>
        %add3A_2565 = arith.constant 22 : i32
        %add3A_2566 = arith.addi %mul3A_1789, %add3A_2565 : i32
        %swap3A_2567 = arith.index_cast %add3A_2566 : i32 to index
        %swap3A_2568 = arith.constant 16 : index
        %swap3A_2569 = tpu.vector_load %arg7[%swap3A_2567, %swap3A_2568] {strides = array<i32>} : memref<1664x32xf32, #tpu.memory_space<vmem>>, vector<1x16xf32>,
        %swap3A_2570 = vector.shape_cast %swap3A_2569 : vector<1x16xf32> to vector<16xf32>
        %swap3A_2571 = vector.shape_cast %add3A_2564 : vector<16xf32> to vector<1x16xf32>
        tpu.vector_store %arg7[%swap3A_2567, %swap3A_2568], %swap3A_2571 {strides = array<i32>} : memref<1664x32xf32, #tpu.memory_space<vmem>>, vector<1x16xf32>,
        %add3A_2572 = arith.constant 23 : i32
        %add3A_2573 = arith.addi %mul3A_1789, %add3A_2572 : i32
        %get3A_2574 = arith.index_cast %add3A_2573 : i32 to index
        %get3A_2575 = arith.constant 0 : index
        %get3A_2576 = tpu.vector_load %arg7[%get3A_2574, %get3A_2575] {strides = array<i32>} : memref<1664x32xf32, #tpu.memory_space<vmem>>, vector<1x16xf32>,
        %get3A_2577 = vector.shape_cast %get3A_2576 : vector<1x16xf32> to vector<16xf32>
        %get3A_2578 = arith.constant 736 : index
        %get3A_2579 = tpu.vector_load %arg9[%get3A_2578] {strides = array<i32>} : memref<832xf32, #tpu.memory_space<vmem>>, vector<16xf32>,
        %get3A_2580 = vector.shape_cast %get3A_2579 : vector<16xf32> to vector<16xf32>
        %add3A_2581 = arith.addf %get3A_2577, %get3A_2580 : vector<16xf32>
        %add3A_2582 = arith.constant 23 : i32
        %add3A_2583 = arith.addi %mul3A_1789, %add3A_2582 : i32
        %swap3A_2584 = arith.index_cast %add3A_2583 : i32 to index
        %swap3A_2585 = arith.constant 0 : index
        %swap3A_2586 = tpu.vector_load %arg7[%swap3A_2584, %swap3A_2585] {strides = array<i32>} : memref<1664x32xf32, #tpu.memory_space<vmem>>, vector<1x16xf32>,
        %swap3A_2587 = vector.shape_cast %swap3A_2586 : vector<1x16xf32> to vector<16xf32>
        %swap3A_2588 = vector.shape_cast %add3A_2581 : vector<16xf32> to vector<1x16xf32>
        tpu.vector_store %arg7[%swap3A_2584, %swap3A_2585], %swap3A_2588 {strides = array<i32>} : memref<1664x32xf32, #tpu.memory_space<vmem>>, vector<1x16xf32>,
        %add3A_2589 = arith.constant 23 : i32
        %add3A_2590 = arith.addi %mul3A_1789, %add3A_2589 : i32
        %get3A_2591 = arith.index_cast %add3A_2590 : i32 to index
        %get3A_2592 = arith.constant 16 : index
        %get3A_2593 = tpu.vector_load %arg7[%get3A_2591, %get3A_2592] {strides = array<i32>} : memref<1664x32xf32, #tpu.memory_space<vmem>>, vector<1x16xf32>,
        %get3A_2594 = vector.shape_cast %get3A_2593 : vector<1x16xf32> to vector<16xf32>
        %get3A_2595 = arith.constant 752 : index
        %get3A_2596 = tpu.vector_load %arg9[%get3A_2595] {strides = array<i32>} : memref<832xf32, #tpu.memory_space<vmem>>, vector<16xf32>,
        %get3A_2597 = vector.shape_cast %get3A_2596 : vector<16xf32> to vector<16xf32>
        %add3A_2598 = arith.addf %get3A_2594, %get3A_2597 : vector<16xf32>
        %add3A_2599 = arith.constant 23 : i32
        %add3A_2600 = arith.addi %mul3A_1789, %add3A_2599 : i32
        %swap3A_2601 = arith.index_cast %add3A_2600 : i32 to index
        %swap3A_2602 = arith.constant 16 : index
        %swap3A_2603 = tpu.vector_load %arg7[%swap3A_2601, %swap3A_2602] {strides = array<i32>} : memref<1664x32xf32, #tpu.memory_space<vmem>>, vector<1x16xf32>,
        %swap3A_2604 = vector.shape_cast %swap3A_2603 : vector<1x16xf32> to vector<16xf32>
        %swap3A_2605 = vector.shape_cast %add3A_2598 : vector<16xf32> to vector<1x16xf32>
        tpu.vector_store %arg7[%swap3A_2601, %swap3A_2602], %swap3A_2605 {strides = array<i32>} : memref<1664x32xf32, #tpu.memory_space<vmem>>, vector<1x16xf32>,
        %add3A_2606 = arith.constant 24 : i32
        %add3A_2607 = arith.addi %mul3A_1789, %add3A_2606 : i32
        %get3A_2608 = arith.index_cast %add3A_2607 : i32 to index
        %get3A_2609 = arith.constant 0 : index
        %get3A_2610 = tpu.vector_load %arg7[%get3A_2608, %get3A_2609] {strides = array<i32>} : memref<1664x32xf32, #tpu.memory_space<vmem>>, vector<1x16xf32>,
        %get3A_2611 = vector.shape_cast %get3A_2610 : vector<1x16xf32> to vector<16xf32>
        %get3A_2612 = arith.constant 768 : index
        %get3A_2613 = tpu.vector_load %arg9[%get3A_2612] {strides = array<i32>} : memref<832xf32, #tpu.memory_space<vmem>>, vector<16xf32>,
        %get3A_2614 = vector.shape_cast %get3A_2613 : vector<16xf32> to vector<16xf32>
        %add3A_2615 = arith.addf %get3A_2611, %get3A_2614 : vector<16xf32>
        %add3A_2616 = arith.constant 24 : i32
        %add3A_2617 = arith.addi %mul3A_1789, %add3A_2616 : i32
        %swap3A_2618 = arith.index_cast %add3A_2617 : i32 to index
        %swap3A_2619 = arith.constant 0 : index
        %swap3A_2620 = tpu.vector_load %arg7[%swap3A_2618, %swap3A_2619] {strides = array<i32>} : memref<1664x32xf32, #tpu.memory_space<vmem>>, vector<1x16xf32>,
        %swap3A_2621 = vector.shape_cast %swap3A_2620 : vector<1x16xf32> to vector<16xf32>
        %swap3A_2622 = vector.shape_cast %add3A_2615 : vector<16xf32> to vector<1x16xf32>
        tpu.vector_store %arg7[%swap3A_2618, %swap3A_2619], %swap3A_2622 {strides = array<i32>} : memref<1664x32xf32, #tpu.memory_space<vmem>>, vector<1x16xf32>,
        %add3A_2623 = arith.constant 24 : i32
        %add3A_2624 = arith.addi %mul3A_1789, %add3A_2623 : i32
        %get3A_2625 = arith.index_cast %add3A_2624 : i32 to index
        %get3A_2626 = arith.constant 16 : index
        %get3A_2627 = tpu.vector_load %arg7[%get3A_2625, %get3A_2626] {strides = array<i32>} : memref<1664x32xf32, #tpu.memory_space<vmem>>, vector<1x16xf32>,
        %get3A_2628 = vector.shape_cast %get3A_2627 : vector<1x16xf32> to vector<16xf32>
        %get3A_2629 = arith.constant 784 : index
        %get3A_2630 = tpu.vector_load %arg9[%get3A_2629] {strides = array<i32>} : memref<832xf32, #tpu.memory_space<vmem>>, vector<16xf32>,
        %get3A_2631 = vector.shape_cast %get3A_2630 : vector<16xf32> to vector<16xf32>
        %add3A_2632 = arith.addf %get3A_2628, %get3A_2631 : vector<16xf32>
        %add3A_2633 = arith.constant 24 : i32
        %add3A_2634 = arith.addi %mul3A_1789, %add3A_2633 : i32
        %swap3A_2635 = arith.index_cast %add3A_2634 : i32 to index
        %swap3A_2636 = arith.constant 16 : index
        %swap3A_2637 = tpu.vector_load %arg7[%swap3A_2635, %swap3A_2636] {strides = array<i32>} : memref<1664x32xf32, #tpu.memory_space<vmem>>, vector<1x16xf32>,
        %swap3A_2638 = vector.shape_cast %swap3A_2637 : vector<1x16xf32> to vector<16xf32>
        %swap3A_2639 = vector.shape_cast %add3A_2632 : vector<16xf32> to vector<1x16xf32>
        tpu.vector_store %arg7[%swap3A_2635, %swap3A_2636], %swap3A_2639 {strides = array<i32>} : memref<1664x32xf32, #tpu.memory_space<vmem>>, vector<1x16xf32>,
        %add3A_2640 = arith.constant 25 : i32
        %add3A_2641 = arith.addi %mul3A_1789, %add3A_2640 : i32
        %get3A_2642 = arith.index_cast %add3A_2641 : i32 to index
        %get3A_2643 = arith.constant 0 : index
        %get3A_2644 = tpu.vector_load %arg7[%get3A_2642, %get3A_2643] {strides = array<i32>} : memref<1664x32xf32, #tpu.memory_space<vmem>>, vector<1x16xf32>,
        %get3A_2645 = vector.shape_cast %get3A_2644 : vector<1x16xf32> to vector<16xf32>
        %get3A_2646 = arith.constant 800 : index
        %get3A_2647 = tpu.vector_load %arg9[%get3A_2646] {strides = array<i32>} : memref<832xf32, #tpu.memory_space<vmem>>, vector<16xf32>,
        %get3A_2648 = vector.shape_cast %get3A_2647 : vector<16xf32> to vector<16xf32>
        %add3A_2649 = arith.addf %get3A_2645, %get3A_2648 : vector<16xf32>
        %add3A_2650 = arith.constant 25 : i32
        %add3A_2651 = arith.addi %mul3A_1789, %add3A_2650 : i32
        %swap3A_2652 = arith.index_cast %add3A_2651 : i32 to index
        %swap3A_2653 = arith.constant 0 : index
        %swap3A_2654 = tpu.vector_load %arg7[%swap3A_2652, %swap3A_2653] {strides = array<i32>} : memref<1664x32xf32, #tpu.memory_space<vmem>>, vector<1x16xf32>,
        %swap3A_2655 = vector.shape_cast %swap3A_2654 : vector<1x16xf32> to vector<16xf32>
        %swap3A_2656 = vector.shape_cast %add3A_2649 : vector<16xf32> to vector<1x16xf32>
        tpu.vector_store %arg7[%swap3A_2652, %swap3A_2653], %swap3A_2656 {strides = array<i32>} : memref<1664x32xf32, #tpu.memory_space<vmem>>, vector<1x16xf32>,
        %add3A_2657 = arith.constant 25 : i32
        %add3A_2658 = arith.addi %mul3A_1789, %add3A_2657 : i32
        %get3A_2659 = arith.index_cast %add3A_2658 : i32 to index
        %get3A_2660 = arith.constant 16 : index
        %get3A_2661 = tpu.vector_load %arg7[%get3A_2659, %get3A_2660] {strides = array<i32>} : memref<1664x32xf32, #tpu.memory_space<vmem>>, vector<1x16xf32>,
        %get3A_2662 = vector.shape_cast %get3A_2661 : vector<1x16xf32> to vector<16xf32>
        %get3A_2663 = arith.constant 816 : index
        %get3A_2664 = tpu.vector_load %arg9[%get3A_2663] {strides = array<i32>} : memref<832xf32, #tpu.memory_space<vmem>>, vector<16xf32>,
        %get3A_2665 = vector.shape_cast %get3A_2664 : vector<16xf32> to vector<16xf32>
        %add3A_2666 = arith.addf %get3A_2662, %get3A_2665 : vector<16xf32>
        %add3A_2667 = arith.constant 25 : i32
        %add3A_2668 = arith.addi %mul3A_1789, %add3A_2667 : i32
        %swap3A_2669 = arith.index_cast %add3A_2668 : i32 to index
        %swap3A_2670 = arith.constant 16 : index
        %swap3A_2671 = tpu.vector_load %arg7[%swap3A_2669, %swap3A_2670] {strides = array<i32>} : memref<1664x32xf32, #tpu.memory_space<vmem>>, vector<1x16xf32>,
        %swap3A_2672 = vector.shape_cast %swap3A_2671 : vector<1x16xf32> to vector<16xf32>
        %swap3A_2673 = vector.shape_cast %add3A_2666 : vector<16xf32> to vector<1x16xf32>
        tpu.vector_store %arg7[%swap3A_2669, %swap3A_2670], %swap3A_2673 {strides = array<i32>} : memref<1664x32xf32, #tpu.memory_space<vmem>>, vector<1x16xf32>,
      }
      %scan3A_1786 = arith.constant 64 : i32
      "tpu.region"() ({
        %run_scoped3A = tpu.sem_alloc : memref<!tpu.dma_semaphore, #tpu.memory_space<semaphore_mem>>
        %dma_start3A_1787 = arith.constant 0 : i32
        %dma_start3A_1788 = tpu.memref_slice %arg5[%add3A_431, %dma_start3A_1787] : memref<425984x32xf32, #tpu.memory_space<hbm>> -> memref<1664x32xf32, #tpu.memory_space<hbm>>
        %dma_start3A_1789 = arith.constant 0 : i32
        %dma_start3A_1790 = tpu.memref_slice %arg5[%add3A_431, %dma_start3A_1789] : memref<425984x32xf32, #tpu.memory_space<hbm>> -> memref<1664x32xf32, #tpu.memory_space<hbm>>
        tpu.enqueue_dma source(%arg7 : memref<1664x32xf32, #tpu.memory_space<vmem>>) target(%dma_start3A_1790 : memref<1664x32xf32, #tpu.memory_space<hbm>>) target_semaphore(%run_scoped3A : memref<!tpu.dma_semaphore, #tpu.memory_space<semaphore_mem>>)
        %dma_wait3A_1791 = arith.constant 0 : i32
        %dma_wait3A_1792 = tpu.memref_slice %arg5[%add3A_431, %dma_wait3A_1791] : memref<425984x32xf32, #tpu.memory_space<hbm>> -> memref<1664x32xf32, #tpu.memory_space<hbm>>
        %dma_wait3A_1793 = arith.constant 0 : i32
        %dma_wait3A_1794 = tpu.memref_slice %arg5[%add3A_431, %dma_wait3A_1793] : memref<425984x32xf32, #tpu.memory_space<hbm>> -> memref<1664x32xf32, #tpu.memory_space<hbm>>
        tpu.wait_dma2 semaphore(%run_scoped3A : memref<!tpu.dma_semaphore, #tpu.memory_space<semaphore_mem>>) src(%arg7 : memref<1664x32xf32, #tpu.memory_space<vmem>>) dst(%dma_wait3A_1794 : memref<1664x32xf32, #tpu.memory_space<hbm>>)
        tpu.yield
      }) : () -> ()
    }
    %scan3A_427 = arith.constant 8 : i32
    return
  }
}

</mosaic_0001>

<sc_bundles>
// kernel: kernel.3.cloned.1.call-start
scs
__scs_entry_jumppad:
0x0: {  	(pc) =	sbr.rel $0x88, $3  }
0x1: {  	(tag) =	ssettag $0x0;
	lr =	simm.s32 $0x1  }
0x2: {  	[smem:$0x3F9E] =	sst lr;
	_ =	strace $0xD0000000  }
0x3: {  	_ = 	snop  }
0x4: {  	_ = 	snop  }
0x5: {  	_ = 	snop  }
0x6: {  	_ = 	snop  }
0x7: {  	_ = 	snop  }
__scs_overlays_trampoline_lowered:
0x8: {  	[smem:$0x3FAD] =	sst s0  }
0x9: {  	[smem:$0x3FAE] =	sst s1  }
0xa: {  	[smem:$0x3FAF] =	sst s2  }
0xb: {  	[smem:$0x3FB0] =	sst s3  }
0xc: {  	[smem:$0x3FB1] =	sst s4  }
0xd: {  	[smem:$0x3FB2] =	sst s5  }
0xe: {  	[smem:$0x3FB3] =	sst s6  }
0xf: {  	[smem:$0x3FB4] =	sst s7  }
0x10: {  	[smem:$0x3FB5] =	sst s8  }
0x11: {  	[smem:$0x3FB6] =	sst s9;
	s0 =	simm.s32 @!p0 $0x0  }
0x12: {  	s1 =	sld [smem:$0x3F9C];
	s0 =	simm.s32 @p0 $0x1  }
0x13: {  	[smem:$0x3FB7] =	sst s0;
	s0 =	simm.s32 @!p1 $0x0  }
0x14: {  	s2 =	sld [smem:$0x3F9B];
	s0 =	simm.s32 @p1 $0x1  }
0x15: {  	[smem:$0x3FB8] =	sst s0;
	s0 =	simm.s32 @!p2 $0x0  }
0x16: {  	s3 =	sld [smem:$0x3FDB];
	s0 =	simm.s32 @p2 $0x1  }
0x17: {  	s4 =	simm.s32 $0x1BF5;
	[smem:$0x3FBA] =	sst s0  }
0x18: {  	s0 =	sld [smem:$0x3F9D];
	_ =	swait.ge [sflag:s4], $0x0  }
0x19: {  	s7 =	sld [smem:$0x3F9E]  }
0x1a: {  	s8 =	sadd.s32 $0xFFFFE003, lr  }
0x1b: {  	s9 =	sadd.s32 $0xFFFFFEF7, lr;
	s5 =	simm.s32 $0xFFFFFFFF;
	p2 =	slt.u32 s8, $0xFFFFF086  }
0x1c: {  	p1 =	slt.u32 s9, $0xF7A;
	s5 =	simm.s32 @!p2 $0x0  }
0x1d: {  	s5 =	simm.s32 @p1 $0x1;
	p0 =	seq.s32 s7, s2  }
0x1e: {  	s7 =	smul.u32 @!p0 $0xF7A, s2;
	p2 =	seq.s32 @!p0 s5, $0x0  }
0x1f: {  	s9 =	smul.u32 $0xF7A, s1;
	s8 =	simm.s32 @!p0 $0x1BF5;
	p2 =	por !p2, p0  }
0x20: {  	[sflag:s8] =	ssyncset.s32 @!p0 $0xFFFFF086;
	s6 =	sadd.s32 @!p0 s3, s7;
	s7 =	simm.s32 @!p0 $0x108  }
0x21: {  	s3 =	sadd.s32 s3, s9;
	s6 =	sadd.s32 @!p0 $0x88, s6;
	s7 =	simm.s32 @p2 $0x1082  }
0x22: {  	[simem:s7], [sflag:s8] =	dma.local @!p0 [hbm:s6], $0xF7A  }
0x23: {  	s9 =	sor.u32 $0xD0000000, s2;
	s6 =	simm.s32 $0x108;
	_ =	swait.ge @!p0 [sflag:s8], $0x0  }
0x24: {  	s3 =	sadd.s32 $0x88, s3;
	s6 =	simm.s32 @!p1 $0x1082;
	[sflag:s4] =	ssyncset.s32 $0xFFFFF086  }
0x25: {  	[simem:s6], [sflag:s4] =	dma.local [hbm:s3], $0xF7A  }
0x26: {  	[smem:$0x3F9E] =	sst s1;
	(tag) =	ssettag s2;
	_ =	strace s9  }
0x27: {  	s1 =	sld [smem:$0x3FAE]  }
0x28: {  	s2 =	sld [smem:$0x3FAF]  }
0x29: {  	s4 =	sld [smem:$0x3FB1]  }
0x2a: {  	p0 =	seq.s32 s5, $0x0;
	s5 =	sld [smem:$0x3FB2]  }
0x2b: {  	s6 =	sld [smem:$0x3FB3]  }
0x2c: {  	s7 =	sld [smem:$0x3FB4]  }
0x2d: {  	s3 =	simm.s32 $0x108;
	s8 =	sld [smem:$0x3FB5]  }
0x2e: {  	s3 =	simm.s32 @!p0 $0x1082;
	s9 =	sld [smem:$0x3FB6]  }
0x2f: {  	lr =	sadd.s32 s0, s3;
	s0 =	sld [smem:$0x3FAD]  }
0x30: {  	s3 =	sld [smem:$0x3FB0]  }
0x31: {  	[smem:$0x3FB9] =	sst s10  }
0x32: {  	s10 =	sld [smem:$0x3FB7];
	_ =	sdelay $0x3  }
0x33: {  	p0 =	seq.s32 s10, $0x1;
	s10 =	sld [smem:$0x3FB9];
	_ =	sdelay $0x3  }
0x34: {  	[smem:$0x3FB9] =	sst s10  }
0x35: {  	s10 =	sld [smem:$0x3FB8];
	_ =	sdelay $0x3  }
0x36: {  	p1 =	seq.s32 s10, $0x1;
	s10 =	sld [smem:$0x3FB9];
	_ =	sdelay $0x3  }
0x37: {  	[smem:$0x3FB9] =	sst s10  }
0x38: {  	s10 =	sld [smem:$0x3FBA]  }
0x39: {  	_ = 	snop;
	(pc) =	sbr.ind lr, $3  }
0x3a: {  	_ = 	snop  }
0x3b: {  	_ = 	snop  }
0x3c: {  	p2 =	seq.s32 s10, $0x1;
	s10 =	sld [smem:$0x3FB9]  }
0x3d: {  	_ =	shalt  }
0x3e: {  	_ =	shalt  }
0x3f: {  	_ =	shalt  }
0x40: {  	_ =	shalt  }
0x41: {  	_ =	shalt  }
0x42: {  	_ =	shalt  }
0x43: {  	_ =	shalt  }
0x44: {  	_ =	shalt  }
0x45: {  	_ =	shalt  }
0x46: {  	_ =	shalt  }
0x47: {  	_ =	shalt  }
0x48: {  	_ =	shalt  }
0x49: {  	_ =	shalt  }
0x4a: {  	_ =	shalt  }
0x4b: {  	_ =	shalt  }
0x4c: {  	_ =	shalt  }
0x4d: {  	_ =	shalt  }
0x4e: {  	_ =	shalt  }
0x4f: {  	_ =	shalt  }
0x50: {  	_ =	shalt  }
0x51: {  	_ =	shalt  }
0x52: {  	_ =	shalt  }
0x53: {  	_ =	shalt  }
0x54: {  	_ =	shalt  }
0x55: {  	_ =	shalt  }
0x56: {  	_ =	shalt  }
0x57: {  	_ =	shalt  }
0x58: {  	_ =	shalt  }
0x59: {  	_ =	shalt  }
0x5a: {  	_ =	shalt  }
0x5b: {  	_ =	shalt  }
0x5c: {  	_ =	shalt  }
0x5d: {  	_ =	shalt  }
0x5e: {  	_ =	shalt  }
0x5f: {  	_ =	shalt  }
0x60: {  	_ =	shalt  }
0x61: {  	_ =	shalt  }
0x62: {  	_ =	shalt  }
0x63: {  	_ =	shalt  }
0x64: {  	_ =	shalt  }
0x65: {  	_ =	shalt  }
0x66: {  	_ =	shalt  }
0x67: {  	_ =	shalt  }
0x68: {  	_ =	shalt  }
0x69: {  	_ =	shalt  }
0x6a: {  	_ =	shalt  }
0x6b: {  	_ =	shalt  }
0x6c: {  	_ =	shalt  }
0x6d: {  	_ =	shalt  }
0x6e: {  	_ =	shalt  }
0x6f: {  	_ =	shalt  }
0x70: {  	_ =	shalt  }
0x71: {  	_ =	shalt  }
0x72: {  	_ =	shalt  }
0x73: {  	_ =	shalt  }
0x74: {  	_ =	shalt  }
0x75: {  	_ =	shalt  }
0x76: {  	_ =	shalt  }
0x77: {  	_ =	shalt  }
0x78: {  	_ =	shalt  }
0x79: {  	_ =	shalt  }
0x7a: {  	_ =	shalt  }
0x7b: {  	_ =	shalt  }
0x7c: {  	_ =	shalt  }
0x7d: {  	_ =	shalt  }
0x7e: {  	_ =	shalt  }
0x7f: {  	_ =	shalt  }
0x80: {  	_ =	shalt  }
0x81: {  	_ =	shalt  }
0x82: {  	_ =	shalt  }
0x83: {  	_ =	shalt  }
0x84: {  	_ =	shalt  }
0x85: {  	_ =	shalt  }
0x86: {  	_ =	shalt  }
0x87: {  	_ =	shalt  }
.Lfunc_end0:
.L_simem_size_0:
called_computation.1_lowered:
.L_overlay_start_0:
0x88: {  	s2 =	sld [smem:$0x3FD9]  }
0x89: {  	s3 =	sld [smem:$0x3FFE];
	_ =	sdelay $0x1  }
0x8a: {  	s1 =	srdreg.scid  }
0x8b: {  	s0 =	sand.u32 $0x1, s1  }
0x8c: {  	s17 =	sshll.u32 s0, $0xA;
	s2 =	sadd.s32 s3, s2  }
0x8d: {  	s2 =	sadd.s32 s2, s17  }
0x8e: {  	[smem:$0x3FC5] =	sst s2  }
0x8f: {  	_ = 	snop  }
0x90: {  	s2 =	sld [smem:$0x3FD0];
	(tm) =	ssettm $0x1  }
0x91: {  	s18 =	sld [smem:$0x3FFB];
	_ =	sdelay $0x3  }
0x92: {  	_ =	strace s18  }
0x93: {  	s3 =	sld [smem:$0x3FFC];
	_ =	sdelay $0x3  }
0x94: {  	_ =	strace s3  }
0x95: {  	s3 =	sld [smem:$0x3FFD];
	_ =	sdelay $0x3  }
0x96: {  	_ =	strace s3  }
0x97: {  	_ =	strace $0x8FFFFFFF  }
0x98: {  	s19 =	sld [smem:$0x3FDB];
	_ =	sdelay $0x1  }
0x99: {  	s4 =	simm.s32 $_scs_section_size  }
0x9a: {  	s5 =	simm.s32 $_size__tile_overlayer_lowered;
	s6 =	simm.s32 $_tile_overlayer_lowered  }
0x9b: {  	s22 =	simm.s32 $0x1BFF;
	s21 =	sshll.u32 s6, $0x1;
	s3 =	sadd.s32 s4, s19  }
0x9c: {  	s7 =	simm.s32 $0x0;
	s20 =	sshll.u32 s5, $0x1;
	s5 =	sadd.s32 s21, s3  }
0x9d: {  	[timem:s7], [sflag:s22] =	dma.local [hbm:s5], s20  }
0x9e: {  	_ =	swait.ge [sflag:s22], s20  }
0x9f: {  	s4 =	ssub.s32 $0x0, s20;
	[sflag:s22] =	ssyncset.done $0x0  }
0xa0: {  	[sflag:s22] =	ssyncadd.s32 s4;
	_ =	sdelay $0x1  }
0xa1: {  	s23 =	simm.s32 $0x1B8B  }
0xa2: {  	_ =	swait.ge [sflag:s23], $0x1  }
0xa3: {  	[sflag:s23] =	ssyncset.done $0x0  }
0xa4: {  	s25 =	simm.s32 $0x1B8E;
	s24 =	sld [smem:$0x3FFE];
	[sflag:s23] =	ssyncadd.s32 $0xFFFFFFFF  }
0xa5: {  	s26 =	simm.s32 $execute0_lowered;
	[smem:$0x3FD2] =	sst s25  }
0xa6: {  	s5 =	sshll.u32 s26, $0x1;
	_ =	strace $0x80000046;
	[dreg:$0x1] =	wrdreg $0xFFFFFFFF  }
0xa7: {  	s28 =	simm.s32 $_size_execute0_lowered;
	s3 =	sadd.s32 s3, s5;
	[dreg:$0x0] =	wrdreg $0x0  }
0xa8: {  	s5 =	sshll.u32 s28, $0x1;
	[dreg:$0x2] =	wrdreg s3  }
0xa9: {  	[dreg:$0x3] =	wrdreg s5  }
0xaa: {  	[dreg:$0x4] =	wrdreg $0xC0  }
0xab: {  	_ =	task [dreg:s7], $0x5FFFF  }
0xac: {  	[dreg:$0x1] =	wrdreg $0xFFFFFFFF  }
0xad: {  	[dreg:$0x0] =	wrdreg $0x60  }
0xae: {  	[dreg:$0x2] =	wrdreg s24  }
0xaf: {  	[dreg:$0x3] =	wrdreg s2  }
0xb0: {  	[dreg:$0x4] =	wrdreg $0x9  }
0xb1: {  	_ =	task.clear_ibuf [dreg:s7], $0x5FFFF;
	_ =	strace $0x90000046  }
0xb2: {  	s29 =	simm.s32 $0x9;
	_ =	strace $0x80000048  }
0xb3: {  	_ =	swait.ge [sflag:s29], $0x1  }
0xb4: {  	[sflag:s29] =	ssyncadd.s32 $0xFFFFFFFF  }
0xb5: {  	_ =	strace $0x90000048  }
0xb6: {  	_ =	sfence  }
0xb7: {  	s30 =	sld [smem:$0x0];
	_ =	sdelay $0x2  }
0xb8: {  	s31 =	sshll.u32 s1, $0xD;
	s1 =	sshrl.u32 s1, $0x2  }
0xb9: {  	s3 =	sand.u32 $0x4000, s31;
	s1 =	sadd.s32 s1, s30  }
0xba: {  	s0 =	sor.u32 s3, s0;
	s1 =	sshll.u32 s1, $0x11  }
0xbb: {  	s0 =	sor.u32 s1, s0  }
0xbc: {  	s0 =	sadd.s32 $0x8F2B, s0  }
0xbd: {  	[sflag:s0] =	ssyncadd.remote.s32 $0x1  }
0xbe: {  	_ =	sfence.sel $0xFFFF  }
0xbf: {  	[dreg:$0x0] =	wrdreg $0xFFFFFFFF;
	(pc) =	sbr.abs _section_cstart, $3  }
0xc0: {  	[dreg:$0x1] =	wrdreg $0xFFFFFFFF  }
0xc1: {  	_ =	task.clear_ibuf [dreg:s7], $0x2FFFF;
	_ =	strace $0x9FFFFFFF  }
0xc2: {  	(tm) =	ssettm $0x7FFFFFFF  }
0xc3: {  	_ =	shalt  }
tec
execute0_lowered:
.L_overlay_start_1:
0x0: {  	(tag) =	ssettag $0x1  }
0x1: {  	vm14 =	vcmask $0x300;
	v0 =	vimm.s32 $0x7A120;
	vm13 =	vcmask $0x704  }
0x2: {  	vm12 =	vcmask $0xB08;
	vm11 =	vcmask $0xF0C;
	vm10 =	vcmask $0x1310  }
0x3: {  	vm9 =	vcmask $0x1714;
	vm8 =	vcmask $0x1B18;
	v1 =	vlaneseq.u32  }
0x4: {  	vm7 =	vcmask $0x1F1C;
	vm6 =	vcmask $0x2320;
	v2 =	vimm.s32 $0x10C8E0  }
0x5: {  	vm5 =	vcmask $0x2724;
	vm3 =	vcmask $0x2B28;
	vm0 =	vcmask $0x2F2C  }
0x6: {  	v47 =	vimm.s32 $0x186A0;
	vm1 =	vcmask $0x3330;
	vm2 =	vcmask $0x3734  }
0x7: {  	vm4 =	vcmask $0x3B38;
	v51 =	vimm.s32 $0xAAE60;
	v3 =	vimm.s32 $0x13D620  }
0x8: {  	v4 =	vimm.s32 $0x493E0;
	v5 =	vimm.s32 $0xDBBA0;
	v0 =	vsel vm14, $0x186A00, v0  }
0x9: {  	v2 =	vsel vm14, $0x2191C0, v2;
	v6 =	vmul.u32 $0x186A0, v1;
	v3 =	vsel vm14, $0x249F00, v3  }
0xa: {  	v4 =	vsel vm14, $0x155CC0, v4;
	v5 =	vsel vm14, $0x1E8480, v5;
	v0 =	vsel vm13, $0x19F0A0, v0  }
0xb: {  	v2 =	vsel vm13, $0x231860, v2;
	v3 =	vsel vm13, $0x2625A0, v3;
	v4 =	vsel vm13, $0x16E360, v4  }
0xc: {  	v5 =	vsel vm13, $0x200B20, v5;
	v0 =	vsel vm12, $0x1B7740, v0;
	v46 =	vsel vm12, $0x249F00, v2  }
0xd: {  	v2 =	vsel vm14, $0x124F80, v47;
	v50 =	vadd.s32 $0x927C0, v6;
	v3 =	vsel vm12, $0x0, v3  }
0xe: {  	v4 =	vsel vm12, $0x186A00, v4;
	v5 =	vsel vm12, $0x2191C0, v5;
	v57 =	vadd.s32 $0x30D40, v6  }
0xf: {  	v60 =	vadd.s32 $0xC3500, v6;
	v62 =	vadd.s32 $0x61A80, v6;
	v63 =	vadd.s32 $0xF4240, v6  }
0x10: {  	v0 =	vsel vm11, $0x1CFDE0, v0;
	v1 =	vsel vm11, $0x2625A0, v46;
	v2 =	vsel vm13, $0x13D620, v2  }
0x11: {  	v3 =	vsel vm11, $0x186A0, v3;
	v4 =	vsel vm11, $0x19F0A0, v4;
	v5 =	vsel vm11, $0x231860, v5  }
0x12: {  	v0 =	vsel vm10, $0x1E8480, v0;
	v1 =	vsel vm10, $0x0, v1;
	v2 =	vsel vm12, $0x155CC0, v2  }
0x13: {  	v3 =	vsel vm10, $0x30D40, v3;
	v4 =	vsel vm10, $0x1B7740, v4;
	v5 =	vsel vm10, $0x249F00, v5  }
0x14: {  	v0 =	vsel vm9, $0x200B20, v0;
	v1 =	vsel vm9, $0x186A0, v1;
	v2 =	vsel vm11, $0x16E360, v2  }
0x15: {  	v3 =	vsel vm9, $0x493E0, v3;
	v4 =	vsel vm9, $0x1CFDE0, v4;
	v5 =	vsel vm9, $0x2625A0, v5  }
0x16: {  	v0 =	vsel vm8, $0x2191C0, v0;
	v1 =	vsel vm8, $0x30D40, v1;
	v2 =	vsel vm10, $0x186A00, v2  }
0x17: {  	v3 =	vsel vm8, $0x61A80, v3;
	v4 =	vsel vm8, $0x1E8480, v4;
	v53 =	vsel vm8, $0x0, v5  }
0x18: {  	v0 =	vsel vm7, $0x231860, v0;
	v1 =	vsel vm7, $0x493E0, v1;
	v2 =	vsel vm9, $0x19F0A0, v2  }
0x19: {  	v3 =	vsel vm7, $0x7A120, v3;
	v4 =	vsel vm7, $0x200B20, v4;
	v0 =	vsel vm6, $0x249F00, v0  }
0x1a: {  	s12 =	simm.s32 $0x680;
	v1 =	vsel vm6, $0x61A80, v1;
	v49 =	vsel vm8, $0x1B7740, v2;
	v2 =	vsel vm14, $0x1B7740, v51  }
0x1b: {  	s17 =	simm.s32 $0x3680;
	v3 =	vsel vm6, $0x927C0, v3;
	v4 =	vsel vm6, $0x2191C0, v4;
	v0 =	vsel vm5, $0x2625A0, v0  }
0x1c: {  	s18 =	simm.s32 $0x200;
	s19 =	simm.s32 $0x4680;
	v1 =	vsel vm5, $0x7A120, v1;
	v2 =	vsel vm13, $0x1CFDE0, v2;
	v3 =	vsel vm5, $0xAAE60, v3  }
0x1d: {  	s20 =	simm.s32 $0x280;
	s21 =	simm.s32 $0x5680;
	v4 =	vsel vm5, $0x231860, v4;
	v0 =	vsel vm3, $0x0, v0;
	v48 =	vsel vm3, $0x927C0, v1  }
0x1e: {  	v1 =	vsel vm7, $0x1CFDE0, v49;
	v2 =	vsel vm12, $0x1E8480, v2;
	v3 =	vsel vm3, $0xC3500, v3  }
0x1f: {  	s22 =	simm.s32 $0x300;
	s23 =	simm.s32 $0x6680;
	v52 =	vsel vm3, $0x249F00, v4;
	v4 =	vsel vm7, $0x186A0, v53;
	v0 =	vsel vm0, $0x186A0, v0  }
0x20: {  	v1 =	vsel vm6, $0x1E8480, v1;
	v2 =	vsel vm11, $0x200B20, v2;
	v3 =	vsel vm0, $0xDBBA0, v3  }
0x21: {  	s1 =	simm.s32 $0x0;
	s28 =	simm.s32 $0x8680;
	v0 =	vsel vm1, $0x30D40, v0;
	v1 =	vsel vm5, $0x200B20, v1;
	v2 =	vsel vm10, $0x2191C0, v2  }
0x22: {  	s29 =	simm.s32 $0x480;
	[smem:$0x7FF] =	sst s1;
	v3 =	vsel vm1, $0xF4240, v3;
	v0 =	vsel vm2, $0x493E0, v0;
	v1 =	vsel vm3, $0x2191C0, v1  }
0x23: {  	[tilespmem:$0x1FF40] =	vst v50;
	v2 =	vsel vm9, $0x231860, v2;
	v3 =	vsel vm2, $0x10C8E0, v3;
	v0 =	vsel vm4, $0x61A80, v0  }
0x24: {  	v55 =	vsel vm6, $0x30D40, v4;
	v2 =	vsel vm8, $0x249F00, v2;
	v3 =	vsel vm4, $0x124F80, v3;
	[tilespmem:$0x1FF30] =	vst v0  }
0x25: {  	s0 =	rddreg [dreg:$0x0];
	v0 =	vsel vm0, $0xAAE60, v48;
	v2 =	vsel vm7, $0x2625A0, v2;
	_ =	strace $0x80000047;
	[tilespmem:$0x1FF50] =	vst v3  }
0x26: {  	s30 =	simm.s32 $0x9680;
	s31 =	simm.s32 $0x500;
	v1 =	vsel vm0, $0x231860, v1;
	v0 =	vsel vm1, $0xC3500, v0;
	v2 =	vsel vm6, $0x0, v2;
	[tilespmem:$0x1FF80] =	vst v57  }
0x27: {  	s24 =	srdreg.scid;
	s2 =	stileid.u32;
	s3 =	simm.s32 $0x580;
	v1 =	vsel vm1, $0x249F00, v1;
	[tilespmem:$0x1FFA0] =	vst v60;
	v0 =	vsel vm2, $0xDBBA0, v0;
	v2 =	vsel vm5, $0x186A0, v2  }
0x28: {  	s10 =	simm.s32 $0x2;
	s11 =	simm.s32 $0x80;
	s8 =	simm.s32 $0xB680;
	v1 =	vsel vm2, $0x2625A0, v1;
	[tilespmem:$0x1FFC0] =	vst v62;
	v0 =	vsel vm4, $0xF4240, v0;
	v54 =	vsel vm3, $0x30D40, v2  }
0x29: {  	s6 =	simm.s32 $0x600;
	s9 =	simm.s32 $0xC680;
	s13 =	simm.s32 $0x0;
	v56 =	vsel vm5, $0x493E0, v55;
	v1 =	vsel vm4, $0x0, v1;
	[tilespmem:$0x1FF60] =	vst v0;
	v0 =	vsel vm0, $0x493E0, v54  }
0x2a: {  	s4 =	sadd.s32 $0xC00, s0;
	s5 =	sadd.s32 $0x27AD000, s0;
	s1 =	sand.u32 $0x1, s24;
	v3 =	vsel vm0, $0x2625A0, v52;
	[tilespmem:$0x1FF70] =	vst v1;
	v1 =	vsel vm3, $0x61A80, v56;
	v0 =	vsel vm1, $0x61A80, v0  }
0x2b: {  	s2 =	sshll.u32 s2, $0x1;
	s0 =	sadd.s32 $0xDC00, s0;
	s25 =	ssub.s32 $0x2, s1;
	[tilespmem:$0x1FFE0] =	vst v6;
	v58 =	vsel vm1, $0x0, v3;
	v1 =	vsel vm0, $0x7A120, v1;
	v0 =	vsel vm2, $0x7A120, v0  }
0x2c: {  	s24 =	simm.s32 $0x380;
	s1 =	sor.u32 s1, s2;
	s26 =	sshrl.u32 s25, $0x1;
	[tilespmem:$0x1FFF0] =	vst v63;
	v59 =	vsel vm2, $0x186A0, v58;
	v1 =	vsel vm1, $0x927C0, v1;
	v0 =	vsel vm4, $0x927C0, v0  }
0x2d: {  	s7 =	smul.u32 $0x3400, s1;
	[dreg:$0x3] =	wrdreg s0;
	s0 =	ssub.s32 s25, s26;
	v61 =	vsel vm2, $0xAAE60, v1;
	[tilespmem:$0x1FF90] =	vst v0;
	v0 =	vsel vm4, $0x30D40, v59  }
0x2e: {  	s1 =	simm.s32 $0x1;
	s25 =	simm.s32 $0x7680;
	s0 =	smax.u32 s0, $0x1;
	[tilespmem:$0x1FFB0] =	vst v0;
	v0 =	vsel vm4, $0xC3500, v61  }
0x2f: {  	s26 =	simm.s32 $0x400;
	[dreg:$0x4] =	wrdreg s0;
	s0 =	simm.s32 $0xA680;
	[tilespmem:$0x1FFD0] =	vst v0  }
.LBB2_1:
0x30: {  	[dreg:$0x5] =	wrdreg s13  }
0x31: {  	s2 =	simm.s32 $0x0;
	s16 =	rddreg [dreg:$0x3];
	s14 =	simm.s32 $0xD750  }
0x32: {  	[tilespmem:s14], [sflag:$0x2] =	stream.linear.gather [hbm4b:s16+s2], $0x340, $0x38;
	[tilespmem:$0xDA90] =	vst v63  }
0x33: {  	_ =	swait.ge [sflag:s10], $0x340  }
0x34: {  	v0 =	vld [tilespmem:$0x1FFE0]  }
0x35: {  	v52 =	vld [tilespmem:$0x1FF30]  }
0x36: {  	v53 =	vld [tilespmem:$0x1FF40]  }
0x37: {  	[sflag:s10] =	ssyncset.done $0x0;
	v54 =	vld [tilespmem:$0x1FF60]  }
0x38: {  	v55 =	vld [tilespmem:$0x1FF70];
	[sflag:s10] =	ssyncadd.s32 $0xFFFFFCC0  }
0x39: {  	v56 =	vld [tilespmem:$0x1FF80];
	[tilespmem:$0xD680] =	vst v0  }
0x3a: {  	v57 =	vld [tilespmem:$0x1FF90];
	[tilespmem:$0xD690] =	vst v52  }
0x3b: {  	v58 =	vld [tilespmem:$0x1FFA0];
	[tilespmem:$0xD6A0] =	vst v53  }
0x3c: {  	v59 =	vld [tilespmem:$0x1FF50];
	[tilespmem:$0xD6B0] =	vst v54  }
0x3d: {  	v60 =	vld [tilespmem:$0x1FFB0];
	[tilespmem:$0xD6C0] =	vst v55  }
0x3e: {  	v61 =	vld [tilespmem:$0x1FFC0];
	[tilespmem:$0xD6D0] =	vst v56  }
0x3f: {  	v62 =	vld [tilespmem:$0x1FFD0];
	[tilespmem:$0xD6E0] =	vst v57  }
0x40: {  	v63 =	vld [tilespmem:$0x1FFF0];
	[tilespmem:$0xD6F0] =	vst v58  }
0x41: {  	[tilespmem:$0xD700] =	vst v59  }
0x42: {  	[tilespmem:$0xD710] =	vst v60  }
0x43: {  	[tilespmem:$0xD720] =	vst v61  }
0x44: {  	[tilespmem:$0xD730] =	vst v62  }
0x45: {  	s2 =	simm.s32 $0x0;
	[tilespmem:$0xD740] =	vst v63  }
.LBB2_2:
0x46: {  	s13 =	smul.u32 $0x680, s2;
	_ =	sdelay $0x1  }
0x47: {  	s13 =	sadd.s32 s7, s13  }
0x48: {  	s14 =	sshrl.u32 s13, $0x3  }
0x49: {  	s16 =	simm.s32 $0x0;
	s15 =	sadd.s32 s4, s14  }
0x4a: {  	[tilespmem:s16], [sflag:$0x2] =	stream.linear.gather [hbm4b:s15+s16], $0x680, $0x38;
	[tilespmem:$0xDA90] =	vst v63  }
0x4b: {  	_ =	swait.ge [sflag:s10], $0x680  }
0x4c: {  	[sflag:s10] =	ssyncset.done $0x0  }
0x4d: {  	[sflag:s10] =	ssyncadd.s32 $0xFFFFF980  }
0x4e: {  	v1 =	vld [tilespmem:$0x70]  }
0x4f: {  	v0 =	vld [tilespmem:$0xD6F0]  }
0x50: {  	v3 =	vld [tilespmem:$0x80]  }
0x51: {  	v63 =	vld [tilespmem:$0x200]  }
0x52: {  	v2 =	vld [tilespmem:$0xD700]  }
0x53: {  	v5 =	vld [tilespmem:$0x90]  }
0x54: {  	v4 =	vld [tilespmem:$0xD710]  }
0x55: {  	v7 =	vld [tilespmem:$0xA0]  }
0x56: {  	[tilespmem:$0x1FC10] =	vst v63;
	v63 =	vld [tilespmem:$0xD6E0]  }
0x57: {  	v6 =	vld [tilespmem:$0xD720]  }
0x58: {  	v9 =	vld [tilespmem:$0xB0]  }
0x59: {  	v8 =	vld [tilespmem:$0xD730]  }
0x5a: {  	v13 =	vld [tilespmem:$0xC0]  }
0x5b: {  	[tilespmem:$0x1FC20] =	vst v63;
	v63 =	vld [tilespmem:$0x210]  }
0x5c: {  	v12 =	vld [tilespmem:$0xD740]  }
0x5d: {  	v15 =	vld [tilespmem:$0xD0]  }
0x5e: {  	v14 =	vld [tilespmem:$0xD680]  }
0x5f: {  	v17 =	vld [tilespmem:$0xE0]  }
0x60: {  	[tilespmem:$0x1FC30] =	vst v63;
	v63 =	vld [tilespmem:$0xD6F0]  }
0x61: {  	v16 =	vld [tilespmem:$0xD690]  }
0x62: {  	v21 =	vld [tilespmem:$0xF0]  }
0x63: {  	v20 =	vld [tilespmem:$0xD6A0]  }
0x64: {  	v23 =	vld [tilespmem:$0x100]  }
0x65: {  	[tilespmem:$0x1FC40] =	vst v63;
	v63 =	vld [tilespmem:$0x220]  }
0x66: {  	v22 =	vld [tilespmem:$0xD6B0]  }
0x67: {  	v25 =	vld [tilespmem:$0x110]  }
0x68: {  	v24 =	vld [tilespmem:$0xD6C0]  }
0x69: {  	v29 =	vld [tilespmem:$0x120]  }
0x6a: {  	[tilespmem:$0x1FC50] =	vst v63;
	v63 =	vld [tilespmem:$0xD700]  }
0x6b: {  	v26 =	vld [tilespmem:$0xD6D0]  }
0x6c: {  	v31 =	vld [tilespmem:$0x130]  }
0x6d: {  	v61 =	vld [tilespmem:$0x1F0]  }
0x6e: {  	v30 =	vld [tilespmem:$0xD6E0]  }
0x6f: {  	[tilespmem:$0x1FC60] =	vst v63;
	v63 =	vld [tilespmem:$0x230]  }
0x70: {  	v34 =	vld [tilespmem:$0x140]  }
0x71: {  	v32 =	vld [tilespmem:$0xD6F0]  }
0x72: {  	v37 =	vld [tilespmem:$0x150];
	[tilespmem:$0x1FC00] =	vst v61;
	v0 =	vadd.s32 v1, v0  }
0x73: {  	v33 =	vld [tilespmem:$0xD700];
	[tilespmem:$0x70] =	vst v0  }
0x74: {  	v0 =	vadd.s32 v3, v2;
	[tilespmem:$0x1FC70] =	vst v63;
	v63 =	vld [tilespmem:$0xD710]  }
0x75: {  	v40 =	vld [tilespmem:$0x160];
	[tilespmem:$0x80] =	vst v0;
	v0 =	vadd.s32 v5, v4  }
0x76: {  	v38 =	vld [tilespmem:$0xD710];
	[tilespmem:$0x90] =	vst v0;
	v0 =	vadd.s32 v7, v6  }
0x77: {  	v44 =	vld [tilespmem:$0x170];
	[tilespmem:$0xA0] =	vst v0;
	v0 =	vadd.s32 v9, v8  }
0x78: {  	v39 =	vld [tilespmem:$0xD720];
	[tilespmem:$0xB0] =	vst v0  }
0x79: {  	v0 =	vadd.s32 v13, v12;
	[tilespmem:$0x1FC80] =	vst v63;
	v63 =	vld [tilespmem:$0x240]  }
0x7a: {  	v46 =	vld [tilespmem:$0x180];
	[tilespmem:$0xC0] =	vst v0;
	v0 =	vadd.s32 v15, v14  }
0x7b: {  	v43 =	vld [tilespmem:$0xD730];
	[tilespmem:$0xD0] =	vst v0;
	v0 =	vadd.s32 v17, v16  }
0x7c: {  	v48 =	vld [tilespmem:$0x190];
	[tilespmem:$0xE0] =	vst v0;
	v0 =	vadd.s32 v21, v20  }
0x7d: {  	v45 =	vld [tilespmem:$0xD740];
	[tilespmem:$0xF0] =	vst v0  }
0x7e: {  	v0 =	vadd.s32 v23, v22;
	[tilespmem:$0x1FC90] =	vst v63;
	v63 =	vld [tilespmem:$0xD720]  }
0x7f: {  	v52 =	vld [tilespmem:$0x1A0];
	[tilespmem:$0x100] =	vst v0;
	v0 =	vadd.s32 v25, v24  }
0x80: {  	v47 =	vld [tilespmem:$0xD680];
	[tilespmem:$0x110] =	vst v0;
	v0 =	vadd.s32 v29, v26  }
0x81: {  	v54 =	vld [tilespmem:$0x1B0];
	[tilespmem:$0x120] =	vst v0;
	v0 =	vadd.s32 v31, v30  }
0x82: {  	v51 =	vld [tilespmem:$0xD690];
	[tilespmem:$0x130] =	vst v0  }
0x83: {  	v0 =	vadd.s32 v34, v32;
	[tilespmem:$0x1FCA0] =	vst v63;
	v63 =	vld [tilespmem:$0x250]  }
0x84: {  	v56 =	vld [tilespmem:$0x1C0];
	[tilespmem:$0x140] =	vst v0;
	v0 =	vadd.s32 v37, v33  }
0x85: {  	v53 =	vld [tilespmem:$0xD6A0];
	[tilespmem:$0x150] =	vst v0;
	v0 =	vadd.s32 v40, v38  }
0x86: {  	v60 =	vld [tilespmem:$0x1D0];
	[tilespmem:$0x160] =	vst v0;
	v0 =	vadd.s32 v44, v39  }
0x87: {  	v55 =	vld [tilespmem:$0xD6B0];
	[tilespmem:$0x170] =	vst v0  }
0x88: {  	v0 =	vadd.s32 v46, v43;
	[tilespmem:$0x1FCB0] =	vst v63;
	v63 =	vld [tilespmem:$0xD730]  }
0x89: {  	v62 =	vld [tilespmem:$0x1E0];
	[tilespmem:$0x180] =	vst v0;
	v0 =	vadd.s32 v48, v45  }
0x8a: {  	v59 =	vld [tilespmem:$0xD6C0];
	[tilespmem:$0x190] =	vst v0;
	v0 =	vadd.s32 v52, v47  }
0x8b: {  	[tilespmem:$0x1A0] =	vst v0;
	v0 =	vadd.s32 v54, v51  }
0x8c: {  	[tilespmem:$0x1B0] =	vst v0  }
0x8d: {  	v0 =	vadd.s32 v56, v53;
	[tilespmem:$0x1FCC0] =	vst v63;
	v63 =	vld [tilespmem:$0x260]  }
0x8e: {  	[tilespmem:$0x1C0] =	vst v0;
	v0 =	vadd.s32 v60, v55  }
0x8f: {  	v61 =	vld [tilespmem:$0xD6D0];
	[tilespmem:$0x1D0] =	vst v0;
	v0 =	vadd.s32 v62, v59  }
0x90: {  	[tilespmem:$0x1E0] =	vst v0;
	v0 =	vld [tilespmem:$0x1FC00];
	_ =	sdelay $0x1  }
0x91: {  	[tilespmem:$0x1FCD0] =	vst v63;
	v63 =	vld [tilespmem:$0xD740];
	_ =	sdelay $0x2  }
0x92: {  	v33 =	vld [tilespmem:$0x1FC20];
	v0 =	vadd.s32 v0, v61  }
0x93: {  	[tilespmem:$0x1F0] =	vst v0;
	v0 =	vld [tilespmem:$0x1FC10]  }
0x94: {  	[tilespmem:$0x1FCE0] =	vst v63;
	v63 =	vld [tilespmem:$0x270];
	_ =	sdelay $0x3  }
0x95: {  	v34 =	vld [tilespmem:$0x1FC40]  }
0x96: {  	v0 =	vadd.s32 v0, v33;
	[tilespmem:$0x1FCF0] =	vst v63;
	v63 =	vld [tilespmem:$0xD680]  }
0x97: {  	[tilespmem:$0x200] =	vst v0;
	v0 =	vld [tilespmem:$0x1FC30];
	_ =	sdelay $0x3  }
0x98: {  	[tilespmem:$0x1FD00] =	vst v63;
	v63 =	vld [tilespmem:$0x280]  }
0x99: {  	v37 =	vld [tilespmem:$0x1FC60];
	v0 =	vadd.s32 v0, v34  }
0x9a: {  	[tilespmem:$0x210] =	vst v0;
	v0 =	vld [tilespmem:$0x1FC50];
	_ =	sdelay $0x2  }
0x9b: {  	[tilespmem:$0x1FD10] =	vst v63;
	v63 =	vld [tilespmem:$0xD690];
	_ =	sdelay $0x1  }
0x9c: {  	v38 =	vld [tilespmem:$0x1FC80];
	v0 =	vadd.s32 v0, v37  }
0x9d: {  	[tilespmem:$0x220] =	vst v0;
	v0 =	vld [tilespmem:$0x1FC70];
	_ =	sdelay $0x1  }
0x9e: {  	[tilespmem:$0x1FD20] =	vst v63;
	v63 =	vld [tilespmem:$0x290];
	_ =	sdelay $0x2  }
0x9f: {  	v39 =	vld [tilespmem:$0x1FCA0];
	v0 =	vadd.s32 v0, v38  }
0xa0: {  	[tilespmem:$0x230] =	vst v0;
	v0 =	vld [tilespmem:$0x1FC90]  }
0xa1: {  	[tilespmem:$0x1FD30] =	vst v63;
	v63 =	vld [tilespmem:$0xD6A0];
	_ =	sdelay $0x3  }
0xa2: {  	v40 =	vld [tilespmem:$0x1FCC0]  }
0xa3: {  	v0 =	vadd.s32 v0, v39;
	[tilespmem:$0x1FD40] =	vst v63;
	v63 =	vld [tilespmem:$0x2A0]  }
0xa4: {  	[tilespmem:$0x240] =	vst v0;
	v0 =	vld [tilespmem:$0x1FCB0];
	_ =	sdelay $0x3  }
0xa5: {  	[tilespmem:$0x1FD50] =	vst v63;
	v63 =	vld [tilespmem:$0xD6B0]  }
0xa6: {  	v0 =	vadd.s32 v0, v40  }
0xa7: {  	[tilespmem:$0x250] =	vst v0;
	v0 =	vld [tilespmem:$0x1FCD0]  }
0xa8: {  	v43 =	vld [tilespmem:$0x1FCE0];
	_ =	sdelay $0x1  }
0xa9: {  	[tilespmem:$0x1FD60] =	vst v63;
	v63 =	vld [tilespmem:$0x2B0];
	_ =	sdelay $0x2  }
0xaa: {  	v0 =	vadd.s32 v0, v43  }
0xab: {  	[tilespmem:$0x260] =	vst v0;
	v0 =	vld [tilespmem:$0x1FCF0]  }
0xac: {  	[tilespmem:$0x1FD70] =	vst v63;
	v63 =	vld [tilespmem:$0xD6C0]  }
0xad: {  	v44 =	vld [tilespmem:$0x1FD00];
	_ =	sdelay $0x3  }
0xae: {  	[tilespmem:$0x1FD80] =	vst v63;
	v63 =	vld [tilespmem:$0x2C0]  }
0xaf: {  	v0 =	vadd.s32 v0, v44  }
0xb0: {  	[tilespmem:$0x270] =	vst v0;
	v0 =	vld [tilespmem:$0x1FD10]  }
0xb1: {  	v45 =	vld [tilespmem:$0x1FD20];
	_ =	sdelay $0x1  }
0xb2: {  	[tilespmem:$0x1FD90] =	vst v63;
	v63 =	vld [tilespmem:$0xD6D0];
	_ =	sdelay $0x2  }
0xb3: {  	v10 =	vld [tilespmem:$0x0];
	v0 =	vadd.s32 v0, v45  }
0xb4: {  	[tilespmem:$0x280] =	vst v0;
	v0 =	vld [tilespmem:$0x1FD30]  }
0xb5: {  	[tilespmem:$0x1FDA0] =	vst v63;
	v63 =	vld [tilespmem:$0x2D0]  }
0xb6: {  	v46 =	vld [tilespmem:$0x1FD40]  }
0xb7: {  	v11 =	vld [tilespmem:$0xD680]  }
0xb8: {  	v18 =	vld [tilespmem:$0x10]  }
0xb9: {  	v19 =	vld [tilespmem:$0xD690]  }
0xba: {  	[tilespmem:$0x1FDB0] =	vst v63;
	v63 =	vld [tilespmem:$0xD6E0]  }
0xbb: {  	v27 =	vld [tilespmem:$0x20];
	v0 =	vadd.s32 v0, v46  }
0xbc: {  	[tilespmem:$0x290] =	vst v0;
	v0 =	vld [tilespmem:$0x1FD50]  }
0xbd: {  	v47 =	vld [tilespmem:$0x1FD60]  }
0xbe: {  	v28 =	vld [tilespmem:$0xD6A0]  }
0xbf: {  	[tilespmem:$0x1FDC0] =	vst v63;
	v63 =	vld [tilespmem:$0x2E0]  }
0xc0: {  	v35 =	vld [tilespmem:$0x30]  }
0xc1: {  	v36 =	vld [tilespmem:$0xD6B0]  }
0xc2: {  	v41 =	vld [tilespmem:$0x40];
	v0 =	vadd.s32 v0, v47  }
0xc3: {  	[tilespmem:$0x2A0] =	vst v0;
	v0 =	vld [tilespmem:$0x1FD70]  }
0xc4: {  	[tilespmem:$0x1FDD0] =	vst v63;
	v63 =	vld [tilespmem:$0xD6F0]  }
0xc5: {  	v48 =	vld [tilespmem:$0x1FD80]  }
0xc6: {  	v42 =	vld [tilespmem:$0xD6C0]  }
0xc7: {  	v49 =	vld [tilespmem:$0x50]  }
0xc8: {  	v50 =	vld [tilespmem:$0xD6D0]  }
0xc9: {  	[tilespmem:$0x1FDE0] =	vst v63;
	v63 =	vld [tilespmem:$0x2F0]  }
0xca: {  	v57 =	vld [tilespmem:$0x60];
	v0 =	vadd.s32 v0, v48  }
0xcb: {  	[tilespmem:$0x2B0] =	vst v0;
	v0 =	vld [tilespmem:$0x1FD90]  }
0xcc: {  	v51 =	vld [tilespmem:$0x1FDA0]  }
0xcd: {  	v58 =	vld [tilespmem:$0xD6E0]  }
0xce: {  	[tilespmem:$0x1FDF0] =	vst v63;
	v63 =	vld [tilespmem:$0xD700]  }
0xcf: {  	v18 =	vadd.s32 v18, v19;
	v19 =	vld [tilespmem:$0x370]  }
0xd0: {  	v27 =	vadd.s32 v27, v28;
	v28 =	vld [tilespmem:$0xD6B0]  }
0xd1: {  	v35 =	vadd.s32 v35, v36;
	v36 =	vld [tilespmem:$0x380];
	v0 =	vadd.s32 v0, v51  }
0xd2: {  	[tilespmem:$0x2C0] =	vst v0;
	v0 =	vld [tilespmem:$0x1FDB0]  }
0xd3: {  	[tilespmem:$0x1FE00] =	vst v63;
	v63 =	vld [tilespmem:$0x300]  }
0xd4: {  	v52 =	vld [tilespmem:$0x1FDC0]  }
0xd5: {  	v42 =	vadd.s32 v41, v42;
	v41 =	vld [tilespmem:$0xD6D0]  }
0xd6: {  	v10 =	vadd.s32 v10, v11;
	v11 =	vld [tilespmem:$0x400]  }
0xd7: {  	v1 =	vld [tilespmem:$0xD680]  }
0xd8: {  	[tilespmem:$0x1FE10] =	vst v63;
	v63 =	vld [tilespmem:$0xD710]  }
0xd9: {  	[tilespmem:$0x10] =	vst v18;
	v18 =	vld [tilespmem:$0xD6C0];
	v0 =	vadd.s32 v0, v52  }
0xda: {  	[tilespmem:$0x2D0] =	vst v0;
	v0 =	vld [tilespmem:$0x1FDD0]  }
0xdb: {  	v53 =	vld [tilespmem:$0x1FDE0]  }
0xdc: {  	[tilespmem:$0x20] =	vst v27;
	v27 =	vld [tilespmem:$0x390]  }
0xdd: {  	[tilespmem:$0x1FE20] =	vst v63;
	v63 =	vld [tilespmem:$0x310]  }
0xde: {  	[tilespmem:$0x40] =	vst v42;
	v42 =	vld [tilespmem:$0x3A0]  }
0xdf: {  	[tilespmem:$0x30] =	vst v35;
	v35 =	vld [tilespmem:$0xD700]  }
0xe0: {  	[tilespmem:$0x0] =	vst v10;
	v10 =	vld [tilespmem:$0xD730];
	v0 =	vadd.s32 v0, v53  }
0xe1: {  	[tilespmem:$0x2E0] =	vst v0;
	v0 =	vld [tilespmem:$0x1FDF0]  }
0xe2: {  	[tilespmem:$0x1FE30] =	vst v63;
	v63 =	vld [tilespmem:$0xD720]  }
0xe3: {  	v54 =	vld [tilespmem:$0x1FE00]  }
0xe4: {  	v2 =	vld [tilespmem:$0xD740]  }
0xe5: {  	v3 =	vld [tilespmem:$0x410]  }
0xe6: {  	v4 =	vld [tilespmem:$0x420]  }
0xe7: {  	[tilespmem:$0x1FE40] =	vst v63;
	v63 =	vld [tilespmem:$0x320]  }
0xe8: {  	v5 =	vld [tilespmem:$0xD690];
	v0 =	vadd.s32 v0, v54  }
0xe9: {  	[tilespmem:$0x2F0] =	vst v0;
	v0 =	vld [tilespmem:$0x1FE10]  }
0xea: {  	v55 =	vld [tilespmem:$0x1FE20]  }
0xeb: {  	v6 =	vld [tilespmem:$0x430]  }
0xec: {  	[tilespmem:$0x1FE50] =	vst v63;
	v63 =	vld [tilespmem:$0xD730]  }
0xed: {  	v7 =	vld [tilespmem:$0xD6A0]  }
0xee: {  	v8 =	vld [tilespmem:$0x440]  }
0xef: {  	v9 =	vld [tilespmem:$0xD6B0];
	v0 =	vadd.s32 v0, v55  }
0xf0: {  	[tilespmem:$0x300] =	vst v0;
	v0 =	vld [tilespmem:$0x1FE30]  }
0xf1: {  	[tilespmem:$0x1FE60] =	vst v63;
	v63 =	vld [tilespmem:$0x330]  }
0xf2: {  	v56 =	vld [tilespmem:$0x1FE40]  }
0xf3: {  	[tilespmem:$0x1FEE0] =	vst v19;
	v19 =	vadd.s32 v49, v50;
	v49 =	vld [tilespmem:$0xD6E0]  }
0xf4: {  	v50 =	vld [tilespmem:$0x3B0]  }
0xf5: {  	[tilespmem:$0x1FEF0] =	vst v28;
	v28 =	vadd.s32 v57, v58;
	v57 =	vld [tilespmem:$0xD6F0]  }
0xf6: {  	[tilespmem:$0x1FE70] =	vst v63;
	v63 =	vld [tilespmem:$0xD740]  }
0xf7: {  	v58 =	vld [tilespmem:$0x3C0];
	v0 =	vadd.s32 v0, v56  }
0xf8: {  	[tilespmem:$0x310] =	vst v0;
	v0 =	vld [tilespmem:$0x1FE50]  }
0xf9: {  	v59 =	vld [tilespmem:$0x1FE60]  }
0xfa: {  	[tilespmem:$0x1FF00] =	vst v36;
	v36 =	vld [tilespmem:$0x3D0]  }
0xfb: {  	[tilespmem:$0x1FE80] =	vst v63;
	v63 =	vld [tilespmem:$0x340]  }
0xfc: {  	v12 =	vld [tilespmem:$0x450]  }
0xfd: {  	v13 =	vld [tilespmem:$0xD6C0]  }
0xfe: {  	[tilespmem:$0x1FF20] =	vst v27;
	v27 =	vld [tilespmem:$0xD710];
	v0 =	vadd.s32 v0, v59  }
0xff: {  	[tilespmem:$0x320] =	vst v0;
	v0 =	vld [tilespmem:$0x1FE70]  }
0x100: {  	[tilespmem:$0x1FE90] =	vst v63;
	v63 =	vld [tilespmem:$0xD680]  }
0x101: {  	v60 =	vld [tilespmem:$0x1FE80]  }
0x102: {  	[tilespmem:$0x60] =	vst v28;
	v28 =	vld [tilespmem:$0x3E0]  }
0x103: {  	[tilespmem:$0x1FF10] =	vst v18;
	v18 =	vld [tilespmem:$0xD720]  }
0x104: {  	[tilespmem:$0x50] =	vst v19;
	v19 =	vld [tilespmem:$0x3F0]  }
0x105: {  	[tilespmem:$0x1FEA0] =	vst v63;
	v63 =	vld [tilespmem:$0x350]  }
0x106: {  	v14 =	vld [tilespmem:$0x460];
	v0 =	vadd.s32 v0, v60  }
0x107: {  	[tilespmem:$0x330] =	vst v0;
	v0 =	vld [tilespmem:$0x1FE90]  }
0x108: {  	v61 =	vld [tilespmem:$0x1FEA0]  }
0x109: {  	v15 =	vld [tilespmem:$0xD6D0]  }
0x10a: {  	[tilespmem:$0x1FEB0] =	vst v63;
	v63 =	vld [tilespmem:$0xD690]  }
0x10b: {  	v16 =	vld [tilespmem:$0x470]  }
0x10c: {  	v17 =	vld [tilespmem:$0xD6E0]  }
0x10d: {  	v20 =	vld [tilespmem:$0x480];
	v0 =	vadd.s32 v0, v61  }
0x10e: {  	[tilespmem:$0x340] =	vst v0;
	v0 =	vld [tilespmem:$0x1FEB0]  }
0x10f: {  	[tilespmem:$0x1FEC0] =	vst v63;
	v63 =	vld [tilespmem:$0x360]  }
0x110: {  	v62 =	vld [tilespmem:$0x1FEC0]  }
0x111: {  	v21 =	vld [tilespmem:$0xD6F0]  }
0x112: {  	v22 =	vld [tilespmem:$0x490]  }
0x113: {  	v23 =	vld [tilespmem:$0xD700]  }
0x114: {  	v24 =	vld [tilespmem:$0x4A0]  }
0x115: {  	[tilespmem:$0x1FED0] =	vst v63;
	v63 =	vld [tilespmem:$0xD6A0];
	v0 =	vadd.s32 v0, v62  }
0x116: {  	[tilespmem:$0x350] =	vst v0;
	v0 =	vld [tilespmem:$0x1FED0]  }
0x117: {  	v25 =	vld [tilespmem:$0xD710]  }
0x118: {  	v26 =	vld [tilespmem:$0x4B0]  }
0x119: {  	v29 =	vld [tilespmem:$0xD720]  }
0x11a: {  	v30 =	vld [tilespmem:$0x4C0]  }
0x11b: {  	v48 =	vld [tilespmem:$0x1FEF0];
	v0 =	vadd.s32 v0, v63  }
0x11c: {  	[tilespmem:$0x360] =	vst v0;
	v0 =	vld [tilespmem:$0x1FEE0]  }
0x11d: {  	v31 =	vld [tilespmem:$0xD730]  }
0x11e: {  	v32 =	vld [tilespmem:$0x4D0]  }
0x11f: {  	v33 =	vld [tilespmem:$0xD740]  }
0x120: {  	v34 =	vld [tilespmem:$0x4E0]  }
0x121: {  	v51 =	vld [tilespmem:$0x1FF10];
	v0 =	vadd.s32 v0, v48  }
0x122: {  	[tilespmem:$0x370] =	vst v0;
	v0 =	vld [tilespmem:$0x1FF00]  }
0x123: {  	v37 =	vld [tilespmem:$0xD680]  }
0x124: {  	v38 =	vld [tilespmem:$0x4F0]  }
0x125: {  	v39 =	vld [tilespmem:$0xD690]  }
0x126: {  	v40 =	vld [tilespmem:$0x500]  }
0x127: {  	v43 =	vld [tilespmem:$0xD6A0];
	v0 =	vadd.s32 v0, v51  }
0x128: {  	[tilespmem:$0x380] =	vst v0;
	v0 =	vld [tilespmem:$0x1FF20]  }
0x129: {  	v44 =	vld [tilespmem:$0x510]  }
0x12a: {  	v45 =	vld [tilespmem:$0xD6B0]  }
0x12b: {  	v46 =	vld [tilespmem:$0x520]  }
0x12c: {  	v52 =	vld [tilespmem:$0xD6C0]  }
0x12d: {  	v53 =	vld [tilespmem:$0xD6D0];
	v0 =	vadd.s32 v0, v41  }
0x12e: {  	v54 =	vld [tilespmem:$0xD6E0];
	[tilespmem:$0x390] =	vst v0;
	v0 =	vadd.s32 v42, v49  }
0x12f: {  	v55 =	vld [tilespmem:$0xD6F0];
	[tilespmem:$0x3A0] =	vst v0;
	v0 =	vadd.s32 v50, v57  }
0x130: {  	v56 =	vld [tilespmem:$0x560];
	[tilespmem:$0x3B0] =	vst v0;
	v0 =	vadd.s32 v58, v35  }
0x131: {  	v59 =	vld [tilespmem:$0x590];
	[tilespmem:$0x3C0] =	vst v0;
	v0 =	vadd.s32 v36, v27  }
0x132: {  	v60 =	vld [tilespmem:$0xD730];
	[tilespmem:$0x3D0] =	vst v0;
	v0 =	vadd.s32 v28, v18  }
0x133: {  	v61 =	vld [tilespmem:$0x5A0];
	[tilespmem:$0x3E0] =	vst v0;
	v0 =	vadd.s32 v19, v10  }
0x134: {  	v62 =	vld [tilespmem:$0xD740];
	[tilespmem:$0x3F0] =	vst v0;
	v0 =	vadd.s32 v11, v2  }
0x135: {  	v63 =	vld [tilespmem:$0x5B0];
	[tilespmem:$0x400] =	vst v0;
	v0 =	vadd.s32 v3, v1  }
0x136: {  	v48 =	vld [tilespmem:$0x540];
	[tilespmem:$0x410] =	vst v0;
	v0 =	vadd.s32 v4, v5  }
0x137: {  	v51 =	vld [tilespmem:$0x5F0];
	[tilespmem:$0x420] =	vst v0;
	v0 =	vadd.s32 v6, v7  }
0x138: {  	v41 =	vld [tilespmem:$0x530];
	[tilespmem:$0x430] =	vst v0;
	v0 =	vadd.s32 v8, v9  }
0x139: {  	v49 =	vld [tilespmem:$0x5E0];
	[tilespmem:$0x440] =	vst v0;
	v0 =	vadd.s32 v12, v13  }
0x13a: {  	v57 =	vld [tilespmem:$0x580];
	[tilespmem:$0x450] =	vst v0;
	v0 =	vadd.s32 v14, v15  }
0x13b: {  	v50 =	vld [tilespmem:$0xD6B0];
	[tilespmem:$0x460] =	vst v0;
	v0 =	vadd.s32 v16, v17  }
0x13c: {  	v58 =	vld [tilespmem:$0xD720];
	[tilespmem:$0x470] =	vst v0;
	v0 =	vadd.s32 v20, v21  }
0x13d: {  	v27 =	vld [tilespmem:$0x550];
	[tilespmem:$0x480] =	vst v0;
	v0 =	vadd.s32 v22, v23  }
0x13e: {  	v36 =	vld [tilespmem:$0x5D0];
	[tilespmem:$0x490] =	vst v0;
	v0 =	vadd.s32 v24, v25  }
0x13f: {  	v28 =	vld [tilespmem:$0xD680];
	[tilespmem:$0x4A0] =	vst v0;
	v0 =	vadd.s32 v26, v29  }
0x140: {  	v2 =	vld [tilespmem:$0xD700];
	[tilespmem:$0x4B0] =	vst v0;
	v0 =	vadd.s32 v30, v31  }
0x141: {  	v1 =	vld [tilespmem:$0x570];
	[tilespmem:$0x4C0] =	vst v0;
	v0 =	vadd.s32 v32, v33  }
0x142: {  	v3 =	vld [tilespmem:$0xD710];
	[tilespmem:$0x4D0] =	vst v0;
	v0 =	vadd.s32 v34, v37  }
0x143: {  	v29 =	vld [tilespmem:$0x5C0];
	[tilespmem:$0x4E0] =	vst v0;
	v0 =	vadd.s32 v38, v39  }
0x144: {  	v31 =	vld [tilespmem:$0xD690];
	[tilespmem:$0x4F0] =	vst v0;
	v0 =	vadd.s32 v40, v43  }
0x145: {  	v37 =	vld [tilespmem:$0xD6A0];
	[tilespmem:$0x500] =	vst v0;
	v0 =	vadd.s32 v44, v45  }
0x146: {  	[tilespmem:$0x510] =	vst v0;
	v0 =	vadd.s32 v46, v52;
	v52 =	vld [tilespmem:$0xD6C0]  }
0x147: {  	[tilespmem:$0x520] =	vst v0;
	v0 =	vadd.s32 v41, v53;
	v53 =	vld [tilespmem:$0x600]  }
0x148: {  	[tilespmem:$0x530] =	vst v0;
	v0 =	vadd.s32 v48, v54;
	v54 =	vld [tilespmem:$0xD6D0]  }
0x149: {  	[tilespmem:$0x540] =	vst v0;
	v0 =	vadd.s32 v27, v55;
	v55 =	vld [tilespmem:$0x610]  }
0x14a: {  	[tilespmem:$0x550] =	vst v0;
	v0 =	vadd.s32 v56, v2;
	v2 =	vld [tilespmem:$0xD6E0]  }
0x14b: {  	v56 =	vld [tilespmem:$0x630];
	[tilespmem:$0x560] =	vst v0;
	v0 =	vadd.s32 v1, v3  }
0x14c: {  	v1 =	vld [tilespmem:$0x620];
	[tilespmem:$0x570] =	vst v0;
	v0 =	vadd.s32 v57, v58  }
0x14d: {  	v3 =	vld [tilespmem:$0xD6F0];
	[tilespmem:$0x580] =	vst v0;
	v0 =	vadd.s32 v59, v60  }
0x14e: {  	v57 =	vld [tilespmem:$0xD700];
	[tilespmem:$0x590] =	vst v0;
	v0 =	vadd.s32 v61, v62  }
0x14f: {  	v58 =	vld [tilespmem:$0x640];
	[tilespmem:$0x5A0] =	vst v0;
	v0 =	vadd.s32 v63, v28  }
0x150: {  	v59 =	vld [tilespmem:$0xD710];
	[tilespmem:$0x5B0] =	vst v0;
	v0 =	vadd.s32 v29, v31  }
0x151: {  	v60 =	vld [tilespmem:$0x650];
	[tilespmem:$0x5C0] =	vst v0;
	v0 =	vadd.s32 v36, v37  }
0x152: {  	v61 =	vld [tilespmem:$0xD720];
	[tilespmem:$0x5D0] =	vst v0;
	v0 =	vadd.s32 v49, v50  }
0x153: {  	v62 =	vld [tilespmem:$0x660];
	[tilespmem:$0x5E0] =	vst v0;
	v0 =	vadd.s32 v51, v52  }
0x154: {  	v63 =	vld [tilespmem:$0xD730];
	[tilespmem:$0x5F0] =	vst v0;
	v0 =	vadd.s32 v53, v54  }
0x155: {  	[tilespmem:$0x600] =	vst v0;
	v0 =	vadd.s32 v55, v2;
	v2 =	vld [tilespmem:$0x670]  }
0x156: {  	[tilespmem:$0x610] =	vst v0;
	v0 =	vadd.s32 v1, v3;
	v1 =	vld [tilespmem:$0xD740]  }
0x157: {  	[tilespmem:$0x620] =	vst v0;
	v0 =	vadd.s32 v56, v57  }
0x158: {  	[tilespmem:$0x630] =	vst v0;
	v0 =	vadd.s32 v58, v59  }
0x159: {  	[tilespmem:$0x640] =	vst v0;
	v0 =	vadd.s32 v60, v61  }
0x15a: {  	[tilespmem:$0x650] =	vst v0;
	v0 =	vadd.s32 v62, v63  }
0x15b: {  	[tilespmem:$0x660] =	vst v0;
	v0 =	vadd.s32 v2, v1  }
0x15c: {  	[tilespmem:$0x670] =	vst v0  }
0x15d: {  	[tilespmem:s12], [sflag:$0x1] =	stream.indirect.gather [hbm4b:s5+s11], $0x20, s16, s11, $0xb8;
	[tilespmem:$0xDA90] =	vst v63  }
0x15e: {  	s16 =	simm.s32 $0x1680  }
0x15f: {  	[tilespmem:s16], [sflag:$0x1] =	stream.indirect.gather [hbm4b:s5+s11], $0x20, s11, s11, $0xb8;
	[tilespmem:$0xDA90] =	vst v63  }
0x160: {  	s15 =	simm.s32 $0x100;
	s16 =	simm.s32 $0x2680  }
0x161: {  	[tilespmem:s16], [sflag:$0x1] =	stream.indirect.gather [hbm4b:s5+s11], $0x20, s15, s11, $0xb8;
	[tilespmem:$0xDA90] =	vst v63  }
0x162: {  	s16 =	simm.s32 $0x180  }
0x163: {  	[tilespmem:s17], [sflag:$0x1] =	stream.indirect.gather [hbm4b:s5+s11], $0x20, s16, s11, $0xb8;
	[tilespmem:$0xDA90] =	vst v63  }
0x164: {  	_ = 	snop  }
0x165: {  	[tilespmem:s19], [sflag:$0x1] =	stream.indirect.gather [hbm4b:s5+s11], $0x20, s18, s11, $0xb8;
	[tilespmem:$0xDA90] =	vst v63  }
0x166: {  	_ = 	snop  }
0x167: {  	[tilespmem:s21], [sflag:$0x1] =	stream.indirect.gather [hbm4b:s5+s11], $0x20, s20, s11, $0xb8;
	[tilespmem:$0xDA90] =	vst v63  }
0x168: {  	_ = 	snop  }
0x169: {  	[tilespmem:s23], [sflag:$0x1] =	stream.indirect.gather [hbm4b:s5+s11], $0x20, s22, s11, $0xb8;
	[tilespmem:$0xDA90] =	vst v63  }
0x16a: {  	_ = 	snop  }
0x16b: {  	[tilespmem:s25], [sflag:$0x1] =	stream.indirect.gather [hbm4b:s5+s11], $0x20, s24, s11, $0xb8;
	[tilespmem:$0xDA90] =	vst v63  }
0x16c: {  	_ = 	snop  }
0x16d: {  	[tilespmem:s28], [sflag:$0x1] =	stream.indirect.gather [hbm4b:s5+s11], $0x20, s26, s11, $0xb8;
	[tilespmem:$0xDA90] =	vst v63  }
0x16e: {  	_ = 	snop  }
0x16f: {  	[tilespmem:s30], [sflag:$0x1] =	stream.indirect.gather [hbm4b:s5+s11], $0x20, s29, s11, $0xb8;
	[tilespmem:$0xDA90] =	vst v63  }
0x170: {  	_ = 	snop  }
0x171: {  	[tilespmem:s0], [sflag:$0x1] =	stream.indirect.gather [hbm4b:s5+s11], $0x20, s31, s11, $0xb8;
	[tilespmem:$0xDA90] =	vst v63  }
0x172: {  	_ = 	snop  }
0x173: {  	[tilespmem:s8], [sflag:$0x1] =	stream.indirect.gather [hbm4b:s5+s11], $0x20, s3, s11, $0xb8;
	[tilespmem:$0xDA90] =	vst v63  }
0x174: {  	_ = 	snop  }
0x175: {  	[tilespmem:s9], [sflag:$0x1] =	stream.indirect.gather [hbm4b:s5+s11], $0x20, s6, s11, $0xb8;
	[tilespmem:$0xDA90] =	vst v63  }
0x176: {  	_ =	swait.ge [sflag:s1], $0x1000  }
0x177: {  	[sflag:s1] =	ssyncset.done $0x0  }
0x178: {  	[sflag:s1] =	ssyncadd.s32 $0xFFFFF000  }
0x179: {  	_ =	swait.ge [sflag:s1], $0x1000  }
0x17a: {  	[sflag:s1] =	ssyncset.done $0x0  }
0x17b: {  	[sflag:s1] =	ssyncadd.s32 $0xFFFFF000  }
0x17c: {  	_ =	swait.ge [sflag:s1], $0x1000  }
0x17d: {  	[sflag:s1] =	ssyncset.done $0x0  }
0x17e: {  	[sflag:s1] =	ssyncadd.s32 $0xFFFFF000  }
0x17f: {  	_ =	swait.ge [sflag:s1], $0x1000  }
0x180: {  	[sflag:s1] =	ssyncset.done $0x0  }
0x181: {  	[sflag:s1] =	ssyncadd.s32 $0xFFFFF000  }
0x182: {  	_ =	swait.ge [sflag:s1], $0x1000  }
0x183: {  	[sflag:s1] =	ssyncset.done $0x0  }
0x184: {  	[sflag:s1] =	ssyncadd.s32 $0xFFFFF000  }
0x185: {  	_ =	swait.ge [sflag:s1], $0x1000  }
0x186: {  	[sflag:s1] =	ssyncset.done $0x0  }
0x187: {  	[sflag:s1] =	ssyncadd.s32 $0xFFFFF000  }
0x188: {  	_ =	swait.ge [sflag:s1], $0x1000  }
0x189: {  	[sflag:s1] =	ssyncset.done $0x0  }
0x18a: {  	[sflag:s1] =	ssyncadd.s32 $0xFFFFF000  }
0x18b: {  	_ =	swait.ge [sflag:s1], $0x1000  }
0x18c: {  	[sflag:s1] =	ssyncset.done $0x0  }
0x18d: {  	[sflag:s1] =	ssyncadd.s32 $0xFFFFF000  }
0x18e: {  	_ =	swait.ge [sflag:s1], $0x1000  }
0x18f: {  	[sflag:s1] =	ssyncset.done $0x0  }
0x190: {  	[sflag:s1] =	ssyncadd.s32 $0xFFFFF000  }
0x191: {  	_ =	swait.ge [sflag:s1], $0x1000  }
0x192: {  	[sflag:s1] =	ssyncset.done $0x0  }
0x193: {  	[sflag:s1] =	ssyncadd.s32 $0xFFFFF000  }
0x194: {  	_ =	swait.ge [sflag:s1], $0x1000  }
0x195: {  	[sflag:s1] =	ssyncset.done $0x0  }
0x196: {  	[sflag:s1] =	ssyncadd.s32 $0xFFFFF000  }
0x197: {  	_ =	swait.ge [sflag:s1], $0x1000  }
0x198: {  	[sflag:s1] =	ssyncset.done $0x0  }
0x199: {  	[sflag:s1] =	ssyncadd.s32 $0xFFFFF000  }
0x19a: {  	_ =	swait.ge [sflag:s1], $0x1000  }
0x19b: {  	[sflag:s1] =	ssyncset.done $0x0  }
0x19c: {  	s14 =	simm.s32 $0x0;
	[sflag:s1] =	ssyncadd.s32 $0xFFFFF000  }
0x19d: {  	s15 =	simm.s32 $0xD00;
	v0 =	vld [tilespmem:s14+$0x680]  }
.LBB2_3:
0x19e: {  	p0 =	sne.s32 s15, $0x33300;
	v1 =	vld [tilespmem:$0xD750];
	_ =	sdelay $0x4  }
0x19f: {  	v0 =	vadd.f32 v1, v0;
	_ =	sdelay $0x1  }
0x1a0: {  	[tilespmem:s14+$0x680] =	vst v0;
	v0 =	vld [tilespmem:s14+$0x690]  }
0x1a1: {  	v1 =	vld [tilespmem:$0xD760];
	_ =	sdelay $0x4  }
0x1a2: {  	v0 =	vadd.f32 v1, v0;
	_ =	sdelay $0x1  }
0x1a3: {  	[tilespmem:s14+$0x690] =	vst v0;
	v0 =	vld [tilespmem:s14+$0x6A0]  }
0x1a4: {  	v1 =	vld [tilespmem:$0xD770];
	_ =	sdelay $0x4  }
0x1a5: {  	v0 =	vadd.f32 v1, v0;
	_ =	sdelay $0x1  }
0x1a6: {  	[tilespmem:s14+$0x6A0] =	vst v0;
	v0 =	vld [tilespmem:s14+$0x6B0]  }
0x1a7: {  	v1 =	vld [tilespmem:$0xD780];
	_ =	sdelay $0x4  }
0x1a8: {  	v0 =	vadd.f32 v1, v0;
	_ =	sdelay $0x1  }
0x1a9: {  	[tilespmem:s14+$0x6B0] =	vst v0;
	v0 =	vld [tilespmem:s14+$0x6C0]  }
0x1aa: {  	v1 =	vld [tilespmem:$0xD790];
	_ =	sdelay $0x4  }
0x1ab: {  	v0 =	vadd.f32 v1, v0;
	_ =	sdelay $0x1  }
0x1ac: {  	[tilespmem:s14+$0x6C0] =	vst v0;
	v0 =	vld [tilespmem:s14+$0x6D0]  }
0x1ad: {  	v1 =	vld [tilespmem:$0xD7A0];
	_ =	sdelay $0x4  }
0x1ae: {  	v0 =	vadd.f32 v1, v0;
	_ =	sdelay $0x1  }
0x1af: {  	[tilespmem:s14+$0x6D0] =	vst v0;
	v0 =	vld [tilespmem:s14+$0x6E0]  }
0x1b0: {  	v1 =	vld [tilespmem:$0xD7B0];
	_ =	sdelay $0x4  }
0x1b1: {  	v0 =	vadd.f32 v1, v0;
	_ =	sdelay $0x1  }
0x1b2: {  	[tilespmem:s14+$0x6E0] =	vst v0;
	v0 =	vld [tilespmem:s14+$0x6F0]  }
0x1b3: {  	v1 =	vld [tilespmem:$0xD7C0];
	_ =	sdelay $0x4  }
0x1b4: {  	v0 =	vadd.f32 v1, v0;
	_ =	sdelay $0x1  }
0x1b5: {  	[tilespmem:s14+$0x6F0] =	vst v0;
	v0 =	vld [tilespmem:s14+$0x700]  }
0x1b6: {  	v1 =	vld [tilespmem:$0xD7D0];
	_ =	sdelay $0x4  }
0x1b7: {  	v0 =	vadd.f32 v1, v0;
	_ =	sdelay $0x1  }
0x1b8: {  	[tilespmem:s14+$0x700] =	vst v0;
	v0 =	vld [tilespmem:s14+$0x710]  }
0x1b9: {  	v1 =	vld [tilespmem:$0xD7E0];
	_ =	sdelay $0x4  }
0x1ba: {  	v0 =	vadd.f32 v1, v0;
	_ =	sdelay $0x1  }
0x1bb: {  	[tilespmem:s14+$0x710] =	vst v0;
	v0 =	vld [tilespmem:s14+$0x720]  }
0x1bc: {  	v1 =	vld [tilespmem:$0xD7F0];
	_ =	sdelay $0x4  }
0x1bd: {  	v0 =	vadd.f32 v1, v0;
	_ =	sdelay $0x1  }
0x1be: {  	[tilespmem:s14+$0x720] =	vst v0;
	v0 =	vld [tilespmem:s14+$0x730]  }
0x1bf: {  	v1 =	vld [tilespmem:$0xD800];
	_ =	sdelay $0x4  }
0x1c0: {  	v0 =	vadd.f32 v1, v0;
	_ =	sdelay $0x1  }
0x1c1: {  	[tilespmem:s14+$0x730] =	vst v0;
	v0 =	vld [tilespmem:s14+$0x740]  }
0x1c2: {  	v1 =	vld [tilespmem:$0xD810];
	_ =	sdelay $0x4  }
0x1c3: {  	v0 =	vadd.f32 v1, v0;
	_ =	sdelay $0x1  }
0x1c4: {  	[tilespmem:s14+$0x740] =	vst v0;
	v0 =	vld [tilespmem:s14+$0x750]  }
0x1c5: {  	v1 =	vld [tilespmem:$0xD820];
	_ =	sdelay $0x4  }
0x1c6: {  	v0 =	vadd.f32 v1, v0;
	_ =	sdelay $0x1  }
0x1c7: {  	[tilespmem:s14+$0x750] =	vst v0;
	v0 =	vld [tilespmem:s14+$0x760]  }
0x1c8: {  	v1 =	vld [tilespmem:$0xD830];
	_ =	sdelay $0x4  }
0x1c9: {  	v0 =	vadd.f32 v1, v0;
	_ =	sdelay $0x1  }
0x1ca: {  	[tilespmem:s14+$0x760] =	vst v0;
	v0 =	vld [tilespmem:s14+$0x770]  }
0x1cb: {  	v1 =	vld [tilespmem:$0xD840];
	_ =	sdelay $0x4  }
0x1cc: {  	v0 =	vadd.f32 v1, v0;
	_ =	sdelay $0x1  }
0x1cd: {  	[tilespmem:s14+$0x770] =	vst v0;
	v0 =	vld [tilespmem:s14+$0x780]  }
0x1ce: {  	v1 =	vld [tilespmem:$0xD850];
	_ =	sdelay $0x4  }
0x1cf: {  	v0 =	vadd.f32 v1, v0;
	_ =	sdelay $0x1  }
0x1d0: {  	[tilespmem:s14+$0x780] =	vst v0;
	v0 =	vld [tilespmem:s14+$0x790]  }
0x1d1: {  	v1 =	vld [tilespmem:$0xD860];
	_ =	sdelay $0x4  }
0x1d2: {  	v0 =	vadd.f32 v1, v0;
	_ =	sdelay $0x1  }
0x1d3: {  	[tilespmem:s14+$0x790] =	vst v0;
	v0 =	vld [tilespmem:s14+$0x7A0]  }
0x1d4: {  	v1 =	vld [tilespmem:$0xD870];
	_ =	sdelay $0x4  }
0x1d5: {  	v0 =	vadd.f32 v1, v0;
	_ =	sdelay $0x1  }
0x1d6: {  	[tilespmem:s14+$0x7A0] =	vst v0;
	v0 =	vld [tilespmem:s14+$0x7B0]  }
0x1d7: {  	v1 =	vld [tilespmem:$0xD880];
	_ =	sdelay $0x4  }
0x1d8: {  	v0 =	vadd.f32 v1, v0;
	_ =	sdelay $0x1  }
0x1d9: {  	[tilespmem:s14+$0x7B0] =	vst v0;
	v0 =	vld [tilespmem:s14+$0x7C0]  }
0x1da: {  	v1 =	vld [tilespmem:$0xD890];
	_ =	sdelay $0x4  }
0x1db: {  	v0 =	vadd.f32 v1, v0;
	_ =	sdelay $0x1  }
0x1dc: {  	[tilespmem:s14+$0x7C0] =	vst v0;
	v0 =	vld [tilespmem:s14+$0x7D0]  }
0x1dd: {  	v1 =	vld [tilespmem:$0xD8A0];
	_ =	sdelay $0x4  }
0x1de: {  	v0 =	vadd.f32 v1, v0;
	_ =	sdelay $0x1  }
0x1df: {  	[tilespmem:s14+$0x7D0] =	vst v0;
	v0 =	vld [tilespmem:s14+$0x7E0]  }
0x1e0: {  	v1 =	vld [tilespmem:$0xD8B0];
	_ =	sdelay $0x4  }
0x1e1: {  	v0 =	vadd.f32 v1, v0;
	_ =	sdelay $0x1  }
0x1e2: {  	[tilespmem:s14+$0x7E0] =	vst v0;
	v0 =	vld [tilespmem:s14+$0x7F0]  }
0x1e3: {  	v1 =	vld [tilespmem:$0xD8C0];
	_ =	sdelay $0x4  }
0x1e4: {  	v0 =	vadd.f32 v1, v0;
	_ =	sdelay $0x1  }
0x1e5: {  	[tilespmem:s14+$0x7F0] =	vst v0;
	v0 =	vld [tilespmem:s14+$0x800]  }
0x1e6: {  	v1 =	vld [tilespmem:$0xD8D0];
	_ =	sdelay $0x4  }
0x1e7: {  	v0 =	vadd.f32 v1, v0;
	_ =	sdelay $0x1  }
0x1e8: {  	[tilespmem:s14+$0x800] =	vst v0;
	v0 =	vld [tilespmem:s14+$0x810]  }
0x1e9: {  	v1 =	vld [tilespmem:$0xD8E0];
	_ =	sdelay $0x4  }
0x1ea: {  	v0 =	vadd.f32 v1, v0;
	_ =	sdelay $0x1  }
0x1eb: {  	[tilespmem:s14+$0x810] =	vst v0;
	v0 =	vld [tilespmem:s14+$0x820]  }
0x1ec: {  	v1 =	vld [tilespmem:$0xD8F0];
	_ =	sdelay $0x4  }
0x1ed: {  	v0 =	vadd.f32 v1, v0;
	_ =	sdelay $0x1  }
0x1ee: {  	[tilespmem:s14+$0x820] =	vst v0;
	v0 =	vld [tilespmem:s14+$0x830]  }
0x1ef: {  	v1 =	vld [tilespmem:$0xD900];
	_ =	sdelay $0x4  }
0x1f0: {  	v0 =	vadd.f32 v1, v0;
	_ =	sdelay $0x1  }
0x1f1: {  	[tilespmem:s14+$0x830] =	vst v0;
	v0 =	vld [tilespmem:s14+$0x840]  }
0x1f2: {  	v1 =	vld [tilespmem:$0xD910];
	_ =	sdelay $0x4  }
0x1f3: {  	v0 =	vadd.f32 v1, v0;
	_ =	sdelay $0x1  }
0x1f4: {  	[tilespmem:s14+$0x840] =	vst v0;
	v0 =	vld [tilespmem:s14+$0x850]  }
0x1f5: {  	v1 =	vld [tilespmem:$0xD920];
	_ =	sdelay $0x4  }
0x1f6: {  	v0 =	vadd.f32 v1, v0;
	_ =	sdelay $0x1  }
0x1f7: {  	[tilespmem:s14+$0x850] =	vst v0;
	v0 =	vld [tilespmem:s14+$0x860]  }
0x1f8: {  	v1 =	vld [tilespmem:$0xD930];
	_ =	sdelay $0x4  }
0x1f9: {  	v0 =	vadd.f32 v1, v0;
	_ =	sdelay $0x1  }
0x1fa: {  	[tilespmem:s14+$0x860] =	vst v0;
	v0 =	vld [tilespmem:s14+$0x870]  }
0x1fb: {  	v1 =	vld [tilespmem:$0xD940];
	_ =	sdelay $0x4  }
0x1fc: {  	v0 =	vadd.f32 v1, v0;
	_ =	sdelay $0x1  }
0x1fd: {  	[tilespmem:s14+$0x870] =	vst v0;
	v0 =	vld [tilespmem:s14+$0x880]  }
0x1fe: {  	v1 =	vld [tilespmem:$0xD950];
	_ =	sdelay $0x4  }
0x1ff: {  	v0 =	vadd.f32 v1, v0;
	_ =	sdelay $0x1  }
0x200: {  	[tilespmem:s14+$0x880] =	vst v0;
	v0 =	vld [tilespmem:s14+$0x890]  }
0x201: {  	v1 =	vld [tilespmem:$0xD960];
	_ =	sdelay $0x4  }
0x202: {  	v0 =	vadd.f32 v1, v0;
	_ =	sdelay $0x1  }
0x203: {  	[tilespmem:s14+$0x890] =	vst v0;
	v0 =	vld [tilespmem:s14+$0x8A0]  }
0x204: {  	v1 =	vld [tilespmem:$0xD970];
	_ =	sdelay $0x4  }
0x205: {  	v0 =	vadd.f32 v1, v0;
	_ =	sdelay $0x1  }
0x206: {  	[tilespmem:s14+$0x8A0] =	vst v0;
	v0 =	vld [tilespmem:s14+$0x8B0]  }
0x207: {  	v1 =	vld [tilespmem:$0xD980];
	_ =	sdelay $0x4  }
0x208: {  	v0 =	vadd.f32 v1, v0;
	_ =	sdelay $0x1  }
0x209: {  	[tilespmem:s14+$0x8B0] =	vst v0;
	v0 =	vld [tilespmem:s14+$0x8C0]  }
0x20a: {  	v1 =	vld [tilespmem:$0xD990];
	_ =	sdelay $0x4  }
0x20b: {  	v0 =	vadd.f32 v1, v0;
	_ =	sdelay $0x1  }
0x20c: {  	[tilespmem:s14+$0x8C0] =	vst v0;
	v0 =	vld [tilespmem:s14+$0x8D0]  }
0x20d: {  	v1 =	vld [tilespmem:$0xD9A0];
	_ =	sdelay $0x4  }
0x20e: {  	v0 =	vadd.f32 v1, v0;
	_ =	sdelay $0x1  }
0x20f: {  	[tilespmem:s14+$0x8D0] =	vst v0;
	v0 =	vld [tilespmem:s14+$0x8E0]  }
0x210: {  	v1 =	vld [tilespmem:$0xD9B0];
	_ =	sdelay $0x4  }
0x211: {  	v0 =	vadd.f32 v1, v0;
	_ =	sdelay $0x1  }
0x212: {  	[tilespmem:s14+$0x8E0] =	vst v0;
	v0 =	vld [tilespmem:s14+$0x8F0]  }
0x213: {  	v1 =	vld [tilespmem:$0xD9C0];
	_ =	sdelay $0x4  }
0x214: {  	v0 =	vadd.f32 v1, v0;
	_ =	sdelay $0x1  }
0x215: {  	[tilespmem:s14+$0x8F0] =	vst v0;
	v0 =	vld [tilespmem:s14+$0x900]  }
0x216: {  	v1 =	vld [tilespmem:$0xD9D0];
	_ =	sdelay $0x4  }
0x217: {  	v0 =	vadd.f32 v1, v0;
	_ =	sdelay $0x1  }
0x218: {  	[tilespmem:s14+$0x900] =	vst v0;
	v0 =	vld [tilespmem:s14+$0x910]  }
0x219: {  	v1 =	vld [tilespmem:$0xD9E0];
	_ =	sdelay $0x4  }
0x21a: {  	v0 =	vadd.f32 v1, v0;
	_ =	sdelay $0x1  }
0x21b: {  	[tilespmem:s14+$0x910] =	vst v0;
	v0 =	vld [tilespmem:s14+$0x920]  }
0x21c: {  	v1 =	vld [tilespmem:$0xD9F0];
	_ =	sdelay $0x4  }
0x21d: {  	v0 =	vadd.f32 v1, v0;
	_ =	sdelay $0x1  }
0x21e: {  	[tilespmem:s14+$0x920] =	vst v0;
	v0 =	vld [tilespmem:s14+$0x930]  }
0x21f: {  	v1 =	vld [tilespmem:$0xDA00];
	_ =	sdelay $0x4  }
0x220: {  	v0 =	vadd.f32 v1, v0;
	_ =	sdelay $0x1  }
0x221: {  	[tilespmem:s14+$0x930] =	vst v0;
	v0 =	vld [tilespmem:s14+$0x940]  }
0x222: {  	v1 =	vld [tilespmem:$0xDA10];
	_ =	sdelay $0x4  }
0x223: {  	v0 =	vadd.f32 v1, v0;
	_ =	sdelay $0x1  }
0x224: {  	[tilespmem:s14+$0x940] =	vst v0;
	v0 =	vld [tilespmem:s14+$0x950]  }
0x225: {  	v1 =	vld [tilespmem:$0xDA20];
	_ =	sdelay $0x4  }
0x226: {  	v0 =	vadd.f32 v1, v0;
	_ =	sdelay $0x1  }
0x227: {  	[tilespmem:s14+$0x950] =	vst v0;
	v0 =	vld [tilespmem:s14+$0x960]  }
0x228: {  	v1 =	vld [tilespmem:$0xDA30];
	_ =	sdelay $0x4  }
0x229: {  	v0 =	vadd.f32 v1, v0;
	_ =	sdelay $0x1  }
0x22a: {  	[tilespmem:s14+$0x960] =	vst v0;
	v0 =	vld [tilespmem:s14+$0x970]  }
0x22b: {  	v1 =	vld [tilespmem:$0xDA40];
	_ =	sdelay $0x4  }
0x22c: {  	v0 =	vadd.f32 v1, v0;
	_ =	sdelay $0x1  }
0x22d: {  	[tilespmem:s14+$0x970] =	vst v0;
	v0 =	vld [tilespmem:s14+$0x980]  }
0x22e: {  	v1 =	vld [tilespmem:$0xDA50];
	_ =	sdelay $0x4  }
0x22f: {  	v0 =	vadd.f32 v1, v0;
	_ =	sdelay $0x1  }
0x230: {  	[tilespmem:s14+$0x980] =	vst v0;
	v0 =	vld [tilespmem:s14+$0x990]  }
0x231: {  	v1 =	vld [tilespmem:$0xDA60];
	_ =	sdelay $0x4  }
0x232: {  	v0 =	vadd.f32 v1, v0;
	_ =	sdelay $0x1  }
0x233: {  	[tilespmem:s14+$0x990] =	vst v0;
	v0 =	vld [tilespmem:s14+$0x9A0]  }
0x234: {  	v1 =	vld [tilespmem:$0xDA70];
	_ =	sdelay $0x4  }
0x235: {  	v0 =	vadd.f32 v1, v0;
	_ =	sdelay $0x1  }
0x236: {  	[tilespmem:s14+$0x9A0] =	vst v0;
	v0 =	vld [tilespmem:s14+$0x9B0]  }
0x237: {  	v1 =	vld [tilespmem:$0xDA80];
	_ =	sdelay $0x2  }
.Ltmp0:
0x238: {  	(pc) =	sbr.rel @p0 .LBB2_3-.Ltmp0, $4  }
0x239: {  	_ = 	snop  }
0x23a: {  	v1 =	vadd.f32 v1, v0  }
0x23b: {  	s16 =	sshra.s32 s15, $0x2  }
0x23c: {  	s15 =	sadd.s32 $0xD00, s15;
	v0 =	vld [tilespmem:s16+$0x680];
	[tilespmem:s14+$0x9B0] =	vst v1;
	s14 =	smov.u32 s16  }
0x23d: {  	v1 =	vld [tilespmem:$0xD750];
	_ =	sdelay $0x4  }
0x23e: {  	v0 =	vadd.f32 v1, v0;
	_ =	sdelay $0x1  }
0x23f: {  	v22 =	vld [tilespmem:s14+$0x690];
	[tilespmem:s14+$0x680] =	vst v0  }
0x240: {  	v23 =	vld [tilespmem:$0xD760];
	_ =	sdelay $0x4  }
0x241: {  	v0 =	vadd.f32 v23, v22;
	_ =	sdelay $0x1  }
0x242: {  	v24 =	vld [tilespmem:s14+$0x6A0];
	[tilespmem:s14+$0x690] =	vst v0  }
0x243: {  	v25 =	vld [tilespmem:$0xD770];
	_ =	sdelay $0x4  }
0x244: {  	v0 =	vadd.f32 v25, v24;
	_ =	sdelay $0x1  }
0x245: {  	v26 =	vld [tilespmem:s14+$0x6B0];
	[tilespmem:s14+$0x6A0] =	vst v0  }
0x246: {  	v27 =	vld [tilespmem:$0xD780];
	_ =	sdelay $0x4  }
0x247: {  	v0 =	vadd.f32 v27, v26;
	_ =	sdelay $0x1  }
0x248: {  	v28 =	vld [tilespmem:s14+$0x6C0];
	[tilespmem:s14+$0x6B0] =	vst v0  }
0x249: {  	v29 =	vld [tilespmem:$0xD790];
	_ =	sdelay $0x4  }
0x24a: {  	v0 =	vadd.f32 v29, v28;
	_ =	sdelay $0x1  }
0x24b: {  	v30 =	vld [tilespmem:s14+$0x6D0];
	[tilespmem:s14+$0x6C0] =	vst v0  }
0x24c: {  	v31 =	vld [tilespmem:$0xD7A0];
	_ =	sdelay $0x4  }
0x24d: {  	v0 =	vadd.f32 v31, v30;
	_ =	sdelay $0x1  }
0x24e: {  	v32 =	vld [tilespmem:s14+$0x6E0];
	[tilespmem:s14+$0x6D0] =	vst v0  }
0x24f: {  	v33 =	vld [tilespmem:$0xD7B0];
	_ =	sdelay $0x4  }
0x250: {  	v0 =	vadd.f32 v33, v32;
	_ =	sdelay $0x1  }
0x251: {  	v34 =	vld [tilespmem:s14+$0x6F0];
	[tilespmem:s14+$0x6E0] =	vst v0  }
0x252: {  	v35 =	vld [tilespmem:$0xD7C0];
	_ =	sdelay $0x4  }
0x253: {  	v0 =	vadd.f32 v35, v34;
	_ =	sdelay $0x1  }
0x254: {  	v36 =	vld [tilespmem:s14+$0x700];
	[tilespmem:s14+$0x6F0] =	vst v0  }
0x255: {  	v37 =	vld [tilespmem:$0xD7D0];
	_ =	sdelay $0x4  }
0x256: {  	v0 =	vadd.f32 v37, v36;
	_ =	sdelay $0x1  }
0x257: {  	v38 =	vld [tilespmem:s14+$0x710];
	[tilespmem:s14+$0x700] =	vst v0  }
0x258: {  	v39 =	vld [tilespmem:$0xD7E0];
	_ =	sdelay $0x4  }
0x259: {  	v0 =	vadd.f32 v39, v38;
	_ =	sdelay $0x1  }
0x25a: {  	v40 =	vld [tilespmem:s14+$0x720];
	[tilespmem:s14+$0x710] =	vst v0  }
0x25b: {  	v41 =	vld [tilespmem:$0xD7F0];
	_ =	sdelay $0x4  }
0x25c: {  	v0 =	vadd.f32 v41, v40;
	_ =	sdelay $0x1  }
0x25d: {  	v42 =	vld [tilespmem:s14+$0x730];
	[tilespmem:s14+$0x720] =	vst v0  }
0x25e: {  	v43 =	vld [tilespmem:$0xD800];
	_ =	sdelay $0x4  }
0x25f: {  	v0 =	vadd.f32 v43, v42;
	_ =	sdelay $0x1  }
0x260: {  	v44 =	vld [tilespmem:s14+$0x740];
	[tilespmem:s14+$0x730] =	vst v0  }
0x261: {  	v45 =	vld [tilespmem:$0xD810];
	_ =	sdelay $0x4  }
0x262: {  	v0 =	vadd.f32 v45, v44;
	_ =	sdelay $0x1  }
0x263: {  	v46 =	vld [tilespmem:s14+$0x750];
	[tilespmem:s14+$0x740] =	vst v0  }
0x264: {  	v47 =	vld [tilespmem:$0xD820];
	_ =	sdelay $0x4  }
0x265: {  	v0 =	vadd.f32 v47, v46;
	_ =	sdelay $0x1  }
0x266: {  	v48 =	vld [tilespmem:s14+$0x760];
	[tilespmem:s14+$0x750] =	vst v0  }
0x267: {  	v49 =	vld [tilespmem:$0xD830];
	_ =	sdelay $0x4  }
0x268: {  	v0 =	vadd.f32 v49, v48;
	_ =	sdelay $0x1  }
0x269: {  	v50 =	vld [tilespmem:s14+$0x770];
	[tilespmem:s14+$0x760] =	vst v0  }
0x26a: {  	v51 =	vld [tilespmem:$0xD840];
	_ =	sdelay $0x4  }
0x26b: {  	v0 =	vadd.f32 v51, v50;
	_ =	sdelay $0x1  }
0x26c: {  	v52 =	vld [tilespmem:s14+$0x780];
	[tilespmem:s14+$0x770] =	vst v0  }
0x26d: {  	v53 =	vld [tilespmem:$0xD850];
	_ =	sdelay $0x4  }
0x26e: {  	v0 =	vadd.f32 v53, v52;
	_ =	sdelay $0x1  }
0x26f: {  	v54 =	vld [tilespmem:s14+$0x790];
	[tilespmem:s14+$0x780] =	vst v0  }
0x270: {  	v55 =	vld [tilespmem:$0xD860];
	_ =	sdelay $0x4  }
0x271: {  	v0 =	vadd.f32 v55, v54;
	_ =	sdelay $0x1  }
0x272: {  	v56 =	vld [tilespmem:s14+$0x7A0];
	[tilespmem:s14+$0x790] =	vst v0  }
0x273: {  	v57 =	vld [tilespmem:$0xD870];
	_ =	sdelay $0x4  }
0x274: {  	v0 =	vadd.f32 v57, v56;
	_ =	sdelay $0x1  }
0x275: {  	v58 =	vld [tilespmem:s14+$0x7B0];
	[tilespmem:s14+$0x7A0] =	vst v0  }
0x276: {  	v59 =	vld [tilespmem:$0xD880];
	_ =	sdelay $0x4  }
0x277: {  	v0 =	vadd.f32 v59, v58;
	_ =	sdelay $0x1  }
0x278: {  	v60 =	vld [tilespmem:s14+$0x7C0];
	[tilespmem:s14+$0x7B0] =	vst v0  }
0x279: {  	v61 =	vld [tilespmem:$0xD890];
	_ =	sdelay $0x4  }
0x27a: {  	v0 =	vadd.f32 v61, v60;
	_ =	sdelay $0x1  }
0x27b: {  	v62 =	vld [tilespmem:s14+$0x7D0];
	[tilespmem:s14+$0x7C0] =	vst v0  }
0x27c: {  	v63 =	vld [tilespmem:$0xD8A0];
	_ =	sdelay $0x4  }
0x27d: {  	v0 =	vadd.f32 v63, v62;
	_ =	sdelay $0x1  }
0x27e: {  	v4 =	vld [tilespmem:s14+$0x7E0];
	[tilespmem:s14+$0x7D0] =	vst v0  }
0x27f: {  	v5 =	vld [tilespmem:$0xD8B0];
	_ =	sdelay $0x4  }
0x280: {  	v0 =	vadd.f32 v5, v4;
	_ =	sdelay $0x1  }
0x281: {  	v6 =	vld [tilespmem:s14+$0x7F0];
	[tilespmem:s14+$0x7E0] =	vst v0  }
0x282: {  	v7 =	vld [tilespmem:$0xD8C0];
	_ =	sdelay $0x4  }
0x283: {  	v0 =	vadd.f32 v7, v6;
	_ =	sdelay $0x1  }
0x284: {  	v8 =	vld [tilespmem:s14+$0x800];
	[tilespmem:s14+$0x7F0] =	vst v0  }
0x285: {  	v9 =	vld [tilespmem:$0xD8D0];
	_ =	sdelay $0x4  }
0x286: {  	v0 =	vadd.f32 v9, v8;
	_ =	sdelay $0x1  }
0x287: {  	v10 =	vld [tilespmem:s14+$0x810];
	[tilespmem:s14+$0x800] =	vst v0  }
0x288: {  	v11 =	vld [tilespmem:$0xD8E0];
	_ =	sdelay $0x4  }
0x289: {  	v0 =	vadd.f32 v11, v10;
	_ =	sdelay $0x1  }
0x28a: {  	v12 =	vld [tilespmem:s14+$0x820];
	[tilespmem:s14+$0x810] =	vst v0  }
0x28b: {  	v13 =	vld [tilespmem:$0xD8F0];
	_ =	sdelay $0x4  }
0x28c: {  	v0 =	vadd.f32 v13, v12;
	_ =	sdelay $0x1  }
0x28d: {  	v14 =	vld [tilespmem:s14+$0x830];
	[tilespmem:s14+$0x820] =	vst v0  }
0x28e: {  	v15 =	vld [tilespmem:$0xD900];
	_ =	sdelay $0x4  }
0x28f: {  	v0 =	vadd.f32 v15, v14;
	_ =	sdelay $0x1  }
0x290: {  	v16 =	vld [tilespmem:s14+$0x840];
	[tilespmem:s14+$0x830] =	vst v0  }
0x291: {  	v17 =	vld [tilespmem:$0xD910];
	_ =	sdelay $0x4  }
0x292: {  	v0 =	vadd.f32 v17, v16;
	_ =	sdelay $0x1  }
0x293: {  	v18 =	vld [tilespmem:s14+$0x850];
	[tilespmem:s14+$0x840] =	vst v0  }
0x294: {  	v19 =	vld [tilespmem:$0xD920];
	_ =	sdelay $0x4  }
0x295: {  	v0 =	vadd.f32 v19, v18;
	_ =	sdelay $0x1  }
0x296: {  	v20 =	vld [tilespmem:s14+$0x860];
	[tilespmem:s14+$0x850] =	vst v0  }
0x297: {  	v21 =	vld [tilespmem:$0xD930];
	_ =	sdelay $0x4  }
0x298: {  	v0 =	vadd.f32 v21, v20;
	_ =	sdelay $0x1  }
0x299: {  	v22 =	vld [tilespmem:s14+$0x870];
	[tilespmem:s14+$0x860] =	vst v0  }
0x29a: {  	v23 =	vld [tilespmem:$0xD940];
	_ =	sdelay $0x4  }
0x29b: {  	v0 =	vadd.f32 v23, v22;
	_ =	sdelay $0x1  }
0x29c: {  	v24 =	vld [tilespmem:s14+$0x880];
	[tilespmem:s14+$0x870] =	vst v0  }
0x29d: {  	v25 =	vld [tilespmem:$0xD950];
	_ =	sdelay $0x4  }
0x29e: {  	v0 =	vadd.f32 v25, v24;
	_ =	sdelay $0x1  }
0x29f: {  	v26 =	vld [tilespmem:s14+$0x890];
	[tilespmem:s14+$0x880] =	vst v0  }
0x2a0: {  	v27 =	vld [tilespmem:$0xD960];
	_ =	sdelay $0x4  }
0x2a1: {  	v0 =	vadd.f32 v27, v26;
	_ =	sdelay $0x1  }
0x2a2: {  	v28 =	vld [tilespmem:s14+$0x8A0];
	[tilespmem:s14+$0x890] =	vst v0  }
0x2a3: {  	v29 =	vld [tilespmem:$0xD970];
	_ =	sdelay $0x4  }
0x2a4: {  	v0 =	vadd.f32 v29, v28;
	_ =	sdelay $0x1  }
0x2a5: {  	v30 =	vld [tilespmem:s14+$0x8B0];
	[tilespmem:s14+$0x8A0] =	vst v0  }
0x2a6: {  	v31 =	vld [tilespmem:$0xD980];
	_ =	sdelay $0x4  }
0x2a7: {  	v0 =	vadd.f32 v31, v30;
	_ =	sdelay $0x1  }
0x2a8: {  	v32 =	vld [tilespmem:s14+$0x8C0];
	[tilespmem:s14+$0x8B0] =	vst v0  }
0x2a9: {  	v33 =	vld [tilespmem:$0xD990];
	_ =	sdelay $0x4  }
0x2aa: {  	v0 =	vadd.f32 v33, v32;
	_ =	sdelay $0x1  }
0x2ab: {  	v34 =	vld [tilespmem:s14+$0x8D0];
	[tilespmem:s14+$0x8C0] =	vst v0  }
0x2ac: {  	v35 =	vld [tilespmem:$0xD9A0];
	_ =	sdelay $0x4  }
0x2ad: {  	v0 =	vadd.f32 v35, v34;
	_ =	sdelay $0x1  }
0x2ae: {  	v36 =	vld [tilespmem:s14+$0x8E0];
	[tilespmem:s14+$0x8D0] =	vst v0  }
0x2af: {  	v37 =	vld [tilespmem:$0xD9B0];
	_ =	sdelay $0x4  }
0x2b0: {  	v0 =	vadd.f32 v37, v36;
	_ =	sdelay $0x1  }
0x2b1: {  	v38 =	vld [tilespmem:s14+$0x8F0];
	[tilespmem:s14+$0x8E0] =	vst v0  }
0x2b2: {  	v39 =	vld [tilespmem:$0xD9C0];
	_ =	sdelay $0x4  }
0x2b3: {  	v0 =	vadd.f32 v39, v38;
	_ =	sdelay $0x1  }
0x2b4: {  	v40 =	vld [tilespmem:s14+$0x900];
	[tilespmem:s14+$0x8F0] =	vst v0  }
0x2b5: {  	v41 =	vld [tilespmem:$0xD9D0];
	_ =	sdelay $0x4  }
0x2b6: {  	v0 =	vadd.f32 v41, v40;
	_ =	sdelay $0x1  }
0x2b7: {  	v42 =	vld [tilespmem:s14+$0x910];
	[tilespmem:s14+$0x900] =	vst v0  }
0x2b8: {  	v43 =	vld [tilespmem:$0xD9E0];
	_ =	sdelay $0x4  }
0x2b9: {  	v0 =	vadd.f32 v43, v42;
	_ =	sdelay $0x1  }
0x2ba: {  	v44 =	vld [tilespmem:s14+$0x920];
	[tilespmem:s14+$0x910] =	vst v0  }
0x2bb: {  	v45 =	vld [tilespmem:$0xD9F0];
	_ =	sdelay $0x4  }
0x2bc: {  	v0 =	vadd.f32 v45, v44;
	_ =	sdelay $0x1  }
0x2bd: {  	v46 =	vld [tilespmem:s14+$0x930];
	[tilespmem:s14+$0x920] =	vst v0  }
0x2be: {  	v47 =	vld [tilespmem:$0xDA00];
	_ =	sdelay $0x4  }
0x2bf: {  	v0 =	vadd.f32 v47, v46;
	_ =	sdelay $0x1  }
0x2c0: {  	v48 =	vld [tilespmem:s14+$0x940];
	[tilespmem:s14+$0x930] =	vst v0  }
0x2c1: {  	v49 =	vld [tilespmem:$0xDA10];
	_ =	sdelay $0x4  }
0x2c2: {  	v0 =	vadd.f32 v49, v48;
	_ =	sdelay $0x1  }
0x2c3: {  	v50 =	vld [tilespmem:s14+$0x950];
	[tilespmem:s14+$0x940] =	vst v0  }
0x2c4: {  	v51 =	vld [tilespmem:$0xDA20];
	_ =	sdelay $0x4  }
0x2c5: {  	v0 =	vadd.f32 v51, v50;
	_ =	sdelay $0x1  }
0x2c6: {  	v52 =	vld [tilespmem:s14+$0x960];
	[tilespmem:s14+$0x950] =	vst v0  }
0x2c7: {  	v53 =	vld [tilespmem:$0xDA30];
	_ =	sdelay $0x4  }
0x2c8: {  	v0 =	vadd.f32 v53, v52;
	_ =	sdelay $0x1  }
0x2c9: {  	v54 =	vld [tilespmem:s14+$0x970];
	[tilespmem:s14+$0x960] =	vst v0  }
0x2ca: {  	v55 =	vld [tilespmem:$0xDA40];
	_ =	sdelay $0x4  }
0x2cb: {  	v0 =	vadd.f32 v55, v54;
	_ =	sdelay $0x1  }
0x2cc: {  	v56 =	vld [tilespmem:s14+$0x980];
	[tilespmem:s14+$0x970] =	vst v0  }
0x2cd: {  	v57 =	vld [tilespmem:$0xDA50];
	_ =	sdelay $0x4  }
0x2ce: {  	v0 =	vadd.f32 v57, v56;
	_ =	sdelay $0x1  }
0x2cf: {  	v58 =	vld [tilespmem:s14+$0x990];
	[tilespmem:s14+$0x980] =	vst v0  }
0x2d0: {  	v59 =	vld [tilespmem:$0xDA60];
	_ =	sdelay $0x4  }
0x2d1: {  	v0 =	vadd.f32 v59, v58;
	_ =	sdelay $0x1  }
0x2d2: {  	v60 =	vld [tilespmem:s14+$0x9A0];
	[tilespmem:s14+$0x990] =	vst v0  }
0x2d3: {  	v61 =	vld [tilespmem:$0xDA70];
	_ =	sdelay $0x4  }
0x2d4: {  	v0 =	vadd.f32 v61, v60;
	_ =	sdelay $0x1  }
0x2d5: {  	v62 =	vld [tilespmem:s14+$0x9B0];
	[tilespmem:s14+$0x9A0] =	vst v0  }
0x2d6: {  	v63 =	vld [tilespmem:$0xDA80];
	_ =	sdelay $0x4  }
0x2d7: {  	s2 =	sadd.s32 $0x1, s2;
	v0 =	vadd.f32 v63, v62  }
0x2d8: {  	s13 =	sshll.u32 s13, $0x2;
	s15 =	rddreg [dreg:$0x1];
	p0 =	sne.s32 s2, $0x8  }
.Ltmp1:
0x2d9: {  	s16 =	simm.s32 $0x0;
	s13 =	sadd.s32 s15, s13;
	[tilespmem:s14+$0x9B0] =	vst v0;
	(pc) =	sbr.rel @p0 .LBB2_2-.Ltmp1, $4  }
0x2da: {  	[hbm4b:s13+s16] =	stream.linear.scatter [tilespmem:s12], [sflag:$0x2], $0xD000, $0x38;
	[tilespmem:$0xDA90] =	vst v63  }
0x2db: {  	_ =	swait.ge [sflag:s10], $0xD000  }
0x2dc: {  	[sflag:s10] =	ssyncset.done $0x0  }
0x2dd: {  	[sflag:s10] =	ssyncadd.s32 $0xFFFF3000  }
0x2de: {  	s13 =	rddreg [dreg:$0x5]  }
0x2df: {  	s2 =	rddreg [dreg:$0x4];
	s13 =	sadd.s32 $0x1, s13  }
0x2e0: {  	p0 =	sne.s32 s13, s2  }
.Ltmp2:
0x2e1: {  	_ = 	snop;
	(pc) =	sbr.rel @p0 .LBB2_1-.Ltmp2, $1  }
0x2e2: {  	_ =	sdelay $0x3  }
0x2e3: {  	_ =	sfence.sel $0x180000  }
0x2e4: {  	[bflag:$0x0] =	sbarrier.arrive $0xFFFF  }
0x2e5: {  	_ =	strace $0x90000047  }
0x2e6: {  	s0 =	stileid.u32;
	[bflag:$0x2] =	sbarrier.arrive $0xFFFF  }
0x2e7: {  	p0 =	sne.s32 s0, $0x0;
	s0 =	rddreg [dreg:$0x2]  }
0x2e8: {  	s0 =	sadd.s32 @!p0 $0x100000, s0  }
0x2e9: {  	[sflag:s0] =	ssyncadd.tile.s32 @!p0 $0x1;
	_ =	shalt  }
.Lfunc_end2:
_tile_overlayer_lowered:
.L_overlay_start_2:
0x2ea: {  	(tag) =	ssettag $0x2  }
0x2eb: {  	s0 =	rddreg [dreg:$0x0];
	s2 =	stileid.u32  }
0x2ec: {  	s1 =	rddreg [dreg:$0x1];
	p0 =	sne.s32 s2, $0x0  }
0x2ed: {  	s3 =	rddreg [dreg:$0x2];
	[bflag:$0x3] =	sbarrier.arrive $0xFFFF;
	s2 =	simm.s32 @!p0 $0x1C02  }
0x2ee: {  	[timem:s3], [sflag:s2] =	dma.local @!p0 [hbm:s0], s1  }
0x2ef: {  	s0 =	simm.s32 @!p0 $0x2  }
0x2f0: {  	_ =	swait.ge @!p0 [sflag:s0], s1  }
0x2f1: {  	s1 =	ssub.s32 @!p0 $0x0, s1;
	[sflag:s0] =	ssyncset.done @!p0 $0x0  }
0x2f2: {  	[sflag:s0] =	ssyncadd.s32 @!p0 s1  }
0x2f3: {  	[bflag:$0x3] =	sbarrier.arrive $0xFFFF  }
0x2f4: {  	_ =	shalt  }

// kernel: sparse-core-data-format-call.cloned.1.call-start
scs
called_computation_lowered:
.L_overlay_start_0:
0x0: {  	s2 =	sld [smem:$0x3FD9]  }
0x1: {  	s3 =	sld [smem:$0x3FFE];
	_ =	sdelay $0x1  }
0x2: {  	s1 =	srdreg.scid  }
0x3: {  	s0 =	sand.u32 $0x1, s1  }
0x4: {  	s18 =	sshll.u32 s0, $0xA;
	s2 =	sadd.s32 s3, s2  }
0x5: {  	s2 =	sadd.s32 s2, s18  }
0x6: {  	[smem:$0x3FC5] =	sst s2  }
0x7: {  	_ = 	snop  }
0x8: {  	s2 =	sld [smem:$0x3FD0];
	(tm) =	ssettm $0x1  }
0x9: {  	s19 =	sld [smem:$0x3FFB];
	_ =	sdelay $0x3  }
0xa: {  	_ =	strace s19  }
0xb: {  	s3 =	sld [smem:$0x3FFC];
	_ =	sdelay $0x3  }
0xc: {  	_ =	strace s3  }
0xd: {  	s3 =	sld [smem:$0x3FFD];
	_ =	sdelay $0x3  }
0xe: {  	_ =	strace s3  }
0xf: {  	_ =	strace $0x8FFFFFFF  }
0x10: {  	s20 =	sld [smem:$0x3FDB];
	_ =	sdelay $0x1  }
0x11: {  	s4 =	simm.s32 $_scs_section_size  }
0x12: {  	s5 =	simm.s32 $_size__tile_overlayer_lowered;
	s6 =	simm.s32 $_tile_overlayer_lowered  }
0x13: {  	s23 =	simm.s32 $0x1BFF;
	s22 =	sshll.u32 s6, $0x1;
	s3 =	sadd.s32 s4, s20  }
0x14: {  	s7 =	simm.s32 $0x0;
	s21 =	sshll.u32 s5, $0x1;
	s5 =	sadd.s32 s22, s3  }
0x15: {  	[timem:s7], [sflag:s23] =	dma.local [hbm:s5], s21  }
0x16: {  	_ =	swait.ge [sflag:s23], s21  }
0x17: {  	s4 =	ssub.s32 $0x0, s21;
	[sflag:s23] =	ssyncset.done $0x0  }
0x18: {  	[sflag:s23] =	ssyncadd.s32 s4;
	_ =	sdelay $0x1  }
0x19: {  	s24 =	simm.s32 $0x1B8B  }
0x1a: {  	_ =	swait.ge [sflag:s24], $0x1  }
0x1b: {  	[sflag:s24] =	ssyncset.done $0x0  }
0x1c: {  	s26 =	simm.s32 $0x1B8E;
	s25 =	sld [smem:$0x3FFE];
	[sflag:s24] =	ssyncadd.s32 $0xFFFFFFFF  }
0x1d: {  	s27 =	simm.s32 $execute0_lowered;
	[smem:$0x3FD2] =	sst s26  }
0x1e: {  	s5 =	sshll.u32 s27, $0x1;
	_ =	strace $0x80000049;
	[dreg:$0x1] =	wrdreg $0xFFFFFFFF  }
0x1f: {  	s28 =	simm.s32 $_size_execute0_lowered;
	s3 =	sadd.s32 s3, s5;
	[dreg:$0x0] =	wrdreg $0x0  }
0x20: {  	s5 =	sshll.u32 s28, $0x1;
	[dreg:$0x2] =	wrdreg s3  }
0x21: {  	[dreg:$0x3] =	wrdreg s5  }
0x22: {  	[dreg:$0x4] =	wrdreg $0xC0  }
0x23: {  	_ =	task [dreg:s7], $0x5FFFF  }
0x24: {  	[dreg:$0x1] =	wrdreg $0xFFFFFFFF  }
0x25: {  	[dreg:$0x0] =	wrdreg $0x60  }
0x26: {  	[dreg:$0x2] =	wrdreg s25  }
0x27: {  	[dreg:$0x3] =	wrdreg s2  }
0x28: {  	[dreg:$0x4] =	wrdreg $0x9  }
0x29: {  	_ =	task.clear_ibuf [dreg:s7], $0x5FFFF;
	_ =	strace $0x90000049  }
0x2a: {  	s29 =	simm.s32 $0x9;
	_ =	strace $0x8000004B  }
0x2b: {  	_ =	swait.ge [sflag:s29], $0x1  }
0x2c: {  	[sflag:s29] =	ssyncadd.s32 $0xFFFFFFFF  }
0x2d: {  	_ =	strace $0x9000004B  }
0x2e: {  	_ =	sfence  }
0x2f: {  	s30 =	sld [smem:$0x0];
	_ =	sdelay $0x2  }
0x30: {  	s31 =	sshll.u32 s1, $0xD;
	s1 =	sshrl.u32 s1, $0x2  }
0x31: {  	s3 =	sand.u32 $0x4000, s31;
	s1 =	sadd.s32 s1, s30  }
0x32: {  	s0 =	sor.u32 s3, s0;
	s1 =	sshll.u32 s1, $0x11  }
0x33: {  	s0 =	sor.u32 s1, s0  }
0x34: {  	s0 =	sadd.s32 $0x8F2B, s0  }
0x35: {  	[sflag:s0] =	ssyncadd.remote.s32 $0x1  }
0x36: {  	_ =	sfence.sel $0xFFFF  }
0x37: {  	[dreg:$0x0] =	wrdreg $0xFFFFFFFF;
	(pc) =	sbr.abs _section_cstart, $3  }
0x38: {  	[dreg:$0x1] =	wrdreg $0xFFFFFFFF  }
0x39: {  	_ =	task.clear_ibuf [dreg:s7], $0x2FFFF;
	_ =	strace $0x9FFFFFFF  }
0x3a: {  	(tm) =	ssettm $0x7FFFFFFF  }
0x3b: {  	_ =	shalt  }
tec
execute0_lowered:
.L_overlay_start_1:
0x0: {  	(tag) =	ssettag $0x1  }
0x1: {  	s0 =	srdreg.scid  }
0x2: {  	s1 =	sshll.u32 s0, $0x4  }
0x3: {  	s0 =	stileid.u32;
	s1 =	sand.u32 $0x10, s1  }
0x4: {  	s1 =	sor.u32 s0, s1  }
0x5: {  	s6 =	rddreg [dreg:$0x0];
	s4 =	simm.s32 $0x1;
	s2 =	sshll.u32 s1, $0x7  }
0x6: {  	s7 =	simm.s32 $0x2;
	s12 =	simm.s32 $0x0;
	s1 =	ssub.s32 $0x4000, s2  }
0x7: {  	s8 =	simm.s32 $0x20000;
	s13 =	simm.s32 $0x0;
	s3 =	sand.u32 $0xF80, s1  }
0x8: {  	s9 =	simm.s32 $0x0;
	s5 =	sshrl.u32 s1, $0xC;
	p0 =	sne.s32 s3, $0x0  }
.Ltmp0:
0x9: {  	s1 =	rddreg [dreg:$0x2];
	s4 =	simm.s32 @!p0 $0x0;
	(pc) =	sbr.rel .LBB1_1-.Ltmp0, $4  }
0xa: {  	s11 =	simm.s32 $0x0;
	s3 =	rddreg [dreg:$0x1];
	s5 =	sadd.s32 s4, s5  }
0xb: {  	_ =	strace $0x8000004A;
	s4 =	simm.s32 $0x1;
	s5 =	smul.u32 $0x1A, s5  }
0xc: {  	s6 =	sadd.s32 $0xC00, s6;
	s10 =	smov.u32 s2;
	[sflag:s4] =	ssyncpa.u1 $0x0  }
0xd: {  	p0 =	por $0x0, $0x0;
	[sflag:s7] =	ssyncpa.u1 $0x0;
	s7 =	sor.u32 $0x1, s5  }
.LBB1_4:
0xe: {  	s16 =	sshll.u32 s13, $0x3;
	s17 =	sand.u32 $0x78, s13  }
0xf: {  	s30 =	sand.u32 $0xF800, s13;
	s12 =	sshll.u32 s12, $0x10;
	s16 =	sand.u32 $0x3C00, s16  }
0x10: {  	s31 =	sand.u32 $0x7, s13;
	s16 =	sor.u32 s17, s16;
	s17 =	sadd.s32 s3, s30  }
0x11: {  	s13 =	sshll.u32 s31, $0x12;
	s16 =	sshrl.u32 s16, $0x3;
	s12 =	sadd.s32 s12, s17  }
0x12: {  	[tilespmem:s15+$0x0 ss:$0x81] =	vst.msk $0xffff, v0;
	s13 =	sor.u32 $0x400, s13;
	s12 =	sadd.s32 s16, s12  }
0x13: {  	[hbm4b:s12+s13] =	stream.strided.scatter [tilespmem:s14], [sflag:$0x2], $0x1000, s8, s13, $0x20;
	[tilespmem:$0x4040] =	vst v63  }
.LBB1_5:
0x14: {  	s14 =	sadd.s32 $0x1, s9  }
0x15: {  	s12 =	sadd.s32 $0x1000, s10;
	s16 =	smov.u32 s10;
	p2 =	sgt.s32 s14, $0x19  }
0x16: {  	s16 =	smov.u32 @p2 s12  }
0x17: {  	s14 =	simm.s32 @p2 $0x0;
	p2 =	sgt.s32 s16, $0x3FFF  }
0x18: {  	s16 =	smov.u32 @p2 s2;
	p2 =	sne.s32 s11, s7  }
.Ltmp1:
0x19: {  	p1 =	slt.u32 s11, $0x2;
	(pc) =	sbr.rel @!p2 .LBB1_6-.Ltmp1, $4  }
0x1a: {  	s15 =	simm.s32 @!p1 $0x2  }
0x1b: {  	s13 =	smov.u32 s10;
	p0 =	por !p0, !p0;
	_ =	swait.ge @!p1 [sflag:s15], $0x1000  }
0x1c: {  	s12 =	smov.u32 s9;
	[sflag:s15] =	ssyncset.done @!p1 $0x0;
	s9 =	smov.u32 s14  }
0x1d: {  	s11 =	sadd.s32 $0x1, s11;
	[sflag:s15] =	ssyncadd.s32 @!p1 $0xFFFFF000;
	s10 =	smov.u32 s16  }
.LBB1_1:
0x1e: {  	p1 =	sge.u32 s11, s5  }
0x1f: {  	s31 =	sadd.s32 $0xFFFFFFFF, s11;
	s14 =	sxor.u32 @!p1 $0xFFFFFFFF, s11  }
0x20: {  	s15 =	sshll.u32 @!p1 s10, $0x9;
	s16 =	sshll.u32 @!p1 s9, $0x4;
	s17 =	simm.s32 @!p1 $0x1000  }
0x21: {  	s14 =	sshll.u32 @!p1 s14, $0xC;
	s16 =	sand.u32 @!p1 $0x1F0, s16;
	s15 =	sadd.s32 @!p1 s6, s15  }
0x22: {  	s14 =	sand.u32 @!p1 $0x1000, s14;
	s15 =	sadd.s32 @!p1 s16, s15;
	s16 =	simm.s32 @!p1 $0x20  }
0x23: {  	[tilespmem:s14], [sflag:$0x1] =	stream.strided.gather @!p1 [hbm4b:s15+s16], $0x1000, s17, s16, $0x38;
	[tilespmem:$0x4040] =	vst v63  }
0x24: {  	p1 =	sge.u32 s31, s5  }
.Ltmp2:
0x25: {  	_ = 	snop;
	(pc) =	sbr.rel @p1 .LBB1_5-.Ltmp2, $1  }
0x26: {  	_ =	sdelay $0x3  }
0x27: {  	s14 =	simm.s32 $0x1  }
0x28: {  	_ =	swait.ge [sflag:s4], $0x1000;
	s14 =	simm.s32 @!p0 $0x0  }
0x29: {  	[sflag:s4] =	ssyncset.done $0x0;
	s15 =	sshll.u32 s14, $0xC  }
0x2a: {  	[sflag:s4] =	ssyncadd.s32 $0xFFFFF000;
	s18 =	sor.u32 $0x10, s15  }
0x2b: {  	s14 =	smul.u32 $0x4080, s14;
	v1 =	vld [tilespmem:s18+$0x0]  }
0x2c: {  	s30 =	sand.u32 $0x1, s11;
	v0 =	vld [tilespmem:s18+$0xFFFFFFF0]  }
0x2d: {  	s15 =	smul.u32 $0x4080, s30;
	s14 =	sshrl.u32 s14, $0x2  }
0x2e: {  	s16 =	sor.u32 $0x2000, s14  }
0x2f: {  	s31 =	sshrl.u32 s15, $0x2;
	s15 =	sadd.s32 $0x0, s16  }
0x30: {  	s17 =	simm.s32 $0x4;
	s18 =	sadd.s32 $0x20, s18;
	s14 =	sor.u32 $0x2000, s31;
	[tilespmem:s15+$0x810 ss:$0x81] =	vst.msk $0xffff, v1  }
.LBB1_3:
0x31: {  	v1 =	vld [tilespmem:s18+$0x0];
	p1 =	sne.s32 s17, $0x1FC;
	[tilespmem:s15+$0x0 ss:$0x81] =	vst.msk $0xffff, v0;
	s15 =	smov.u32 s17;
	s17 =	sadd.s32 $0x4, s17  }
.Ltmp3:
0x32: {  	v0 =	vld [tilespmem:s18+$0xFFFFFFF0];
	(pc) =	sbr.rel @p1 .LBB1_3-.Ltmp3, $4  }
0x33: {  	_ = 	snop  }
0x34: {  	s15 =	sshra.s32 s15, $0x2  }
0x35: {  	s15 =	sadd.s32 s15, s16  }
0x36: {  	s18 =	sadd.s32 $0x20, s18;
	[tilespmem:s15+$0x810 ss:$0x81] =	vst.msk $0xffff, v1  }
.Ltmp4:
0x37: {  	_ = 	snop;
	(pc) =	sbr.rel .LBB1_4-.Ltmp4, $1  }
0x38: {  	_ =	sdelay $0x3  }
.LBB1_6:
0x39: {  	_ =	sfence.sel $0x180000  }
0x3a: {  	s2 =	simm.s32 $0x1;
	[bflag:$0x0] =	sbarrier.arrive $0xFFFF  }
0x3b: {  	s31 =	simm.s32 $0x2;
	[sflag:s2] =	ssyncpa.u1 $0x1  }
0x3c: {  	[sflag:s31] =	ssyncpa.u1 $0x1  }
0x3d: {  	p0 =	sne.s32 s0, $0x0;
	_ =	strace $0x9000004A  }
0x3e: {  	s0 =	sadd.s32 @!p0 $0x100000, s1;
	[bflag:$0x2] =	sbarrier.arrive $0xFFFF  }
0x3f: {  	[sflag:s0] =	ssyncadd.tile.s32 @!p0 $0x1;
	_ =	shalt  }
.Lfunc_end1:
_tile_overlayer_lowered:
.L_overlay_start_2:
0x40: {  	(tag) =	ssettag $0x2  }
0x41: {  	s0 =	rddreg [dreg:$0x0];
	s2 =	stileid.u32  }
0x42: {  	s1 =	rddreg [dreg:$0x1];
	p0 =	sne.s32 s2, $0x0  }
0x43: {  	s3 =	rddreg [dreg:$0x2];
	[bflag:$0x3] =	sbarrier.arrive $0xFFFF;
	s2 =	simm.s32 @!p0 $0x1C01  }
0x44: {  	[timem:s3], [sflag:s2] =	dma.local @!p0 [hbm:s0], s1  }
0x45: {  	s0 =	simm.s32 @!p0 $0x1  }
0x46: {  	_ =	swait.ge @!p0 [sflag:s0], s1  }
0x47: {  	s1 =	ssub.s32 @!p0 $0x0, s1;
	[sflag:s0] =	ssyncset.done @!p0 $0x0  }
0x48: {  	[sflag:s0] =	ssyncadd.s32 @!p0 s1  }
0x49: {  	[bflag:$0x3] =	sbarrier.arrive $0xFFFF  }
0x4a: {  	_ =	shalt  }

</sc_bundles>
